<compile_context>
chip_gen: v7x
topology: tpu7x:2x2x1
jax: 0.10.2.dev20260603
libtpu: 0.0.44.dev20260713+nightly
codegen_flags: <defaults>
</compile_context>

<pallas_src>
import functools

import jax
import jax.numpy as jnp
from jax import lax
from jax.experimental import pallas as pl
from jax.experimental.pallas import tpu as pltpu
from jax.experimental.pallas import tpu_sc as plsc

_EPS = 1e-07
_B, _H, _W = 16, 384, 384
_SC_SAMPLES = 4
_SUB_PER_SAMPLE = 8
_SPAN = _H // _SUB_PER_SAMPLE
_CHUNK_ROWS = 8
_N_CHUNKS = _SPAN // _CHUNK_ROWS
_LANES = 16
_VPR = _W // _LANES


def _sc_body(rt, af, rp, ap, cf, fg, bg, out,
             b0_rt, b0_af, b0_rp, b0_ap, b0_cf, b0_fg, b0_bg,
             b1_rt, b1_af, b1_rp, b1_ap, b1_cf, b1_fg, b1_bg,
             b_out, sem0, sem1):
    wid = lax.axis_index("s") * 2 + lax.axis_index("c")
    sample = wid // _SUB_PER_SAMPLE
    quarter = wid - sample * _SUB_PER_SAMPLE
    row_base = quarter * _SPAN

    slots = ((b0_rt, b0_af, b0_rp, b0_ap, b0_cf, b0_fg, b0_bg, sem0),
             (b1_rt, b1_af, b1_rp, b1_ap, b1_cf, b1_fg, b1_bg, sem1))
    hbms = (rt, af, rp, ap, cf, fg, bg)

    def issue(chunk, slot):
        r0 = row_base + chunk * _CHUNK_ROWS
        sem = slot[7]
        for h, b in zip(hbms, slot[:7]):
            pltpu.async_copy(h.at[sample, pl.ds(r0, _CHUNK_ROWS), :], b, sem)

    def drain(slot):
        sem = slot[7]
        for h, b in zip(hbms, slot[:7]):
            pltpu.make_async_copy(
                h.at[sample, pl.ds(row_base, _CHUNK_ROWS), :], b, sem).wait()

    def compute(slot, carry):
        b_rt, b_af, b_rp, b_ap, b_cf, b_fg, b_bg = slot[:7]

        def row_step(r, c2):
            M, SL, SC, SLFG, SCFG = c2
            for j in range(_VPR):
                sl = pl.ds(j * _LANES, _LANES)
                vcf = b_cf[r, sl]
                conf = jnp.where(vcf >= 0.5, vcf, 0.0)
                l = (jnp.abs(b_rt[r, sl] - b_rp[r, sl])
                     + jnp.abs(b_af[r, sl] - b_ap[r, sl])) * conf
                vfg = b_fg[r, sl]
                vbg = b_bg[r, sl]
                nl = l * vbg
                tie = nl >= M
                rst = nl > M
                M = jnp.maximum(M, nl)
                SLFG = SLFG + l * vfg
                SCFG = SCFG + conf * vfg
                SL = jnp.where(rst, 0.0, SL) + jnp.where(tie, nl, 0.0)
                SC = (jnp.where(rst, 0.0, SC)
                      + jnp.where(tie, conf * vbg, 0.0))
            return (M, SL, SC, SLFG, SCFG)

        return lax.fori_loop(0, _CHUNK_ROWS, row_step, carry)

    issue(0, slots[0])
    issue(1, slots[1])

    def pair_step(g, carry):
        for p in range(2):
            slot = slots[p]
            drain(slot)
            carry = compute(slot, carry)

            @pl.when(g < _N_CHUNKS // 2 - 1)
            def _():
                issue(2 * g + 2 + p, slot)
        return carry

    z = jnp.zeros((_LANES,), jnp.float32)
    M, SL, SC, SLFG, SCFG = lax.fori_loop(
        0, _N_CHUNKS // 2, pair_step, (z, z, z, z, z))

    b_out[0, :] = M
    b_out[1, :] = SL
    b_out[2, :] = SC
    b_out[3, :] = SLFG
    b_out[4, :] = SCFG
    pltpu.sync_copy(b_out, out.at[wid])


@functools.partial(
    pl.kernel,
    out_type=jax.ShapeDtypeStruct((32, 5, _LANES), jnp.float32),
    mesh=plsc.VectorSubcoreMesh(core_axis_name="c", subcore_axis_name="s"),
    scratch_types=(
        [pltpu.VMEM((_CHUNK_ROWS, _W), jnp.float32)] * 14
        + [pltpu.VMEM((5, _LANES), jnp.float32)]
        + [pltpu.SemaphoreType.DMA, pltpu.SemaphoreType.DMA]
    ),
)
def _sc_partials(*args):
    _sc_body(*args)


def _tc_part_body(rt, af, rp, ap, cf, fg, bg, o_ref):
    vcf = cf[...]
    conf = jnp.where(vcf >= 0.5, vcf, 0.0)
    l = (jnp.abs(rt[...] - rp[...]) + jnp.abs(af[...] - ap[...])) * conf
    vfg = fg[...]
    vbg = bg[...]
    nl = l * vbg
    m = jnp.max(nl, axis=(1, 2), keepdims=True)
    hardf = jnp.where((vbg > 0.0) & (nl >= m), 1.0, 0.0)
    t = vfg + hardf
    num = jnp.sum(l * t)
    den = jnp.sum(conf * t)
    col = lax.broadcasted_iota(jnp.int32, (1, 1, 128), 2)
    o_ref[...] = jnp.where(col == 0, num, jnp.where(col == 1, den, 0.0))


def _tc_partials(*arrays):
    spec = pl.BlockSpec((4, _H, _W), lambda i: (i + _SC_SAMPLES // 4, 0, 0))
    return pl.pallas_call(
        _tc_part_body,
        grid=((_B - _SC_SAMPLES) // 4,),
        in_specs=[spec] * 7,
        out_specs=pl.BlockSpec((1, 1, 128), lambda i: (i, 0, 0)),
        out_shape=jax.ShapeDtypeStruct(
            ((_B - _SC_SAMPLES) // 4, 1, 128), jnp.float32),
    )(*arrays)


def _combine_body(p_ref, t_ref, o_ref):
    p = p_ref[...].reshape(_SC_SAMPLES, _SUB_PER_SAMPLE, 5, _LANES)
    M = p[:, :, 0, :]
    m = jnp.max(M.reshape(_SC_SAMPLES, -1), axis=1)[:, None, None]
    w = M >= m
    sl = jnp.sum(jnp.where(w, p[:, :, 1, :], 0.0))
    sc = jnp.sum(jnp.where(w, p[:, :, 2, :], 0.0))
    num = sl + jnp.sum(p[:, :, 3, :]) + jnp.sum(t_ref[:, 0, 0])
    den = sc + jnp.sum(p[:, :, 4, :]) + jnp.sum(t_ref[:, 0, 1])
    o_ref[...] = num / (den + _EPS)


def kernel(region_true, affinity_true, region_pred, affinity_pred,
           confidence, fg_mask, bg_mask):
    arrays = (region_true, affinity_true, region_pred, affinity_pred,
              confidence, fg_mask, bg_mask)
    sc_parts = _sc_partials(*arrays)
    tc_parts = _tc_partials(*arrays)
    out = pl.pallas_call(
        _combine_body,
        out_shape=jax.ShapeDtypeStruct((), jnp.float32),
        out_specs=pl.BlockSpec(memory_space=pltpu.SMEM),
    )(sc_parts, tc_parts)
    return out

# --- scband reference (transcript-rebuilt; emitter-appended) ---
"""Pipeline reference for scband-craft-mae-loss-22436909154406 (READ-ONLY COPY).

The authoritative reference and input builder live on the scoring server;
editing this copy changes nothing except your own understanding.
"""

import jax, jax.numpy as jnp
import numpy as np

EPS = 1e-07


def setup_inputs(seed: int = 0) -> dict:
    key = jax.random.key(seed)
    ks = jax.random.split(key, 7)
    shape = (16, 384, 384)
    region_true = jax.random.uniform(ks[0], shape, dtype=jnp.float32)
    affinity_true = jax.random.uniform(ks[1], shape, dtype=jnp.float32)
    region_pred = jax.random.uniform(ks[2], shape, dtype=jnp.float32)
    affinity_pred = jax.random.uniform(ks[3], shape, dtype=jnp.float32)
    confidence = jax.random.uniform(ks[4], shape, dtype=jnp.float32)
    fg_mask = jax.random.randint(ks[5], shape, 0, 2).astype(jnp.float32)
    bg_mask = jax.random.randint(ks[6], shape, 0, 2).astype(jnp.float32)
    return {
        'region_true': region_true,
        'affinity_true': affinity_true,
        'region_pred': region_pred,
        'affinity_pred': affinity_pred,
        'confidence': confidence,
        'fg_mask': fg_mask,
        'bg_mask': bg_mask,
    }


def _ohem(loss, fg_mask, bg_mask, negative_ratio=3.0):
    fg_num = jnp.sum(fg_mask)
    bg_num = jnp.sum(bg_mask)
    neg_num = (fg_num * negative_ratio).astype(jnp.int32)
    neg_num = jnp.minimum(bg_num.astype(jnp.int32), neg_num)
    # faithful to original code: tf.minimum(1, neg_num)
    neg_num = jnp.minimum(jnp.int32(1), neg_num)
    neg_loss = loss * bg_mask
    flat = jnp.reshape(neg_loss, (-1,))
    sorted_desc = jnp.sort(flat)[::-1]
    # vals[-1] of top_k(k=neg_num) == sorted_desc[neg_num - 1]
    idx = jnp.maximum(neg_num - 1, 0)
    thresh = sorted_desc[idx]
    bg_bool = bg_mask.astype(bool)
    hard_bg_bool = jnp.logical_and(bg_bool, neg_loss >= thresh)
    return hard_bg_bool.astype(jnp.float32)


def reference(region_true, affinity_true, region_pred, affinity_pred, confidence, fg_mask, bg_mask):
    confidence_threshold = 0.5
    confidence_mask = confidence >= jnp.float32(confidence_threshold)
    confidence = jnp.where(confidence_mask, confidence, jnp.zeros_like(confidence))
    l_region = jnp.abs(region_true - region_pred)
    l_region = l_region * confidence
    l_affinity = jnp.abs(affinity_true - affinity_pred)
    l_affinity = l_affinity * confidence
    l_total = l_region + l_affinity
    hard_bg_mask = jax.vmap(_ohem)(l_total, fg_mask, bg_mask)
    train_mask = hard_bg_mask + fg_mask
    l_total = l_total * train_mask
    return jnp.sum(l_total) / (jnp.sum(confidence * train_mask) + EPS)

if __name__ == "__main__":
    import jax
    _d = setup_inputs()
    print(jax.jit(kernel)(*tuple(_d.values())))

</pallas_src>

<mosaic_0001>
#map = affine_map<(d0, d1) -> (0, 0, 0)>
module attributes {stable_mosaic.version = 14 : i64} {
  func.func @_sc_partials(%arg0: i32, %arg1: i32, %arg2: memref<16x384x384xf32, #tpu.memory_space<hbm>>, %arg3: memref<16x384x384xf32, #tpu.memory_space<hbm>>, %arg4: memref<16x384x384xf32, #tpu.memory_space<hbm>>, %arg5: memref<16x384x384xf32, #tpu.memory_space<hbm>>, %arg6: memref<16x384x384xf32, #tpu.memory_space<hbm>>, %arg7: memref<16x384x384xf32, #tpu.memory_space<hbm>>, %arg8: memref<16x384x384xf32, #tpu.memory_space<hbm>>, %arg9: memref<32x5x16xf32, #tpu.memory_space<hbm>>, %arg10: memref<8x384xf32, #tpu.memory_space<vmem>>, %arg11: memref<8x384xf32, #tpu.memory_space<vmem>>, %arg12: memref<8x384xf32, #tpu.memory_space<vmem>>, %arg13: memref<8x384xf32, #tpu.memory_space<vmem>>, %arg14: memref<8x384xf32, #tpu.memory_space<vmem>>, %arg15: memref<8x384xf32, #tpu.memory_space<vmem>>, %arg16: memref<8x384xf32, #tpu.memory_space<vmem>>, %arg17: memref<8x384xf32, #tpu.memory_space<vmem>>, %arg18: memref<8x384xf32, #tpu.memory_space<vmem>>, %arg19: memref<8x384xf32, #tpu.memory_space<vmem>>, %arg20: memref<8x384xf32, #tpu.memory_space<vmem>>, %arg21: memref<8x384xf32, #tpu.memory_space<vmem>>, %arg22: memref<8x384xf32, #tpu.memory_space<vmem>>, %arg23: memref<8x384xf32, #tpu.memory_space<vmem>>, %arg24: memref<5x16xf32, #tpu.memory_space<vmem>>, %arg25: memref<!tpu.dma_semaphore, #tpu.memory_space<semaphore_mem>>, %arg26: memref<!tpu.dma_semaphore, #tpu.memory_space<semaphore_mem>>) attributes {dimension_semantics = [#tpu.dimension_semantics<core_parallel>, #tpu.dimension_semantics<subcore_parallel>], iteration_bounds = array<i64: 2, 16>, scalar_prefetch = 0 : i64, scratch_operands = 17 : i64, tpu.core_type = #tpu.core_type<sc_vector_subcore>, window_params = [{transform_indices = #map}, {transform_indices = #map}, {transform_indices = #map}, {transform_indices = #map}, {transform_indices = #map}, {transform_indices = #map}, {transform_indices = #map}, {transform_indices = #map}]} {
    %mul3A = arith.constant 2 : i32
    %mul3A_0 = arith.muli %arg1, %mul3A : i32
    %add3A = arith.addi %mul3A_0, %arg0 : i32
    %jit3A = arith.constant 8 : i32
    %div3A = arith.divsi %add3A, %jit3A : i32
    %sign3A = arith.constant 0 : i32
    %sign3A_1 = arith.cmpi sgt, %add3A, %sign3A : i32
    %sign3A_2 = arith.extui %sign3A_1 : i1 to i32
    %sign3A_3 = arith.constant 0 : i32
    %sign3A_4 = arith.cmpi slt, %add3A, %sign3A_3 : i32
    %sign3A_5 = arith.extui %sign3A_4 : i1 to i32
    %sign3A_6 = arith.subi %sign3A_2, %sign3A_5 : i32
    %sign3A_7 = arith.constant 0 : i32
    %sign3A_8 = arith.cmpi sgt, %jit3A, %sign3A_7 : i32
    %sign3A_9 = arith.extui %sign3A_8 : i1 to i32
    %sign3A_10 = arith.constant 0 : i32
    %sign3A_11 = arith.cmpi slt, %jit3A, %sign3A_10 : i32
    %sign3A_12 = arith.extui %sign3A_11 : i1 to i32
    %sign3A_13 = arith.subi %sign3A_9, %sign3A_12 : i32
    %ne3A = arith.cmpi ne, %sign3A_6, %sign3A_13 : i32
    %rem3A = arith.remsi %add3A, %jit3A : i32
    %ne3A_14 = arith.constant 0 : i32
    %ne3A_15 = arith.cmpi ne, %rem3A, %ne3A_14 : i32
    %and3A = arith.andi %ne3A, %ne3A_15 : i1
    %sub3A = arith.constant 1 : i32
    %sub3A_16 = arith.subi %div3A, %sub3A : i32
    %select_n3A = arith.select %and3A, %sub3A_16, %div3A : i32
    %mul3A_17 = arith.constant 8 : i32
    %mul3A_18 = arith.muli %select_n3A, %mul3A_17 : i32
    %sub3A_19 = arith.subi %add3A, %mul3A_18 : i32
    %mul3A_20 = arith.constant 48 : i32
    %mul3A_21 = arith.muli %sub3A_19, %mul3A_20 : i32
    %add3A_22 = arith.constant 0 : i32
    %add3A_23 = arith.addi %mul3A_21, %add3A_22 : i32
    %dma_start3A = arith.constant 0 : i32
    %dma_start3A_24 = tpu.memref_slice %arg2[%select_n3A, %add3A_23, %dma_start3A] : memref<16x384x384xf32, #tpu.memory_space<hbm>> -> memref<1x8x384xf32, #tpu.memory_space<hbm>>
    %dma_start3A_25 = tpu.memref_squeeze %dma_start3A_24 : memref<1x8x384xf32, #tpu.memory_space<hbm>> -> memref<8x384xf32, #tpu.memory_space<hbm>>
    %dma_start3A_26 = arith.constant 0 : i32
    %dma_start3A_27 = tpu.memref_slice %arg2[%select_n3A, %add3A_23, %dma_start3A_26] : memref<16x384x384xf32, #tpu.memory_space<hbm>> -> memref<1x8x384xf32, #tpu.memory_space<hbm>>
    %dma_start3A_28 = tpu.memref_squeeze %dma_start3A_27 : memref<1x8x384xf32, #tpu.memory_space<hbm>> -> memref<8x384xf32, #tpu.memory_space<hbm>>
    tpu.enqueue_dma source(%dma_start3A_28 : memref<8x384xf32, #tpu.memory_space<hbm>>) target(%arg10 : memref<8x384xf32, #tpu.memory_space<vmem>>) target_semaphore(%arg25 : memref<!tpu.dma_semaphore, #tpu.memory_space<semaphore_mem>>)
    %dma_start3A_29 = arith.constant 0 : i32
    %dma_start3A_30 = tpu.memref_slice %arg3[%select_n3A, %add3A_23, %dma_start3A_29] : memref<16x384x384xf32, #tpu.memory_space<hbm>> -> memref<1x8x384xf32, #tpu.memory_space<hbm>>
    %dma_start3A_31 = tpu.memref_squeeze %dma_start3A_30 : memref<1x8x384xf32, #tpu.memory_space<hbm>> -> memref<8x384xf32, #tpu.memory_space<hbm>>
    %dma_start3A_32 = arith.constant 0 : i32
    %dma_start3A_33 = tpu.memref_slice %arg3[%select_n3A, %add3A_23, %dma_start3A_32] : memref<16x384x384xf32, #tpu.memory_space<hbm>> -> memref<1x8x384xf32, #tpu.memory_space<hbm>>
    %dma_start3A_34 = tpu.memref_squeeze %dma_start3A_33 : memref<1x8x384xf32, #tpu.memory_space<hbm>> -> memref<8x384xf32, #tpu.memory_space<hbm>>
    tpu.enqueue_dma source(%dma_start3A_34 : memref<8x384xf32, #tpu.memory_space<hbm>>) target(%arg11 : memref<8x384xf32, #tpu.memory_space<vmem>>) target_semaphore(%arg25 : memref<!tpu.dma_semaphore, #tpu.memory_space<semaphore_mem>>)
    %dma_start3A_35 = arith.constant 0 : i32
    %dma_start3A_36 = tpu.memref_slice %arg4[%select_n3A, %add3A_23, %dma_start3A_35] : memref<16x384x384xf32, #tpu.memory_space<hbm>> -> memref<1x8x384xf32, #tpu.memory_space<hbm>>
    %dma_start3A_37 = tpu.memref_squeeze %dma_start3A_36 : memref<1x8x384xf32, #tpu.memory_space<hbm>> -> memref<8x384xf32, #tpu.memory_space<hbm>>
    %dma_start3A_38 = arith.constant 0 : i32
    %dma_start3A_39 = tpu.memref_slice %arg4[%select_n3A, %add3A_23, %dma_start3A_38] : memref<16x384x384xf32, #tpu.memory_space<hbm>> -> memref<1x8x384xf32, #tpu.memory_space<hbm>>
    %dma_start3A_40 = tpu.memref_squeeze %dma_start3A_39 : memref<1x8x384xf32, #tpu.memory_space<hbm>> -> memref<8x384xf32, #tpu.memory_space<hbm>>
    tpu.enqueue_dma source(%dma_start3A_40 : memref<8x384xf32, #tpu.memory_space<hbm>>) target(%arg12 : memref<8x384xf32, #tpu.memory_space<vmem>>) target_semaphore(%arg25 : memref<!tpu.dma_semaphore, #tpu.memory_space<semaphore_mem>>)
    %dma_start3A_41 = arith.constant 0 : i32
    %dma_start3A_42 = tpu.memref_slice %arg5[%select_n3A, %add3A_23, %dma_start3A_41] : memref<16x384x384xf32, #tpu.memory_space<hbm>> -> memref<1x8x384xf32, #tpu.memory_space<hbm>>
    %dma_start3A_43 = tpu.memref_squeeze %dma_start3A_42 : memref<1x8x384xf32, #tpu.memory_space<hbm>> -> memref<8x384xf32, #tpu.memory_space<hbm>>
    %dma_start3A_44 = arith.constant 0 : i32
    %dma_start3A_45 = tpu.memref_slice %arg5[%select_n3A, %add3A_23, %dma_start3A_44] : memref<16x384x384xf32, #tpu.memory_space<hbm>> -> memref<1x8x384xf32, #tpu.memory_space<hbm>>
    %dma_start3A_46 = tpu.memref_squeeze %dma_start3A_45 : memref<1x8x384xf32, #tpu.memory_space<hbm>> -> memref<8x384xf32, #tpu.memory_space<hbm>>
    tpu.enqueue_dma source(%dma_start3A_46 : memref<8x384xf32, #tpu.memory_space<hbm>>) target(%arg13 : memref<8x384xf32, #tpu.memory_space<vmem>>) target_semaphore(%arg25 : memref<!tpu.dma_semaphore, #tpu.memory_space<semaphore_mem>>)
    %dma_start3A_47 = arith.constant 0 : i32
    %dma_start3A_48 = tpu.memref_slice %arg6[%select_n3A, %add3A_23, %dma_start3A_47] : memref<16x384x384xf32, #tpu.memory_space<hbm>> -> memref<1x8x384xf32, #tpu.memory_space<hbm>>
    %dma_start3A_49 = tpu.memref_squeeze %dma_start3A_48 : memref<1x8x384xf32, #tpu.memory_space<hbm>> -> memref<8x384xf32, #tpu.memory_space<hbm>>
    %dma_start3A_50 = arith.constant 0 : i32
    %dma_start3A_51 = tpu.memref_slice %arg6[%select_n3A, %add3A_23, %dma_start3A_50] : memref<16x384x384xf32, #tpu.memory_space<hbm>> -> memref<1x8x384xf32, #tpu.memory_space<hbm>>
    %dma_start3A_52 = tpu.memref_squeeze %dma_start3A_51 : memref<1x8x384xf32, #tpu.memory_space<hbm>> -> memref<8x384xf32, #tpu.memory_space<hbm>>
    tpu.enqueue_dma source(%dma_start3A_52 : memref<8x384xf32, #tpu.memory_space<hbm>>) target(%arg14 : memref<8x384xf32, #tpu.memory_space<vmem>>) target_semaphore(%arg25 : memref<!tpu.dma_semaphore, #tpu.memory_space<semaphore_mem>>)
    %dma_start3A_53 = arith.constant 0 : i32
    %dma_start3A_54 = tpu.memref_slice %arg7[%select_n3A, %add3A_23, %dma_start3A_53] : memref<16x384x384xf32, #tpu.memory_space<hbm>> -> memref<1x8x384xf32, #tpu.memory_space<hbm>>
    %dma_start3A_55 = tpu.memref_squeeze %dma_start3A_54 : memref<1x8x384xf32, #tpu.memory_space<hbm>> -> memref<8x384xf32, #tpu.memory_space<hbm>>
    %dma_start3A_56 = arith.constant 0 : i32
    %dma_start3A_57 = tpu.memref_slice %arg7[%select_n3A, %add3A_23, %dma_start3A_56] : memref<16x384x384xf32, #tpu.memory_space<hbm>> -> memref<1x8x384xf32, #tpu.memory_space<hbm>>
    %dma_start3A_58 = tpu.memref_squeeze %dma_start3A_57 : memref<1x8x384xf32, #tpu.memory_space<hbm>> -> memref<8x384xf32, #tpu.memory_space<hbm>>
    tpu.enqueue_dma source(%dma_start3A_58 : memref<8x384xf32, #tpu.memory_space<hbm>>) target(%arg15 : memref<8x384xf32, #tpu.memory_space<vmem>>) target_semaphore(%arg25 : memref<!tpu.dma_semaphore, #tpu.memory_space<semaphore_mem>>)
    %dma_start3A_59 = arith.constant 0 : i32
    %dma_start3A_60 = tpu.memref_slice %arg8[%select_n3A, %add3A_23, %dma_start3A_59] : memref<16x384x384xf32, #tpu.memory_space<hbm>> -> memref<1x8x384xf32, #tpu.memory_space<hbm>>
    %dma_start3A_61 = tpu.memref_squeeze %dma_start3A_60 : memref<1x8x384xf32, #tpu.memory_space<hbm>> -> memref<8x384xf32, #tpu.memory_space<hbm>>
    %dma_start3A_62 = arith.constant 0 : i32
    %dma_start3A_63 = tpu.memref_slice %arg8[%select_n3A, %add3A_23, %dma_start3A_62] : memref<16x384x384xf32, #tpu.memory_space<hbm>> -> memref<1x8x384xf32, #tpu.memory_space<hbm>>
    %dma_start3A_64 = tpu.memref_squeeze %dma_start3A_63 : memref<1x8x384xf32, #tpu.memory_space<hbm>> -> memref<8x384xf32, #tpu.memory_space<hbm>>
    tpu.enqueue_dma source(%dma_start3A_64 : memref<8x384xf32, #tpu.memory_space<hbm>>) target(%arg16 : memref<8x384xf32, #tpu.memory_space<vmem>>) target_semaphore(%arg25 : memref<!tpu.dma_semaphore, #tpu.memory_space<semaphore_mem>>)
    %add3A_65 = arith.constant 8 : i32
    %add3A_66 = arith.addi %mul3A_21, %add3A_65 : i32
    %dma_start3A_67 = arith.constant 0 : i32
    %dma_start3A_68 = tpu.memref_slice %arg2[%select_n3A, %add3A_66, %dma_start3A_67] : memref<16x384x384xf32, #tpu.memory_space<hbm>> -> memref<1x8x384xf32, #tpu.memory_space<hbm>>
    %dma_start3A_69 = tpu.memref_squeeze %dma_start3A_68 : memref<1x8x384xf32, #tpu.memory_space<hbm>> -> memref<8x384xf32, #tpu.memory_space<hbm>>
    %dma_start3A_70 = arith.constant 0 : i32
    %dma_start3A_71 = tpu.memref_slice %arg2[%select_n3A, %add3A_66, %dma_start3A_70] : memref<16x384x384xf32, #tpu.memory_space<hbm>> -> memref<1x8x384xf32, #tpu.memory_space<hbm>>
    %dma_start3A_72 = tpu.memref_squeeze %dma_start3A_71 : memref<1x8x384xf32, #tpu.memory_space<hbm>> -> memref<8x384xf32, #tpu.memory_space<hbm>>
    tpu.enqueue_dma source(%dma_start3A_72 : memref<8x384xf32, #tpu.memory_space<hbm>>) target(%arg17 : memref<8x384xf32, #tpu.memory_space<vmem>>) target_semaphore(%arg26 : memref<!tpu.dma_semaphore, #tpu.memory_space<semaphore_mem>>)
    %dma_start3A_73 = arith.constant 0 : i32
    %dma_start3A_74 = tpu.memref_slice %arg3[%select_n3A, %add3A_66, %dma_start3A_73] : memref<16x384x384xf32, #tpu.memory_space<hbm>> -> memref<1x8x384xf32, #tpu.memory_space<hbm>>
    %dma_start3A_75 = tpu.memref_squeeze %dma_start3A_74 : memref<1x8x384xf32, #tpu.memory_space<hbm>> -> memref<8x384xf32, #tpu.memory_space<hbm>>
    %dma_start3A_76 = arith.constant 0 : i32
    %dma_start3A_77 = tpu.memref_slice %arg3[%select_n3A, %add3A_66, %dma_start3A_76] : memref<16x384x384xf32, #tpu.memory_space<hbm>> -> memref<1x8x384xf32, #tpu.memory_space<hbm>>
    %dma_start3A_78 = tpu.memref_squeeze %dma_start3A_77 : memref<1x8x384xf32, #tpu.memory_space<hbm>> -> memref<8x384xf32, #tpu.memory_space<hbm>>
    tpu.enqueue_dma source(%dma_start3A_78 : memref<8x384xf32, #tpu.memory_space<hbm>>) target(%arg18 : memref<8x384xf32, #tpu.memory_space<vmem>>) target_semaphore(%arg26 : memref<!tpu.dma_semaphore, #tpu.memory_space<semaphore_mem>>)
    %dma_start3A_79 = arith.constant 0 : i32
    %dma_start3A_80 = tpu.memref_slice %arg4[%select_n3A, %add3A_66, %dma_start3A_79] : memref<16x384x384xf32, #tpu.memory_space<hbm>> -> memref<1x8x384xf32, #tpu.memory_space<hbm>>
    %dma_start3A_81 = tpu.memref_squeeze %dma_start3A_80 : memref<1x8x384xf32, #tpu.memory_space<hbm>> -> memref<8x384xf32, #tpu.memory_space<hbm>>
    %dma_start3A_82 = arith.constant 0 : i32
    %dma_start3A_83 = tpu.memref_slice %arg4[%select_n3A, %add3A_66, %dma_start3A_82] : memref<16x384x384xf32, #tpu.memory_space<hbm>> -> memref<1x8x384xf32, #tpu.memory_space<hbm>>
    %dma_start3A_84 = tpu.memref_squeeze %dma_start3A_83 : memref<1x8x384xf32, #tpu.memory_space<hbm>> -> memref<8x384xf32, #tpu.memory_space<hbm>>
    tpu.enqueue_dma source(%dma_start3A_84 : memref<8x384xf32, #tpu.memory_space<hbm>>) target(%arg19 : memref<8x384xf32, #tpu.memory_space<vmem>>) target_semaphore(%arg26 : memref<!tpu.dma_semaphore, #tpu.memory_space<semaphore_mem>>)
    %dma_start3A_85 = arith.constant 0 : i32
    %dma_start3A_86 = tpu.memref_slice %arg5[%select_n3A, %add3A_66, %dma_start3A_85] : memref<16x384x384xf32, #tpu.memory_space<hbm>> -> memref<1x8x384xf32, #tpu.memory_space<hbm>>
    %dma_start3A_87 = tpu.memref_squeeze %dma_start3A_86 : memref<1x8x384xf32, #tpu.memory_space<hbm>> -> memref<8x384xf32, #tpu.memory_space<hbm>>
    %dma_start3A_88 = arith.constant 0 : i32
    %dma_start3A_89 = tpu.memref_slice %arg5[%select_n3A, %add3A_66, %dma_start3A_88] : memref<16x384x384xf32, #tpu.memory_space<hbm>> -> memref<1x8x384xf32, #tpu.memory_space<hbm>>
    %dma_start3A_90 = tpu.memref_squeeze %dma_start3A_89 : memref<1x8x384xf32, #tpu.memory_space<hbm>> -> memref<8x384xf32, #tpu.memory_space<hbm>>
    tpu.enqueue_dma source(%dma_start3A_90 : memref<8x384xf32, #tpu.memory_space<hbm>>) target(%arg20 : memref<8x384xf32, #tpu.memory_space<vmem>>) target_semaphore(%arg26 : memref<!tpu.dma_semaphore, #tpu.memory_space<semaphore_mem>>)
    %dma_start3A_91 = arith.constant 0 : i32
    %dma_start3A_92 = tpu.memref_slice %arg6[%select_n3A, %add3A_66, %dma_start3A_91] : memref<16x384x384xf32, #tpu.memory_space<hbm>> -> memref<1x8x384xf32, #tpu.memory_space<hbm>>
    %dma_start3A_93 = tpu.memref_squeeze %dma_start3A_92 : memref<1x8x384xf32, #tpu.memory_space<hbm>> -> memref<8x384xf32, #tpu.memory_space<hbm>>
    %dma_start3A_94 = arith.constant 0 : i32
    %dma_start3A_95 = tpu.memref_slice %arg6[%select_n3A, %add3A_66, %dma_start3A_94] : memref<16x384x384xf32, #tpu.memory_space<hbm>> -> memref<1x8x384xf32, #tpu.memory_space<hbm>>
    %dma_start3A_96 = tpu.memref_squeeze %dma_start3A_95 : memref<1x8x384xf32, #tpu.memory_space<hbm>> -> memref<8x384xf32, #tpu.memory_space<hbm>>
    tpu.enqueue_dma source(%dma_start3A_96 : memref<8x384xf32, #tpu.memory_space<hbm>>) target(%arg21 : memref<8x384xf32, #tpu.memory_space<vmem>>) target_semaphore(%arg26 : memref<!tpu.dma_semaphore, #tpu.memory_space<semaphore_mem>>)
    %dma_start3A_97 = arith.constant 0 : i32
    %dma_start3A_98 = tpu.memref_slice %arg7[%select_n3A, %add3A_66, %dma_start3A_97] : memref<16x384x384xf32, #tpu.memory_space<hbm>> -> memref<1x8x384xf32, #tpu.memory_space<hbm>>
    %dma_start3A_99 = tpu.memref_squeeze %dma_start3A_98 : memref<1x8x384xf32, #tpu.memory_space<hbm>> -> memref<8x384xf32, #tpu.memory_space<hbm>>
    %dma_start3A_100 = arith.constant 0 : i32
    %dma_start3A_101 = tpu.memref_slice %arg7[%select_n3A, %add3A_66, %dma_start3A_100] : memref<16x384x384xf32, #tpu.memory_space<hbm>> -> memref<1x8x384xf32, #tpu.memory_space<hbm>>
    %dma_start3A_102 = tpu.memref_squeeze %dma_start3A_101 : memref<1x8x384xf32, #tpu.memory_space<hbm>> -> memref<8x384xf32, #tpu.memory_space<hbm>>
    tpu.enqueue_dma source(%dma_start3A_102 : memref<8x384xf32, #tpu.memory_space<hbm>>) target(%arg22 : memref<8x384xf32, #tpu.memory_space<vmem>>) target_semaphore(%arg26 : memref<!tpu.dma_semaphore, #tpu.memory_space<semaphore_mem>>)
    %dma_start3A_103 = arith.constant 0 : i32
    %dma_start3A_104 = tpu.memref_slice %arg8[%select_n3A, %add3A_66, %dma_start3A_103] : memref<16x384x384xf32, #tpu.memory_space<hbm>> -> memref<1x8x384xf32, #tpu.memory_space<hbm>>
    %dma_start3A_105 = tpu.memref_squeeze %dma_start3A_104 : memref<1x8x384xf32, #tpu.memory_space<hbm>> -> memref<8x384xf32, #tpu.memory_space<hbm>>
    %dma_start3A_106 = arith.constant 0 : i32
    %dma_start3A_107 = tpu.memref_slice %arg8[%select_n3A, %add3A_66, %dma_start3A_106] : memref<16x384x384xf32, #tpu.memory_space<hbm>> -> memref<1x8x384xf32, #tpu.memory_space<hbm>>
    %dma_start3A_108 = tpu.memref_squeeze %dma_start3A_107 : memref<1x8x384xf32, #tpu.memory_space<hbm>> -> memref<8x384xf32, #tpu.memory_space<hbm>>
    tpu.enqueue_dma source(%dma_start3A_108 : memref<8x384xf32, #tpu.memory_space<hbm>>) target(%arg23 : memref<8x384xf32, #tpu.memory_space<vmem>>) target_semaphore(%arg26 : memref<!tpu.dma_semaphore, #tpu.memory_space<semaphore_mem>>)
    %broadcast_in_dim3A = arith.constant 0.000000e+00 : f32
    %broadcast_in_dim3A_109 = vector.broadcast %broadcast_in_dim3A : f32 to vector<16xf32>
    %scan3A = arith.constant 0 : i32
    %scan3A_110 = arith.constant 3 : i32
    %scan3A_111 = arith.addi %scan3A, %scan3A_110 : i32
    %scan3A_112 = arith.constant 1 : i32
    %scan3A_113:5 = scf.for %scan3A_144 = %scan3A to %scan3A_111 step %scan3A_112 iter_args(%scan3A_145 = %broadcast_in_dim3A_109, %scan3A_146 = %broadcast_in_dim3A_109, %scan3A_147 = %broadcast_in_dim3A_109, %scan3A_148 = %broadcast_in_dim3A_109, %scan3A_149 = %broadcast_in_dim3A_109) -> (vector<16xf32>, vector<16xf32>, vector<16xf32>, vector<16xf32>, vector<16xf32>)  : i32 {
      %dma_wait3A = arith.constant 0 : i32
      %dma_wait3A_150 = tpu.memref_slice %arg2[%select_n3A, %mul3A_21, %dma_wait3A] : memref<16x384x384xf32, #tpu.memory_space<hbm>> -> memref<1x8x384xf32, #tpu.memory_space<hbm>>
      %dma_wait3A_151 = tpu.memref_squeeze %dma_wait3A_150 : memref<1x8x384xf32, #tpu.memory_space<hbm>> -> memref<8x384xf32, #tpu.memory_space<hbm>>
      %dma_wait3A_152 = arith.constant 0 : i32
      %dma_wait3A_153 = tpu.memref_slice %arg2[%select_n3A, %mul3A_21, %dma_wait3A_152] : memref<16x384x384xf32, #tpu.memory_space<hbm>> -> memref<1x8x384xf32, #tpu.memory_space<hbm>>
      %dma_wait3A_154 = tpu.memref_squeeze %dma_wait3A_153 : memref<1x8x384xf32, #tpu.memory_space<hbm>> -> memref<8x384xf32, #tpu.memory_space<hbm>>
      tpu.wait_dma2 semaphore(%arg25 : memref<!tpu.dma_semaphore, #tpu.memory_space<semaphore_mem>>) src(%dma_wait3A_154 : memref<8x384xf32, #tpu.memory_space<hbm>>) dst(%arg10 : memref<8x384xf32, #tpu.memory_space<vmem>>)
      %dma_wait3A_155 = arith.constant 0 : i32
      %dma_wait3A_156 = tpu.memref_slice %arg3[%select_n3A, %mul3A_21, %dma_wait3A_155] : memref<16x384x384xf32, #tpu.memory_space<hbm>> -> memref<1x8x384xf32, #tpu.memory_space<hbm>>
      %dma_wait3A_157 = tpu.memref_squeeze %dma_wait3A_156 : memref<1x8x384xf32, #tpu.memory_space<hbm>> -> memref<8x384xf32, #tpu.memory_space<hbm>>
      %dma_wait3A_158 = arith.constant 0 : i32
      %dma_wait3A_159 = tpu.memref_slice %arg3[%select_n3A, %mul3A_21, %dma_wait3A_158] : memref<16x384x384xf32, #tpu.memory_space<hbm>> -> memref<1x8x384xf32, #tpu.memory_space<hbm>>
      %dma_wait3A_160 = tpu.memref_squeeze %dma_wait3A_159 : memref<1x8x384xf32, #tpu.memory_space<hbm>> -> memref<8x384xf32, #tpu.memory_space<hbm>>
      tpu.wait_dma2 semaphore(%arg25 : memref<!tpu.dma_semaphore, #tpu.memory_space<semaphore_mem>>) src(%dma_wait3A_160 : memref<8x384xf32, #tpu.memory_space<hbm>>) dst(%arg11 : memref<8x384xf32, #tpu.memory_space<vmem>>)
      %dma_wait3A_161 = arith.constant 0 : i32
      %dma_wait3A_162 = tpu.memref_slice %arg4[%select_n3A, %mul3A_21, %dma_wait3A_161] : memref<16x384x384xf32, #tpu.memory_space<hbm>> -> memref<1x8x384xf32, #tpu.memory_space<hbm>>
      %dma_wait3A_163 = tpu.memref_squeeze %dma_wait3A_162 : memref<1x8x384xf32, #tpu.memory_space<hbm>> -> memref<8x384xf32, #tpu.memory_space<hbm>>
      %dma_wait3A_164 = arith.constant 0 : i32
      %dma_wait3A_165 = tpu.memref_slice %arg4[%select_n3A, %mul3A_21, %dma_wait3A_164] : memref<16x384x384xf32, #tpu.memory_space<hbm>> -> memref<1x8x384xf32, #tpu.memory_space<hbm>>
      %dma_wait3A_166 = tpu.memref_squeeze %dma_wait3A_165 : memref<1x8x384xf32, #tpu.memory_space<hbm>> -> memref<8x384xf32, #tpu.memory_space<hbm>>
      tpu.wait_dma2 semaphore(%arg25 : memref<!tpu.dma_semaphore, #tpu.memory_space<semaphore_mem>>) src(%dma_wait3A_166 : memref<8x384xf32, #tpu.memory_space<hbm>>) dst(%arg12 : memref<8x384xf32, #tpu.memory_space<vmem>>)
      %dma_wait3A_167 = arith.constant 0 : i32
      %dma_wait3A_168 = tpu.memref_slice %arg5[%select_n3A, %mul3A_21, %dma_wait3A_167] : memref<16x384x384xf32, #tpu.memory_space<hbm>> -> memref<1x8x384xf32, #tpu.memory_space<hbm>>
      %dma_wait3A_169 = tpu.memref_squeeze %dma_wait3A_168 : memref<1x8x384xf32, #tpu.memory_space<hbm>> -> memref<8x384xf32, #tpu.memory_space<hbm>>
      %dma_wait3A_170 = arith.constant 0 : i32
      %dma_wait3A_171 = tpu.memref_slice %arg5[%select_n3A, %mul3A_21, %dma_wait3A_170] : memref<16x384x384xf32, #tpu.memory_space<hbm>> -> memref<1x8x384xf32, #tpu.memory_space<hbm>>
      %dma_wait3A_172 = tpu.memref_squeeze %dma_wait3A_171 : memref<1x8x384xf32, #tpu.memory_space<hbm>> -> memref<8x384xf32, #tpu.memory_space<hbm>>
      tpu.wait_dma2 semaphore(%arg25 : memref<!tpu.dma_semaphore, #tpu.memory_space<semaphore_mem>>) src(%dma_wait3A_172 : memref<8x384xf32, #tpu.memory_space<hbm>>) dst(%arg13 : memref<8x384xf32, #tpu.memory_space<vmem>>)
      %dma_wait3A_173 = arith.constant 0 : i32
      %dma_wait3A_174 = tpu.memref_slice %arg6[%select_n3A, %mul3A_21, %dma_wait3A_173] : memref<16x384x384xf32, #tpu.memory_space<hbm>> -> memref<1x8x384xf32, #tpu.memory_space<hbm>>
      %dma_wait3A_175 = tpu.memref_squeeze %dma_wait3A_174 : memref<1x8x384xf32, #tpu.memory_space<hbm>> -> memref<8x384xf32, #tpu.memory_space<hbm>>
      %dma_wait3A_176 = arith.constant 0 : i32
      %dma_wait3A_177 = tpu.memref_slice %arg6[%select_n3A, %mul3A_21, %dma_wait3A_176] : memref<16x384x384xf32, #tpu.memory_space<hbm>> -> memref<1x8x384xf32, #tpu.memory_space<hbm>>
      %dma_wait3A_178 = tpu.memref_squeeze %dma_wait3A_177 : memref<1x8x384xf32, #tpu.memory_space<hbm>> -> memref<8x384xf32, #tpu.memory_space<hbm>>
      tpu.wait_dma2 semaphore(%arg25 : memref<!tpu.dma_semaphore, #tpu.memory_space<semaphore_mem>>) src(%dma_wait3A_178 : memref<8x384xf32, #tpu.memory_space<hbm>>) dst(%arg14 : memref<8x384xf32, #tpu.memory_space<vmem>>)
      %dma_wait3A_179 = arith.constant 0 : i32
      %dma_wait3A_180 = tpu.memref_slice %arg7[%select_n3A, %mul3A_21, %dma_wait3A_179] : memref<16x384x384xf32, #tpu.memory_space<hbm>> -> memref<1x8x384xf32, #tpu.memory_space<hbm>>
      %dma_wait3A_181 = tpu.memref_squeeze %dma_wait3A_180 : memref<1x8x384xf32, #tpu.memory_space<hbm>> -> memref<8x384xf32, #tpu.memory_space<hbm>>
      %dma_wait3A_182 = arith.constant 0 : i32
      %dma_wait3A_183 = tpu.memref_slice %arg7[%select_n3A, %mul3A_21, %dma_wait3A_182] : memref<16x384x384xf32, #tpu.memory_space<hbm>> -> memref<1x8x384xf32, #tpu.memory_space<hbm>>
      %dma_wait3A_184 = tpu.memref_squeeze %dma_wait3A_183 : memref<1x8x384xf32, #tpu.memory_space<hbm>> -> memref<8x384xf32, #tpu.memory_space<hbm>>
      tpu.wait_dma2 semaphore(%arg25 : memref<!tpu.dma_semaphore, #tpu.memory_space<semaphore_mem>>) src(%dma_wait3A_184 : memref<8x384xf32, #tpu.memory_space<hbm>>) dst(%arg15 : memref<8x384xf32, #tpu.memory_space<vmem>>)
      %dma_wait3A_185 = arith.constant 0 : i32
      %dma_wait3A_186 = tpu.memref_slice %arg8[%select_n3A, %mul3A_21, %dma_wait3A_185] : memref<16x384x384xf32, #tpu.memory_space<hbm>> -> memref<1x8x384xf32, #tpu.memory_space<hbm>>
      %dma_wait3A_187 = tpu.memref_squeeze %dma_wait3A_186 : memref<1x8x384xf32, #tpu.memory_space<hbm>> -> memref<8x384xf32, #tpu.memory_space<hbm>>
      %dma_wait3A_188 = arith.constant 0 : i32
      %dma_wait3A_189 = tpu.memref_slice %arg8[%select_n3A, %mul3A_21, %dma_wait3A_188] : memref<16x384x384xf32, #tpu.memory_space<hbm>> -> memref<1x8x384xf32, #tpu.memory_space<hbm>>
      %dma_wait3A_190 = tpu.memref_squeeze %dma_wait3A_189 : memref<1x8x384xf32, #tpu.memory_space<hbm>> -> memref<8x384xf32, #tpu.memory_space<hbm>>
      tpu.wait_dma2 semaphore(%arg25 : memref<!tpu.dma_semaphore, #tpu.memory_space<semaphore_mem>>) src(%dma_wait3A_190 : memref<8x384xf32, #tpu.memory_space<hbm>>) dst(%arg16 : memref<8x384xf32, #tpu.memory_space<vmem>>)
      %scan3A_191 = arith.constant 0 : i32
      %scan3A_192 = arith.constant 8 : i32
      %scan3A_193 = arith.addi %scan3A_191, %scan3A_192 : i32
      %scan3A_194 = arith.constant 1 : i32
      %scan3A_195:5 = scf.for %scan3A_252 = %scan3A_191 to %scan3A_193 step %scan3A_194 iter_args(%scan3A_253 = %scan3A_145, %scan3A_254 = %scan3A_146, %scan3A_255 = %scan3A_147, %scan3A_256 = %scan3A_148, %scan3A_257 = %scan3A_149) -> (vector<16xf32>, vector<16xf32>, vector<16xf32>, vector<16xf32>, vector<16xf32>)  : i32 {
        %get3A = arith.index_cast %scan3A_252 : i32 to index
        %get3A_258 = arith.constant 0 : index
        %get3A_259 = tpu.vector_load %arg14[%get3A, %get3A_258] {strides = array<i32>} : memref<8x384xf32, #tpu.memory_space<vmem>>, vector<1x16xf32>,
        %get3A_260 = vector.shape_cast %get3A_259 : vector<1x16xf32> to vector<16xf32>
        %ge3A = arith.constant 5.000000e-01 : f32
        %ge3A_261 = vector.broadcast %ge3A : f32 to vector<16xf32>
        %ge3A_262 = arith.cmpf oge, %get3A_260, %ge3A_261 : vector<16xf32>
        %jit3A_263 = arith.constant 0.000000e+00 : f32
        %broadcast_in_dim3A_264 = vector.broadcast %jit3A_263 : f32 to vector<16xf32>
        %select_n3A_265 = arith.select %ge3A_262, %get3A_260, %broadcast_in_dim3A_264 : vector<16xi1>, vector<16xf32>
        %get3A_266 = arith.index_cast %scan3A_252 : i32 to index
        %get3A_267 = arith.constant 0 : index
        %get3A_268 = tpu.vector_load %arg10[%get3A_266, %get3A_267] {strides = array<i32>} : memref<8x384xf32, #tpu.memory_space<vmem>>, vector<1x16xf32>,
        %get3A_269 = vector.shape_cast %get3A_268 : vector<1x16xf32> to vector<16xf32>
        %get3A_270 = arith.index_cast %scan3A_252 : i32 to index
        %get3A_271 = arith.constant 0 : index
        %get3A_272 = tpu.vector_load %arg12[%get3A_270, %get3A_271] {strides = array<i32>} : memref<8x384xf32, #tpu.memory_space<vmem>>, vector<1x16xf32>,
        %get3A_273 = vector.shape_cast %get3A_272 : vector<1x16xf32> to vector<16xf32>
        %sub3A_274 = arith.subf %get3A_269, %get3A_273 : vector<16xf32>
        %abs3A = math.absf %sub3A_274 : vector<16xf32>
        %get3A_275 = arith.index_cast %scan3A_252 : i32 to index
        %get3A_276 = arith.constant 0 : index
        %get3A_277 = tpu.vector_load %arg11[%get3A_275, %get3A_276] {strides = array<i32>} : memref<8x384xf32, #tpu.memory_space<vmem>>, vector<1x16xf32>,
        %get3A_278 = vector.shape_cast %get3A_277 : vector<1x16xf32> to vector<16xf32>
        %get3A_279 = arith.index_cast %scan3A_252 : i32 to index
        %get3A_280 = arith.constant 0 : index
        %get3A_281 = tpu.vector_load %arg13[%get3A_279, %get3A_280] {strides = array<i32>} : memref<8x384xf32, #tpu.memory_space<vmem>>, vector<1x16xf32>,
        %get3A_282 = vector.shape_cast %get3A_281 : vector<1x16xf32> to vector<16xf32>
        %sub3A_283 = arith.subf %get3A_278, %get3A_282 : vector<16xf32>
        %abs3A_284 = math.absf %sub3A_283 : vector<16xf32>
        %add3A_285 = arith.addf %abs3A, %abs3A_284 : vector<16xf32>
        %mul3A_286 = arith.mulf %add3A_285, %select_n3A_265 : vector<16xf32>
        %get3A_287 = arith.index_cast %scan3A_252 : i32 to index
        %get3A_288 = arith.constant 0 : index
        %get3A_289 = tpu.vector_load %arg15[%get3A_287, %get3A_288] {strides = array<i32>} : memref<8x384xf32, #tpu.memory_space<vmem>>, vector<1x16xf32>,
        %get3A_290 = vector.shape_cast %get3A_289 : vector<1x16xf32> to vector<16xf32>
        %get3A_291 = arith.index_cast %scan3A_252 : i32 to index
        %get3A_292 = arith.constant 0 : index
        %get3A_293 = tpu.vector_load %arg16[%get3A_291, %get3A_292] {strides = array<i32>} : memref<8x384xf32, #tpu.memory_space<vmem>>, vector<1x16xf32>,
        %get3A_294 = vector.shape_cast %get3A_293 : vector<1x16xf32> to vector<16xf32>
        %mul3A_295 = arith.mulf %mul3A_286, %get3A_294 : vector<16xf32>
        %ge3A_296 = arith.cmpf oge, %mul3A_295, %scan3A_253 : vector<16xf32>
        %gt3A = arith.cmpf ogt, %mul3A_295, %scan3A_253 : vector<16xf32>
        %max3A = arith.maximumf %scan3A_253, %mul3A_295 : vector<16xf32>
        %mul3A_297 = arith.mulf %mul3A_286, %get3A_290 : vector<16xf32>
        %add3A_298 = arith.addf %scan3A_256, %mul3A_297 : vector<16xf32>
        %mul3A_299 = arith.mulf %select_n3A_265, %get3A_290 : vector<16xf32>
        %add3A_300 = arith.addf %scan3A_257, %mul3A_299 : vector<16xf32>
        %jit3A_301 = arith.constant 0.000000e+00 : f32
        %broadcast_in_dim3A_302 = vector.broadcast %jit3A_301 : f32 to vector<16xf32>
        %select_n3A_303 = arith.select %gt3A, %broadcast_in_dim3A_302, %scan3A_254 : vector<16xi1>, vector<16xf32>
        %jit3A_304 = arith.constant 0.000000e+00 : f32
        %broadcast_in_dim3A_305 = vector.broadcast %jit3A_304 : f32 to vector<16xf32>
        %select_n3A_306 = arith.select %ge3A_296, %mul3A_295, %broadcast_in_dim3A_305 : vector<16xi1>, vector<16xf32>
        %add3A_307 = arith.addf %select_n3A_303, %select_n3A_306 : vector<16xf32>
        %jit3A_308 = arith.constant 0.000000e+00 : f32
        %broadcast_in_dim3A_309 = vector.broadcast %jit3A_308 : f32 to vector<16xf32>
        %select_n3A_310 = arith.select %gt3A, %broadcast_in_dim3A_309, %scan3A_255 : vector<16xi1>, vector<16xf32>
        %mul3A_311 = arith.mulf %select_n3A_265, %get3A_294 : vector<16xf32>
        %jit3A_312 = arith.constant 0.000000e+00 : f32
        %broadcast_in_dim3A_313 = vector.broadcast %jit3A_312 : f32 to vector<16xf32>
        %select_n3A_314 = arith.select %ge3A_296, %mul3A_311, %broadcast_in_dim3A_313 : vector<16xi1>, vector<16xf32>
        %add3A_315 = arith.addf %select_n3A_310, %select_n3A_314 : vector<16xf32>
        %get3A_316 = arith.index_cast %scan3A_252 : i32 to index
        %get3A_317 = arith.constant 16 : index
        %get3A_318 = tpu.vector_load %arg14[%get3A_316, %get3A_317] {strides = array<i32>} : memref<8x384xf32, #tpu.memory_space<vmem>>, vector<1x16xf32>,
        %get3A_319 = vector.shape_cast %get3A_318 : vector<1x16xf32> to vector<16xf32>
        %ge3A_320 = arith.constant 5.000000e-01 : f32
        %ge3A_321 = vector.broadcast %ge3A_320 : f32 to vector<16xf32>
        %ge3A_322 = arith.cmpf oge, %get3A_319, %ge3A_321 : vector<16xf32>
        %jit3A_323 = arith.constant 0.000000e+00 : f32
        %broadcast_in_dim3A_324 = vector.broadcast %jit3A_323 : f32 to vector<16xf32>
        %select_n3A_325 = arith.select %ge3A_322, %get3A_319, %broadcast_in_dim3A_324 : vector<16xi1>, vector<16xf32>
        %get3A_326 = arith.index_cast %scan3A_252 : i32 to index
        %get3A_327 = arith.constant 16 : index
        %get3A_328 = tpu.vector_load %arg10[%get3A_326, %get3A_327] {strides = array<i32>} : memref<8x384xf32, #tpu.memory_space<vmem>>, vector<1x16xf32>,
        %get3A_329 = vector.shape_cast %get3A_328 : vector<1x16xf32> to vector<16xf32>
        %get3A_330 = arith.index_cast %scan3A_252 : i32 to index
        %get3A_331 = arith.constant 16 : index
        %get3A_332 = tpu.vector_load %arg12[%get3A_330, %get3A_331] {strides = array<i32>} : memref<8x384xf32, #tpu.memory_space<vmem>>, vector<1x16xf32>,
        %get3A_333 = vector.shape_cast %get3A_332 : vector<1x16xf32> to vector<16xf32>
        %sub3A_334 = arith.subf %get3A_329, %get3A_333 : vector<16xf32>
        %abs3A_335 = math.absf %sub3A_334 : vector<16xf32>
        %get3A_336 = arith.index_cast %scan3A_252 : i32 to index
        %get3A_337 = arith.constant 16 : index
        %get3A_338 = tpu.vector_load %arg11[%get3A_336, %get3A_337] {strides = array<i32>} : memref<8x384xf32, #tpu.memory_space<vmem>>, vector<1x16xf32>,
        %get3A_339 = vector.shape_cast %get3A_338 : vector<1x16xf32> to vector<16xf32>
        %get3A_340 = arith.index_cast %scan3A_252 : i32 to index
        %get3A_341 = arith.constant 16 : index
        %get3A_342 = tpu.vector_load %arg13[%get3A_340, %get3A_341] {strides = array<i32>} : memref<8x384xf32, #tpu.memory_space<vmem>>, vector<1x16xf32>,
        %get3A_343 = vector.shape_cast %get3A_342 : vector<1x16xf32> to vector<16xf32>
        %sub3A_344 = arith.subf %get3A_339, %get3A_343 : vector<16xf32>
        %abs3A_345 = math.absf %sub3A_344 : vector<16xf32>
        %add3A_346 = arith.addf %abs3A_335, %abs3A_345 : vector<16xf32>
        %mul3A_347 = arith.mulf %add3A_346, %select_n3A_325 : vector<16xf32>
        %get3A_348 = arith.index_cast %scan3A_252 : i32 to index
        %get3A_349 = arith.constant 16 : index
        %get3A_350 = tpu.vector_load %arg15[%get3A_348, %get3A_349] {strides = array<i32>} : memref<8x384xf32, #tpu.memory_space<vmem>>, vector<1x16xf32>,
        %get3A_351 = vector.shape_cast %get3A_350 : vector<1x16xf32> to vector<16xf32>
        %get3A_352 = arith.index_cast %scan3A_252 : i32 to index
        %get3A_353 = arith.constant 16 : index
        %get3A_354 = tpu.vector_load %arg16[%get3A_352, %get3A_353] {strides = array<i32>} : memref<8x384xf32, #tpu.memory_space<vmem>>, vector<1x16xf32>,
        %get3A_355 = vector.shape_cast %get3A_354 : vector<1x16xf32> to vector<16xf32>
        %mul3A_356 = arith.mulf %mul3A_347, %get3A_355 : vector<16xf32>
        %ge3A_357 = arith.cmpf oge, %mul3A_356, %max3A : vector<16xf32>
        %gt3A_358 = arith.cmpf ogt, %mul3A_356, %max3A : vector<16xf32>
        %max3A_359 = arith.maximumf %max3A, %mul3A_356 : vector<16xf32>
        %mul3A_360 = arith.mulf %mul3A_347, %get3A_351 : vector<16xf32>
        %add3A_361 = arith.addf %add3A_298, %mul3A_360 : vector<16xf32>
        %mul3A_362 = arith.mulf %select_n3A_325, %get3A_351 : vector<16xf32>
        %add3A_363 = arith.addf %add3A_300, %mul3A_362 : vector<16xf32>
        %jit3A_364 = arith.constant 0.000000e+00 : f32
        %broadcast_in_dim3A_365 = vector.broadcast %jit3A_364 : f32 to vector<16xf32>
        %select_n3A_366 = arith.select %gt3A_358, %broadcast_in_dim3A_365, %add3A_307 : vector<16xi1>, vector<16xf32>
        %jit3A_367 = arith.constant 0.000000e+00 : f32
        %broadcast_in_dim3A_368 = vector.broadcast %jit3A_367 : f32 to vector<16xf32>
        %select_n3A_369 = arith.select %ge3A_357, %mul3A_356, %broadcast_in_dim3A_368 : vector<16xi1>, vector<16xf32>
        %add3A_370 = arith.addf %select_n3A_366, %select_n3A_369 : vector<16xf32>
        %jit3A_371 = arith.constant 0.000000e+00 : f32
        %broadcast_in_dim3A_372 = vector.broadcast %jit3A_371 : f32 to vector<16xf32>
        %select_n3A_373 = arith.select %gt3A_358, %broadcast_in_dim3A_372, %add3A_315 : vector<16xi1>, vector<16xf32>
        %mul3A_374 = arith.mulf %select_n3A_325, %get3A_355 : vector<16xf32>
        %jit3A_375 = arith.constant 0.000000e+00 : f32
        %broadcast_in_dim3A_376 = vector.broadcast %jit3A_375 : f32 to vector<16xf32>
        %select_n3A_377 = arith.select %ge3A_357, %mul3A_374, %broadcast_in_dim3A_376 : vector<16xi1>, vector<16xf32>
        %add3A_378 = arith.addf %select_n3A_373, %select_n3A_377 : vector<16xf32>
        %get3A_379 = arith.index_cast %scan3A_252 : i32 to index
        %get3A_380 = arith.constant 32 : index
        %get3A_381 = tpu.vector_load %arg14[%get3A_379, %get3A_380] {strides = array<i32>} : memref<8x384xf32, #tpu.memory_space<vmem>>, vector<1x16xf32>,
        %get3A_382 = vector.shape_cast %get3A_381 : vector<1x16xf32> to vector<16xf32>
        %ge3A_383 = arith.constant 5.000000e-01 : f32
        %ge3A_384 = vector.broadcast %ge3A_383 : f32 to vector<16xf32>
        %ge3A_385 = arith.cmpf oge, %get3A_382, %ge3A_384 : vector<16xf32>
        %jit3A_386 = arith.constant 0.000000e+00 : f32
        %broadcast_in_dim3A_387 = vector.broadcast %jit3A_386 : f32 to vector<16xf32>
        %select_n3A_388 = arith.select %ge3A_385, %get3A_382, %broadcast_in_dim3A_387 : vector<16xi1>, vector<16xf32>
        %get3A_389 = arith.index_cast %scan3A_252 : i32 to index
        %get3A_390 = arith.constant 32 : index
        %get3A_391 = tpu.vector_load %arg10[%get3A_389, %get3A_390] {strides = array<i32>} : memref<8x384xf32, #tpu.memory_space<vmem>>, vector<1x16xf32>,
        %get3A_392 = vector.shape_cast %get3A_391 : vector<1x16xf32> to vector<16xf32>
        %get3A_393 = arith.index_cast %scan3A_252 : i32 to index
        %get3A_394 = arith.constant 32 : index
        %get3A_395 = tpu.vector_load %arg12[%get3A_393, %get3A_394] {strides = array<i32>} : memref<8x384xf32, #tpu.memory_space<vmem>>, vector<1x16xf32>,
        %get3A_396 = vector.shape_cast %get3A_395 : vector<1x16xf32> to vector<16xf32>
        %sub3A_397 = arith.subf %get3A_392, %get3A_396 : vector<16xf32>
        %abs3A_398 = math.absf %sub3A_397 : vector<16xf32>
        %get3A_399 = arith.index_cast %scan3A_252 : i32 to index
        %get3A_400 = arith.constant 32 : index
        %get3A_401 = tpu.vector_load %arg11[%get3A_399, %get3A_400] {strides = array<i32>} : memref<8x384xf32, #tpu.memory_space<vmem>>, vector<1x16xf32>,
        %get3A_402 = vector.shape_cast %get3A_401 : vector<1x16xf32> to vector<16xf32>
        %get3A_403 = arith.index_cast %scan3A_252 : i32 to index
        %get3A_404 = arith.constant 32 : index
        %get3A_405 = tpu.vector_load %arg13[%get3A_403, %get3A_404] {strides = array<i32>} : memref<8x384xf32, #tpu.memory_space<vmem>>, vector<1x16xf32>,
        %get3A_406 = vector.shape_cast %get3A_405 : vector<1x16xf32> to vector<16xf32>
        %sub3A_407 = arith.subf %get3A_402, %get3A_406 : vector<16xf32>
        %abs3A_408 = math.absf %sub3A_407 : vector<16xf32>
        %add3A_409 = arith.addf %abs3A_398, %abs3A_408 : vector<16xf32>
        %mul3A_410 = arith.mulf %add3A_409, %select_n3A_388 : vector<16xf32>
        %get3A_411 = arith.index_cast %scan3A_252 : i32 to index
        %get3A_412 = arith.constant 32 : index
        %get3A_413 = tpu.vector_load %arg15[%get3A_411, %get3A_412] {strides = array<i32>} : memref<8x384xf32, #tpu.memory_space<vmem>>, vector<1x16xf32>,
        %get3A_414 = vector.shape_cast %get3A_413 : vector<1x16xf32> to vector<16xf32>
        %get3A_415 = arith.index_cast %scan3A_252 : i32 to index
        %get3A_416 = arith.constant 32 : index
        %get3A_417 = tpu.vector_load %arg16[%get3A_415, %get3A_416] {strides = array<i32>} : memref<8x384xf32, #tpu.memory_space<vmem>>, vector<1x16xf32>,
        %get3A_418 = vector.shape_cast %get3A_417 : vector<1x16xf32> to vector<16xf32>
        %mul3A_419 = arith.mulf %mul3A_410, %get3A_418 : vector<16xf32>
        %ge3A_420 = arith.cmpf oge, %mul3A_419, %max3A_359 : vector<16xf32>
        %gt3A_421 = arith.cmpf ogt, %mul3A_419, %max3A_359 : vector<16xf32>
        %max3A_422 = arith.maximumf %max3A_359, %mul3A_419 : vector<16xf32>
        %mul3A_423 = arith.mulf %mul3A_410, %get3A_414 : vector<16xf32>
        %add3A_424 = arith.addf %add3A_361, %mul3A_423 : vector<16xf32>
        %mul3A_425 = arith.mulf %select_n3A_388, %get3A_414 : vector<16xf32>
        %add3A_426 = arith.addf %add3A_363, %mul3A_425 : vector<16xf32>
        %jit3A_427 = arith.constant 0.000000e+00 : f32
        %broadcast_in_dim3A_428 = vector.broadcast %jit3A_427 : f32 to vector<16xf32>
        %select_n3A_429 = arith.select %gt3A_421, %broadcast_in_dim3A_428, %add3A_370 : vector<16xi1>, vector<16xf32>
        %jit3A_430 = arith.constant 0.000000e+00 : f32
        %broadcast_in_dim3A_431 = vector.broadcast %jit3A_430 : f32 to vector<16xf32>
        %select_n3A_432 = arith.select %ge3A_420, %mul3A_419, %broadcast_in_dim3A_431 : vector<16xi1>, vector<16xf32>
        %add3A_433 = arith.addf %select_n3A_429, %select_n3A_432 : vector<16xf32>
        %jit3A_434 = arith.constant 0.000000e+00 : f32
        %broadcast_in_dim3A_435 = vector.broadcast %jit3A_434 : f32 to vector<16xf32>
        %select_n3A_436 = arith.select %gt3A_421, %broadcast_in_dim3A_435, %add3A_378 : vector<16xi1>, vector<16xf32>
        %mul3A_437 = arith.mulf %select_n3A_388, %get3A_418 : vector<16xf32>
        %jit3A_438 = arith.constant 0.000000e+00 : f32
        %broadcast_in_dim3A_439 = vector.broadcast %jit3A_438 : f32 to vector<16xf32>
        %select_n3A_440 = arith.select %ge3A_420, %mul3A_437, %broadcast_in_dim3A_439 : vector<16xi1>, vector<16xf32>
        %add3A_441 = arith.addf %select_n3A_436, %select_n3A_440 : vector<16xf32>
        %get3A_442 = arith.index_cast %scan3A_252 : i32 to index
        %get3A_443 = arith.constant 48 : index
        %get3A_444 = tpu.vector_load %arg14[%get3A_442, %get3A_443] {strides = array<i32>} : memref<8x384xf32, #tpu.memory_space<vmem>>, vector<1x16xf32>,
        %get3A_445 = vector.shape_cast %get3A_444 : vector<1x16xf32> to vector<16xf32>
        %ge3A_446 = arith.constant 5.000000e-01 : f32
        %ge3A_447 = vector.broadcast %ge3A_446 : f32 to vector<16xf32>
        %ge3A_448 = arith.cmpf oge, %get3A_445, %ge3A_447 : vector<16xf32>
        %jit3A_449 = arith.constant 0.000000e+00 : f32
        %broadcast_in_dim3A_450 = vector.broadcast %jit3A_449 : f32 to vector<16xf32>
        %select_n3A_451 = arith.select %ge3A_448, %get3A_445, %broadcast_in_dim3A_450 : vector<16xi1>, vector<16xf32>
        %get3A_452 = arith.index_cast %scan3A_252 : i32 to index
        %get3A_453 = arith.constant 48 : index
        %get3A_454 = tpu.vector_load %arg10[%get3A_452, %get3A_453] {strides = array<i32>} : memref<8x384xf32, #tpu.memory_space<vmem>>, vector<1x16xf32>,
        %get3A_455 = vector.shape_cast %get3A_454 : vector<1x16xf32> to vector<16xf32>
        %get3A_456 = arith.index_cast %scan3A_252 : i32 to index
        %get3A_457 = arith.constant 48 : index
        %get3A_458 = tpu.vector_load %arg12[%get3A_456, %get3A_457] {strides = array<i32>} : memref<8x384xf32, #tpu.memory_space<vmem>>, vector<1x16xf32>,
        %get3A_459 = vector.shape_cast %get3A_458 : vector<1x16xf32> to vector<16xf32>
        %sub3A_460 = arith.subf %get3A_455, %get3A_459 : vector<16xf32>
        %abs3A_461 = math.absf %sub3A_460 : vector<16xf32>
        %get3A_462 = arith.index_cast %scan3A_252 : i32 to index
        %get3A_463 = arith.constant 48 : index
        %get3A_464 = tpu.vector_load %arg11[%get3A_462, %get3A_463] {strides = array<i32>} : memref<8x384xf32, #tpu.memory_space<vmem>>, vector<1x16xf32>,
        %get3A_465 = vector.shape_cast %get3A_464 : vector<1x16xf32> to vector<16xf32>
        %get3A_466 = arith.index_cast %scan3A_252 : i32 to index
        %get3A_467 = arith.constant 48 : index
        %get3A_468 = tpu.vector_load %arg13[%get3A_466, %get3A_467] {strides = array<i32>} : memref<8x384xf32, #tpu.memory_space<vmem>>, vector<1x16xf32>,
        %get3A_469 = vector.shape_cast %get3A_468 : vector<1x16xf32> to vector<16xf32>
        %sub3A_470 = arith.subf %get3A_465, %get3A_469 : vector<16xf32>
        %abs3A_471 = math.absf %sub3A_470 : vector<16xf32>
        %add3A_472 = arith.addf %abs3A_461, %abs3A_471 : vector<16xf32>
        %mul3A_473 = arith.mulf %add3A_472, %select_n3A_451 : vector<16xf32>
        %get3A_474 = arith.index_cast %scan3A_252 : i32 to index
        %get3A_475 = arith.constant 48 : index
        %get3A_476 = tpu.vector_load %arg15[%get3A_474, %get3A_475] {strides = array<i32>} : memref<8x384xf32, #tpu.memory_space<vmem>>, vector<1x16xf32>,
        %get3A_477 = vector.shape_cast %get3A_476 : vector<1x16xf32> to vector<16xf32>
        %get3A_478 = arith.index_cast %scan3A_252 : i32 to index
        %get3A_479 = arith.constant 48 : index
        %get3A_480 = tpu.vector_load %arg16[%get3A_478, %get3A_479] {strides = array<i32>} : memref<8x384xf32, #tpu.memory_space<vmem>>, vector<1x16xf32>,
        %get3A_481 = vector.shape_cast %get3A_480 : vector<1x16xf32> to vector<16xf32>
        %mul3A_482 = arith.mulf %mul3A_473, %get3A_481 : vector<16xf32>
        %ge3A_483 = arith.cmpf oge, %mul3A_482, %max3A_422 : vector<16xf32>
        %gt3A_484 = arith.cmpf ogt, %mul3A_482, %max3A_422 : vector<16xf32>
        %max3A_485 = arith.maximumf %max3A_422, %mul3A_482 : vector<16xf32>
        %mul3A_486 = arith.mulf %mul3A_473, %get3A_477 : vector<16xf32>
        %add3A_487 = arith.addf %add3A_424, %mul3A_486 : vector<16xf32>
        %mul3A_488 = arith.mulf %select_n3A_451, %get3A_477 : vector<16xf32>
        %add3A_489 = arith.addf %add3A_426, %mul3A_488 : vector<16xf32>
        %jit3A_490 = arith.constant 0.000000e+00 : f32
        %broadcast_in_dim3A_491 = vector.broadcast %jit3A_490 : f32 to vector<16xf32>
        %select_n3A_492 = arith.select %gt3A_484, %broadcast_in_dim3A_491, %add3A_433 : vector<16xi1>, vector<16xf32>
        %jit3A_493 = arith.constant 0.000000e+00 : f32
        %broadcast_in_dim3A_494 = vector.broadcast %jit3A_493 : f32 to vector<16xf32>
        %select_n3A_495 = arith.select %ge3A_483, %mul3A_482, %broadcast_in_dim3A_494 : vector<16xi1>, vector<16xf32>
        %add3A_496 = arith.addf %select_n3A_492, %select_n3A_495 : vector<16xf32>
        %jit3A_497 = arith.constant 0.000000e+00 : f32
        %broadcast_in_dim3A_498 = vector.broadcast %jit3A_497 : f32 to vector<16xf32>
        %select_n3A_499 = arith.select %gt3A_484, %broadcast_in_dim3A_498, %add3A_441 : vector<16xi1>, vector<16xf32>
        %mul3A_500 = arith.mulf %select_n3A_451, %get3A_481 : vector<16xf32>
        %jit3A_501 = arith.constant 0.000000e+00 : f32
        %broadcast_in_dim3A_502 = vector.broadcast %jit3A_501 : f32 to vector<16xf32>
        %select_n3A_503 = arith.select %ge3A_483, %mul3A_500, %broadcast_in_dim3A_502 : vector<16xi1>, vector<16xf32>
        %add3A_504 = arith.addf %select_n3A_499, %select_n3A_503 : vector<16xf32>
        %get3A_505 = arith.index_cast %scan3A_252 : i32 to index
        %get3A_506 = arith.constant 64 : index
        %get3A_507 = tpu.vector_load %arg14[%get3A_505, %get3A_506] {strides = array<i32>} : memref<8x384xf32, #tpu.memory_space<vmem>>, vector<1x16xf32>,
        %get3A_508 = vector.shape_cast %get3A_507 : vector<1x16xf32> to vector<16xf32>
        %ge3A_509 = arith.constant 5.000000e-01 : f32
        %ge3A_510 = vector.broadcast %ge3A_509 : f32 to vector<16xf32>
        %ge3A_511 = arith.cmpf oge, %get3A_508, %ge3A_510 : vector<16xf32>
        %jit3A_512 = arith.constant 0.000000e+00 : f32
        %broadcast_in_dim3A_513 = vector.broadcast %jit3A_512 : f32 to vector<16xf32>
        %select_n3A_514 = arith.select %ge3A_511, %get3A_508, %broadcast_in_dim3A_513 : vector<16xi1>, vector<16xf32>
        %get3A_515 = arith.index_cast %scan3A_252 : i32 to index
        %get3A_516 = arith.constant 64 : index
        %get3A_517 = tpu.vector_load %arg10[%get3A_515, %get3A_516] {strides = array<i32>} : memref<8x384xf32, #tpu.memory_space<vmem>>, vector<1x16xf32>,
        %get3A_518 = vector.shape_cast %get3A_517 : vector<1x16xf32> to vector<16xf32>
        %get3A_519 = arith.index_cast %scan3A_252 : i32 to index
        %get3A_520 = arith.constant 64 : index
        %get3A_521 = tpu.vector_load %arg12[%get3A_519, %get3A_520] {strides = array<i32>} : memref<8x384xf32, #tpu.memory_space<vmem>>, vector<1x16xf32>,
        %get3A_522 = vector.shape_cast %get3A_521 : vector<1x16xf32> to vector<16xf32>
        %sub3A_523 = arith.subf %get3A_518, %get3A_522 : vector<16xf32>
        %abs3A_524 = math.absf %sub3A_523 : vector<16xf32>
        %get3A_525 = arith.index_cast %scan3A_252 : i32 to index
        %get3A_526 = arith.constant 64 : index
        %get3A_527 = tpu.vector_load %arg11[%get3A_525, %get3A_526] {strides = array<i32>} : memref<8x384xf32, #tpu.memory_space<vmem>>, vector<1x16xf32>,
        %get3A_528 = vector.shape_cast %get3A_527 : vector<1x16xf32> to vector<16xf32>
        %get3A_529 = arith.index_cast %scan3A_252 : i32 to index
        %get3A_530 = arith.constant 64 : index
        %get3A_531 = tpu.vector_load %arg13[%get3A_529, %get3A_530] {strides = array<i32>} : memref<8x384xf32, #tpu.memory_space<vmem>>, vector<1x16xf32>,
        %get3A_532 = vector.shape_cast %get3A_531 : vector<1x16xf32> to vector<16xf32>
        %sub3A_533 = arith.subf %get3A_528, %get3A_532 : vector<16xf32>
        %abs3A_534 = math.absf %sub3A_533 : vector<16xf32>
        %add3A_535 = arith.addf %abs3A_524, %abs3A_534 : vector<16xf32>
        %mul3A_536 = arith.mulf %add3A_535, %select_n3A_514 : vector<16xf32>
        %get3A_537 = arith.index_cast %scan3A_252 : i32 to index
        %get3A_538 = arith.constant 64 : index
        %get3A_539 = tpu.vector_load %arg15[%get3A_537, %get3A_538] {strides = array<i32>} : memref<8x384xf32, #tpu.memory_space<vmem>>, vector<1x16xf32>,
        %get3A_540 = vector.shape_cast %get3A_539 : vector<1x16xf32> to vector<16xf32>
        %get3A_541 = arith.index_cast %scan3A_252 : i32 to index
        %get3A_542 = arith.constant 64 : index
        %get3A_543 = tpu.vector_load %arg16[%get3A_541, %get3A_542] {strides = array<i32>} : memref<8x384xf32, #tpu.memory_space<vmem>>, vector<1x16xf32>,
        %get3A_544 = vector.shape_cast %get3A_543 : vector<1x16xf32> to vector<16xf32>
        %mul3A_545 = arith.mulf %mul3A_536, %get3A_544 : vector<16xf32>
        %ge3A_546 = arith.cmpf oge, %mul3A_545, %max3A_485 : vector<16xf32>
        %gt3A_547 = arith.cmpf ogt, %mul3A_545, %max3A_485 : vector<16xf32>
        %max3A_548 = arith.maximumf %max3A_485, %mul3A_545 : vector<16xf32>
        %mul3A_549 = arith.mulf %mul3A_536, %get3A_540 : vector<16xf32>
        %add3A_550 = arith.addf %add3A_487, %mul3A_549 : vector<16xf32>
        %mul3A_551 = arith.mulf %select_n3A_514, %get3A_540 : vector<16xf32>
        %add3A_552 = arith.addf %add3A_489, %mul3A_551 : vector<16xf32>
        %jit3A_553 = arith.constant 0.000000e+00 : f32
        %broadcast_in_dim3A_554 = vector.broadcast %jit3A_553 : f32 to vector<16xf32>
        %select_n3A_555 = arith.select %gt3A_547, %broadcast_in_dim3A_554, %add3A_496 : vector<16xi1>, vector<16xf32>
        %jit3A_556 = arith.constant 0.000000e+00 : f32
        %broadcast_in_dim3A_557 = vector.broadcast %jit3A_556 : f32 to vector<16xf32>
        %select_n3A_558 = arith.select %ge3A_546, %mul3A_545, %broadcast_in_dim3A_557 : vector<16xi1>, vector<16xf32>
        %add3A_559 = arith.addf %select_n3A_555, %select_n3A_558 : vector<16xf32>
        %jit3A_560 = arith.constant 0.000000e+00 : f32
        %broadcast_in_dim3A_561 = vector.broadcast %jit3A_560 : f32 to vector<16xf32>
        %select_n3A_562 = arith.select %gt3A_547, %broadcast_in_dim3A_561, %add3A_504 : vector<16xi1>, vector<16xf32>
        %mul3A_563 = arith.mulf %select_n3A_514, %get3A_544 : vector<16xf32>
        %jit3A_564 = arith.constant 0.000000e+00 : f32
        %broadcast_in_dim3A_565 = vector.broadcast %jit3A_564 : f32 to vector<16xf32>
        %select_n3A_566 = arith.select %ge3A_546, %mul3A_563, %broadcast_in_dim3A_565 : vector<16xi1>, vector<16xf32>
        %add3A_567 = arith.addf %select_n3A_562, %select_n3A_566 : vector<16xf32>
        %get3A_568 = arith.index_cast %scan3A_252 : i32 to index
        %get3A_569 = arith.constant 80 : index
        %get3A_570 = tpu.vector_load %arg14[%get3A_568, %get3A_569] {strides = array<i32>} : memref<8x384xf32, #tpu.memory_space<vmem>>, vector<1x16xf32>,
        %get3A_571 = vector.shape_cast %get3A_570 : vector<1x16xf32> to vector<16xf32>
        %ge3A_572 = arith.constant 5.000000e-01 : f32
        %ge3A_573 = vector.broadcast %ge3A_572 : f32 to vector<16xf32>
        %ge3A_574 = arith.cmpf oge, %get3A_571, %ge3A_573 : vector<16xf32>
        %jit3A_575 = arith.constant 0.000000e+00 : f32
        %broadcast_in_dim3A_576 = vector.broadcast %jit3A_575 : f32 to vector<16xf32>
        %select_n3A_577 = arith.select %ge3A_574, %get3A_571, %broadcast_in_dim3A_576 : vector<16xi1>, vector<16xf32>
        %get3A_578 = arith.index_cast %scan3A_252 : i32 to index
        %get3A_579 = arith.constant 80 : index
        %get3A_580 = tpu.vector_load %arg10[%get3A_578, %get3A_579] {strides = array<i32>} : memref<8x384xf32, #tpu.memory_space<vmem>>, vector<1x16xf32>,
        %get3A_581 = vector.shape_cast %get3A_580 : vector<1x16xf32> to vector<16xf32>
        %get3A_582 = arith.index_cast %scan3A_252 : i32 to index
        %get3A_583 = arith.constant 80 : index
        %get3A_584 = tpu.vector_load %arg12[%get3A_582, %get3A_583] {strides = array<i32>} : memref<8x384xf32, #tpu.memory_space<vmem>>, vector<1x16xf32>,
        %get3A_585 = vector.shape_cast %get3A_584 : vector<1x16xf32> to vector<16xf32>
        %sub3A_586 = arith.subf %get3A_581, %get3A_585 : vector<16xf32>
        %abs3A_587 = math.absf %sub3A_586 : vector<16xf32>
        %get3A_588 = arith.index_cast %scan3A_252 : i32 to index
        %get3A_589 = arith.constant 80 : index
        %get3A_590 = tpu.vector_load %arg11[%get3A_588, %get3A_589] {strides = array<i32>} : memref<8x384xf32, #tpu.memory_space<vmem>>, vector<1x16xf32>,
        %get3A_591 = vector.shape_cast %get3A_590 : vector<1x16xf32> to vector<16xf32>
        %get3A_592 = arith.index_cast %scan3A_252 : i32 to index
        %get3A_593 = arith.constant 80 : index
        %get3A_594 = tpu.vector_load %arg13[%get3A_592, %get3A_593] {strides = array<i32>} : memref<8x384xf32, #tpu.memory_space<vmem>>, vector<1x16xf32>,
        %get3A_595 = vector.shape_cast %get3A_594 : vector<1x16xf32> to vector<16xf32>
        %sub3A_596 = arith.subf %get3A_591, %get3A_595 : vector<16xf32>
        %abs3A_597 = math.absf %sub3A_596 : vector<16xf32>
        %add3A_598 = arith.addf %abs3A_587, %abs3A_597 : vector<16xf32>
        %mul3A_599 = arith.mulf %add3A_598, %select_n3A_577 : vector<16xf32>
        %get3A_600 = arith.index_cast %scan3A_252 : i32 to index
        %get3A_601 = arith.constant 80 : index
        %get3A_602 = tpu.vector_load %arg15[%get3A_600, %get3A_601] {strides = array<i32>} : memref<8x384xf32, #tpu.memory_space<vmem>>, vector<1x16xf32>,
        %get3A_603 = vector.shape_cast %get3A_602 : vector<1x16xf32> to vector<16xf32>
        %get3A_604 = arith.index_cast %scan3A_252 : i32 to index
        %get3A_605 = arith.constant 80 : index
        %get3A_606 = tpu.vector_load %arg16[%get3A_604, %get3A_605] {strides = array<i32>} : memref<8x384xf32, #tpu.memory_space<vmem>>, vector<1x16xf32>,
        %get3A_607 = vector.shape_cast %get3A_606 : vector<1x16xf32> to vector<16xf32>
        %mul3A_608 = arith.mulf %mul3A_599, %get3A_607 : vector<16xf32>
        %ge3A_609 = arith.cmpf oge, %mul3A_608, %max3A_548 : vector<16xf32>
        %gt3A_610 = arith.cmpf ogt, %mul3A_608, %max3A_548 : vector<16xf32>
        %max3A_611 = arith.maximumf %max3A_548, %mul3A_608 : vector<16xf32>
        %mul3A_612 = arith.mulf %mul3A_599, %get3A_603 : vector<16xf32>
        %add3A_613 = arith.addf %add3A_550, %mul3A_612 : vector<16xf32>
        %mul3A_614 = arith.mulf %select_n3A_577, %get3A_603 : vector<16xf32>
        %add3A_615 = arith.addf %add3A_552, %mul3A_614 : vector<16xf32>
        %jit3A_616 = arith.constant 0.000000e+00 : f32
        %broadcast_in_dim3A_617 = vector.broadcast %jit3A_616 : f32 to vector<16xf32>
        %select_n3A_618 = arith.select %gt3A_610, %broadcast_in_dim3A_617, %add3A_559 : vector<16xi1>, vector<16xf32>
        %jit3A_619 = arith.constant 0.000000e+00 : f32
        %broadcast_in_dim3A_620 = vector.broadcast %jit3A_619 : f32 to vector<16xf32>
        %select_n3A_621 = arith.select %ge3A_609, %mul3A_608, %broadcast_in_dim3A_620 : vector<16xi1>, vector<16xf32>
        %add3A_622 = arith.addf %select_n3A_618, %select_n3A_621 : vector<16xf32>
        %jit3A_623 = arith.constant 0.000000e+00 : f32
        %broadcast_in_dim3A_624 = vector.broadcast %jit3A_623 : f32 to vector<16xf32>
        %select_n3A_625 = arith.select %gt3A_610, %broadcast_in_dim3A_624, %add3A_567 : vector<16xi1>, vector<16xf32>
        %mul3A_626 = arith.mulf %select_n3A_577, %get3A_607 : vector<16xf32>
        %jit3A_627 = arith.constant 0.000000e+00 : f32
        %broadcast_in_dim3A_628 = vector.broadcast %jit3A_627 : f32 to vector<16xf32>
        %select_n3A_629 = arith.select %ge3A_609, %mul3A_626, %broadcast_in_dim3A_628 : vector<16xi1>, vector<16xf32>
        %add3A_630 = arith.addf %select_n3A_625, %select_n3A_629 : vector<16xf32>
        %get3A_631 = arith.index_cast %scan3A_252 : i32 to index
        %get3A_632 = arith.constant 96 : index
        %get3A_633 = tpu.vector_load %arg14[%get3A_631, %get3A_632] {strides = array<i32>} : memref<8x384xf32, #tpu.memory_space<vmem>>, vector<1x16xf32>,
        %get3A_634 = vector.shape_cast %get3A_633 : vector<1x16xf32> to vector<16xf32>
        %ge3A_635 = arith.constant 5.000000e-01 : f32
        %ge3A_636 = vector.broadcast %ge3A_635 : f32 to vector<16xf32>
        %ge3A_637 = arith.cmpf oge, %get3A_634, %ge3A_636 : vector<16xf32>
        %jit3A_638 = arith.constant 0.000000e+00 : f32
        %broadcast_in_dim3A_639 = vector.broadcast %jit3A_638 : f32 to vector<16xf32>
        %select_n3A_640 = arith.select %ge3A_637, %get3A_634, %broadcast_in_dim3A_639 : vector<16xi1>, vector<16xf32>
        %get3A_641 = arith.index_cast %scan3A_252 : i32 to index
        %get3A_642 = arith.constant 96 : index
        %get3A_643 = tpu.vector_load %arg10[%get3A_641, %get3A_642] {strides = array<i32>} : memref<8x384xf32, #tpu.memory_space<vmem>>, vector<1x16xf32>,
        %get3A_644 = vector.shape_cast %get3A_643 : vector<1x16xf32> to vector<16xf32>
        %get3A_645 = arith.index_cast %scan3A_252 : i32 to index
        %get3A_646 = arith.constant 96 : index
        %get3A_647 = tpu.vector_load %arg12[%get3A_645, %get3A_646] {strides = array<i32>} : memref<8x384xf32, #tpu.memory_space<vmem>>, vector<1x16xf32>,
        %get3A_648 = vector.shape_cast %get3A_647 : vector<1x16xf32> to vector<16xf32>
        %sub3A_649 = arith.subf %get3A_644, %get3A_648 : vector<16xf32>
        %abs3A_650 = math.absf %sub3A_649 : vector<16xf32>
        %get3A_651 = arith.index_cast %scan3A_252 : i32 to index
        %get3A_652 = arith.constant 96 : index
        %get3A_653 = tpu.vector_load %arg11[%get3A_651, %get3A_652] {strides = array<i32>} : memref<8x384xf32, #tpu.memory_space<vmem>>, vector<1x16xf32>,
        %get3A_654 = vector.shape_cast %get3A_653 : vector<1x16xf32> to vector<16xf32>
        %get3A_655 = arith.index_cast %scan3A_252 : i32 to index
        %get3A_656 = arith.constant 96 : index
        %get3A_657 = tpu.vector_load %arg13[%get3A_655, %get3A_656] {strides = array<i32>} : memref<8x384xf32, #tpu.memory_space<vmem>>, vector<1x16xf32>,
        %get3A_658 = vector.shape_cast %get3A_657 : vector<1x16xf32> to vector<16xf32>
        %sub3A_659 = arith.subf %get3A_654, %get3A_658 : vector<16xf32>
        %abs3A_660 = math.absf %sub3A_659 : vector<16xf32>
        %add3A_661 = arith.addf %abs3A_650, %abs3A_660 : vector<16xf32>
        %mul3A_662 = arith.mulf %add3A_661, %select_n3A_640 : vector<16xf32>
        %get3A_663 = arith.index_cast %scan3A_252 : i32 to index
        %get3A_664 = arith.constant 96 : index
        %get3A_665 = tpu.vector_load %arg15[%get3A_663, %get3A_664] {strides = array<i32>} : memref<8x384xf32, #tpu.memory_space<vmem>>, vector<1x16xf32>,
        %get3A_666 = vector.shape_cast %get3A_665 : vector<1x16xf32> to vector<16xf32>
        %get3A_667 = arith.index_cast %scan3A_252 : i32 to index
        %get3A_668 = arith.constant 96 : index
        %get3A_669 = tpu.vector_load %arg16[%get3A_667, %get3A_668] {strides = array<i32>} : memref<8x384xf32, #tpu.memory_space<vmem>>, vector<1x16xf32>,
        %get3A_670 = vector.shape_cast %get3A_669 : vector<1x16xf32> to vector<16xf32>
        %mul3A_671 = arith.mulf %mul3A_662, %get3A_670 : vector<16xf32>
        %ge3A_672 = arith.cmpf oge, %mul3A_671, %max3A_611 : vector<16xf32>
        %gt3A_673 = arith.cmpf ogt, %mul3A_671, %max3A_611 : vector<16xf32>
        %max3A_674 = arith.maximumf %max3A_611, %mul3A_671 : vector<16xf32>
        %mul3A_675 = arith.mulf %mul3A_662, %get3A_666 : vector<16xf32>
        %add3A_676 = arith.addf %add3A_613, %mul3A_675 : vector<16xf32>
        %mul3A_677 = arith.mulf %select_n3A_640, %get3A_666 : vector<16xf32>
        %add3A_678 = arith.addf %add3A_615, %mul3A_677 : vector<16xf32>
        %jit3A_679 = arith.constant 0.000000e+00 : f32
        %broadcast_in_dim3A_680 = vector.broadcast %jit3A_679 : f32 to vector<16xf32>
        %select_n3A_681 = arith.select %gt3A_673, %broadcast_in_dim3A_680, %add3A_622 : vector<16xi1>, vector<16xf32>
        %jit3A_682 = arith.constant 0.000000e+00 : f32
        %broadcast_in_dim3A_683 = vector.broadcast %jit3A_682 : f32 to vector<16xf32>
        %select_n3A_684 = arith.select %ge3A_672, %mul3A_671, %broadcast_in_dim3A_683 : vector<16xi1>, vector<16xf32>
        %add3A_685 = arith.addf %select_n3A_681, %select_n3A_684 : vector<16xf32>
        %jit3A_686 = arith.constant 0.000000e+00 : f32
        %broadcast_in_dim3A_687 = vector.broadcast %jit3A_686 : f32 to vector<16xf32>
        %select_n3A_688 = arith.select %gt3A_673, %broadcast_in_dim3A_687, %add3A_630 : vector<16xi1>, vector<16xf32>
        %mul3A_689 = arith.mulf %select_n3A_640, %get3A_670 : vector<16xf32>
        %jit3A_690 = arith.constant 0.000000e+00 : f32
        %broadcast_in_dim3A_691 = vector.broadcast %jit3A_690 : f32 to vector<16xf32>
        %select_n3A_692 = arith.select %ge3A_672, %mul3A_689, %broadcast_in_dim3A_691 : vector<16xi1>, vector<16xf32>
        %add3A_693 = arith.addf %select_n3A_688, %select_n3A_692 : vector<16xf32>
        %get3A_694 = arith.index_cast %scan3A_252 : i32 to index
        %get3A_695 = arith.constant 112 : index
        %get3A_696 = tpu.vector_load %arg14[%get3A_694, %get3A_695] {strides = array<i32>} : memref<8x384xf32, #tpu.memory_space<vmem>>, vector<1x16xf32>,
        %get3A_697 = vector.shape_cast %get3A_696 : vector<1x16xf32> to vector<16xf32>
        %ge3A_698 = arith.constant 5.000000e-01 : f32
        %ge3A_699 = vector.broadcast %ge3A_698 : f32 to vector<16xf32>
        %ge3A_700 = arith.cmpf oge, %get3A_697, %ge3A_699 : vector<16xf32>
        %jit3A_701 = arith.constant 0.000000e+00 : f32
        %broadcast_in_dim3A_702 = vector.broadcast %jit3A_701 : f32 to vector<16xf32>
        %select_n3A_703 = arith.select %ge3A_700, %get3A_697, %broadcast_in_dim3A_702 : vector<16xi1>, vector<16xf32>
        %get3A_704 = arith.index_cast %scan3A_252 : i32 to index
        %get3A_705 = arith.constant 112 : index
        %get3A_706 = tpu.vector_load %arg10[%get3A_704, %get3A_705] {strides = array<i32>} : memref<8x384xf32, #tpu.memory_space<vmem>>, vector<1x16xf32>,
        %get3A_707 = vector.shape_cast %get3A_706 : vector<1x16xf32> to vector<16xf32>
        %get3A_708 = arith.index_cast %scan3A_252 : i32 to index
        %get3A_709 = arith.constant 112 : index
        %get3A_710 = tpu.vector_load %arg12[%get3A_708, %get3A_709] {strides = array<i32>} : memref<8x384xf32, #tpu.memory_space<vmem>>, vector<1x16xf32>,
        %get3A_711 = vector.shape_cast %get3A_710 : vector<1x16xf32> to vector<16xf32>
        %sub3A_712 = arith.subf %get3A_707, %get3A_711 : vector<16xf32>
        %abs3A_713 = math.absf %sub3A_712 : vector<16xf32>
        %get3A_714 = arith.index_cast %scan3A_252 : i32 to index
        %get3A_715 = arith.constant 112 : index
        %get3A_716 = tpu.vector_load %arg11[%get3A_714, %get3A_715] {strides = array<i32>} : memref<8x384xf32, #tpu.memory_space<vmem>>, vector<1x16xf32>,
        %get3A_717 = vector.shape_cast %get3A_716 : vector<1x16xf32> to vector<16xf32>
        %get3A_718 = arith.index_cast %scan3A_252 : i32 to index
        %get3A_719 = arith.constant 112 : index
        %get3A_720 = tpu.vector_load %arg13[%get3A_718, %get3A_719] {strides = array<i32>} : memref<8x384xf32, #tpu.memory_space<vmem>>, vector<1x16xf32>,
        %get3A_721 = vector.shape_cast %get3A_720 : vector<1x16xf32> to vector<16xf32>
        %sub3A_722 = arith.subf %get3A_717, %get3A_721 : vector<16xf32>
        %abs3A_723 = math.absf %sub3A_722 : vector<16xf32>
        %add3A_724 = arith.addf %abs3A_713, %abs3A_723 : vector<16xf32>
        %mul3A_725 = arith.mulf %add3A_724, %select_n3A_703 : vector<16xf32>
        %get3A_726 = arith.index_cast %scan3A_252 : i32 to index
        %get3A_727 = arith.constant 112 : index
        %get3A_728 = tpu.vector_load %arg15[%get3A_726, %get3A_727] {strides = array<i32>} : memref<8x384xf32, #tpu.memory_space<vmem>>, vector<1x16xf32>,
        %get3A_729 = vector.shape_cast %get3A_728 : vector<1x16xf32> to vector<16xf32>
        %get3A_730 = arith.index_cast %scan3A_252 : i32 to index
        %get3A_731 = arith.constant 112 : index
        %get3A_732 = tpu.vector_load %arg16[%get3A_730, %get3A_731] {strides = array<i32>} : memref<8x384xf32, #tpu.memory_space<vmem>>, vector<1x16xf32>,
        %get3A_733 = vector.shape_cast %get3A_732 : vector<1x16xf32> to vector<16xf32>
        %mul3A_734 = arith.mulf %mul3A_725, %get3A_733 : vector<16xf32>
        %ge3A_735 = arith.cmpf oge, %mul3A_734, %max3A_674 : vector<16xf32>
        %gt3A_736 = arith.cmpf ogt, %mul3A_734, %max3A_674 : vector<16xf32>
        %max3A_737 = arith.maximumf %max3A_674, %mul3A_734 : vector<16xf32>
        %mul3A_738 = arith.mulf %mul3A_725, %get3A_729 : vector<16xf32>
        %add3A_739 = arith.addf %add3A_676, %mul3A_738 : vector<16xf32>
        %mul3A_740 = arith.mulf %select_n3A_703, %get3A_729 : vector<16xf32>
        %add3A_741 = arith.addf %add3A_678, %mul3A_740 : vector<16xf32>
        %jit3A_742 = arith.constant 0.000000e+00 : f32
        %broadcast_in_dim3A_743 = vector.broadcast %jit3A_742 : f32 to vector<16xf32>
        %select_n3A_744 = arith.select %gt3A_736, %broadcast_in_dim3A_743, %add3A_685 : vector<16xi1>, vector<16xf32>
        %jit3A_745 = arith.constant 0.000000e+00 : f32
        %broadcast_in_dim3A_746 = vector.broadcast %jit3A_745 : f32 to vector<16xf32>
        %select_n3A_747 = arith.select %ge3A_735, %mul3A_734, %broadcast_in_dim3A_746 : vector<16xi1>, vector<16xf32>
        %add3A_748 = arith.addf %select_n3A_744, %select_n3A_747 : vector<16xf32>
        %jit3A_749 = arith.constant 0.000000e+00 : f32
        %broadcast_in_dim3A_750 = vector.broadcast %jit3A_749 : f32 to vector<16xf32>
        %select_n3A_751 = arith.select %gt3A_736, %broadcast_in_dim3A_750, %add3A_693 : vector<16xi1>, vector<16xf32>
        %mul3A_752 = arith.mulf %select_n3A_703, %get3A_733 : vector<16xf32>
        %jit3A_753 = arith.constant 0.000000e+00 : f32
        %broadcast_in_dim3A_754 = vector.broadcast %jit3A_753 : f32 to vector<16xf32>
        %select_n3A_755 = arith.select %ge3A_735, %mul3A_752, %broadcast_in_dim3A_754 : vector<16xi1>, vector<16xf32>
        %add3A_756 = arith.addf %select_n3A_751, %select_n3A_755 : vector<16xf32>
        %get3A_757 = arith.index_cast %scan3A_252 : i32 to index
        %get3A_758 = arith.constant 128 : index
        %get3A_759 = tpu.vector_load %arg14[%get3A_757, %get3A_758] {strides = array<i32>} : memref<8x384xf32, #tpu.memory_space<vmem>>, vector<1x16xf32>,
        %get3A_760 = vector.shape_cast %get3A_759 : vector<1x16xf32> to vector<16xf32>
        %ge3A_761 = arith.constant 5.000000e-01 : f32
        %ge3A_762 = vector.broadcast %ge3A_761 : f32 to vector<16xf32>
        %ge3A_763 = arith.cmpf oge, %get3A_760, %ge3A_762 : vector<16xf32>
        %jit3A_764 = arith.constant 0.000000e+00 : f32
        %broadcast_in_dim3A_765 = vector.broadcast %jit3A_764 : f32 to vector<16xf32>
        %select_n3A_766 = arith.select %ge3A_763, %get3A_760, %broadcast_in_dim3A_765 : vector<16xi1>, vector<16xf32>
        %get3A_767 = arith.index_cast %scan3A_252 : i32 to index
        %get3A_768 = arith.constant 128 : index
        %get3A_769 = tpu.vector_load %arg10[%get3A_767, %get3A_768] {strides = array<i32>} : memref<8x384xf32, #tpu.memory_space<vmem>>, vector<1x16xf32>,
        %get3A_770 = vector.shape_cast %get3A_769 : vector<1x16xf32> to vector<16xf32>
        %get3A_771 = arith.index_cast %scan3A_252 : i32 to index
        %get3A_772 = arith.constant 128 : index
        %get3A_773 = tpu.vector_load %arg12[%get3A_771, %get3A_772] {strides = array<i32>} : memref<8x384xf32, #tpu.memory_space<vmem>>, vector<1x16xf32>,
        %get3A_774 = vector.shape_cast %get3A_773 : vector<1x16xf32> to vector<16xf32>
        %sub3A_775 = arith.subf %get3A_770, %get3A_774 : vector<16xf32>
        %abs3A_776 = math.absf %sub3A_775 : vector<16xf32>
        %get3A_777 = arith.index_cast %scan3A_252 : i32 to index
        %get3A_778 = arith.constant 128 : index
        %get3A_779 = tpu.vector_load %arg11[%get3A_777, %get3A_778] {strides = array<i32>} : memref<8x384xf32, #tpu.memory_space<vmem>>, vector<1x16xf32>,
        %get3A_780 = vector.shape_cast %get3A_779 : vector<1x16xf32> to vector<16xf32>
        %get3A_781 = arith.index_cast %scan3A_252 : i32 to index
        %get3A_782 = arith.constant 128 : index
        %get3A_783 = tpu.vector_load %arg13[%get3A_781, %get3A_782] {strides = array<i32>} : memref<8x384xf32, #tpu.memory_space<vmem>>, vector<1x16xf32>,
        %get3A_784 = vector.shape_cast %get3A_783 : vector<1x16xf32> to vector<16xf32>
        %sub3A_785 = arith.subf %get3A_780, %get3A_784 : vector<16xf32>
        %abs3A_786 = math.absf %sub3A_785 : vector<16xf32>
        %add3A_787 = arith.addf %abs3A_776, %abs3A_786 : vector<16xf32>
        %mul3A_788 = arith.mulf %add3A_787, %select_n3A_766 : vector<16xf32>
        %get3A_789 = arith.index_cast %scan3A_252 : i32 to index
        %get3A_790 = arith.constant 128 : index
        %get3A_791 = tpu.vector_load %arg15[%get3A_789, %get3A_790] {strides = array<i32>} : memref<8x384xf32, #tpu.memory_space<vmem>>, vector<1x16xf32>,
        %get3A_792 = vector.shape_cast %get3A_791 : vector<1x16xf32> to vector<16xf32>
        %get3A_793 = arith.index_cast %scan3A_252 : i32 to index
        %get3A_794 = arith.constant 128 : index
        %get3A_795 = tpu.vector_load %arg16[%get3A_793, %get3A_794] {strides = array<i32>} : memref<8x384xf32, #tpu.memory_space<vmem>>, vector<1x16xf32>,
        %get3A_796 = vector.shape_cast %get3A_795 : vector<1x16xf32> to vector<16xf32>
        %mul3A_797 = arith.mulf %mul3A_788, %get3A_796 : vector<16xf32>
        %ge3A_798 = arith.cmpf oge, %mul3A_797, %max3A_737 : vector<16xf32>
        %gt3A_799 = arith.cmpf ogt, %mul3A_797, %max3A_737 : vector<16xf32>
        %max3A_800 = arith.maximumf %max3A_737, %mul3A_797 : vector<16xf32>
        %mul3A_801 = arith.mulf %mul3A_788, %get3A_792 : vector<16xf32>
        %add3A_802 = arith.addf %add3A_739, %mul3A_801 : vector<16xf32>
        %mul3A_803 = arith.mulf %select_n3A_766, %get3A_792 : vector<16xf32>
        %add3A_804 = arith.addf %add3A_741, %mul3A_803 : vector<16xf32>
        %jit3A_805 = arith.constant 0.000000e+00 : f32
        %broadcast_in_dim3A_806 = vector.broadcast %jit3A_805 : f32 to vector<16xf32>
        %select_n3A_807 = arith.select %gt3A_799, %broadcast_in_dim3A_806, %add3A_748 : vector<16xi1>, vector<16xf32>
        %jit3A_808 = arith.constant 0.000000e+00 : f32
        %broadcast_in_dim3A_809 = vector.broadcast %jit3A_808 : f32 to vector<16xf32>
        %select_n3A_810 = arith.select %ge3A_798, %mul3A_797, %broadcast_in_dim3A_809 : vector<16xi1>, vector<16xf32>
        %add3A_811 = arith.addf %select_n3A_807, %select_n3A_810 : vector<16xf32>
        %jit3A_812 = arith.constant 0.000000e+00 : f32
        %broadcast_in_dim3A_813 = vector.broadcast %jit3A_812 : f32 to vector<16xf32>
        %select_n3A_814 = arith.select %gt3A_799, %broadcast_in_dim3A_813, %add3A_756 : vector<16xi1>, vector<16xf32>
        %mul3A_815 = arith.mulf %select_n3A_766, %get3A_796 : vector<16xf32>
        %jit3A_816 = arith.constant 0.000000e+00 : f32
        %broadcast_in_dim3A_817 = vector.broadcast %jit3A_816 : f32 to vector<16xf32>
        %select_n3A_818 = arith.select %ge3A_798, %mul3A_815, %broadcast_in_dim3A_817 : vector<16xi1>, vector<16xf32>
        %add3A_819 = arith.addf %select_n3A_814, %select_n3A_818 : vector<16xf32>
        %get3A_820 = arith.index_cast %scan3A_252 : i32 to index
        %get3A_821 = arith.constant 144 : index
        %get3A_822 = tpu.vector_load %arg14[%get3A_820, %get3A_821] {strides = array<i32>} : memref<8x384xf32, #tpu.memory_space<vmem>>, vector<1x16xf32>,
        %get3A_823 = vector.shape_cast %get3A_822 : vector<1x16xf32> to vector<16xf32>
        %ge3A_824 = arith.constant 5.000000e-01 : f32
        %ge3A_825 = vector.broadcast %ge3A_824 : f32 to vector<16xf32>
        %ge3A_826 = arith.cmpf oge, %get3A_823, %ge3A_825 : vector<16xf32>
        %jit3A_827 = arith.constant 0.000000e+00 : f32
        %broadcast_in_dim3A_828 = vector.broadcast %jit3A_827 : f32 to vector<16xf32>
        %select_n3A_829 = arith.select %ge3A_826, %get3A_823, %broadcast_in_dim3A_828 : vector<16xi1>, vector<16xf32>
        %get3A_830 = arith.index_cast %scan3A_252 : i32 to index
        %get3A_831 = arith.constant 144 : index
        %get3A_832 = tpu.vector_load %arg10[%get3A_830, %get3A_831] {strides = array<i32>} : memref<8x384xf32, #tpu.memory_space<vmem>>, vector<1x16xf32>,
        %get3A_833 = vector.shape_cast %get3A_832 : vector<1x16xf32> to vector<16xf32>
        %get3A_834 = arith.index_cast %scan3A_252 : i32 to index
        %get3A_835 = arith.constant 144 : index
        %get3A_836 = tpu.vector_load %arg12[%get3A_834, %get3A_835] {strides = array<i32>} : memref<8x384xf32, #tpu.memory_space<vmem>>, vector<1x16xf32>,
        %get3A_837 = vector.shape_cast %get3A_836 : vector<1x16xf32> to vector<16xf32>
        %sub3A_838 = arith.subf %get3A_833, %get3A_837 : vector<16xf32>
        %abs3A_839 = math.absf %sub3A_838 : vector<16xf32>
        %get3A_840 = arith.index_cast %scan3A_252 : i32 to index
        %get3A_841 = arith.constant 144 : index
        %get3A_842 = tpu.vector_load %arg11[%get3A_840, %get3A_841] {strides = array<i32>} : memref<8x384xf32, #tpu.memory_space<vmem>>, vector<1x16xf32>,
        %get3A_843 = vector.shape_cast %get3A_842 : vector<1x16xf32> to vector<16xf32>
        %get3A_844 = arith.index_cast %scan3A_252 : i32 to index
        %get3A_845 = arith.constant 144 : index
        %get3A_846 = tpu.vector_load %arg13[%get3A_844, %get3A_845] {strides = array<i32>} : memref<8x384xf32, #tpu.memory_space<vmem>>, vector<1x16xf32>,
        %get3A_847 = vector.shape_cast %get3A_846 : vector<1x16xf32> to vector<16xf32>
        %sub3A_848 = arith.subf %get3A_843, %get3A_847 : vector<16xf32>
        %abs3A_849 = math.absf %sub3A_848 : vector<16xf32>
        %add3A_850 = arith.addf %abs3A_839, %abs3A_849 : vector<16xf32>
        %mul3A_851 = arith.mulf %add3A_850, %select_n3A_829 : vector<16xf32>
        %get3A_852 = arith.index_cast %scan3A_252 : i32 to index
        %get3A_853 = arith.constant 144 : index
        %get3A_854 = tpu.vector_load %arg15[%get3A_852, %get3A_853] {strides = array<i32>} : memref<8x384xf32, #tpu.memory_space<vmem>>, vector<1x16xf32>,
        %get3A_855 = vector.shape_cast %get3A_854 : vector<1x16xf32> to vector<16xf32>
        %get3A_856 = arith.index_cast %scan3A_252 : i32 to index
        %get3A_857 = arith.constant 144 : index
        %get3A_858 = tpu.vector_load %arg16[%get3A_856, %get3A_857] {strides = array<i32>} : memref<8x384xf32, #tpu.memory_space<vmem>>, vector<1x16xf32>,
        %get3A_859 = vector.shape_cast %get3A_858 : vector<1x16xf32> to vector<16xf32>
        %mul3A_860 = arith.mulf %mul3A_851, %get3A_859 : vector<16xf32>
        %ge3A_861 = arith.cmpf oge, %mul3A_860, %max3A_800 : vector<16xf32>
        %gt3A_862 = arith.cmpf ogt, %mul3A_860, %max3A_800 : vector<16xf32>
        %max3A_863 = arith.maximumf %max3A_800, %mul3A_860 : vector<16xf32>
        %mul3A_864 = arith.mulf %mul3A_851, %get3A_855 : vector<16xf32>
        %add3A_865 = arith.addf %add3A_802, %mul3A_864 : vector<16xf32>
        %mul3A_866 = arith.mulf %select_n3A_829, %get3A_855 : vector<16xf32>
        %add3A_867 = arith.addf %add3A_804, %mul3A_866 : vector<16xf32>
        %jit3A_868 = arith.constant 0.000000e+00 : f32
        %broadcast_in_dim3A_869 = vector.broadcast %jit3A_868 : f32 to vector<16xf32>
        %select_n3A_870 = arith.select %gt3A_862, %broadcast_in_dim3A_869, %add3A_811 : vector<16xi1>, vector<16xf32>
        %jit3A_871 = arith.constant 0.000000e+00 : f32
        %broadcast_in_dim3A_872 = vector.broadcast %jit3A_871 : f32 to vector<16xf32>
        %select_n3A_873 = arith.select %ge3A_861, %mul3A_860, %broadcast_in_dim3A_872 : vector<16xi1>, vector<16xf32>
        %add3A_874 = arith.addf %select_n3A_870, %select_n3A_873 : vector<16xf32>
        %jit3A_875 = arith.constant 0.000000e+00 : f32
        %broadcast_in_dim3A_876 = vector.broadcast %jit3A_875 : f32 to vector<16xf32>
        %select_n3A_877 = arith.select %gt3A_862, %broadcast_in_dim3A_876, %add3A_819 : vector<16xi1>, vector<16xf32>
        %mul3A_878 = arith.mulf %select_n3A_829, %get3A_859 : vector<16xf32>
        %jit3A_879 = arith.constant 0.000000e+00 : f32
        %broadcast_in_dim3A_880 = vector.broadcast %jit3A_879 : f32 to vector<16xf32>
        %select_n3A_881 = arith.select %ge3A_861, %mul3A_878, %broadcast_in_dim3A_880 : vector<16xi1>, vector<16xf32>
        %add3A_882 = arith.addf %select_n3A_877, %select_n3A_881 : vector<16xf32>
        %get3A_883 = arith.index_cast %scan3A_252 : i32 to index
        %get3A_884 = arith.constant 160 : index
        %get3A_885 = tpu.vector_load %arg14[%get3A_883, %get3A_884] {strides = array<i32>} : memref<8x384xf32, #tpu.memory_space<vmem>>, vector<1x16xf32>,
        %get3A_886 = vector.shape_cast %get3A_885 : vector<1x16xf32> to vector<16xf32>
        %ge3A_887 = arith.constant 5.000000e-01 : f32
        %ge3A_888 = vector.broadcast %ge3A_887 : f32 to vector<16xf32>
        %ge3A_889 = arith.cmpf oge, %get3A_886, %ge3A_888 : vector<16xf32>
        %jit3A_890 = arith.constant 0.000000e+00 : f32
        %broadcast_in_dim3A_891 = vector.broadcast %jit3A_890 : f32 to vector<16xf32>
        %select_n3A_892 = arith.select %ge3A_889, %get3A_886, %broadcast_in_dim3A_891 : vector<16xi1>, vector<16xf32>
        %get3A_893 = arith.index_cast %scan3A_252 : i32 to index
        %get3A_894 = arith.constant 160 : index
        %get3A_895 = tpu.vector_load %arg10[%get3A_893, %get3A_894] {strides = array<i32>} : memref<8x384xf32, #tpu.memory_space<vmem>>, vector<1x16xf32>,
        %get3A_896 = vector.shape_cast %get3A_895 : vector<1x16xf32> to vector<16xf32>
        %get3A_897 = arith.index_cast %scan3A_252 : i32 to index
        %get3A_898 = arith.constant 160 : index
        %get3A_899 = tpu.vector_load %arg12[%get3A_897, %get3A_898] {strides = array<i32>} : memref<8x384xf32, #tpu.memory_space<vmem>>, vector<1x16xf32>,
        %get3A_900 = vector.shape_cast %get3A_899 : vector<1x16xf32> to vector<16xf32>
        %sub3A_901 = arith.subf %get3A_896, %get3A_900 : vector<16xf32>
        %abs3A_902 = math.absf %sub3A_901 : vector<16xf32>
        %get3A_903 = arith.index_cast %scan3A_252 : i32 to index
        %get3A_904 = arith.constant 160 : index
        %get3A_905 = tpu.vector_load %arg11[%get3A_903, %get3A_904] {strides = array<i32>} : memref<8x384xf32, #tpu.memory_space<vmem>>, vector<1x16xf32>,
        %get3A_906 = vector.shape_cast %get3A_905 : vector<1x16xf32> to vector<16xf32>
        %get3A_907 = arith.index_cast %scan3A_252 : i32 to index
        %get3A_908 = arith.constant 160 : index
        %get3A_909 = tpu.vector_load %arg13[%get3A_907, %get3A_908] {strides = array<i32>} : memref<8x384xf32, #tpu.memory_space<vmem>>, vector<1x16xf32>,
        %get3A_910 = vector.shape_cast %get3A_909 : vector<1x16xf32> to vector<16xf32>
        %sub3A_911 = arith.subf %get3A_906, %get3A_910 : vector<16xf32>
        %abs3A_912 = math.absf %sub3A_911 : vector<16xf32>
        %add3A_913 = arith.addf %abs3A_902, %abs3A_912 : vector<16xf32>
        %mul3A_914 = arith.mulf %add3A_913, %select_n3A_892 : vector<16xf32>
        %get3A_915 = arith.index_cast %scan3A_252 : i32 to index
        %get3A_916 = arith.constant 160 : index
        %get3A_917 = tpu.vector_load %arg15[%get3A_915, %get3A_916] {strides = array<i32>} : memref<8x384xf32, #tpu.memory_space<vmem>>, vector<1x16xf32>,
        %get3A_918 = vector.shape_cast %get3A_917 : vector<1x16xf32> to vector<16xf32>
        %get3A_919 = arith.index_cast %scan3A_252 : i32 to index
        %get3A_920 = arith.constant 160 : index
        %get3A_921 = tpu.vector_load %arg16[%get3A_919, %get3A_920] {strides = array<i32>} : memref<8x384xf32, #tpu.memory_space<vmem>>, vector<1x16xf32>,
        %get3A_922 = vector.shape_cast %get3A_921 : vector<1x16xf32> to vector<16xf32>
        %mul3A_923 = arith.mulf %mul3A_914, %get3A_922 : vector<16xf32>
        %ge3A_924 = arith.cmpf oge, %mul3A_923, %max3A_863 : vector<16xf32>
        %gt3A_925 = arith.cmpf ogt, %mul3A_923, %max3A_863 : vector<16xf32>
        %max3A_926 = arith.maximumf %max3A_863, %mul3A_923 : vector<16xf32>
        %mul3A_927 = arith.mulf %mul3A_914, %get3A_918 : vector<16xf32>
        %add3A_928 = arith.addf %add3A_865, %mul3A_927 : vector<16xf32>
        %mul3A_929 = arith.mulf %select_n3A_892, %get3A_918 : vector<16xf32>
        %add3A_930 = arith.addf %add3A_867, %mul3A_929 : vector<16xf32>
        %jit3A_931 = arith.constant 0.000000e+00 : f32
        %broadcast_in_dim3A_932 = vector.broadcast %jit3A_931 : f32 to vector<16xf32>
        %select_n3A_933 = arith.select %gt3A_925, %broadcast_in_dim3A_932, %add3A_874 : vector<16xi1>, vector<16xf32>
        %jit3A_934 = arith.constant 0.000000e+00 : f32
        %broadcast_in_dim3A_935 = vector.broadcast %jit3A_934 : f32 to vector<16xf32>
        %select_n3A_936 = arith.select %ge3A_924, %mul3A_923, %broadcast_in_dim3A_935 : vector<16xi1>, vector<16xf32>
        %add3A_937 = arith.addf %select_n3A_933, %select_n3A_936 : vector<16xf32>
        %jit3A_938 = arith.constant 0.000000e+00 : f32
        %broadcast_in_dim3A_939 = vector.broadcast %jit3A_938 : f32 to vector<16xf32>
        %select_n3A_940 = arith.select %gt3A_925, %broadcast_in_dim3A_939, %add3A_882 : vector<16xi1>, vector<16xf32>
        %mul3A_941 = arith.mulf %select_n3A_892, %get3A_922 : vector<16xf32>
        %jit3A_942 = arith.constant 0.000000e+00 : f32
        %broadcast_in_dim3A_943 = vector.broadcast %jit3A_942 : f32 to vector<16xf32>
        %select_n3A_944 = arith.select %ge3A_924, %mul3A_941, %broadcast_in_dim3A_943 : vector<16xi1>, vector<16xf32>
        %add3A_945 = arith.addf %select_n3A_940, %select_n3A_944 : vector<16xf32>
        %get3A_946 = arith.index_cast %scan3A_252 : i32 to index
        %get3A_947 = arith.constant 176 : index
        %get3A_948 = tpu.vector_load %arg14[%get3A_946, %get3A_947] {strides = array<i32>} : memref<8x384xf32, #tpu.memory_space<vmem>>, vector<1x16xf32>,
        %get3A_949 = vector.shape_cast %get3A_948 : vector<1x16xf32> to vector<16xf32>
        %ge3A_950 = arith.constant 5.000000e-01 : f32
        %ge3A_951 = vector.broadcast %ge3A_950 : f32 to vector<16xf32>
        %ge3A_952 = arith.cmpf oge, %get3A_949, %ge3A_951 : vector<16xf32>
        %jit3A_953 = arith.constant 0.000000e+00 : f32
        %broadcast_in_dim3A_954 = vector.broadcast %jit3A_953 : f32 to vector<16xf32>
        %select_n3A_955 = arith.select %ge3A_952, %get3A_949, %broadcast_in_dim3A_954 : vector<16xi1>, vector<16xf32>
        %get3A_956 = arith.index_cast %scan3A_252 : i32 to index
        %get3A_957 = arith.constant 176 : index
        %get3A_958 = tpu.vector_load %arg10[%get3A_956, %get3A_957] {strides = array<i32>} : memref<8x384xf32, #tpu.memory_space<vmem>>, vector<1x16xf32>,
        %get3A_959 = vector.shape_cast %get3A_958 : vector<1x16xf32> to vector<16xf32>
        %get3A_960 = arith.index_cast %scan3A_252 : i32 to index
        %get3A_961 = arith.constant 176 : index
        %get3A_962 = tpu.vector_load %arg12[%get3A_960, %get3A_961] {strides = array<i32>} : memref<8x384xf32, #tpu.memory_space<vmem>>, vector<1x16xf32>,
        %get3A_963 = vector.shape_cast %get3A_962 : vector<1x16xf32> to vector<16xf32>
        %sub3A_964 = arith.subf %get3A_959, %get3A_963 : vector<16xf32>
        %abs3A_965 = math.absf %sub3A_964 : vector<16xf32>
        %get3A_966 = arith.index_cast %scan3A_252 : i32 to index
        %get3A_967 = arith.constant 176 : index
        %get3A_968 = tpu.vector_load %arg11[%get3A_966, %get3A_967] {strides = array<i32>} : memref<8x384xf32, #tpu.memory_space<vmem>>, vector<1x16xf32>,
        %get3A_969 = vector.shape_cast %get3A_968 : vector<1x16xf32> to vector<16xf32>
        %get3A_970 = arith.index_cast %scan3A_252 : i32 to index
        %get3A_971 = arith.constant 176 : index
        %get3A_972 = tpu.vector_load %arg13[%get3A_970, %get3A_971] {strides = array<i32>} : memref<8x384xf32, #tpu.memory_space<vmem>>, vector<1x16xf32>,
        %get3A_973 = vector.shape_cast %get3A_972 : vector<1x16xf32> to vector<16xf32>
        %sub3A_974 = arith.subf %get3A_969, %get3A_973 : vector<16xf32>
        %abs3A_975 = math.absf %sub3A_974 : vector<16xf32>
        %add3A_976 = arith.addf %abs3A_965, %abs3A_975 : vector<16xf32>
        %mul3A_977 = arith.mulf %add3A_976, %select_n3A_955 : vector<16xf32>
        %get3A_978 = arith.index_cast %scan3A_252 : i32 to index
        %get3A_979 = arith.constant 176 : index
        %get3A_980 = tpu.vector_load %arg15[%get3A_978, %get3A_979] {strides = array<i32>} : memref<8x384xf32, #tpu.memory_space<vmem>>, vector<1x16xf32>,
        %get3A_981 = vector.shape_cast %get3A_980 : vector<1x16xf32> to vector<16xf32>
        %get3A_982 = arith.index_cast %scan3A_252 : i32 to index
        %get3A_983 = arith.constant 176 : index
        %get3A_984 = tpu.vector_load %arg16[%get3A_982, %get3A_983] {strides = array<i32>} : memref<8x384xf32, #tpu.memory_space<vmem>>, vector<1x16xf32>,
        %get3A_985 = vector.shape_cast %get3A_984 : vector<1x16xf32> to vector<16xf32>
        %mul3A_986 = arith.mulf %mul3A_977, %get3A_985 : vector<16xf32>
        %ge3A_987 = arith.cmpf oge, %mul3A_986, %max3A_926 : vector<16xf32>
        %gt3A_988 = arith.cmpf ogt, %mul3A_986, %max3A_926 : vector<16xf32>
        %max3A_989 = arith.maximumf %max3A_926, %mul3A_986 : vector<16xf32>
        %mul3A_990 = arith.mulf %mul3A_977, %get3A_981 : vector<16xf32>
        %add3A_991 = arith.addf %add3A_928, %mul3A_990 : vector<16xf32>
        %mul3A_992 = arith.mulf %select_n3A_955, %get3A_981 : vector<16xf32>
        %add3A_993 = arith.addf %add3A_930, %mul3A_992 : vector<16xf32>
        %jit3A_994 = arith.constant 0.000000e+00 : f32
        %broadcast_in_dim3A_995 = vector.broadcast %jit3A_994 : f32 to vector<16xf32>
        %select_n3A_996 = arith.select %gt3A_988, %broadcast_in_dim3A_995, %add3A_937 : vector<16xi1>, vector<16xf32>
        %jit3A_997 = arith.constant 0.000000e+00 : f32
        %broadcast_in_dim3A_998 = vector.broadcast %jit3A_997 : f32 to vector<16xf32>
        %select_n3A_999 = arith.select %ge3A_987, %mul3A_986, %broadcast_in_dim3A_998 : vector<16xi1>, vector<16xf32>
        %add3A_1000 = arith.addf %select_n3A_996, %select_n3A_999 : vector<16xf32>
        %jit3A_1001 = arith.constant 0.000000e+00 : f32
        %broadcast_in_dim3A_1002 = vector.broadcast %jit3A_1001 : f32 to vector<16xf32>
        %select_n3A_1003 = arith.select %gt3A_988, %broadcast_in_dim3A_1002, %add3A_945 : vector<16xi1>, vector<16xf32>
        %mul3A_1004 = arith.mulf %select_n3A_955, %get3A_985 : vector<16xf32>
        %jit3A_1005 = arith.constant 0.000000e+00 : f32
        %broadcast_in_dim3A_1006 = vector.broadcast %jit3A_1005 : f32 to vector<16xf32>
        %select_n3A_1007 = arith.select %ge3A_987, %mul3A_1004, %broadcast_in_dim3A_1006 : vector<16xi1>, vector<16xf32>
        %add3A_1008 = arith.addf %select_n3A_1003, %select_n3A_1007 : vector<16xf32>
        %get3A_1009 = arith.index_cast %scan3A_252 : i32 to index
        %get3A_1010 = arith.constant 192 : index
        %get3A_1011 = tpu.vector_load %arg14[%get3A_1009, %get3A_1010] {strides = array<i32>} : memref<8x384xf32, #tpu.memory_space<vmem>>, vector<1x16xf32>,
        %get3A_1012 = vector.shape_cast %get3A_1011 : vector<1x16xf32> to vector<16xf32>
        %ge3A_1013 = arith.constant 5.000000e-01 : f32
        %ge3A_1014 = vector.broadcast %ge3A_1013 : f32 to vector<16xf32>
        %ge3A_1015 = arith.cmpf oge, %get3A_1012, %ge3A_1014 : vector<16xf32>
        %jit3A_1016 = arith.constant 0.000000e+00 : f32
        %broadcast_in_dim3A_1017 = vector.broadcast %jit3A_1016 : f32 to vector<16xf32>
        %select_n3A_1018 = arith.select %ge3A_1015, %get3A_1012, %broadcast_in_dim3A_1017 : vector<16xi1>, vector<16xf32>
        %get3A_1019 = arith.index_cast %scan3A_252 : i32 to index
        %get3A_1020 = arith.constant 192 : index
        %get3A_1021 = tpu.vector_load %arg10[%get3A_1019, %get3A_1020] {strides = array<i32>} : memref<8x384xf32, #tpu.memory_space<vmem>>, vector<1x16xf32>,
        %get3A_1022 = vector.shape_cast %get3A_1021 : vector<1x16xf32> to vector<16xf32>
        %get3A_1023 = arith.index_cast %scan3A_252 : i32 to index
        %get3A_1024 = arith.constant 192 : index
        %get3A_1025 = tpu.vector_load %arg12[%get3A_1023, %get3A_1024] {strides = array<i32>} : memref<8x384xf32, #tpu.memory_space<vmem>>, vector<1x16xf32>,
        %get3A_1026 = vector.shape_cast %get3A_1025 : vector<1x16xf32> to vector<16xf32>
        %sub3A_1027 = arith.subf %get3A_1022, %get3A_1026 : vector<16xf32>
        %abs3A_1028 = math.absf %sub3A_1027 : vector<16xf32>
        %get3A_1029 = arith.index_cast %scan3A_252 : i32 to index
        %get3A_1030 = arith.constant 192 : index
        %get3A_1031 = tpu.vector_load %arg11[%get3A_1029, %get3A_1030] {strides = array<i32>} : memref<8x384xf32, #tpu.memory_space<vmem>>, vector<1x16xf32>,
        %get3A_1032 = vector.shape_cast %get3A_1031 : vector<1x16xf32> to vector<16xf32>
        %get3A_1033 = arith.index_cast %scan3A_252 : i32 to index
        %get3A_1034 = arith.constant 192 : index
        %get3A_1035 = tpu.vector_load %arg13[%get3A_1033, %get3A_1034] {strides = array<i32>} : memref<8x384xf32, #tpu.memory_space<vmem>>, vector<1x16xf32>,
        %get3A_1036 = vector.shape_cast %get3A_1035 : vector<1x16xf32> to vector<16xf32>
        %sub3A_1037 = arith.subf %get3A_1032, %get3A_1036 : vector<16xf32>
        %abs3A_1038 = math.absf %sub3A_1037 : vector<16xf32>
        %add3A_1039 = arith.addf %abs3A_1028, %abs3A_1038 : vector<16xf32>
        %mul3A_1040 = arith.mulf %add3A_1039, %select_n3A_1018 : vector<16xf32>
        %get3A_1041 = arith.index_cast %scan3A_252 : i32 to index
        %get3A_1042 = arith.constant 192 : index
        %get3A_1043 = tpu.vector_load %arg15[%get3A_1041, %get3A_1042] {strides = array<i32>} : memref<8x384xf32, #tpu.memory_space<vmem>>, vector<1x16xf32>,
        %get3A_1044 = vector.shape_cast %get3A_1043 : vector<1x16xf32> to vector<16xf32>
        %get3A_1045 = arith.index_cast %scan3A_252 : i32 to index
        %get3A_1046 = arith.constant 192 : index
        %get3A_1047 = tpu.vector_load %arg16[%get3A_1045, %get3A_1046] {strides = array<i32>} : memref<8x384xf32, #tpu.memory_space<vmem>>, vector<1x16xf32>,
        %get3A_1048 = vector.shape_cast %get3A_1047 : vector<1x16xf32> to vector<16xf32>
        %mul3A_1049 = arith.mulf %mul3A_1040, %get3A_1048 : vector<16xf32>
        %ge3A_1050 = arith.cmpf oge, %mul3A_1049, %max3A_989 : vector<16xf32>
        %gt3A_1051 = arith.cmpf ogt, %mul3A_1049, %max3A_989 : vector<16xf32>
        %max3A_1052 = arith.maximumf %max3A_989, %mul3A_1049 : vector<16xf32>
        %mul3A_1053 = arith.mulf %mul3A_1040, %get3A_1044 : vector<16xf32>
        %add3A_1054 = arith.addf %add3A_991, %mul3A_1053 : vector<16xf32>
        %mul3A_1055 = arith.mulf %select_n3A_1018, %get3A_1044 : vector<16xf32>
        %add3A_1056 = arith.addf %add3A_993, %mul3A_1055 : vector<16xf32>
        %jit3A_1057 = arith.constant 0.000000e+00 : f32
        %broadcast_in_dim3A_1058 = vector.broadcast %jit3A_1057 : f32 to vector<16xf32>
        %select_n3A_1059 = arith.select %gt3A_1051, %broadcast_in_dim3A_1058, %add3A_1000 : vector<16xi1>, vector<16xf32>
        %jit3A_1060 = arith.constant 0.000000e+00 : f32
        %broadcast_in_dim3A_1061 = vector.broadcast %jit3A_1060 : f32 to vector<16xf32>
        %select_n3A_1062 = arith.select %ge3A_1050, %mul3A_1049, %broadcast_in_dim3A_1061 : vector<16xi1>, vector<16xf32>
        %add3A_1063 = arith.addf %select_n3A_1059, %select_n3A_1062 : vector<16xf32>
        %jit3A_1064 = arith.constant 0.000000e+00 : f32
        %broadcast_in_dim3A_1065 = vector.broadcast %jit3A_1064 : f32 to vector<16xf32>
        %select_n3A_1066 = arith.select %gt3A_1051, %broadcast_in_dim3A_1065, %add3A_1008 : vector<16xi1>, vector<16xf32>
        %mul3A_1067 = arith.mulf %select_n3A_1018, %get3A_1048 : vector<16xf32>
        %jit3A_1068 = arith.constant 0.000000e+00 : f32
        %broadcast_in_dim3A_1069 = vector.broadcast %jit3A_1068 : f32 to vector<16xf32>
        %select_n3A_1070 = arith.select %ge3A_1050, %mul3A_1067, %broadcast_in_dim3A_1069 : vector<16xi1>, vector<16xf32>
        %add3A_1071 = arith.addf %select_n3A_1066, %select_n3A_1070 : vector<16xf32>
        %get3A_1072 = arith.index_cast %scan3A_252 : i32 to index
        %get3A_1073 = arith.constant 208 : index
        %get3A_1074 = tpu.vector_load %arg14[%get3A_1072, %get3A_1073] {strides = array<i32>} : memref<8x384xf32, #tpu.memory_space<vmem>>, vector<1x16xf32>,
        %get3A_1075 = vector.shape_cast %get3A_1074 : vector<1x16xf32> to vector<16xf32>
        %ge3A_1076 = arith.constant 5.000000e-01 : f32
        %ge3A_1077 = vector.broadcast %ge3A_1076 : f32 to vector<16xf32>
        %ge3A_1078 = arith.cmpf oge, %get3A_1075, %ge3A_1077 : vector<16xf32>
        %jit3A_1079 = arith.constant 0.000000e+00 : f32
        %broadcast_in_dim3A_1080 = vector.broadcast %jit3A_1079 : f32 to vector<16xf32>
        %select_n3A_1081 = arith.select %ge3A_1078, %get3A_1075, %broadcast_in_dim3A_1080 : vector<16xi1>, vector<16xf32>
        %get3A_1082 = arith.index_cast %scan3A_252 : i32 to index
        %get3A_1083 = arith.constant 208 : index
        %get3A_1084 = tpu.vector_load %arg10[%get3A_1082, %get3A_1083] {strides = array<i32>} : memref<8x384xf32, #tpu.memory_space<vmem>>, vector<1x16xf32>,
        %get3A_1085 = vector.shape_cast %get3A_1084 : vector<1x16xf32> to vector<16xf32>
        %get3A_1086 = arith.index_cast %scan3A_252 : i32 to index
        %get3A_1087 = arith.constant 208 : index
        %get3A_1088 = tpu.vector_load %arg12[%get3A_1086, %get3A_1087] {strides = array<i32>} : memref<8x384xf32, #tpu.memory_space<vmem>>, vector<1x16xf32>,
        %get3A_1089 = vector.shape_cast %get3A_1088 : vector<1x16xf32> to vector<16xf32>
        %sub3A_1090 = arith.subf %get3A_1085, %get3A_1089 : vector<16xf32>
        %abs3A_1091 = math.absf %sub3A_1090 : vector<16xf32>
        %get3A_1092 = arith.index_cast %scan3A_252 : i32 to index
        %get3A_1093 = arith.constant 208 : index
        %get3A_1094 = tpu.vector_load %arg11[%get3A_1092, %get3A_1093] {strides = array<i32>} : memref<8x384xf32, #tpu.memory_space<vmem>>, vector<1x16xf32>,
        %get3A_1095 = vector.shape_cast %get3A_1094 : vector<1x16xf32> to vector<16xf32>
        %get3A_1096 = arith.index_cast %scan3A_252 : i32 to index
        %get3A_1097 = arith.constant 208 : index
        %get3A_1098 = tpu.vector_load %arg13[%get3A_1096, %get3A_1097] {strides = array<i32>} : memref<8x384xf32, #tpu.memory_space<vmem>>, vector<1x16xf32>,
        %get3A_1099 = vector.shape_cast %get3A_1098 : vector<1x16xf32> to vector<16xf32>
        %sub3A_1100 = arith.subf %get3A_1095, %get3A_1099 : vector<16xf32>
        %abs3A_1101 = math.absf %sub3A_1100 : vector<16xf32>
        %add3A_1102 = arith.addf %abs3A_1091, %abs3A_1101 : vector<16xf32>
        %mul3A_1103 = arith.mulf %add3A_1102, %select_n3A_1081 : vector<16xf32>
        %get3A_1104 = arith.index_cast %scan3A_252 : i32 to index
        %get3A_1105 = arith.constant 208 : index
        %get3A_1106 = tpu.vector_load %arg15[%get3A_1104, %get3A_1105] {strides = array<i32>} : memref<8x384xf32, #tpu.memory_space<vmem>>, vector<1x16xf32>,
        %get3A_1107 = vector.shape_cast %get3A_1106 : vector<1x16xf32> to vector<16xf32>
        %get3A_1108 = arith.index_cast %scan3A_252 : i32 to index
        %get3A_1109 = arith.constant 208 : index
        %get3A_1110 = tpu.vector_load %arg16[%get3A_1108, %get3A_1109] {strides = array<i32>} : memref<8x384xf32, #tpu.memory_space<vmem>>, vector<1x16xf32>,
        %get3A_1111 = vector.shape_cast %get3A_1110 : vector<1x16xf32> to vector<16xf32>
        %mul3A_1112 = arith.mulf %mul3A_1103, %get3A_1111 : vector<16xf32>
        %ge3A_1113 = arith.cmpf oge, %mul3A_1112, %max3A_1052 : vector<16xf32>
        %gt3A_1114 = arith.cmpf ogt, %mul3A_1112, %max3A_1052 : vector<16xf32>
        %max3A_1115 = arith.maximumf %max3A_1052, %mul3A_1112 : vector<16xf32>
        %mul3A_1116 = arith.mulf %mul3A_1103, %get3A_1107 : vector<16xf32>
        %add3A_1117 = arith.addf %add3A_1054, %mul3A_1116 : vector<16xf32>
        %mul3A_1118 = arith.mulf %select_n3A_1081, %get3A_1107 : vector<16xf32>
        %add3A_1119 = arith.addf %add3A_1056, %mul3A_1118 : vector<16xf32>
        %jit3A_1120 = arith.constant 0.000000e+00 : f32
        %broadcast_in_dim3A_1121 = vector.broadcast %jit3A_1120 : f32 to vector<16xf32>
        %select_n3A_1122 = arith.select %gt3A_1114, %broadcast_in_dim3A_1121, %add3A_1063 : vector<16xi1>, vector<16xf32>
        %jit3A_1123 = arith.constant 0.000000e+00 : f32
        %broadcast_in_dim3A_1124 = vector.broadcast %jit3A_1123 : f32 to vector<16xf32>
        %select_n3A_1125 = arith.select %ge3A_1113, %mul3A_1112, %broadcast_in_dim3A_1124 : vector<16xi1>, vector<16xf32>
        %add3A_1126 = arith.addf %select_n3A_1122, %select_n3A_1125 : vector<16xf32>
        %jit3A_1127 = arith.constant 0.000000e+00 : f32
        %broadcast_in_dim3A_1128 = vector.broadcast %jit3A_1127 : f32 to vector<16xf32>
        %select_n3A_1129 = arith.select %gt3A_1114, %broadcast_in_dim3A_1128, %add3A_1071 : vector<16xi1>, vector<16xf32>
        %mul3A_1130 = arith.mulf %select_n3A_1081, %get3A_1111 : vector<16xf32>
        %jit3A_1131 = arith.constant 0.000000e+00 : f32
        %broadcast_in_dim3A_1132 = vector.broadcast %jit3A_1131 : f32 to vector<16xf32>
        %select_n3A_1133 = arith.select %ge3A_1113, %mul3A_1130, %broadcast_in_dim3A_1132 : vector<16xi1>, vector<16xf32>
        %add3A_1134 = arith.addf %select_n3A_1129, %select_n3A_1133 : vector<16xf32>
        %get3A_1135 = arith.index_cast %scan3A_252 : i32 to index
        %get3A_1136 = arith.constant 224 : index
        %get3A_1137 = tpu.vector_load %arg14[%get3A_1135, %get3A_1136] {strides = array<i32>} : memref<8x384xf32, #tpu.memory_space<vmem>>, vector<1x16xf32>,
        %get3A_1138 = vector.shape_cast %get3A_1137 : vector<1x16xf32> to vector<16xf32>
        %ge3A_1139 = arith.constant 5.000000e-01 : f32
        %ge3A_1140 = vector.broadcast %ge3A_1139 : f32 to vector<16xf32>
        %ge3A_1141 = arith.cmpf oge, %get3A_1138, %ge3A_1140 : vector<16xf32>
        %jit3A_1142 = arith.constant 0.000000e+00 : f32
        %broadcast_in_dim3A_1143 = vector.broadcast %jit3A_1142 : f32 to vector<16xf32>
        %select_n3A_1144 = arith.select %ge3A_1141, %get3A_1138, %broadcast_in_dim3A_1143 : vector<16xi1>, vector<16xf32>
        %get3A_1145 = arith.index_cast %scan3A_252 : i32 to index
        %get3A_1146 = arith.constant 224 : index
        %get3A_1147 = tpu.vector_load %arg10[%get3A_1145, %get3A_1146] {strides = array<i32>} : memref<8x384xf32, #tpu.memory_space<vmem>>, vector<1x16xf32>,
        %get3A_1148 = vector.shape_cast %get3A_1147 : vector<1x16xf32> to vector<16xf32>
        %get3A_1149 = arith.index_cast %scan3A_252 : i32 to index
        %get3A_1150 = arith.constant 224 : index
        %get3A_1151 = tpu.vector_load %arg12[%get3A_1149, %get3A_1150] {strides = array<i32>} : memref<8x384xf32, #tpu.memory_space<vmem>>, vector<1x16xf32>,
        %get3A_1152 = vector.shape_cast %get3A_1151 : vector<1x16xf32> to vector<16xf32>
        %sub3A_1153 = arith.subf %get3A_1148, %get3A_1152 : vector<16xf32>
        %abs3A_1154 = math.absf %sub3A_1153 : vector<16xf32>
        %get3A_1155 = arith.index_cast %scan3A_252 : i32 to index
        %get3A_1156 = arith.constant 224 : index
        %get3A_1157 = tpu.vector_load %arg11[%get3A_1155, %get3A_1156] {strides = array<i32>} : memref<8x384xf32, #tpu.memory_space<vmem>>, vector<1x16xf32>,
        %get3A_1158 = vector.shape_cast %get3A_1157 : vector<1x16xf32> to vector<16xf32>
        %get3A_1159 = arith.index_cast %scan3A_252 : i32 to index
        %get3A_1160 = arith.constant 224 : index
        %get3A_1161 = tpu.vector_load %arg13[%get3A_1159, %get3A_1160] {strides = array<i32>} : memref<8x384xf32, #tpu.memory_space<vmem>>, vector<1x16xf32>,
        %get3A_1162 = vector.shape_cast %get3A_1161 : vector<1x16xf32> to vector<16xf32>
        %sub3A_1163 = arith.subf %get3A_1158, %get3A_1162 : vector<16xf32>
        %abs3A_1164 = math.absf %sub3A_1163 : vector<16xf32>
        %add3A_1165 = arith.addf %abs3A_1154, %abs3A_1164 : vector<16xf32>
        %mul3A_1166 = arith.mulf %add3A_1165, %select_n3A_1144 : vector<16xf32>
        %get3A_1167 = arith.index_cast %scan3A_252 : i32 to index
        %get3A_1168 = arith.constant 224 : index
        %get3A_1169 = tpu.vector_load %arg15[%get3A_1167, %get3A_1168] {strides = array<i32>} : memref<8x384xf32, #tpu.memory_space<vmem>>, vector<1x16xf32>,
        %get3A_1170 = vector.shape_cast %get3A_1169 : vector<1x16xf32> to vector<16xf32>
        %get3A_1171 = arith.index_cast %scan3A_252 : i32 to index
        %get3A_1172 = arith.constant 224 : index
        %get3A_1173 = tpu.vector_load %arg16[%get3A_1171, %get3A_1172] {strides = array<i32>} : memref<8x384xf32, #tpu.memory_space<vmem>>, vector<1x16xf32>,
        %get3A_1174 = vector.shape_cast %get3A_1173 : vector<1x16xf32> to vector<16xf32>
        %mul3A_1175 = arith.mulf %mul3A_1166, %get3A_1174 : vector<16xf32>
        %ge3A_1176 = arith.cmpf oge, %mul3A_1175, %max3A_1115 : vector<16xf32>
        %gt3A_1177 = arith.cmpf ogt, %mul3A_1175, %max3A_1115 : vector<16xf32>
        %max3A_1178 = arith.maximumf %max3A_1115, %mul3A_1175 : vector<16xf32>
        %mul3A_1179 = arith.mulf %mul3A_1166, %get3A_1170 : vector<16xf32>
        %add3A_1180 = arith.addf %add3A_1117, %mul3A_1179 : vector<16xf32>
        %mul3A_1181 = arith.mulf %select_n3A_1144, %get3A_1170 : vector<16xf32>
        %add3A_1182 = arith.addf %add3A_1119, %mul3A_1181 : vector<16xf32>
        %jit3A_1183 = arith.constant 0.000000e+00 : f32
        %broadcast_in_dim3A_1184 = vector.broadcast %jit3A_1183 : f32 to vector<16xf32>
        %select_n3A_1185 = arith.select %gt3A_1177, %broadcast_in_dim3A_1184, %add3A_1126 : vector<16xi1>, vector<16xf32>
        %jit3A_1186 = arith.constant 0.000000e+00 : f32
        %broadcast_in_dim3A_1187 = vector.broadcast %jit3A_1186 : f32 to vector<16xf32>
        %select_n3A_1188 = arith.select %ge3A_1176, %mul3A_1175, %broadcast_in_dim3A_1187 : vector<16xi1>, vector<16xf32>
        %add3A_1189 = arith.addf %select_n3A_1185, %select_n3A_1188 : vector<16xf32>
        %jit3A_1190 = arith.constant 0.000000e+00 : f32
        %broadcast_in_dim3A_1191 = vector.broadcast %jit3A_1190 : f32 to vector<16xf32>
        %select_n3A_1192 = arith.select %gt3A_1177, %broadcast_in_dim3A_1191, %add3A_1134 : vector<16xi1>, vector<16xf32>
        %mul3A_1193 = arith.mulf %select_n3A_1144, %get3A_1174 : vector<16xf32>
        %jit3A_1194 = arith.constant 0.000000e+00 : f32
        %broadcast_in_dim3A_1195 = vector.broadcast %jit3A_1194 : f32 to vector<16xf32>
        %select_n3A_1196 = arith.select %ge3A_1176, %mul3A_1193, %broadcast_in_dim3A_1195 : vector<16xi1>, vector<16xf32>
        %add3A_1197 = arith.addf %select_n3A_1192, %select_n3A_1196 : vector<16xf32>
        %get3A_1198 = arith.index_cast %scan3A_252 : i32 to index
        %get3A_1199 = arith.constant 240 : index
        %get3A_1200 = tpu.vector_load %arg14[%get3A_1198, %get3A_1199] {strides = array<i32>} : memref<8x384xf32, #tpu.memory_space<vmem>>, vector<1x16xf32>,
        %get3A_1201 = vector.shape_cast %get3A_1200 : vector<1x16xf32> to vector<16xf32>
        %ge3A_1202 = arith.constant 5.000000e-01 : f32
        %ge3A_1203 = vector.broadcast %ge3A_1202 : f32 to vector<16xf32>
        %ge3A_1204 = arith.cmpf oge, %get3A_1201, %ge3A_1203 : vector<16xf32>
        %jit3A_1205 = arith.constant 0.000000e+00 : f32
        %broadcast_in_dim3A_1206 = vector.broadcast %jit3A_1205 : f32 to vector<16xf32>
        %select_n3A_1207 = arith.select %ge3A_1204, %get3A_1201, %broadcast_in_dim3A_1206 : vector<16xi1>, vector<16xf32>
        %get3A_1208 = arith.index_cast %scan3A_252 : i32 to index
        %get3A_1209 = arith.constant 240 : index
        %get3A_1210 = tpu.vector_load %arg10[%get3A_1208, %get3A_1209] {strides = array<i32>} : memref<8x384xf32, #tpu.memory_space<vmem>>, vector<1x16xf32>,
        %get3A_1211 = vector.shape_cast %get3A_1210 : vector<1x16xf32> to vector<16xf32>
        %get3A_1212 = arith.index_cast %scan3A_252 : i32 to index
        %get3A_1213 = arith.constant 240 : index
        %get3A_1214 = tpu.vector_load %arg12[%get3A_1212, %get3A_1213] {strides = array<i32>} : memref<8x384xf32, #tpu.memory_space<vmem>>, vector<1x16xf32>,
        %get3A_1215 = vector.shape_cast %get3A_1214 : vector<1x16xf32> to vector<16xf32>
        %sub3A_1216 = arith.subf %get3A_1211, %get3A_1215 : vector<16xf32>
        %abs3A_1217 = math.absf %sub3A_1216 : vector<16xf32>
        %get3A_1218 = arith.index_cast %scan3A_252 : i32 to index
        %get3A_1219 = arith.constant 240 : index
        %get3A_1220 = tpu.vector_load %arg11[%get3A_1218, %get3A_1219] {strides = array<i32>} : memref<8x384xf32, #tpu.memory_space<vmem>>, vector<1x16xf32>,
        %get3A_1221 = vector.shape_cast %get3A_1220 : vector<1x16xf32> to vector<16xf32>
        %get3A_1222 = arith.index_cast %scan3A_252 : i32 to index
        %get3A_1223 = arith.constant 240 : index
        %get3A_1224 = tpu.vector_load %arg13[%get3A_1222, %get3A_1223] {strides = array<i32>} : memref<8x384xf32, #tpu.memory_space<vmem>>, vector<1x16xf32>,
        %get3A_1225 = vector.shape_cast %get3A_1224 : vector<1x16xf32> to vector<16xf32>
        %sub3A_1226 = arith.subf %get3A_1221, %get3A_1225 : vector<16xf32>
        %abs3A_1227 = math.absf %sub3A_1226 : vector<16xf32>
        %add3A_1228 = arith.addf %abs3A_1217, %abs3A_1227 : vector<16xf32>
        %mul3A_1229 = arith.mulf %add3A_1228, %select_n3A_1207 : vector<16xf32>
        %get3A_1230 = arith.index_cast %scan3A_252 : i32 to index
        %get3A_1231 = arith.constant 240 : index
        %get3A_1232 = tpu.vector_load %arg15[%get3A_1230, %get3A_1231] {strides = array<i32>} : memref<8x384xf32, #tpu.memory_space<vmem>>, vector<1x16xf32>,
        %get3A_1233 = vector.shape_cast %get3A_1232 : vector<1x16xf32> to vector<16xf32>
        %get3A_1234 = arith.index_cast %scan3A_252 : i32 to index
        %get3A_1235 = arith.constant 240 : index
        %get3A_1236 = tpu.vector_load %arg16[%get3A_1234, %get3A_1235] {strides = array<i32>} : memref<8x384xf32, #tpu.memory_space<vmem>>, vector<1x16xf32>,
        %get3A_1237 = vector.shape_cast %get3A_1236 : vector<1x16xf32> to vector<16xf32>
        %mul3A_1238 = arith.mulf %mul3A_1229, %get3A_1237 : vector<16xf32>
        %ge3A_1239 = arith.cmpf oge, %mul3A_1238, %max3A_1178 : vector<16xf32>
        %gt3A_1240 = arith.cmpf ogt, %mul3A_1238, %max3A_1178 : vector<16xf32>
        %max3A_1241 = arith.maximumf %max3A_1178, %mul3A_1238 : vector<16xf32>
        %mul3A_1242 = arith.mulf %mul3A_1229, %get3A_1233 : vector<16xf32>
        %add3A_1243 = arith.addf %add3A_1180, %mul3A_1242 : vector<16xf32>
        %mul3A_1244 = arith.mulf %select_n3A_1207, %get3A_1233 : vector<16xf32>
        %add3A_1245 = arith.addf %add3A_1182, %mul3A_1244 : vector<16xf32>
        %jit3A_1246 = arith.constant 0.000000e+00 : f32
        %broadcast_in_dim3A_1247 = vector.broadcast %jit3A_1246 : f32 to vector<16xf32>
        %select_n3A_1248 = arith.select %gt3A_1240, %broadcast_in_dim3A_1247, %add3A_1189 : vector<16xi1>, vector<16xf32>
        %jit3A_1249 = arith.constant 0.000000e+00 : f32
        %broadcast_in_dim3A_1250 = vector.broadcast %jit3A_1249 : f32 to vector<16xf32>
        %select_n3A_1251 = arith.select %ge3A_1239, %mul3A_1238, %broadcast_in_dim3A_1250 : vector<16xi1>, vector<16xf32>
        %add3A_1252 = arith.addf %select_n3A_1248, %select_n3A_1251 : vector<16xf32>
        %jit3A_1253 = arith.constant 0.000000e+00 : f32
        %broadcast_in_dim3A_1254 = vector.broadcast %jit3A_1253 : f32 to vector<16xf32>
        %select_n3A_1255 = arith.select %gt3A_1240, %broadcast_in_dim3A_1254, %add3A_1197 : vector<16xi1>, vector<16xf32>
        %mul3A_1256 = arith.mulf %select_n3A_1207, %get3A_1237 : vector<16xf32>
        %jit3A_1257 = arith.constant 0.000000e+00 : f32
        %broadcast_in_dim3A_1258 = vector.broadcast %jit3A_1257 : f32 to vector<16xf32>
        %select_n3A_1259 = arith.select %ge3A_1239, %mul3A_1256, %broadcast_in_dim3A_1258 : vector<16xi1>, vector<16xf32>
        %add3A_1260 = arith.addf %select_n3A_1255, %select_n3A_1259 : vector<16xf32>
        %get3A_1261 = arith.index_cast %scan3A_252 : i32 to index
        %get3A_1262 = arith.constant 256 : index
        %get3A_1263 = tpu.vector_load %arg14[%get3A_1261, %get3A_1262] {strides = array<i32>} : memref<8x384xf32, #tpu.memory_space<vmem>>, vector<1x16xf32>,
        %get3A_1264 = vector.shape_cast %get3A_1263 : vector<1x16xf32> to vector<16xf32>
        %ge3A_1265 = arith.constant 5.000000e-01 : f32
        %ge3A_1266 = vector.broadcast %ge3A_1265 : f32 to vector<16xf32>
        %ge3A_1267 = arith.cmpf oge, %get3A_1264, %ge3A_1266 : vector<16xf32>
        %jit3A_1268 = arith.constant 0.000000e+00 : f32
        %broadcast_in_dim3A_1269 = vector.broadcast %jit3A_1268 : f32 to vector<16xf32>
        %select_n3A_1270 = arith.select %ge3A_1267, %get3A_1264, %broadcast_in_dim3A_1269 : vector<16xi1>, vector<16xf32>
        %get3A_1271 = arith.index_cast %scan3A_252 : i32 to index
        %get3A_1272 = arith.constant 256 : index
        %get3A_1273 = tpu.vector_load %arg10[%get3A_1271, %get3A_1272] {strides = array<i32>} : memref<8x384xf32, #tpu.memory_space<vmem>>, vector<1x16xf32>,
        %get3A_1274 = vector.shape_cast %get3A_1273 : vector<1x16xf32> to vector<16xf32>
        %get3A_1275 = arith.index_cast %scan3A_252 : i32 to index
        %get3A_1276 = arith.constant 256 : index
        %get3A_1277 = tpu.vector_load %arg12[%get3A_1275, %get3A_1276] {strides = array<i32>} : memref<8x384xf32, #tpu.memory_space<vmem>>, vector<1x16xf32>,
        %get3A_1278 = vector.shape_cast %get3A_1277 : vector<1x16xf32> to vector<16xf32>
        %sub3A_1279 = arith.subf %get3A_1274, %get3A_1278 : vector<16xf32>
        %abs3A_1280 = math.absf %sub3A_1279 : vector<16xf32>
        %get3A_1281 = arith.index_cast %scan3A_252 : i32 to index
        %get3A_1282 = arith.constant 256 : index
        %get3A_1283 = tpu.vector_load %arg11[%get3A_1281, %get3A_1282] {strides = array<i32>} : memref<8x384xf32, #tpu.memory_space<vmem>>, vector<1x16xf32>,
        %get3A_1284 = vector.shape_cast %get3A_1283 : vector<1x16xf32> to vector<16xf32>
        %get3A_1285 = arith.index_cast %scan3A_252 : i32 to index
        %get3A_1286 = arith.constant 256 : index
        %get3A_1287 = tpu.vector_load %arg13[%get3A_1285, %get3A_1286] {strides = array<i32>} : memref<8x384xf32, #tpu.memory_space<vmem>>, vector<1x16xf32>,
        %get3A_1288 = vector.shape_cast %get3A_1287 : vector<1x16xf32> to vector<16xf32>
        %sub3A_1289 = arith.subf %get3A_1284, %get3A_1288 : vector<16xf32>
        %abs3A_1290 = math.absf %sub3A_1289 : vector<16xf32>
        %add3A_1291 = arith.addf %abs3A_1280, %abs3A_1290 : vector<16xf32>
        %mul3A_1292 = arith.mulf %add3A_1291, %select_n3A_1270 : vector<16xf32>
        %get3A_1293 = arith.index_cast %scan3A_252 : i32 to index
        %get3A_1294 = arith.constant 256 : index
        %get3A_1295 = tpu.vector_load %arg15[%get3A_1293, %get3A_1294] {strides = array<i32>} : memref<8x384xf32, #tpu.memory_space<vmem>>, vector<1x16xf32>,
        %get3A_1296 = vector.shape_cast %get3A_1295 : vector<1x16xf32> to vector<16xf32>
        %get3A_1297 = arith.index_cast %scan3A_252 : i32 to index
        %get3A_1298 = arith.constant 256 : index
        %get3A_1299 = tpu.vector_load %arg16[%get3A_1297, %get3A_1298] {strides = array<i32>} : memref<8x384xf32, #tpu.memory_space<vmem>>, vector<1x16xf32>,
        %get3A_1300 = vector.shape_cast %get3A_1299 : vector<1x16xf32> to vector<16xf32>
        %mul3A_1301 = arith.mulf %mul3A_1292, %get3A_1300 : vector<16xf32>
        %ge3A_1302 = arith.cmpf oge, %mul3A_1301, %max3A_1241 : vector<16xf32>
        %gt3A_1303 = arith.cmpf ogt, %mul3A_1301, %max3A_1241 : vector<16xf32>
        %max3A_1304 = arith.maximumf %max3A_1241, %mul3A_1301 : vector<16xf32>
        %mul3A_1305 = arith.mulf %mul3A_1292, %get3A_1296 : vector<16xf32>
        %add3A_1306 = arith.addf %add3A_1243, %mul3A_1305 : vector<16xf32>
        %mul3A_1307 = arith.mulf %select_n3A_1270, %get3A_1296 : vector<16xf32>
        %add3A_1308 = arith.addf %add3A_1245, %mul3A_1307 : vector<16xf32>
        %jit3A_1309 = arith.constant 0.000000e+00 : f32
        %broadcast_in_dim3A_1310 = vector.broadcast %jit3A_1309 : f32 to vector<16xf32>
        %select_n3A_1311 = arith.select %gt3A_1303, %broadcast_in_dim3A_1310, %add3A_1252 : vector<16xi1>, vector<16xf32>
        %jit3A_1312 = arith.constant 0.000000e+00 : f32
        %broadcast_in_dim3A_1313 = vector.broadcast %jit3A_1312 : f32 to vector<16xf32>
        %select_n3A_1314 = arith.select %ge3A_1302, %mul3A_1301, %broadcast_in_dim3A_1313 : vector<16xi1>, vector<16xf32>
        %add3A_1315 = arith.addf %select_n3A_1311, %select_n3A_1314 : vector<16xf32>
        %jit3A_1316 = arith.constant 0.000000e+00 : f32
        %broadcast_in_dim3A_1317 = vector.broadcast %jit3A_1316 : f32 to vector<16xf32>
        %select_n3A_1318 = arith.select %gt3A_1303, %broadcast_in_dim3A_1317, %add3A_1260 : vector<16xi1>, vector<16xf32>
        %mul3A_1319 = arith.mulf %select_n3A_1270, %get3A_1300 : vector<16xf32>
        %jit3A_1320 = arith.constant 0.000000e+00 : f32
        %broadcast_in_dim3A_1321 = vector.broadcast %jit3A_1320 : f32 to vector<16xf32>
        %select_n3A_1322 = arith.select %ge3A_1302, %mul3A_1319, %broadcast_in_dim3A_1321 : vector<16xi1>, vector<16xf32>
        %add3A_1323 = arith.addf %select_n3A_1318, %select_n3A_1322 : vector<16xf32>
        %get3A_1324 = arith.index_cast %scan3A_252 : i32 to index
        %get3A_1325 = arith.constant 272 : index
        %get3A_1326 = tpu.vector_load %arg14[%get3A_1324, %get3A_1325] {strides = array<i32>} : memref<8x384xf32, #tpu.memory_space<vmem>>, vector<1x16xf32>,
        %get3A_1327 = vector.shape_cast %get3A_1326 : vector<1x16xf32> to vector<16xf32>
        %ge3A_1328 = arith.constant 5.000000e-01 : f32
        %ge3A_1329 = vector.broadcast %ge3A_1328 : f32 to vector<16xf32>
        %ge3A_1330 = arith.cmpf oge, %get3A_1327, %ge3A_1329 : vector<16xf32>
        %jit3A_1331 = arith.constant 0.000000e+00 : f32
        %broadcast_in_dim3A_1332 = vector.broadcast %jit3A_1331 : f32 to vector<16xf32>
        %select_n3A_1333 = arith.select %ge3A_1330, %get3A_1327, %broadcast_in_dim3A_1332 : vector<16xi1>, vector<16xf32>
        %get3A_1334 = arith.index_cast %scan3A_252 : i32 to index
        %get3A_1335 = arith.constant 272 : index
        %get3A_1336 = tpu.vector_load %arg10[%get3A_1334, %get3A_1335] {strides = array<i32>} : memref<8x384xf32, #tpu.memory_space<vmem>>, vector<1x16xf32>,
        %get3A_1337 = vector.shape_cast %get3A_1336 : vector<1x16xf32> to vector<16xf32>
        %get3A_1338 = arith.index_cast %scan3A_252 : i32 to index
        %get3A_1339 = arith.constant 272 : index
        %get3A_1340 = tpu.vector_load %arg12[%get3A_1338, %get3A_1339] {strides = array<i32>} : memref<8x384xf32, #tpu.memory_space<vmem>>, vector<1x16xf32>,
        %get3A_1341 = vector.shape_cast %get3A_1340 : vector<1x16xf32> to vector<16xf32>
        %sub3A_1342 = arith.subf %get3A_1337, %get3A_1341 : vector<16xf32>
        %abs3A_1343 = math.absf %sub3A_1342 : vector<16xf32>
        %get3A_1344 = arith.index_cast %scan3A_252 : i32 to index
        %get3A_1345 = arith.constant 272 : index
        %get3A_1346 = tpu.vector_load %arg11[%get3A_1344, %get3A_1345] {strides = array<i32>} : memref<8x384xf32, #tpu.memory_space<vmem>>, vector<1x16xf32>,
        %get3A_1347 = vector.shape_cast %get3A_1346 : vector<1x16xf32> to vector<16xf32>
        %get3A_1348 = arith.index_cast %scan3A_252 : i32 to index
        %get3A_1349 = arith.constant 272 : index
        %get3A_1350 = tpu.vector_load %arg13[%get3A_1348, %get3A_1349] {strides = array<i32>} : memref<8x384xf32, #tpu.memory_space<vmem>>, vector<1x16xf32>,
        %get3A_1351 = vector.shape_cast %get3A_1350 : vector<1x16xf32> to vector<16xf32>
        %sub3A_1352 = arith.subf %get3A_1347, %get3A_1351 : vector<16xf32>
        %abs3A_1353 = math.absf %sub3A_1352 : vector<16xf32>
        %add3A_1354 = arith.addf %abs3A_1343, %abs3A_1353 : vector<16xf32>
        %mul3A_1355 = arith.mulf %add3A_1354, %select_n3A_1333 : vector<16xf32>
        %get3A_1356 = arith.index_cast %scan3A_252 : i32 to index
        %get3A_1357 = arith.constant 272 : index
        %get3A_1358 = tpu.vector_load %arg15[%get3A_1356, %get3A_1357] {strides = array<i32>} : memref<8x384xf32, #tpu.memory_space<vmem>>, vector<1x16xf32>,
        %get3A_1359 = vector.shape_cast %get3A_1358 : vector<1x16xf32> to vector<16xf32>
        %get3A_1360 = arith.index_cast %scan3A_252 : i32 to index
        %get3A_1361 = arith.constant 272 : index
        %get3A_1362 = tpu.vector_load %arg16[%get3A_1360, %get3A_1361] {strides = array<i32>} : memref<8x384xf32, #tpu.memory_space<vmem>>, vector<1x16xf32>,
        %get3A_1363 = vector.shape_cast %get3A_1362 : vector<1x16xf32> to vector<16xf32>
        %mul3A_1364 = arith.mulf %mul3A_1355, %get3A_1363 : vector<16xf32>
        %ge3A_1365 = arith.cmpf oge, %mul3A_1364, %max3A_1304 : vector<16xf32>
        %gt3A_1366 = arith.cmpf ogt, %mul3A_1364, %max3A_1304 : vector<16xf32>
        %max3A_1367 = arith.maximumf %max3A_1304, %mul3A_1364 : vector<16xf32>
        %mul3A_1368 = arith.mulf %mul3A_1355, %get3A_1359 : vector<16xf32>
        %add3A_1369 = arith.addf %add3A_1306, %mul3A_1368 : vector<16xf32>
        %mul3A_1370 = arith.mulf %select_n3A_1333, %get3A_1359 : vector<16xf32>
        %add3A_1371 = arith.addf %add3A_1308, %mul3A_1370 : vector<16xf32>
        %jit3A_1372 = arith.constant 0.000000e+00 : f32
        %broadcast_in_dim3A_1373 = vector.broadcast %jit3A_1372 : f32 to vector<16xf32>
        %select_n3A_1374 = arith.select %gt3A_1366, %broadcast_in_dim3A_1373, %add3A_1315 : vector<16xi1>, vector<16xf32>
        %jit3A_1375 = arith.constant 0.000000e+00 : f32
        %broadcast_in_dim3A_1376 = vector.broadcast %jit3A_1375 : f32 to vector<16xf32>
        %select_n3A_1377 = arith.select %ge3A_1365, %mul3A_1364, %broadcast_in_dim3A_1376 : vector<16xi1>, vector<16xf32>
        %add3A_1378 = arith.addf %select_n3A_1374, %select_n3A_1377 : vector<16xf32>
        %jit3A_1379 = arith.constant 0.000000e+00 : f32
        %broadcast_in_dim3A_1380 = vector.broadcast %jit3A_1379 : f32 to vector<16xf32>
        %select_n3A_1381 = arith.select %gt3A_1366, %broadcast_in_dim3A_1380, %add3A_1323 : vector<16xi1>, vector<16xf32>
        %mul3A_1382 = arith.mulf %select_n3A_1333, %get3A_1363 : vector<16xf32>
        %jit3A_1383 = arith.constant 0.000000e+00 : f32
        %broadcast_in_dim3A_1384 = vector.broadcast %jit3A_1383 : f32 to vector<16xf32>
        %select_n3A_1385 = arith.select %ge3A_1365, %mul3A_1382, %broadcast_in_dim3A_1384 : vector<16xi1>, vector<16xf32>
        %add3A_1386 = arith.addf %select_n3A_1381, %select_n3A_1385 : vector<16xf32>
        %get3A_1387 = arith.index_cast %scan3A_252 : i32 to index
        %get3A_1388 = arith.constant 288 : index
        %get3A_1389 = tpu.vector_load %arg14[%get3A_1387, %get3A_1388] {strides = array<i32>} : memref<8x384xf32, #tpu.memory_space<vmem>>, vector<1x16xf32>,
        %get3A_1390 = vector.shape_cast %get3A_1389 : vector<1x16xf32> to vector<16xf32>
        %ge3A_1391 = arith.constant 5.000000e-01 : f32
        %ge3A_1392 = vector.broadcast %ge3A_1391 : f32 to vector<16xf32>
        %ge3A_1393 = arith.cmpf oge, %get3A_1390, %ge3A_1392 : vector<16xf32>
        %jit3A_1394 = arith.constant 0.000000e+00 : f32
        %broadcast_in_dim3A_1395 = vector.broadcast %jit3A_1394 : f32 to vector<16xf32>
        %select_n3A_1396 = arith.select %ge3A_1393, %get3A_1390, %broadcast_in_dim3A_1395 : vector<16xi1>, vector<16xf32>
        %get3A_1397 = arith.index_cast %scan3A_252 : i32 to index
        %get3A_1398 = arith.constant 288 : index
        %get3A_1399 = tpu.vector_load %arg10[%get3A_1397, %get3A_1398] {strides = array<i32>} : memref<8x384xf32, #tpu.memory_space<vmem>>, vector<1x16xf32>,
        %get3A_1400 = vector.shape_cast %get3A_1399 : vector<1x16xf32> to vector<16xf32>
        %get3A_1401 = arith.index_cast %scan3A_252 : i32 to index
        %get3A_1402 = arith.constant 288 : index
        %get3A_1403 = tpu.vector_load %arg12[%get3A_1401, %get3A_1402] {strides = array<i32>} : memref<8x384xf32, #tpu.memory_space<vmem>>, vector<1x16xf32>,
        %get3A_1404 = vector.shape_cast %get3A_1403 : vector<1x16xf32> to vector<16xf32>
        %sub3A_1405 = arith.subf %get3A_1400, %get3A_1404 : vector<16xf32>
        %abs3A_1406 = math.absf %sub3A_1405 : vector<16xf32>
        %get3A_1407 = arith.index_cast %scan3A_252 : i32 to index
        %get3A_1408 = arith.constant 288 : index
        %get3A_1409 = tpu.vector_load %arg11[%get3A_1407, %get3A_1408] {strides = array<i32>} : memref<8x384xf32, #tpu.memory_space<vmem>>, vector<1x16xf32>,
        %get3A_1410 = vector.shape_cast %get3A_1409 : vector<1x16xf32> to vector<16xf32>
        %get3A_1411 = arith.index_cast %scan3A_252 : i32 to index
        %get3A_1412 = arith.constant 288 : index
        %get3A_1413 = tpu.vector_load %arg13[%get3A_1411, %get3A_1412] {strides = array<i32>} : memref<8x384xf32, #tpu.memory_space<vmem>>, vector<1x16xf32>,
        %get3A_1414 = vector.shape_cast %get3A_1413 : vector<1x16xf32> to vector<16xf32>
        %sub3A_1415 = arith.subf %get3A_1410, %get3A_1414 : vector<16xf32>
        %abs3A_1416 = math.absf %sub3A_1415 : vector<16xf32>
        %add3A_1417 = arith.addf %abs3A_1406, %abs3A_1416 : vector<16xf32>
        %mul3A_1418 = arith.mulf %add3A_1417, %select_n3A_1396 : vector<16xf32>
        %get3A_1419 = arith.index_cast %scan3A_252 : i32 to index
        %get3A_1420 = arith.constant 288 : index
        %get3A_1421 = tpu.vector_load %arg15[%get3A_1419, %get3A_1420] {strides = array<i32>} : memref<8x384xf32, #tpu.memory_space<vmem>>, vector<1x16xf32>,
        %get3A_1422 = vector.shape_cast %get3A_1421 : vector<1x16xf32> to vector<16xf32>
        %get3A_1423 = arith.index_cast %scan3A_252 : i32 to index
        %get3A_1424 = arith.constant 288 : index
        %get3A_1425 = tpu.vector_load %arg16[%get3A_1423, %get3A_1424] {strides = array<i32>} : memref<8x384xf32, #tpu.memory_space<vmem>>, vector<1x16xf32>,
        %get3A_1426 = vector.shape_cast %get3A_1425 : vector<1x16xf32> to vector<16xf32>
        %mul3A_1427 = arith.mulf %mul3A_1418, %get3A_1426 : vector<16xf32>
        %ge3A_1428 = arith.cmpf oge, %mul3A_1427, %max3A_1367 : vector<16xf32>
        %gt3A_1429 = arith.cmpf ogt, %mul3A_1427, %max3A_1367 : vector<16xf32>
        %max3A_1430 = arith.maximumf %max3A_1367, %mul3A_1427 : vector<16xf32>
        %mul3A_1431 = arith.mulf %mul3A_1418, %get3A_1422 : vector<16xf32>
        %add3A_1432 = arith.addf %add3A_1369, %mul3A_1431 : vector<16xf32>
        %mul3A_1433 = arith.mulf %select_n3A_1396, %get3A_1422 : vector<16xf32>
        %add3A_1434 = arith.addf %add3A_1371, %mul3A_1433 : vector<16xf32>
        %jit3A_1435 = arith.constant 0.000000e+00 : f32
        %broadcast_in_dim3A_1436 = vector.broadcast %jit3A_1435 : f32 to vector<16xf32>
        %select_n3A_1437 = arith.select %gt3A_1429, %broadcast_in_dim3A_1436, %add3A_1378 : vector<16xi1>, vector<16xf32>
        %jit3A_1438 = arith.constant 0.000000e+00 : f32
        %broadcast_in_dim3A_1439 = vector.broadcast %jit3A_1438 : f32 to vector<16xf32>
        %select_n3A_1440 = arith.select %ge3A_1428, %mul3A_1427, %broadcast_in_dim3A_1439 : vector<16xi1>, vector<16xf32>
        %add3A_1441 = arith.addf %select_n3A_1437, %select_n3A_1440 : vector<16xf32>
        %jit3A_1442 = arith.constant 0.000000e+00 : f32
        %broadcast_in_dim3A_1443 = vector.broadcast %jit3A_1442 : f32 to vector<16xf32>
        %select_n3A_1444 = arith.select %gt3A_1429, %broadcast_in_dim3A_1443, %add3A_1386 : vector<16xi1>, vector<16xf32>
        %mul3A_1445 = arith.mulf %select_n3A_1396, %get3A_1426 : vector<16xf32>
        %jit3A_1446 = arith.constant 0.000000e+00 : f32
        %broadcast_in_dim3A_1447 = vector.broadcast %jit3A_1446 : f32 to vector<16xf32>
        %select_n3A_1448 = arith.select %ge3A_1428, %mul3A_1445, %broadcast_in_dim3A_1447 : vector<16xi1>, vector<16xf32>
        %add3A_1449 = arith.addf %select_n3A_1444, %select_n3A_1448 : vector<16xf32>
        %get3A_1450 = arith.index_cast %scan3A_252 : i32 to index
        %get3A_1451 = arith.constant 304 : index
        %get3A_1452 = tpu.vector_load %arg14[%get3A_1450, %get3A_1451] {strides = array<i32>} : memref<8x384xf32, #tpu.memory_space<vmem>>, vector<1x16xf32>,
        %get3A_1453 = vector.shape_cast %get3A_1452 : vector<1x16xf32> to vector<16xf32>
        %ge3A_1454 = arith.constant 5.000000e-01 : f32
        %ge3A_1455 = vector.broadcast %ge3A_1454 : f32 to vector<16xf32>
        %ge3A_1456 = arith.cmpf oge, %get3A_1453, %ge3A_1455 : vector<16xf32>
        %jit3A_1457 = arith.constant 0.000000e+00 : f32
        %broadcast_in_dim3A_1458 = vector.broadcast %jit3A_1457 : f32 to vector<16xf32>
        %select_n3A_1459 = arith.select %ge3A_1456, %get3A_1453, %broadcast_in_dim3A_1458 : vector<16xi1>, vector<16xf32>
        %get3A_1460 = arith.index_cast %scan3A_252 : i32 to index
        %get3A_1461 = arith.constant 304 : index
        %get3A_1462 = tpu.vector_load %arg10[%get3A_1460, %get3A_1461] {strides = array<i32>} : memref<8x384xf32, #tpu.memory_space<vmem>>, vector<1x16xf32>,
        %get3A_1463 = vector.shape_cast %get3A_1462 : vector<1x16xf32> to vector<16xf32>
        %get3A_1464 = arith.index_cast %scan3A_252 : i32 to index
        %get3A_1465 = arith.constant 304 : index
        %get3A_1466 = tpu.vector_load %arg12[%get3A_1464, %get3A_1465] {strides = array<i32>} : memref<8x384xf32, #tpu.memory_space<vmem>>, vector<1x16xf32>,
        %get3A_1467 = vector.shape_cast %get3A_1466 : vector<1x16xf32> to vector<16xf32>
        %sub3A_1468 = arith.subf %get3A_1463, %get3A_1467 : vector<16xf32>
        %abs3A_1469 = math.absf %sub3A_1468 : vector<16xf32>
        %get3A_1470 = arith.index_cast %scan3A_252 : i32 to index
        %get3A_1471 = arith.constant 304 : index
        %get3A_1472 = tpu.vector_load %arg11[%get3A_1470, %get3A_1471] {strides = array<i32>} : memref<8x384xf32, #tpu.memory_space<vmem>>, vector<1x16xf32>,
        %get3A_1473 = vector.shape_cast %get3A_1472 : vector<1x16xf32> to vector<16xf32>
        %get3A_1474 = arith.index_cast %scan3A_252 : i32 to index
        %get3A_1475 = arith.constant 304 : index
        %get3A_1476 = tpu.vector_load %arg13[%get3A_1474, %get3A_1475] {strides = array<i32>} : memref<8x384xf32, #tpu.memory_space<vmem>>, vector<1x16xf32>,
        %get3A_1477 = vector.shape_cast %get3A_1476 : vector<1x16xf32> to vector<16xf32>
        %sub3A_1478 = arith.subf %get3A_1473, %get3A_1477 : vector<16xf32>
        %abs3A_1479 = math.absf %sub3A_1478 : vector<16xf32>
        %add3A_1480 = arith.addf %abs3A_1469, %abs3A_1479 : vector<16xf32>
        %mul3A_1481 = arith.mulf %add3A_1480, %select_n3A_1459 : vector<16xf32>
        %get3A_1482 = arith.index_cast %scan3A_252 : i32 to index
        %get3A_1483 = arith.constant 304 : index
        %get3A_1484 = tpu.vector_load %arg15[%get3A_1482, %get3A_1483] {strides = array<i32>} : memref<8x384xf32, #tpu.memory_space<vmem>>, vector<1x16xf32>,
        %get3A_1485 = vector.shape_cast %get3A_1484 : vector<1x16xf32> to vector<16xf32>
        %get3A_1486 = arith.index_cast %scan3A_252 : i32 to index
        %get3A_1487 = arith.constant 304 : index
        %get3A_1488 = tpu.vector_load %arg16[%get3A_1486, %get3A_1487] {strides = array<i32>} : memref<8x384xf32, #tpu.memory_space<vmem>>, vector<1x16xf32>,
        %get3A_1489 = vector.shape_cast %get3A_1488 : vector<1x16xf32> to vector<16xf32>
        %mul3A_1490 = arith.mulf %mul3A_1481, %get3A_1489 : vector<16xf32>
        %ge3A_1491 = arith.cmpf oge, %mul3A_1490, %max3A_1430 : vector<16xf32>
        %gt3A_1492 = arith.cmpf ogt, %mul3A_1490, %max3A_1430 : vector<16xf32>
        %max3A_1493 = arith.maximumf %max3A_1430, %mul3A_1490 : vector<16xf32>
        %mul3A_1494 = arith.mulf %mul3A_1481, %get3A_1485 : vector<16xf32>
        %add3A_1495 = arith.addf %add3A_1432, %mul3A_1494 : vector<16xf32>
        %mul3A_1496 = arith.mulf %select_n3A_1459, %get3A_1485 : vector<16xf32>
        %add3A_1497 = arith.addf %add3A_1434, %mul3A_1496 : vector<16xf32>
        %jit3A_1498 = arith.constant 0.000000e+00 : f32
        %broadcast_in_dim3A_1499 = vector.broadcast %jit3A_1498 : f32 to vector<16xf32>
        %select_n3A_1500 = arith.select %gt3A_1492, %broadcast_in_dim3A_1499, %add3A_1441 : vector<16xi1>, vector<16xf32>
        %jit3A_1501 = arith.constant 0.000000e+00 : f32
        %broadcast_in_dim3A_1502 = vector.broadcast %jit3A_1501 : f32 to vector<16xf32>
        %select_n3A_1503 = arith.select %ge3A_1491, %mul3A_1490, %broadcast_in_dim3A_1502 : vector<16xi1>, vector<16xf32>
        %add3A_1504 = arith.addf %select_n3A_1500, %select_n3A_1503 : vector<16xf32>
        %jit3A_1505 = arith.constant 0.000000e+00 : f32
        %broadcast_in_dim3A_1506 = vector.broadcast %jit3A_1505 : f32 to vector<16xf32>
        %select_n3A_1507 = arith.select %gt3A_1492, %broadcast_in_dim3A_1506, %add3A_1449 : vector<16xi1>, vector<16xf32>
        %mul3A_1508 = arith.mulf %select_n3A_1459, %get3A_1489 : vector<16xf32>
        %jit3A_1509 = arith.constant 0.000000e+00 : f32
        %broadcast_in_dim3A_1510 = vector.broadcast %jit3A_1509 : f32 to vector<16xf32>
        %select_n3A_1511 = arith.select %ge3A_1491, %mul3A_1508, %broadcast_in_dim3A_1510 : vector<16xi1>, vector<16xf32>
        %add3A_1512 = arith.addf %select_n3A_1507, %select_n3A_1511 : vector<16xf32>
        %get3A_1513 = arith.index_cast %scan3A_252 : i32 to index
        %get3A_1514 = arith.constant 320 : index
        %get3A_1515 = tpu.vector_load %arg14[%get3A_1513, %get3A_1514] {strides = array<i32>} : memref<8x384xf32, #tpu.memory_space<vmem>>, vector<1x16xf32>,
        %get3A_1516 = vector.shape_cast %get3A_1515 : vector<1x16xf32> to vector<16xf32>
        %ge3A_1517 = arith.constant 5.000000e-01 : f32
        %ge3A_1518 = vector.broadcast %ge3A_1517 : f32 to vector<16xf32>
        %ge3A_1519 = arith.cmpf oge, %get3A_1516, %ge3A_1518 : vector<16xf32>
        %jit3A_1520 = arith.constant 0.000000e+00 : f32
        %broadcast_in_dim3A_1521 = vector.broadcast %jit3A_1520 : f32 to vector<16xf32>
        %select_n3A_1522 = arith.select %ge3A_1519, %get3A_1516, %broadcast_in_dim3A_1521 : vector<16xi1>, vector<16xf32>
        %get3A_1523 = arith.index_cast %scan3A_252 : i32 to index
        %get3A_1524 = arith.constant 320 : index
        %get3A_1525 = tpu.vector_load %arg10[%get3A_1523, %get3A_1524] {strides = array<i32>} : memref<8x384xf32, #tpu.memory_space<vmem>>, vector<1x16xf32>,
        %get3A_1526 = vector.shape_cast %get3A_1525 : vector<1x16xf32> to vector<16xf32>
        %get3A_1527 = arith.index_cast %scan3A_252 : i32 to index
        %get3A_1528 = arith.constant 320 : index
        %get3A_1529 = tpu.vector_load %arg12[%get3A_1527, %get3A_1528] {strides = array<i32>} : memref<8x384xf32, #tpu.memory_space<vmem>>, vector<1x16xf32>,
        %get3A_1530 = vector.shape_cast %get3A_1529 : vector<1x16xf32> to vector<16xf32>
        %sub3A_1531 = arith.subf %get3A_1526, %get3A_1530 : vector<16xf32>
        %abs3A_1532 = math.absf %sub3A_1531 : vector<16xf32>
        %get3A_1533 = arith.index_cast %scan3A_252 : i32 to index
        %get3A_1534 = arith.constant 320 : index
        %get3A_1535 = tpu.vector_load %arg11[%get3A_1533, %get3A_1534] {strides = array<i32>} : memref<8x384xf32, #tpu.memory_space<vmem>>, vector<1x16xf32>,
        %get3A_1536 = vector.shape_cast %get3A_1535 : vector<1x16xf32> to vector<16xf32>
        %get3A_1537 = arith.index_cast %scan3A_252 : i32 to index
        %get3A_1538 = arith.constant 320 : index
        %get3A_1539 = tpu.vector_load %arg13[%get3A_1537, %get3A_1538] {strides = array<i32>} : memref<8x384xf32, #tpu.memory_space<vmem>>, vector<1x16xf32>,
        %get3A_1540 = vector.shape_cast %get3A_1539 : vector<1x16xf32> to vector<16xf32>
        %sub3A_1541 = arith.subf %get3A_1536, %get3A_1540 : vector<16xf32>
        %abs3A_1542 = math.absf %sub3A_1541 : vector<16xf32>
        %add3A_1543 = arith.addf %abs3A_1532, %abs3A_1542 : vector<16xf32>
        %mul3A_1544 = arith.mulf %add3A_1543, %select_n3A_1522 : vector<16xf32>
        %get3A_1545 = arith.index_cast %scan3A_252 : i32 to index
        %get3A_1546 = arith.constant 320 : index
        %get3A_1547 = tpu.vector_load %arg15[%get3A_1545, %get3A_1546] {strides = array<i32>} : memref<8x384xf32, #tpu.memory_space<vmem>>, vector<1x16xf32>,
        %get3A_1548 = vector.shape_cast %get3A_1547 : vector<1x16xf32> to vector<16xf32>
        %get3A_1549 = arith.index_cast %scan3A_252 : i32 to index
        %get3A_1550 = arith.constant 320 : index
        %get3A_1551 = tpu.vector_load %arg16[%get3A_1549, %get3A_1550] {strides = array<i32>} : memref<8x384xf32, #tpu.memory_space<vmem>>, vector<1x16xf32>,
        %get3A_1552 = vector.shape_cast %get3A_1551 : vector<1x16xf32> to vector<16xf32>
        %mul3A_1553 = arith.mulf %mul3A_1544, %get3A_1552 : vector<16xf32>
        %ge3A_1554 = arith.cmpf oge, %mul3A_1553, %max3A_1493 : vector<16xf32>
        %gt3A_1555 = arith.cmpf ogt, %mul3A_1553, %max3A_1493 : vector<16xf32>
        %max3A_1556 = arith.maximumf %max3A_1493, %mul3A_1553 : vector<16xf32>
        %mul3A_1557 = arith.mulf %mul3A_1544, %get3A_1548 : vector<16xf32>
        %add3A_1558 = arith.addf %add3A_1495, %mul3A_1557 : vector<16xf32>
        %mul3A_1559 = arith.mulf %select_n3A_1522, %get3A_1548 : vector<16xf32>
        %add3A_1560 = arith.addf %add3A_1497, %mul3A_1559 : vector<16xf32>
        %jit3A_1561 = arith.constant 0.000000e+00 : f32
        %broadcast_in_dim3A_1562 = vector.broadcast %jit3A_1561 : f32 to vector<16xf32>
        %select_n3A_1563 = arith.select %gt3A_1555, %broadcast_in_dim3A_1562, %add3A_1504 : vector<16xi1>, vector<16xf32>
        %jit3A_1564 = arith.constant 0.000000e+00 : f32
        %broadcast_in_dim3A_1565 = vector.broadcast %jit3A_1564 : f32 to vector<16xf32>
        %select_n3A_1566 = arith.select %ge3A_1554, %mul3A_1553, %broadcast_in_dim3A_1565 : vector<16xi1>, vector<16xf32>
        %add3A_1567 = arith.addf %select_n3A_1563, %select_n3A_1566 : vector<16xf32>
        %jit3A_1568 = arith.constant 0.000000e+00 : f32
        %broadcast_in_dim3A_1569 = vector.broadcast %jit3A_1568 : f32 to vector<16xf32>
        %select_n3A_1570 = arith.select %gt3A_1555, %broadcast_in_dim3A_1569, %add3A_1512 : vector<16xi1>, vector<16xf32>
        %mul3A_1571 = arith.mulf %select_n3A_1522, %get3A_1552 : vector<16xf32>
        %jit3A_1572 = arith.constant 0.000000e+00 : f32
        %broadcast_in_dim3A_1573 = vector.broadcast %jit3A_1572 : f32 to vector<16xf32>
        %select_n3A_1574 = arith.select %ge3A_1554, %mul3A_1571, %broadcast_in_dim3A_1573 : vector<16xi1>, vector<16xf32>
        %add3A_1575 = arith.addf %select_n3A_1570, %select_n3A_1574 : vector<16xf32>
        %get3A_1576 = arith.index_cast %scan3A_252 : i32 to index
        %get3A_1577 = arith.constant 336 : index
        %get3A_1578 = tpu.vector_load %arg14[%get3A_1576, %get3A_1577] {strides = array<i32>} : memref<8x384xf32, #tpu.memory_space<vmem>>, vector<1x16xf32>,
        %get3A_1579 = vector.shape_cast %get3A_1578 : vector<1x16xf32> to vector<16xf32>
        %ge3A_1580 = arith.constant 5.000000e-01 : f32
        %ge3A_1581 = vector.broadcast %ge3A_1580 : f32 to vector<16xf32>
        %ge3A_1582 = arith.cmpf oge, %get3A_1579, %ge3A_1581 : vector<16xf32>
        %jit3A_1583 = arith.constant 0.000000e+00 : f32
        %broadcast_in_dim3A_1584 = vector.broadcast %jit3A_1583 : f32 to vector<16xf32>
        %select_n3A_1585 = arith.select %ge3A_1582, %get3A_1579, %broadcast_in_dim3A_1584 : vector<16xi1>, vector<16xf32>
        %get3A_1586 = arith.index_cast %scan3A_252 : i32 to index
        %get3A_1587 = arith.constant 336 : index
        %get3A_1588 = tpu.vector_load %arg10[%get3A_1586, %get3A_1587] {strides = array<i32>} : memref<8x384xf32, #tpu.memory_space<vmem>>, vector<1x16xf32>,
        %get3A_1589 = vector.shape_cast %get3A_1588 : vector<1x16xf32> to vector<16xf32>
        %get3A_1590 = arith.index_cast %scan3A_252 : i32 to index
        %get3A_1591 = arith.constant 336 : index
        %get3A_1592 = tpu.vector_load %arg12[%get3A_1590, %get3A_1591] {strides = array<i32>} : memref<8x384xf32, #tpu.memory_space<vmem>>, vector<1x16xf32>,
        %get3A_1593 = vector.shape_cast %get3A_1592 : vector<1x16xf32> to vector<16xf32>
        %sub3A_1594 = arith.subf %get3A_1589, %get3A_1593 : vector<16xf32>
        %abs3A_1595 = math.absf %sub3A_1594 : vector<16xf32>
        %get3A_1596 = arith.index_cast %scan3A_252 : i32 to index
        %get3A_1597 = arith.constant 336 : index
        %get3A_1598 = tpu.vector_load %arg11[%get3A_1596, %get3A_1597] {strides = array<i32>} : memref<8x384xf32, #tpu.memory_space<vmem>>, vector<1x16xf32>,
        %get3A_1599 = vector.shape_cast %get3A_1598 : vector<1x16xf32> to vector<16xf32>
        %get3A_1600 = arith.index_cast %scan3A_252 : i32 to index
        %get3A_1601 = arith.constant 336 : index
        %get3A_1602 = tpu.vector_load %arg13[%get3A_1600, %get3A_1601] {strides = array<i32>} : memref<8x384xf32, #tpu.memory_space<vmem>>, vector<1x16xf32>,
        %get3A_1603 = vector.shape_cast %get3A_1602 : vector<1x16xf32> to vector<16xf32>
        %sub3A_1604 = arith.subf %get3A_1599, %get3A_1603 : vector<16xf32>
        %abs3A_1605 = math.absf %sub3A_1604 : vector<16xf32>
        %add3A_1606 = arith.addf %abs3A_1595, %abs3A_1605 : vector<16xf32>
        %mul3A_1607 = arith.mulf %add3A_1606, %select_n3A_1585 : vector<16xf32>
        %get3A_1608 = arith.index_cast %scan3A_252 : i32 to index
        %get3A_1609 = arith.constant 336 : index
        %get3A_1610 = tpu.vector_load %arg15[%get3A_1608, %get3A_1609] {strides = array<i32>} : memref<8x384xf32, #tpu.memory_space<vmem>>, vector<1x16xf32>,
        %get3A_1611 = vector.shape_cast %get3A_1610 : vector<1x16xf32> to vector<16xf32>
        %get3A_1612 = arith.index_cast %scan3A_252 : i32 to index
        %get3A_1613 = arith.constant 336 : index
        %get3A_1614 = tpu.vector_load %arg16[%get3A_1612, %get3A_1613] {strides = array<i32>} : memref<8x384xf32, #tpu.memory_space<vmem>>, vector<1x16xf32>,
        %get3A_1615 = vector.shape_cast %get3A_1614 : vector<1x16xf32> to vector<16xf32>
        %mul3A_1616 = arith.mulf %mul3A_1607, %get3A_1615 : vector<16xf32>
        %ge3A_1617 = arith.cmpf oge, %mul3A_1616, %max3A_1556 : vector<16xf32>
        %gt3A_1618 = arith.cmpf ogt, %mul3A_1616, %max3A_1556 : vector<16xf32>
        %max3A_1619 = arith.maximumf %max3A_1556, %mul3A_1616 : vector<16xf32>
        %mul3A_1620 = arith.mulf %mul3A_1607, %get3A_1611 : vector<16xf32>
        %add3A_1621 = arith.addf %add3A_1558, %mul3A_1620 : vector<16xf32>
        %mul3A_1622 = arith.mulf %select_n3A_1585, %get3A_1611 : vector<16xf32>
        %add3A_1623 = arith.addf %add3A_1560, %mul3A_1622 : vector<16xf32>
        %jit3A_1624 = arith.constant 0.000000e+00 : f32
        %broadcast_in_dim3A_1625 = vector.broadcast %jit3A_1624 : f32 to vector<16xf32>
        %select_n3A_1626 = arith.select %gt3A_1618, %broadcast_in_dim3A_1625, %add3A_1567 : vector<16xi1>, vector<16xf32>
        %jit3A_1627 = arith.constant 0.000000e+00 : f32
        %broadcast_in_dim3A_1628 = vector.broadcast %jit3A_1627 : f32 to vector<16xf32>
        %select_n3A_1629 = arith.select %ge3A_1617, %mul3A_1616, %broadcast_in_dim3A_1628 : vector<16xi1>, vector<16xf32>
        %add3A_1630 = arith.addf %select_n3A_1626, %select_n3A_1629 : vector<16xf32>
        %jit3A_1631 = arith.constant 0.000000e+00 : f32
        %broadcast_in_dim3A_1632 = vector.broadcast %jit3A_1631 : f32 to vector<16xf32>
        %select_n3A_1633 = arith.select %gt3A_1618, %broadcast_in_dim3A_1632, %add3A_1575 : vector<16xi1>, vector<16xf32>
        %mul3A_1634 = arith.mulf %select_n3A_1585, %get3A_1615 : vector<16xf32>
        %jit3A_1635 = arith.constant 0.000000e+00 : f32
        %broadcast_in_dim3A_1636 = vector.broadcast %jit3A_1635 : f32 to vector<16xf32>
        %select_n3A_1637 = arith.select %ge3A_1617, %mul3A_1634, %broadcast_in_dim3A_1636 : vector<16xi1>, vector<16xf32>
        %add3A_1638 = arith.addf %select_n3A_1633, %select_n3A_1637 : vector<16xf32>
        %get3A_1639 = arith.index_cast %scan3A_252 : i32 to index
        %get3A_1640 = arith.constant 352 : index
        %get3A_1641 = tpu.vector_load %arg14[%get3A_1639, %get3A_1640] {strides = array<i32>} : memref<8x384xf32, #tpu.memory_space<vmem>>, vector<1x16xf32>,
        %get3A_1642 = vector.shape_cast %get3A_1641 : vector<1x16xf32> to vector<16xf32>
        %ge3A_1643 = arith.constant 5.000000e-01 : f32
        %ge3A_1644 = vector.broadcast %ge3A_1643 : f32 to vector<16xf32>
        %ge3A_1645 = arith.cmpf oge, %get3A_1642, %ge3A_1644 : vector<16xf32>
        %jit3A_1646 = arith.constant 0.000000e+00 : f32
        %broadcast_in_dim3A_1647 = vector.broadcast %jit3A_1646 : f32 to vector<16xf32>
        %select_n3A_1648 = arith.select %ge3A_1645, %get3A_1642, %broadcast_in_dim3A_1647 : vector<16xi1>, vector<16xf32>
        %get3A_1649 = arith.index_cast %scan3A_252 : i32 to index
        %get3A_1650 = arith.constant 352 : index
        %get3A_1651 = tpu.vector_load %arg10[%get3A_1649, %get3A_1650] {strides = array<i32>} : memref<8x384xf32, #tpu.memory_space<vmem>>, vector<1x16xf32>,
        %get3A_1652 = vector.shape_cast %get3A_1651 : vector<1x16xf32> to vector<16xf32>
        %get3A_1653 = arith.index_cast %scan3A_252 : i32 to index
        %get3A_1654 = arith.constant 352 : index
        %get3A_1655 = tpu.vector_load %arg12[%get3A_1653, %get3A_1654] {strides = array<i32>} : memref<8x384xf32, #tpu.memory_space<vmem>>, vector<1x16xf32>,
        %get3A_1656 = vector.shape_cast %get3A_1655 : vector<1x16xf32> to vector<16xf32>
        %sub3A_1657 = arith.subf %get3A_1652, %get3A_1656 : vector<16xf32>
        %abs3A_1658 = math.absf %sub3A_1657 : vector<16xf32>
        %get3A_1659 = arith.index_cast %scan3A_252 : i32 to index
        %get3A_1660 = arith.constant 352 : index
        %get3A_1661 = tpu.vector_load %arg11[%get3A_1659, %get3A_1660] {strides = array<i32>} : memref<8x384xf32, #tpu.memory_space<vmem>>, vector<1x16xf32>,
        %get3A_1662 = vector.shape_cast %get3A_1661 : vector<1x16xf32> to vector<16xf32>
        %get3A_1663 = arith.index_cast %scan3A_252 : i32 to index
        %get3A_1664 = arith.constant 352 : index
        %get3A_1665 = tpu.vector_load %arg13[%get3A_1663, %get3A_1664] {strides = array<i32>} : memref<8x384xf32, #tpu.memory_space<vmem>>, vector<1x16xf32>,
        %get3A_1666 = vector.shape_cast %get3A_1665 : vector<1x16xf32> to vector<16xf32>
        %sub3A_1667 = arith.subf %get3A_1662, %get3A_1666 : vector<16xf32>
        %abs3A_1668 = math.absf %sub3A_1667 : vector<16xf32>
        %add3A_1669 = arith.addf %abs3A_1658, %abs3A_1668 : vector<16xf32>
        %mul3A_1670 = arith.mulf %add3A_1669, %select_n3A_1648 : vector<16xf32>
        %get3A_1671 = arith.index_cast %scan3A_252 : i32 to index
        %get3A_1672 = arith.constant 352 : index
        %get3A_1673 = tpu.vector_load %arg15[%get3A_1671, %get3A_1672] {strides = array<i32>} : memref<8x384xf32, #tpu.memory_space<vmem>>, vector<1x16xf32>,
        %get3A_1674 = vector.shape_cast %get3A_1673 : vector<1x16xf32> to vector<16xf32>
        %get3A_1675 = arith.index_cast %scan3A_252 : i32 to index
        %get3A_1676 = arith.constant 352 : index
        %get3A_1677 = tpu.vector_load %arg16[%get3A_1675, %get3A_1676] {strides = array<i32>} : memref<8x384xf32, #tpu.memory_space<vmem>>, vector<1x16xf32>,
        %get3A_1678 = vector.shape_cast %get3A_1677 : vector<1x16xf32> to vector<16xf32>
        %mul3A_1679 = arith.mulf %mul3A_1670, %get3A_1678 : vector<16xf32>
        %ge3A_1680 = arith.cmpf oge, %mul3A_1679, %max3A_1619 : vector<16xf32>
        %gt3A_1681 = arith.cmpf ogt, %mul3A_1679, %max3A_1619 : vector<16xf32>
        %max3A_1682 = arith.maximumf %max3A_1619, %mul3A_1679 : vector<16xf32>
        %mul3A_1683 = arith.mulf %mul3A_1670, %get3A_1674 : vector<16xf32>
        %add3A_1684 = arith.addf %add3A_1621, %mul3A_1683 : vector<16xf32>
        %mul3A_1685 = arith.mulf %select_n3A_1648, %get3A_1674 : vector<16xf32>
        %add3A_1686 = arith.addf %add3A_1623, %mul3A_1685 : vector<16xf32>
        %jit3A_1687 = arith.constant 0.000000e+00 : f32
        %broadcast_in_dim3A_1688 = vector.broadcast %jit3A_1687 : f32 to vector<16xf32>
        %select_n3A_1689 = arith.select %gt3A_1681, %broadcast_in_dim3A_1688, %add3A_1630 : vector<16xi1>, vector<16xf32>
        %jit3A_1690 = arith.constant 0.000000e+00 : f32
        %broadcast_in_dim3A_1691 = vector.broadcast %jit3A_1690 : f32 to vector<16xf32>
        %select_n3A_1692 = arith.select %ge3A_1680, %mul3A_1679, %broadcast_in_dim3A_1691 : vector<16xi1>, vector<16xf32>
        %add3A_1693 = arith.addf %select_n3A_1689, %select_n3A_1692 : vector<16xf32>
        %jit3A_1694 = arith.constant 0.000000e+00 : f32
        %broadcast_in_dim3A_1695 = vector.broadcast %jit3A_1694 : f32 to vector<16xf32>
        %select_n3A_1696 = arith.select %gt3A_1681, %broadcast_in_dim3A_1695, %add3A_1638 : vector<16xi1>, vector<16xf32>
        %mul3A_1697 = arith.mulf %select_n3A_1648, %get3A_1678 : vector<16xf32>
        %jit3A_1698 = arith.constant 0.000000e+00 : f32
        %broadcast_in_dim3A_1699 = vector.broadcast %jit3A_1698 : f32 to vector<16xf32>
        %select_n3A_1700 = arith.select %ge3A_1680, %mul3A_1697, %broadcast_in_dim3A_1699 : vector<16xi1>, vector<16xf32>
        %add3A_1701 = arith.addf %select_n3A_1696, %select_n3A_1700 : vector<16xf32>
        %get3A_1702 = arith.index_cast %scan3A_252 : i32 to index
        %get3A_1703 = arith.constant 368 : index
        %get3A_1704 = tpu.vector_load %arg14[%get3A_1702, %get3A_1703] {strides = array<i32>} : memref<8x384xf32, #tpu.memory_space<vmem>>, vector<1x16xf32>,
        %get3A_1705 = vector.shape_cast %get3A_1704 : vector<1x16xf32> to vector<16xf32>
        %ge3A_1706 = arith.constant 5.000000e-01 : f32
        %ge3A_1707 = vector.broadcast %ge3A_1706 : f32 to vector<16xf32>
        %ge3A_1708 = arith.cmpf oge, %get3A_1705, %ge3A_1707 : vector<16xf32>
        %jit3A_1709 = arith.constant 0.000000e+00 : f32
        %broadcast_in_dim3A_1710 = vector.broadcast %jit3A_1709 : f32 to vector<16xf32>
        %select_n3A_1711 = arith.select %ge3A_1708, %get3A_1705, %broadcast_in_dim3A_1710 : vector<16xi1>, vector<16xf32>
        %get3A_1712 = arith.index_cast %scan3A_252 : i32 to index
        %get3A_1713 = arith.constant 368 : index
        %get3A_1714 = tpu.vector_load %arg10[%get3A_1712, %get3A_1713] {strides = array<i32>} : memref<8x384xf32, #tpu.memory_space<vmem>>, vector<1x16xf32>,
        %get3A_1715 = vector.shape_cast %get3A_1714 : vector<1x16xf32> to vector<16xf32>
        %get3A_1716 = arith.index_cast %scan3A_252 : i32 to index
        %get3A_1717 = arith.constant 368 : index
        %get3A_1718 = tpu.vector_load %arg12[%get3A_1716, %get3A_1717] {strides = array<i32>} : memref<8x384xf32, #tpu.memory_space<vmem>>, vector<1x16xf32>,
        %get3A_1719 = vector.shape_cast %get3A_1718 : vector<1x16xf32> to vector<16xf32>
        %sub3A_1720 = arith.subf %get3A_1715, %get3A_1719 : vector<16xf32>
        %abs3A_1721 = math.absf %sub3A_1720 : vector<16xf32>
        %get3A_1722 = arith.index_cast %scan3A_252 : i32 to index
        %get3A_1723 = arith.constant 368 : index
        %get3A_1724 = tpu.vector_load %arg11[%get3A_1722, %get3A_1723] {strides = array<i32>} : memref<8x384xf32, #tpu.memory_space<vmem>>, vector<1x16xf32>,
        %get3A_1725 = vector.shape_cast %get3A_1724 : vector<1x16xf32> to vector<16xf32>
        %get3A_1726 = arith.index_cast %scan3A_252 : i32 to index
        %get3A_1727 = arith.constant 368 : index
        %get3A_1728 = tpu.vector_load %arg13[%get3A_1726, %get3A_1727] {strides = array<i32>} : memref<8x384xf32, #tpu.memory_space<vmem>>, vector<1x16xf32>,
        %get3A_1729 = vector.shape_cast %get3A_1728 : vector<1x16xf32> to vector<16xf32>
        %sub3A_1730 = arith.subf %get3A_1725, %get3A_1729 : vector<16xf32>
        %abs3A_1731 = math.absf %sub3A_1730 : vector<16xf32>
        %add3A_1732 = arith.addf %abs3A_1721, %abs3A_1731 : vector<16xf32>
        %mul3A_1733 = arith.mulf %add3A_1732, %select_n3A_1711 : vector<16xf32>
        %get3A_1734 = arith.index_cast %scan3A_252 : i32 to index
        %get3A_1735 = arith.constant 368 : index
        %get3A_1736 = tpu.vector_load %arg15[%get3A_1734, %get3A_1735] {strides = array<i32>} : memref<8x384xf32, #tpu.memory_space<vmem>>, vector<1x16xf32>,
        %get3A_1737 = vector.shape_cast %get3A_1736 : vector<1x16xf32> to vector<16xf32>
        %get3A_1738 = arith.index_cast %scan3A_252 : i32 to index
        %get3A_1739 = arith.constant 368 : index
        %get3A_1740 = tpu.vector_load %arg16[%get3A_1738, %get3A_1739] {strides = array<i32>} : memref<8x384xf32, #tpu.memory_space<vmem>>, vector<1x16xf32>,
        %get3A_1741 = vector.shape_cast %get3A_1740 : vector<1x16xf32> to vector<16xf32>
        %mul3A_1742 = arith.mulf %mul3A_1733, %get3A_1741 : vector<16xf32>
        %ge3A_1743 = arith.cmpf oge, %mul3A_1742, %max3A_1682 : vector<16xf32>
        %gt3A_1744 = arith.cmpf ogt, %mul3A_1742, %max3A_1682 : vector<16xf32>
        %max3A_1745 = arith.maximumf %max3A_1682, %mul3A_1742 : vector<16xf32>
        %mul3A_1746 = arith.mulf %mul3A_1733, %get3A_1737 : vector<16xf32>
        %add3A_1747 = arith.addf %add3A_1684, %mul3A_1746 : vector<16xf32>
        %mul3A_1748 = arith.mulf %select_n3A_1711, %get3A_1737 : vector<16xf32>
        %add3A_1749 = arith.addf %add3A_1686, %mul3A_1748 : vector<16xf32>
        %jit3A_1750 = arith.constant 0.000000e+00 : f32
        %broadcast_in_dim3A_1751 = vector.broadcast %jit3A_1750 : f32 to vector<16xf32>
        %select_n3A_1752 = arith.select %gt3A_1744, %broadcast_in_dim3A_1751, %add3A_1693 : vector<16xi1>, vector<16xf32>
        %jit3A_1753 = arith.constant 0.000000e+00 : f32
        %broadcast_in_dim3A_1754 = vector.broadcast %jit3A_1753 : f32 to vector<16xf32>
        %select_n3A_1755 = arith.select %ge3A_1743, %mul3A_1742, %broadcast_in_dim3A_1754 : vector<16xi1>, vector<16xf32>
        %add3A_1756 = arith.addf %select_n3A_1752, %select_n3A_1755 : vector<16xf32>
        %jit3A_1757 = arith.constant 0.000000e+00 : f32
        %broadcast_in_dim3A_1758 = vector.broadcast %jit3A_1757 : f32 to vector<16xf32>
        %select_n3A_1759 = arith.select %gt3A_1744, %broadcast_in_dim3A_1758, %add3A_1701 : vector<16xi1>, vector<16xf32>
        %mul3A_1760 = arith.mulf %select_n3A_1711, %get3A_1741 : vector<16xf32>
        %jit3A_1761 = arith.constant 0.000000e+00 : f32
        %broadcast_in_dim3A_1762 = vector.broadcast %jit3A_1761 : f32 to vector<16xf32>
        %select_n3A_1763 = arith.select %ge3A_1743, %mul3A_1760, %broadcast_in_dim3A_1762 : vector<16xi1>, vector<16xf32>
        %add3A_1764 = arith.addf %select_n3A_1759, %select_n3A_1763 : vector<16xf32>
        scf.yield %max3A_1745, %add3A_1756, %add3A_1764, %add3A_1747, %add3A_1749 : vector<16xf32>, vector<16xf32>, vector<16xf32>, vector<16xf32>, vector<16xf32>
      }
      %scan3A_196 = arith.constant 8 : i32
      %lt3A = arith.constant 2 : i32
      %lt3A_197 = arith.cmpi slt, %scan3A_144, %lt3A : i32
      %convert_element_type3A = arith.extui %lt3A_197 : i1 to i32
      %cond3A = arith.constant 0 : i32
      %cond3A_198 = arith.cmpi ne, %convert_element_type3A, %cond3A : i32
      scf.if %cond3A_198 {
        %mul3A_252 = arith.constant 2 : i32
        %mul3A_253 = arith.muli %mul3A_252, %scan3A_144 : i32
        %add3A_254 = arith.constant 2 : i32
        %add3A_255 = arith.addi %mul3A_253, %add3A_254 : i32
        %add3A_256 = arith.constant 0 : i32
        %add3A_257 = arith.addi %add3A_255, %add3A_256 : i32
        %mul3A_258 = arith.constant 8 : i32
        %mul3A_259 = arith.muli %add3A_257, %mul3A_258 : i32
        %add3A_260 = arith.addi %mul3A_21, %mul3A_259 : i32
        %dma_start3A_261 = arith.constant 0 : i32
        %dma_start3A_262 = tpu.memref_slice %arg2[%select_n3A, %add3A_260, %dma_start3A_261] : memref<16x384x384xf32, #tpu.memory_space<hbm>> -> memref<1x8x384xf32, #tpu.memory_space<hbm>>
        %dma_start3A_263 = tpu.memref_squeeze %dma_start3A_262 : memref<1x8x384xf32, #tpu.memory_space<hbm>> -> memref<8x384xf32, #tpu.memory_space<hbm>>
        %dma_start3A_264 = arith.constant 0 : i32
        %dma_start3A_265 = tpu.memref_slice %arg2[%select_n3A, %add3A_260, %dma_start3A_264] : memref<16x384x384xf32, #tpu.memory_space<hbm>> -> memref<1x8x384xf32, #tpu.memory_space<hbm>>
        %dma_start3A_266 = tpu.memref_squeeze %dma_start3A_265 : memref<1x8x384xf32, #tpu.memory_space<hbm>> -> memref<8x384xf32, #tpu.memory_space<hbm>>
        tpu.enqueue_dma source(%dma_start3A_266 : memref<8x384xf32, #tpu.memory_space<hbm>>) target(%arg10 : memref<8x384xf32, #tpu.memory_space<vmem>>) target_semaphore(%arg25 : memref<!tpu.dma_semaphore, #tpu.memory_space<semaphore_mem>>)
        %dma_start3A_267 = arith.constant 0 : i32
        %dma_start3A_268 = tpu.memref_slice %arg3[%select_n3A, %add3A_260, %dma_start3A_267] : memref<16x384x384xf32, #tpu.memory_space<hbm>> -> memref<1x8x384xf32, #tpu.memory_space<hbm>>
        %dma_start3A_269 = tpu.memref_squeeze %dma_start3A_268 : memref<1x8x384xf32, #tpu.memory_space<hbm>> -> memref<8x384xf32, #tpu.memory_space<hbm>>
        %dma_start3A_270 = arith.constant 0 : i32
        %dma_start3A_271 = tpu.memref_slice %arg3[%select_n3A, %add3A_260, %dma_start3A_270] : memref<16x384x384xf32, #tpu.memory_space<hbm>> -> memref<1x8x384xf32, #tpu.memory_space<hbm>>
        %dma_start3A_272 = tpu.memref_squeeze %dma_start3A_271 : memref<1x8x384xf32, #tpu.memory_space<hbm>> -> memref<8x384xf32, #tpu.memory_space<hbm>>
        tpu.enqueue_dma source(%dma_start3A_272 : memref<8x384xf32, #tpu.memory_space<hbm>>) target(%arg11 : memref<8x384xf32, #tpu.memory_space<vmem>>) target_semaphore(%arg25 : memref<!tpu.dma_semaphore, #tpu.memory_space<semaphore_mem>>)
        %dma_start3A_273 = arith.constant 0 : i32
        %dma_start3A_274 = tpu.memref_slice %arg4[%select_n3A, %add3A_260, %dma_start3A_273] : memref<16x384x384xf32, #tpu.memory_space<hbm>> -> memref<1x8x384xf32, #tpu.memory_space<hbm>>
        %dma_start3A_275 = tpu.memref_squeeze %dma_start3A_274 : memref<1x8x384xf32, #tpu.memory_space<hbm>> -> memref<8x384xf32, #tpu.memory_space<hbm>>
        %dma_start3A_276 = arith.constant 0 : i32
        %dma_start3A_277 = tpu.memref_slice %arg4[%select_n3A, %add3A_260, %dma_start3A_276] : memref<16x384x384xf32, #tpu.memory_space<hbm>> -> memref<1x8x384xf32, #tpu.memory_space<hbm>>
        %dma_start3A_278 = tpu.memref_squeeze %dma_start3A_277 : memref<1x8x384xf32, #tpu.memory_space<hbm>> -> memref<8x384xf32, #tpu.memory_space<hbm>>
        tpu.enqueue_dma source(%dma_start3A_278 : memref<8x384xf32, #tpu.memory_space<hbm>>) target(%arg12 : memref<8x384xf32, #tpu.memory_space<vmem>>) target_semaphore(%arg25 : memref<!tpu.dma_semaphore, #tpu.memory_space<semaphore_mem>>)
        %dma_start3A_279 = arith.constant 0 : i32
        %dma_start3A_280 = tpu.memref_slice %arg5[%select_n3A, %add3A_260, %dma_start3A_279] : memref<16x384x384xf32, #tpu.memory_space<hbm>> -> memref<1x8x384xf32, #tpu.memory_space<hbm>>
        %dma_start3A_281 = tpu.memref_squeeze %dma_start3A_280 : memref<1x8x384xf32, #tpu.memory_space<hbm>> -> memref<8x384xf32, #tpu.memory_space<hbm>>
        %dma_start3A_282 = arith.constant 0 : i32
        %dma_start3A_283 = tpu.memref_slice %arg5[%select_n3A, %add3A_260, %dma_start3A_282] : memref<16x384x384xf32, #tpu.memory_space<hbm>> -> memref<1x8x384xf32, #tpu.memory_space<hbm>>
        %dma_start3A_284 = tpu.memref_squeeze %dma_start3A_283 : memref<1x8x384xf32, #tpu.memory_space<hbm>> -> memref<8x384xf32, #tpu.memory_space<hbm>>
        tpu.enqueue_dma source(%dma_start3A_284 : memref<8x384xf32, #tpu.memory_space<hbm>>) target(%arg13 : memref<8x384xf32, #tpu.memory_space<vmem>>) target_semaphore(%arg25 : memref<!tpu.dma_semaphore, #tpu.memory_space<semaphore_mem>>)
        %dma_start3A_285 = arith.constant 0 : i32
        %dma_start3A_286 = tpu.memref_slice %arg6[%select_n3A, %add3A_260, %dma_start3A_285] : memref<16x384x384xf32, #tpu.memory_space<hbm>> -> memref<1x8x384xf32, #tpu.memory_space<hbm>>
        %dma_start3A_287 = tpu.memref_squeeze %dma_start3A_286 : memref<1x8x384xf32, #tpu.memory_space<hbm>> -> memref<8x384xf32, #tpu.memory_space<hbm>>
        %dma_start3A_288 = arith.constant 0 : i32
        %dma_start3A_289 = tpu.memref_slice %arg6[%select_n3A, %add3A_260, %dma_start3A_288] : memref<16x384x384xf32, #tpu.memory_space<hbm>> -> memref<1x8x384xf32, #tpu.memory_space<hbm>>
        %dma_start3A_290 = tpu.memref_squeeze %dma_start3A_289 : memref<1x8x384xf32, #tpu.memory_space<hbm>> -> memref<8x384xf32, #tpu.memory_space<hbm>>
        tpu.enqueue_dma source(%dma_start3A_290 : memref<8x384xf32, #tpu.memory_space<hbm>>) target(%arg14 : memref<8x384xf32, #tpu.memory_space<vmem>>) target_semaphore(%arg25 : memref<!tpu.dma_semaphore, #tpu.memory_space<semaphore_mem>>)
        %dma_start3A_291 = arith.constant 0 : i32
        %dma_start3A_292 = tpu.memref_slice %arg7[%select_n3A, %add3A_260, %dma_start3A_291] : memref<16x384x384xf32, #tpu.memory_space<hbm>> -> memref<1x8x384xf32, #tpu.memory_space<hbm>>
        %dma_start3A_293 = tpu.memref_squeeze %dma_start3A_292 : memref<1x8x384xf32, #tpu.memory_space<hbm>> -> memref<8x384xf32, #tpu.memory_space<hbm>>
        %dma_start3A_294 = arith.constant 0 : i32
        %dma_start3A_295 = tpu.memref_slice %arg7[%select_n3A, %add3A_260, %dma_start3A_294] : memref<16x384x384xf32, #tpu.memory_space<hbm>> -> memref<1x8x384xf32, #tpu.memory_space<hbm>>
        %dma_start3A_296 = tpu.memref_squeeze %dma_start3A_295 : memref<1x8x384xf32, #tpu.memory_space<hbm>> -> memref<8x384xf32, #tpu.memory_space<hbm>>
        tpu.enqueue_dma source(%dma_start3A_296 : memref<8x384xf32, #tpu.memory_space<hbm>>) target(%arg15 : memref<8x384xf32, #tpu.memory_space<vmem>>) target_semaphore(%arg25 : memref<!tpu.dma_semaphore, #tpu.memory_space<semaphore_mem>>)
        %dma_start3A_297 = arith.constant 0 : i32
        %dma_start3A_298 = tpu.memref_slice %arg8[%select_n3A, %add3A_260, %dma_start3A_297] : memref<16x384x384xf32, #tpu.memory_space<hbm>> -> memref<1x8x384xf32, #tpu.memory_space<hbm>>
        %dma_start3A_299 = tpu.memref_squeeze %dma_start3A_298 : memref<1x8x384xf32, #tpu.memory_space<hbm>> -> memref<8x384xf32, #tpu.memory_space<hbm>>
        %dma_start3A_300 = arith.constant 0 : i32
        %dma_start3A_301 = tpu.memref_slice %arg8[%select_n3A, %add3A_260, %dma_start3A_300] : memref<16x384x384xf32, #tpu.memory_space<hbm>> -> memref<1x8x384xf32, #tpu.memory_space<hbm>>
        %dma_start3A_302 = tpu.memref_squeeze %dma_start3A_301 : memref<1x8x384xf32, #tpu.memory_space<hbm>> -> memref<8x384xf32, #tpu.memory_space<hbm>>
        tpu.enqueue_dma source(%dma_start3A_302 : memref<8x384xf32, #tpu.memory_space<hbm>>) target(%arg16 : memref<8x384xf32, #tpu.memory_space<vmem>>) target_semaphore(%arg25 : memref<!tpu.dma_semaphore, #tpu.memory_space<semaphore_mem>>)
      } else {
      }
      %dma_wait3A_199 = arith.constant 0 : i32
      %dma_wait3A_200 = tpu.memref_slice %arg2[%select_n3A, %mul3A_21, %dma_wait3A_199] : memref<16x384x384xf32, #tpu.memory_space<hbm>> -> memref<1x8x384xf32, #tpu.memory_space<hbm>>
      %dma_wait3A_201 = tpu.memref_squeeze %dma_wait3A_200 : memref<1x8x384xf32, #tpu.memory_space<hbm>> -> memref<8x384xf32, #tpu.memory_space<hbm>>
      %dma_wait3A_202 = arith.constant 0 : i32
      %dma_wait3A_203 = tpu.memref_slice %arg2[%select_n3A, %mul3A_21, %dma_wait3A_202] : memref<16x384x384xf32, #tpu.memory_space<hbm>> -> memref<1x8x384xf32, #tpu.memory_space<hbm>>
      %dma_wait3A_204 = tpu.memref_squeeze %dma_wait3A_203 : memref<1x8x384xf32, #tpu.memory_space<hbm>> -> memref<8x384xf32, #tpu.memory_space<hbm>>
      tpu.wait_dma2 semaphore(%arg26 : memref<!tpu.dma_semaphore, #tpu.memory_space<semaphore_mem>>) src(%dma_wait3A_204 : memref<8x384xf32, #tpu.memory_space<hbm>>) dst(%arg17 : memref<8x384xf32, #tpu.memory_space<vmem>>)
      %dma_wait3A_205 = arith.constant 0 : i32
      %dma_wait3A_206 = tpu.memref_slice %arg3[%select_n3A, %mul3A_21, %dma_wait3A_205] : memref<16x384x384xf32, #tpu.memory_space<hbm>> -> memref<1x8x384xf32, #tpu.memory_space<hbm>>
      %dma_wait3A_207 = tpu.memref_squeeze %dma_wait3A_206 : memref<1x8x384xf32, #tpu.memory_space<hbm>> -> memref<8x384xf32, #tpu.memory_space<hbm>>
      %dma_wait3A_208 = arith.constant 0 : i32
      %dma_wait3A_209 = tpu.memref_slice %arg3[%select_n3A, %mul3A_21, %dma_wait3A_208] : memref<16x384x384xf32, #tpu.memory_space<hbm>> -> memref<1x8x384xf32, #tpu.memory_space<hbm>>
      %dma_wait3A_210 = tpu.memref_squeeze %dma_wait3A_209 : memref<1x8x384xf32, #tpu.memory_space<hbm>> -> memref<8x384xf32, #tpu.memory_space<hbm>>
      tpu.wait_dma2 semaphore(%arg26 : memref<!tpu.dma_semaphore, #tpu.memory_space<semaphore_mem>>) src(%dma_wait3A_210 : memref<8x384xf32, #tpu.memory_space<hbm>>) dst(%arg18 : memref<8x384xf32, #tpu.memory_space<vmem>>)
      %dma_wait3A_211 = arith.constant 0 : i32
      %dma_wait3A_212 = tpu.memref_slice %arg4[%select_n3A, %mul3A_21, %dma_wait3A_211] : memref<16x384x384xf32, #tpu.memory_space<hbm>> -> memref<1x8x384xf32, #tpu.memory_space<hbm>>
      %dma_wait3A_213 = tpu.memref_squeeze %dma_wait3A_212 : memref<1x8x384xf32, #tpu.memory_space<hbm>> -> memref<8x384xf32, #tpu.memory_space<hbm>>
      %dma_wait3A_214 = arith.constant 0 : i32
      %dma_wait3A_215 = tpu.memref_slice %arg4[%select_n3A, %mul3A_21, %dma_wait3A_214] : memref<16x384x384xf32, #tpu.memory_space<hbm>> -> memref<1x8x384xf32, #tpu.memory_space<hbm>>
      %dma_wait3A_216 = tpu.memref_squeeze %dma_wait3A_215 : memref<1x8x384xf32, #tpu.memory_space<hbm>> -> memref<8x384xf32, #tpu.memory_space<hbm>>
      tpu.wait_dma2 semaphore(%arg26 : memref<!tpu.dma_semaphore, #tpu.memory_space<semaphore_mem>>) src(%dma_wait3A_216 : memref<8x384xf32, #tpu.memory_space<hbm>>) dst(%arg19 : memref<8x384xf32, #tpu.memory_space<vmem>>)
      %dma_wait3A_217 = arith.constant 0 : i32
      %dma_wait3A_218 = tpu.memref_slice %arg5[%select_n3A, %mul3A_21, %dma_wait3A_217] : memref<16x384x384xf32, #tpu.memory_space<hbm>> -> memref<1x8x384xf32, #tpu.memory_space<hbm>>
      %dma_wait3A_219 = tpu.memref_squeeze %dma_wait3A_218 : memref<1x8x384xf32, #tpu.memory_space<hbm>> -> memref<8x384xf32, #tpu.memory_space<hbm>>
      %dma_wait3A_220 = arith.constant 0 : i32
      %dma_wait3A_221 = tpu.memref_slice %arg5[%select_n3A, %mul3A_21, %dma_wait3A_220] : memref<16x384x384xf32, #tpu.memory_space<hbm>> -> memref<1x8x384xf32, #tpu.memory_space<hbm>>
      %dma_wait3A_222 = tpu.memref_squeeze %dma_wait3A_221 : memref<1x8x384xf32, #tpu.memory_space<hbm>> -> memref<8x384xf32, #tpu.memory_space<hbm>>
      tpu.wait_dma2 semaphore(%arg26 : memref<!tpu.dma_semaphore, #tpu.memory_space<semaphore_mem>>) src(%dma_wait3A_222 : memref<8x384xf32, #tpu.memory_space<hbm>>) dst(%arg20 : memref<8x384xf32, #tpu.memory_space<vmem>>)
      %dma_wait3A_223 = arith.constant 0 : i32
      %dma_wait3A_224 = tpu.memref_slice %arg6[%select_n3A, %mul3A_21, %dma_wait3A_223] : memref<16x384x384xf32, #tpu.memory_space<hbm>> -> memref<1x8x384xf32, #tpu.memory_space<hbm>>
      %dma_wait3A_225 = tpu.memref_squeeze %dma_wait3A_224 : memref<1x8x384xf32, #tpu.memory_space<hbm>> -> memref<8x384xf32, #tpu.memory_space<hbm>>
      %dma_wait3A_226 = arith.constant 0 : i32
      %dma_wait3A_227 = tpu.memref_slice %arg6[%select_n3A, %mul3A_21, %dma_wait3A_226] : memref<16x384x384xf32, #tpu.memory_space<hbm>> -> memref<1x8x384xf32, #tpu.memory_space<hbm>>
      %dma_wait3A_228 = tpu.memref_squeeze %dma_wait3A_227 : memref<1x8x384xf32, #tpu.memory_space<hbm>> -> memref<8x384xf32, #tpu.memory_space<hbm>>
      tpu.wait_dma2 semaphore(%arg26 : memref<!tpu.dma_semaphore, #tpu.memory_space<semaphore_mem>>) src(%dma_wait3A_228 : memref<8x384xf32, #tpu.memory_space<hbm>>) dst(%arg21 : memref<8x384xf32, #tpu.memory_space<vmem>>)
      %dma_wait3A_229 = arith.constant 0 : i32
      %dma_wait3A_230 = tpu.memref_slice %arg7[%select_n3A, %mul3A_21, %dma_wait3A_229] : memref<16x384x384xf32, #tpu.memory_space<hbm>> -> memref<1x8x384xf32, #tpu.memory_space<hbm>>
      %dma_wait3A_231 = tpu.memref_squeeze %dma_wait3A_230 : memref<1x8x384xf32, #tpu.memory_space<hbm>> -> memref<8x384xf32, #tpu.memory_space<hbm>>
      %dma_wait3A_232 = arith.constant 0 : i32
      %dma_wait3A_233 = tpu.memref_slice %arg7[%select_n3A, %mul3A_21, %dma_wait3A_232] : memref<16x384x384xf32, #tpu.memory_space<hbm>> -> memref<1x8x384xf32, #tpu.memory_space<hbm>>
      %dma_wait3A_234 = tpu.memref_squeeze %dma_wait3A_233 : memref<1x8x384xf32, #tpu.memory_space<hbm>> -> memref<8x384xf32, #tpu.memory_space<hbm>>
      tpu.wait_dma2 semaphore(%arg26 : memref<!tpu.dma_semaphore, #tpu.memory_space<semaphore_mem>>) src(%dma_wait3A_234 : memref<8x384xf32, #tpu.memory_space<hbm>>) dst(%arg22 : memref<8x384xf32, #tpu.memory_space<vmem>>)
      %dma_wait3A_235 = arith.constant 0 : i32
      %dma_wait3A_236 = tpu.memref_slice %arg8[%select_n3A, %mul3A_21, %dma_wait3A_235] : memref<16x384x384xf32, #tpu.memory_space<hbm>> -> memref<1x8x384xf32, #tpu.memory_space<hbm>>
      %dma_wait3A_237 = tpu.memref_squeeze %dma_wait3A_236 : memref<1x8x384xf32, #tpu.memory_space<hbm>> -> memref<8x384xf32, #tpu.memory_space<hbm>>
      %dma_wait3A_238 = arith.constant 0 : i32
      %dma_wait3A_239 = tpu.memref_slice %arg8[%select_n3A, %mul3A_21, %dma_wait3A_238] : memref<16x384x384xf32, #tpu.memory_space<hbm>> -> memref<1x8x384xf32, #tpu.memory_space<hbm>>
      %dma_wait3A_240 = tpu.memref_squeeze %dma_wait3A_239 : memref<1x8x384xf32, #tpu.memory_space<hbm>> -> memref<8x384xf32, #tpu.memory_space<hbm>>
      tpu.wait_dma2 semaphore(%arg26 : memref<!tpu.dma_semaphore, #tpu.memory_space<semaphore_mem>>) src(%dma_wait3A_240 : memref<8x384xf32, #tpu.memory_space<hbm>>) dst(%arg23 : memref<8x384xf32, #tpu.memory_space<vmem>>)
      %scan3A_241 = arith.constant 0 : i32
      %scan3A_242 = arith.constant 8 : i32
      %scan3A_243 = arith.addi %scan3A_241, %scan3A_242 : i32
      %scan3A_244 = arith.constant 1 : i32
      %scan3A_245:5 = scf.for %scan3A_252 = %scan3A_241 to %scan3A_243 step %scan3A_244 iter_args(%scan3A_253 = %scan3A_195#0, %scan3A_254 = %scan3A_195#1, %scan3A_255 = %scan3A_195#2, %scan3A_256 = %scan3A_195#3, %scan3A_257 = %scan3A_195#4) -> (vector<16xf32>, vector<16xf32>, vector<16xf32>, vector<16xf32>, vector<16xf32>)  : i32 {
        %get3A = arith.index_cast %scan3A_252 : i32 to index
        %get3A_258 = arith.constant 0 : index
        %get3A_259 = tpu.vector_load %arg21[%get3A, %get3A_258] {strides = array<i32>} : memref<8x384xf32, #tpu.memory_space<vmem>>, vector<1x16xf32>,
        %get3A_260 = vector.shape_cast %get3A_259 : vector<1x16xf32> to vector<16xf32>
        %ge3A = arith.constant 5.000000e-01 : f32
        %ge3A_261 = vector.broadcast %ge3A : f32 to vector<16xf32>
        %ge3A_262 = arith.cmpf oge, %get3A_260, %ge3A_261 : vector<16xf32>
        %jit3A_263 = arith.constant 0.000000e+00 : f32
        %broadcast_in_dim3A_264 = vector.broadcast %jit3A_263 : f32 to vector<16xf32>
        %select_n3A_265 = arith.select %ge3A_262, %get3A_260, %broadcast_in_dim3A_264 : vector<16xi1>, vector<16xf32>
        %get3A_266 = arith.index_cast %scan3A_252 : i32 to index
        %get3A_267 = arith.constant 0 : index
        %get3A_268 = tpu.vector_load %arg17[%get3A_266, %get3A_267] {strides = array<i32>} : memref<8x384xf32, #tpu.memory_space<vmem>>, vector<1x16xf32>,
        %get3A_269 = vector.shape_cast %get3A_268 : vector<1x16xf32> to vector<16xf32>
        %get3A_270 = arith.index_cast %scan3A_252 : i32 to index
        %get3A_271 = arith.constant 0 : index
        %get3A_272 = tpu.vector_load %arg19[%get3A_270, %get3A_271] {strides = array<i32>} : memref<8x384xf32, #tpu.memory_space<vmem>>, vector<1x16xf32>,
        %get3A_273 = vector.shape_cast %get3A_272 : vector<1x16xf32> to vector<16xf32>
        %sub3A_274 = arith.subf %get3A_269, %get3A_273 : vector<16xf32>
        %abs3A = math.absf %sub3A_274 : vector<16xf32>
        %get3A_275 = arith.index_cast %scan3A_252 : i32 to index
        %get3A_276 = arith.constant 0 : index
        %get3A_277 = tpu.vector_load %arg18[%get3A_275, %get3A_276] {strides = array<i32>} : memref<8x384xf32, #tpu.memory_space<vmem>>, vector<1x16xf32>,
        %get3A_278 = vector.shape_cast %get3A_277 : vector<1x16xf32> to vector<16xf32>
        %get3A_279 = arith.index_cast %scan3A_252 : i32 to index
        %get3A_280 = arith.constant 0 : index
        %get3A_281 = tpu.vector_load %arg20[%get3A_279, %get3A_280] {strides = array<i32>} : memref<8x384xf32, #tpu.memory_space<vmem>>, vector<1x16xf32>,
        %get3A_282 = vector.shape_cast %get3A_281 : vector<1x16xf32> to vector<16xf32>
        %sub3A_283 = arith.subf %get3A_278, %get3A_282 : vector<16xf32>
        %abs3A_284 = math.absf %sub3A_283 : vector<16xf32>
        %add3A_285 = arith.addf %abs3A, %abs3A_284 : vector<16xf32>
        %mul3A_286 = arith.mulf %add3A_285, %select_n3A_265 : vector<16xf32>
        %get3A_287 = arith.index_cast %scan3A_252 : i32 to index
        %get3A_288 = arith.constant 0 : index
        %get3A_289 = tpu.vector_load %arg22[%get3A_287, %get3A_288] {strides = array<i32>} : memref<8x384xf32, #tpu.memory_space<vmem>>, vector<1x16xf32>,
        %get3A_290 = vector.shape_cast %get3A_289 : vector<1x16xf32> to vector<16xf32>
        %get3A_291 = arith.index_cast %scan3A_252 : i32 to index
        %get3A_292 = arith.constant 0 : index
        %get3A_293 = tpu.vector_load %arg23[%get3A_291, %get3A_292] {strides = array<i32>} : memref<8x384xf32, #tpu.memory_space<vmem>>, vector<1x16xf32>,
        %get3A_294 = vector.shape_cast %get3A_293 : vector<1x16xf32> to vector<16xf32>
        %mul3A_295 = arith.mulf %mul3A_286, %get3A_294 : vector<16xf32>
        %ge3A_296 = arith.cmpf oge, %mul3A_295, %scan3A_253 : vector<16xf32>
        %gt3A = arith.cmpf ogt, %mul3A_295, %scan3A_253 : vector<16xf32>
        %max3A = arith.maximumf %scan3A_253, %mul3A_295 : vector<16xf32>
        %mul3A_297 = arith.mulf %mul3A_286, %get3A_290 : vector<16xf32>
        %add3A_298 = arith.addf %scan3A_256, %mul3A_297 : vector<16xf32>
        %mul3A_299 = arith.mulf %select_n3A_265, %get3A_290 : vector<16xf32>
        %add3A_300 = arith.addf %scan3A_257, %mul3A_299 : vector<16xf32>
        %jit3A_301 = arith.constant 0.000000e+00 : f32
        %broadcast_in_dim3A_302 = vector.broadcast %jit3A_301 : f32 to vector<16xf32>
        %select_n3A_303 = arith.select %gt3A, %broadcast_in_dim3A_302, %scan3A_254 : vector<16xi1>, vector<16xf32>
        %jit3A_304 = arith.constant 0.000000e+00 : f32
        %broadcast_in_dim3A_305 = vector.broadcast %jit3A_304 : f32 to vector<16xf32>
        %select_n3A_306 = arith.select %ge3A_296, %mul3A_295, %broadcast_in_dim3A_305 : vector<16xi1>, vector<16xf32>
        %add3A_307 = arith.addf %select_n3A_303, %select_n3A_306 : vector<16xf32>
        %jit3A_308 = arith.constant 0.000000e+00 : f32
        %broadcast_in_dim3A_309 = vector.broadcast %jit3A_308 : f32 to vector<16xf32>
        %select_n3A_310 = arith.select %gt3A, %broadcast_in_dim3A_309, %scan3A_255 : vector<16xi1>, vector<16xf32>
        %mul3A_311 = arith.mulf %select_n3A_265, %get3A_294 : vector<16xf32>
        %jit3A_312 = arith.constant 0.000000e+00 : f32
        %broadcast_in_dim3A_313 = vector.broadcast %jit3A_312 : f32 to vector<16xf32>
        %select_n3A_314 = arith.select %ge3A_296, %mul3A_311, %broadcast_in_dim3A_313 : vector<16xi1>, vector<16xf32>
        %add3A_315 = arith.addf %select_n3A_310, %select_n3A_314 : vector<16xf32>
        %get3A_316 = arith.index_cast %scan3A_252 : i32 to index
        %get3A_317 = arith.constant 16 : index
        %get3A_318 = tpu.vector_load %arg21[%get3A_316, %get3A_317] {strides = array<i32>} : memref<8x384xf32, #tpu.memory_space<vmem>>, vector<1x16xf32>,
        %get3A_319 = vector.shape_cast %get3A_318 : vector<1x16xf32> to vector<16xf32>
        %ge3A_320 = arith.constant 5.000000e-01 : f32
        %ge3A_321 = vector.broadcast %ge3A_320 : f32 to vector<16xf32>
        %ge3A_322 = arith.cmpf oge, %get3A_319, %ge3A_321 : vector<16xf32>
        %jit3A_323 = arith.constant 0.000000e+00 : f32
        %broadcast_in_dim3A_324 = vector.broadcast %jit3A_323 : f32 to vector<16xf32>
        %select_n3A_325 = arith.select %ge3A_322, %get3A_319, %broadcast_in_dim3A_324 : vector<16xi1>, vector<16xf32>
        %get3A_326 = arith.index_cast %scan3A_252 : i32 to index
        %get3A_327 = arith.constant 16 : index
        %get3A_328 = tpu.vector_load %arg17[%get3A_326, %get3A_327] {strides = array<i32>} : memref<8x384xf32, #tpu.memory_space<vmem>>, vector<1x16xf32>,
        %get3A_329 = vector.shape_cast %get3A_328 : vector<1x16xf32> to vector<16xf32>
        %get3A_330 = arith.index_cast %scan3A_252 : i32 to index
        %get3A_331 = arith.constant 16 : index
        %get3A_332 = tpu.vector_load %arg19[%get3A_330, %get3A_331] {strides = array<i32>} : memref<8x384xf32, #tpu.memory_space<vmem>>, vector<1x16xf32>,
        %get3A_333 = vector.shape_cast %get3A_332 : vector<1x16xf32> to vector<16xf32>
        %sub3A_334 = arith.subf %get3A_329, %get3A_333 : vector<16xf32>
        %abs3A_335 = math.absf %sub3A_334 : vector<16xf32>
        %get3A_336 = arith.index_cast %scan3A_252 : i32 to index
        %get3A_337 = arith.constant 16 : index
        %get3A_338 = tpu.vector_load %arg18[%get3A_336, %get3A_337] {strides = array<i32>} : memref<8x384xf32, #tpu.memory_space<vmem>>, vector<1x16xf32>,
        %get3A_339 = vector.shape_cast %get3A_338 : vector<1x16xf32> to vector<16xf32>
        %get3A_340 = arith.index_cast %scan3A_252 : i32 to index
        %get3A_341 = arith.constant 16 : index
        %get3A_342 = tpu.vector_load %arg20[%get3A_340, %get3A_341] {strides = array<i32>} : memref<8x384xf32, #tpu.memory_space<vmem>>, vector<1x16xf32>,
        %get3A_343 = vector.shape_cast %get3A_342 : vector<1x16xf32> to vector<16xf32>
        %sub3A_344 = arith.subf %get3A_339, %get3A_343 : vector<16xf32>
        %abs3A_345 = math.absf %sub3A_344 : vector<16xf32>
        %add3A_346 = arith.addf %abs3A_335, %abs3A_345 : vector<16xf32>
        %mul3A_347 = arith.mulf %add3A_346, %select_n3A_325 : vector<16xf32>
        %get3A_348 = arith.index_cast %scan3A_252 : i32 to index
        %get3A_349 = arith.constant 16 : index
        %get3A_350 = tpu.vector_load %arg22[%get3A_348, %get3A_349] {strides = array<i32>} : memref<8x384xf32, #tpu.memory_space<vmem>>, vector<1x16xf32>,
        %get3A_351 = vector.shape_cast %get3A_350 : vector<1x16xf32> to vector<16xf32>
        %get3A_352 = arith.index_cast %scan3A_252 : i32 to index
        %get3A_353 = arith.constant 16 : index
        %get3A_354 = tpu.vector_load %arg23[%get3A_352, %get3A_353] {strides = array<i32>} : memref<8x384xf32, #tpu.memory_space<vmem>>, vector<1x16xf32>,
        %get3A_355 = vector.shape_cast %get3A_354 : vector<1x16xf32> to vector<16xf32>
        %mul3A_356 = arith.mulf %mul3A_347, %get3A_355 : vector<16xf32>
        %ge3A_357 = arith.cmpf oge, %mul3A_356, %max3A : vector<16xf32>
        %gt3A_358 = arith.cmpf ogt, %mul3A_356, %max3A : vector<16xf32>
        %max3A_359 = arith.maximumf %max3A, %mul3A_356 : vector<16xf32>
        %mul3A_360 = arith.mulf %mul3A_347, %get3A_351 : vector<16xf32>
        %add3A_361 = arith.addf %add3A_298, %mul3A_360 : vector<16xf32>
        %mul3A_362 = arith.mulf %select_n3A_325, %get3A_351 : vector<16xf32>
        %add3A_363 = arith.addf %add3A_300, %mul3A_362 : vector<16xf32>
        %jit3A_364 = arith.constant 0.000000e+00 : f32
        %broadcast_in_dim3A_365 = vector.broadcast %jit3A_364 : f32 to vector<16xf32>
        %select_n3A_366 = arith.select %gt3A_358, %broadcast_in_dim3A_365, %add3A_307 : vector<16xi1>, vector<16xf32>
        %jit3A_367 = arith.constant 0.000000e+00 : f32
        %broadcast_in_dim3A_368 = vector.broadcast %jit3A_367 : f32 to vector<16xf32>
        %select_n3A_369 = arith.select %ge3A_357, %mul3A_356, %broadcast_in_dim3A_368 : vector<16xi1>, vector<16xf32>
        %add3A_370 = arith.addf %select_n3A_366, %select_n3A_369 : vector<16xf32>
        %jit3A_371 = arith.constant 0.000000e+00 : f32
        %broadcast_in_dim3A_372 = vector.broadcast %jit3A_371 : f32 to vector<16xf32>
        %select_n3A_373 = arith.select %gt3A_358, %broadcast_in_dim3A_372, %add3A_315 : vector<16xi1>, vector<16xf32>
        %mul3A_374 = arith.mulf %select_n3A_325, %get3A_355 : vector<16xf32>
        %jit3A_375 = arith.constant 0.000000e+00 : f32
        %broadcast_in_dim3A_376 = vector.broadcast %jit3A_375 : f32 to vector<16xf32>
        %select_n3A_377 = arith.select %ge3A_357, %mul3A_374, %broadcast_in_dim3A_376 : vector<16xi1>, vector<16xf32>
        %add3A_378 = arith.addf %select_n3A_373, %select_n3A_377 : vector<16xf32>
        %get3A_379 = arith.index_cast %scan3A_252 : i32 to index
        %get3A_380 = arith.constant 32 : index
        %get3A_381 = tpu.vector_load %arg21[%get3A_379, %get3A_380] {strides = array<i32>} : memref<8x384xf32, #tpu.memory_space<vmem>>, vector<1x16xf32>,
        %get3A_382 = vector.shape_cast %get3A_381 : vector<1x16xf32> to vector<16xf32>
        %ge3A_383 = arith.constant 5.000000e-01 : f32
        %ge3A_384 = vector.broadcast %ge3A_383 : f32 to vector<16xf32>
        %ge3A_385 = arith.cmpf oge, %get3A_382, %ge3A_384 : vector<16xf32>
        %jit3A_386 = arith.constant 0.000000e+00 : f32
        %broadcast_in_dim3A_387 = vector.broadcast %jit3A_386 : f32 to vector<16xf32>
        %select_n3A_388 = arith.select %ge3A_385, %get3A_382, %broadcast_in_dim3A_387 : vector<16xi1>, vector<16xf32>
        %get3A_389 = arith.index_cast %scan3A_252 : i32 to index
        %get3A_390 = arith.constant 32 : index
        %get3A_391 = tpu.vector_load %arg17[%get3A_389, %get3A_390] {strides = array<i32>} : memref<8x384xf32, #tpu.memory_space<vmem>>, vector<1x16xf32>,
        %get3A_392 = vector.shape_cast %get3A_391 : vector<1x16xf32> to vector<16xf32>
        %get3A_393 = arith.index_cast %scan3A_252 : i32 to index
        %get3A_394 = arith.constant 32 : index
        %get3A_395 = tpu.vector_load %arg19[%get3A_393, %get3A_394] {strides = array<i32>} : memref<8x384xf32, #tpu.memory_space<vmem>>, vector<1x16xf32>,
        %get3A_396 = vector.shape_cast %get3A_395 : vector<1x16xf32> to vector<16xf32>
        %sub3A_397 = arith.subf %get3A_392, %get3A_396 : vector<16xf32>
        %abs3A_398 = math.absf %sub3A_397 : vector<16xf32>
        %get3A_399 = arith.index_cast %scan3A_252 : i32 to index
        %get3A_400 = arith.constant 32 : index
        %get3A_401 = tpu.vector_load %arg18[%get3A_399, %get3A_400] {strides = array<i32>} : memref<8x384xf32, #tpu.memory_space<vmem>>, vector<1x16xf32>,
        %get3A_402 = vector.shape_cast %get3A_401 : vector<1x16xf32> to vector<16xf32>
        %get3A_403 = arith.index_cast %scan3A_252 : i32 to index
        %get3A_404 = arith.constant 32 : index
        %get3A_405 = tpu.vector_load %arg20[%get3A_403, %get3A_404] {strides = array<i32>} : memref<8x384xf32, #tpu.memory_space<vmem>>, vector<1x16xf32>,
        %get3A_406 = vector.shape_cast %get3A_405 : vector<1x16xf32> to vector<16xf32>
        %sub3A_407 = arith.subf %get3A_402, %get3A_406 : vector<16xf32>
        %abs3A_408 = math.absf %sub3A_407 : vector<16xf32>
        %add3A_409 = arith.addf %abs3A_398, %abs3A_408 : vector<16xf32>
        %mul3A_410 = arith.mulf %add3A_409, %select_n3A_388 : vector<16xf32>
        %get3A_411 = arith.index_cast %scan3A_252 : i32 to index
        %get3A_412 = arith.constant 32 : index
        %get3A_413 = tpu.vector_load %arg22[%get3A_411, %get3A_412] {strides = array<i32>} : memref<8x384xf32, #tpu.memory_space<vmem>>, vector<1x16xf32>,
        %get3A_414 = vector.shape_cast %get3A_413 : vector<1x16xf32> to vector<16xf32>
        %get3A_415 = arith.index_cast %scan3A_252 : i32 to index
        %get3A_416 = arith.constant 32 : index
        %get3A_417 = tpu.vector_load %arg23[%get3A_415, %get3A_416] {strides = array<i32>} : memref<8x384xf32, #tpu.memory_space<vmem>>, vector<1x16xf32>,
        %get3A_418 = vector.shape_cast %get3A_417 : vector<1x16xf32> to vector<16xf32>
        %mul3A_419 = arith.mulf %mul3A_410, %get3A_418 : vector<16xf32>
        %ge3A_420 = arith.cmpf oge, %mul3A_419, %max3A_359 : vector<16xf32>
        %gt3A_421 = arith.cmpf ogt, %mul3A_419, %max3A_359 : vector<16xf32>
        %max3A_422 = arith.maximumf %max3A_359, %mul3A_419 : vector<16xf32>
        %mul3A_423 = arith.mulf %mul3A_410, %get3A_414 : vector<16xf32>
        %add3A_424 = arith.addf %add3A_361, %mul3A_423 : vector<16xf32>
        %mul3A_425 = arith.mulf %select_n3A_388, %get3A_414 : vector<16xf32>
        %add3A_426 = arith.addf %add3A_363, %mul3A_425 : vector<16xf32>
        %jit3A_427 = arith.constant 0.000000e+00 : f32
        %broadcast_in_dim3A_428 = vector.broadcast %jit3A_427 : f32 to vector<16xf32>
        %select_n3A_429 = arith.select %gt3A_421, %broadcast_in_dim3A_428, %add3A_370 : vector<16xi1>, vector<16xf32>
        %jit3A_430 = arith.constant 0.000000e+00 : f32
        %broadcast_in_dim3A_431 = vector.broadcast %jit3A_430 : f32 to vector<16xf32>
        %select_n3A_432 = arith.select %ge3A_420, %mul3A_419, %broadcast_in_dim3A_431 : vector<16xi1>, vector<16xf32>
        %add3A_433 = arith.addf %select_n3A_429, %select_n3A_432 : vector<16xf32>
        %jit3A_434 = arith.constant 0.000000e+00 : f32
        %broadcast_in_dim3A_435 = vector.broadcast %jit3A_434 : f32 to vector<16xf32>
        %select_n3A_436 = arith.select %gt3A_421, %broadcast_in_dim3A_435, %add3A_378 : vector<16xi1>, vector<16xf32>
        %mul3A_437 = arith.mulf %select_n3A_388, %get3A_418 : vector<16xf32>
        %jit3A_438 = arith.constant 0.000000e+00 : f32
        %broadcast_in_dim3A_439 = vector.broadcast %jit3A_438 : f32 to vector<16xf32>
        %select_n3A_440 = arith.select %ge3A_420, %mul3A_437, %broadcast_in_dim3A_439 : vector<16xi1>, vector<16xf32>
        %add3A_441 = arith.addf %select_n3A_436, %select_n3A_440 : vector<16xf32>
        %get3A_442 = arith.index_cast %scan3A_252 : i32 to index
        %get3A_443 = arith.constant 48 : index
        %get3A_444 = tpu.vector_load %arg21[%get3A_442, %get3A_443] {strides = array<i32>} : memref<8x384xf32, #tpu.memory_space<vmem>>, vector<1x16xf32>,
        %get3A_445 = vector.shape_cast %get3A_444 : vector<1x16xf32> to vector<16xf32>
        %ge3A_446 = arith.constant 5.000000e-01 : f32
        %ge3A_447 = vector.broadcast %ge3A_446 : f32 to vector<16xf32>
        %ge3A_448 = arith.cmpf oge, %get3A_445, %ge3A_447 : vector<16xf32>
        %jit3A_449 = arith.constant 0.000000e+00 : f32
        %broadcast_in_dim3A_450 = vector.broadcast %jit3A_449 : f32 to vector<16xf32>
        %select_n3A_451 = arith.select %ge3A_448, %get3A_445, %broadcast_in_dim3A_450 : vector<16xi1>, vector<16xf32>
        %get3A_452 = arith.index_cast %scan3A_252 : i32 to index
        %get3A_453 = arith.constant 48 : index
        %get3A_454 = tpu.vector_load %arg17[%get3A_452, %get3A_453] {strides = array<i32>} : memref<8x384xf32, #tpu.memory_space<vmem>>, vector<1x16xf32>,
        %get3A_455 = vector.shape_cast %get3A_454 : vector<1x16xf32> to vector<16xf32>
        %get3A_456 = arith.index_cast %scan3A_252 : i32 to index
        %get3A_457 = arith.constant 48 : index
        %get3A_458 = tpu.vector_load %arg19[%get3A_456, %get3A_457] {strides = array<i32>} : memref<8x384xf32, #tpu.memory_space<vmem>>, vector<1x16xf32>,
        %get3A_459 = vector.shape_cast %get3A_458 : vector<1x16xf32> to vector<16xf32>
        %sub3A_460 = arith.subf %get3A_455, %get3A_459 : vector<16xf32>
        %abs3A_461 = math.absf %sub3A_460 : vector<16xf32>
        %get3A_462 = arith.index_cast %scan3A_252 : i32 to index
        %get3A_463 = arith.constant 48 : index
        %get3A_464 = tpu.vector_load %arg18[%get3A_462, %get3A_463] {strides = array<i32>} : memref<8x384xf32, #tpu.memory_space<vmem>>, vector<1x16xf32>,
        %get3A_465 = vector.shape_cast %get3A_464 : vector<1x16xf32> to vector<16xf32>
        %get3A_466 = arith.index_cast %scan3A_252 : i32 to index
        %get3A_467 = arith.constant 48 : index
        %get3A_468 = tpu.vector_load %arg20[%get3A_466, %get3A_467] {strides = array<i32>} : memref<8x384xf32, #tpu.memory_space<vmem>>, vector<1x16xf32>,
        %get3A_469 = vector.shape_cast %get3A_468 : vector<1x16xf32> to vector<16xf32>
        %sub3A_470 = arith.subf %get3A_465, %get3A_469 : vector<16xf32>
        %abs3A_471 = math.absf %sub3A_470 : vector<16xf32>
        %add3A_472 = arith.addf %abs3A_461, %abs3A_471 : vector<16xf32>
        %mul3A_473 = arith.mulf %add3A_472, %select_n3A_451 : vector<16xf32>
        %get3A_474 = arith.index_cast %scan3A_252 : i32 to index
        %get3A_475 = arith.constant 48 : index
        %get3A_476 = tpu.vector_load %arg22[%get3A_474, %get3A_475] {strides = array<i32>} : memref<8x384xf32, #tpu.memory_space<vmem>>, vector<1x16xf32>,
        %get3A_477 = vector.shape_cast %get3A_476 : vector<1x16xf32> to vector<16xf32>
        %get3A_478 = arith.index_cast %scan3A_252 : i32 to index
        %get3A_479 = arith.constant 48 : index
        %get3A_480 = tpu.vector_load %arg23[%get3A_478, %get3A_479] {strides = array<i32>} : memref<8x384xf32, #tpu.memory_space<vmem>>, vector<1x16xf32>,
        %get3A_481 = vector.shape_cast %get3A_480 : vector<1x16xf32> to vector<16xf32>
        %mul3A_482 = arith.mulf %mul3A_473, %get3A_481 : vector<16xf32>
        %ge3A_483 = arith.cmpf oge, %mul3A_482, %max3A_422 : vector<16xf32>
        %gt3A_484 = arith.cmpf ogt, %mul3A_482, %max3A_422 : vector<16xf32>
        %max3A_485 = arith.maximumf %max3A_422, %mul3A_482 : vector<16xf32>
        %mul3A_486 = arith.mulf %mul3A_473, %get3A_477 : vector<16xf32>
        %add3A_487 = arith.addf %add3A_424, %mul3A_486 : vector<16xf32>
        %mul3A_488 = arith.mulf %select_n3A_451, %get3A_477 : vector<16xf32>
        %add3A_489 = arith.addf %add3A_426, %mul3A_488 : vector<16xf32>
        %jit3A_490 = arith.constant 0.000000e+00 : f32
        %broadcast_in_dim3A_491 = vector.broadcast %jit3A_490 : f32 to vector<16xf32>
        %select_n3A_492 = arith.select %gt3A_484, %broadcast_in_dim3A_491, %add3A_433 : vector<16xi1>, vector<16xf32>
        %jit3A_493 = arith.constant 0.000000e+00 : f32
        %broadcast_in_dim3A_494 = vector.broadcast %jit3A_493 : f32 to vector<16xf32>
        %select_n3A_495 = arith.select %ge3A_483, %mul3A_482, %broadcast_in_dim3A_494 : vector<16xi1>, vector<16xf32>
        %add3A_496 = arith.addf %select_n3A_492, %select_n3A_495 : vector<16xf32>
        %jit3A_497 = arith.constant 0.000000e+00 : f32
        %broadcast_in_dim3A_498 = vector.broadcast %jit3A_497 : f32 to vector<16xf32>
        %select_n3A_499 = arith.select %gt3A_484, %broadcast_in_dim3A_498, %add3A_441 : vector<16xi1>, vector<16xf32>
        %mul3A_500 = arith.mulf %select_n3A_451, %get3A_481 : vector<16xf32>
        %jit3A_501 = arith.constant 0.000000e+00 : f32
        %broadcast_in_dim3A_502 = vector.broadcast %jit3A_501 : f32 to vector<16xf32>
        %select_n3A_503 = arith.select %ge3A_483, %mul3A_500, %broadcast_in_dim3A_502 : vector<16xi1>, vector<16xf32>
        %add3A_504 = arith.addf %select_n3A_499, %select_n3A_503 : vector<16xf32>
        %get3A_505 = arith.index_cast %scan3A_252 : i32 to index
        %get3A_506 = arith.constant 64 : index
        %get3A_507 = tpu.vector_load %arg21[%get3A_505, %get3A_506] {strides = array<i32>} : memref<8x384xf32, #tpu.memory_space<vmem>>, vector<1x16xf32>,
        %get3A_508 = vector.shape_cast %get3A_507 : vector<1x16xf32> to vector<16xf32>
        %ge3A_509 = arith.constant 5.000000e-01 : f32
        %ge3A_510 = vector.broadcast %ge3A_509 : f32 to vector<16xf32>
        %ge3A_511 = arith.cmpf oge, %get3A_508, %ge3A_510 : vector<16xf32>
        %jit3A_512 = arith.constant 0.000000e+00 : f32
        %broadcast_in_dim3A_513 = vector.broadcast %jit3A_512 : f32 to vector<16xf32>
        %select_n3A_514 = arith.select %ge3A_511, %get3A_508, %broadcast_in_dim3A_513 : vector<16xi1>, vector<16xf32>
        %get3A_515 = arith.index_cast %scan3A_252 : i32 to index
        %get3A_516 = arith.constant 64 : index
        %get3A_517 = tpu.vector_load %arg17[%get3A_515, %get3A_516] {strides = array<i32>} : memref<8x384xf32, #tpu.memory_space<vmem>>, vector<1x16xf32>,
        %get3A_518 = vector.shape_cast %get3A_517 : vector<1x16xf32> to vector<16xf32>
        %get3A_519 = arith.index_cast %scan3A_252 : i32 to index
        %get3A_520 = arith.constant 64 : index
        %get3A_521 = tpu.vector_load %arg19[%get3A_519, %get3A_520] {strides = array<i32>} : memref<8x384xf32, #tpu.memory_space<vmem>>, vector<1x16xf32>,
        %get3A_522 = vector.shape_cast %get3A_521 : vector<1x16xf32> to vector<16xf32>
        %sub3A_523 = arith.subf %get3A_518, %get3A_522 : vector<16xf32>
        %abs3A_524 = math.absf %sub3A_523 : vector<16xf32>
        %get3A_525 = arith.index_cast %scan3A_252 : i32 to index
        %get3A_526 = arith.constant 64 : index
        %get3A_527 = tpu.vector_load %arg18[%get3A_525, %get3A_526] {strides = array<i32>} : memref<8x384xf32, #tpu.memory_space<vmem>>, vector<1x16xf32>,
        %get3A_528 = vector.shape_cast %get3A_527 : vector<1x16xf32> to vector<16xf32>
        %get3A_529 = arith.index_cast %scan3A_252 : i32 to index
        %get3A_530 = arith.constant 64 : index
        %get3A_531 = tpu.vector_load %arg20[%get3A_529, %get3A_530] {strides = array<i32>} : memref<8x384xf32, #tpu.memory_space<vmem>>, vector<1x16xf32>,
        %get3A_532 = vector.shape_cast %get3A_531 : vector<1x16xf32> to vector<16xf32>
        %sub3A_533 = arith.subf %get3A_528, %get3A_532 : vector<16xf32>
        %abs3A_534 = math.absf %sub3A_533 : vector<16xf32>
        %add3A_535 = arith.addf %abs3A_524, %abs3A_534 : vector<16xf32>
        %mul3A_536 = arith.mulf %add3A_535, %select_n3A_514 : vector<16xf32>
        %get3A_537 = arith.index_cast %scan3A_252 : i32 to index
        %get3A_538 = arith.constant 64 : index
        %get3A_539 = tpu.vector_load %arg22[%get3A_537, %get3A_538] {strides = array<i32>} : memref<8x384xf32, #tpu.memory_space<vmem>>, vector<1x16xf32>,
        %get3A_540 = vector.shape_cast %get3A_539 : vector<1x16xf32> to vector<16xf32>
        %get3A_541 = arith.index_cast %scan3A_252 : i32 to index
        %get3A_542 = arith.constant 64 : index
        %get3A_543 = tpu.vector_load %arg23[%get3A_541, %get3A_542] {strides = array<i32>} : memref<8x384xf32, #tpu.memory_space<vmem>>, vector<1x16xf32>,
        %get3A_544 = vector.shape_cast %get3A_543 : vector<1x16xf32> to vector<16xf32>
        %mul3A_545 = arith.mulf %mul3A_536, %get3A_544 : vector<16xf32>
        %ge3A_546 = arith.cmpf oge, %mul3A_545, %max3A_485 : vector<16xf32>
        %gt3A_547 = arith.cmpf ogt, %mul3A_545, %max3A_485 : vector<16xf32>
        %max3A_548 = arith.maximumf %max3A_485, %mul3A_545 : vector<16xf32>
        %mul3A_549 = arith.mulf %mul3A_536, %get3A_540 : vector<16xf32>
        %add3A_550 = arith.addf %add3A_487, %mul3A_549 : vector<16xf32>
        %mul3A_551 = arith.mulf %select_n3A_514, %get3A_540 : vector<16xf32>
        %add3A_552 = arith.addf %add3A_489, %mul3A_551 : vector<16xf32>
        %jit3A_553 = arith.constant 0.000000e+00 : f32
        %broadcast_in_dim3A_554 = vector.broadcast %jit3A_553 : f32 to vector<16xf32>
        %select_n3A_555 = arith.select %gt3A_547, %broadcast_in_dim3A_554, %add3A_496 : vector<16xi1>, vector<16xf32>
        %jit3A_556 = arith.constant 0.000000e+00 : f32
        %broadcast_in_dim3A_557 = vector.broadcast %jit3A_556 : f32 to vector<16xf32>
        %select_n3A_558 = arith.select %ge3A_546, %mul3A_545, %broadcast_in_dim3A_557 : vector<16xi1>, vector<16xf32>
        %add3A_559 = arith.addf %select_n3A_555, %select_n3A_558 : vector<16xf32>
        %jit3A_560 = arith.constant 0.000000e+00 : f32
        %broadcast_in_dim3A_561 = vector.broadcast %jit3A_560 : f32 to vector<16xf32>
        %select_n3A_562 = arith.select %gt3A_547, %broadcast_in_dim3A_561, %add3A_504 : vector<16xi1>, vector<16xf32>
        %mul3A_563 = arith.mulf %select_n3A_514, %get3A_544 : vector<16xf32>
        %jit3A_564 = arith.constant 0.000000e+00 : f32
        %broadcast_in_dim3A_565 = vector.broadcast %jit3A_564 : f32 to vector<16xf32>
        %select_n3A_566 = arith.select %ge3A_546, %mul3A_563, %broadcast_in_dim3A_565 : vector<16xi1>, vector<16xf32>
        %add3A_567 = arith.addf %select_n3A_562, %select_n3A_566 : vector<16xf32>
        %get3A_568 = arith.index_cast %scan3A_252 : i32 to index
        %get3A_569 = arith.constant 80 : index
        %get3A_570 = tpu.vector_load %arg21[%get3A_568, %get3A_569] {strides = array<i32>} : memref<8x384xf32, #tpu.memory_space<vmem>>, vector<1x16xf32>,
        %get3A_571 = vector.shape_cast %get3A_570 : vector<1x16xf32> to vector<16xf32>
        %ge3A_572 = arith.constant 5.000000e-01 : f32
        %ge3A_573 = vector.broadcast %ge3A_572 : f32 to vector<16xf32>
        %ge3A_574 = arith.cmpf oge, %get3A_571, %ge3A_573 : vector<16xf32>
        %jit3A_575 = arith.constant 0.000000e+00 : f32
        %broadcast_in_dim3A_576 = vector.broadcast %jit3A_575 : f32 to vector<16xf32>
        %select_n3A_577 = arith.select %ge3A_574, %get3A_571, %broadcast_in_dim3A_576 : vector<16xi1>, vector<16xf32>
        %get3A_578 = arith.index_cast %scan3A_252 : i32 to index
        %get3A_579 = arith.constant 80 : index
        %get3A_580 = tpu.vector_load %arg17[%get3A_578, %get3A_579] {strides = array<i32>} : memref<8x384xf32, #tpu.memory_space<vmem>>, vector<1x16xf32>,
        %get3A_581 = vector.shape_cast %get3A_580 : vector<1x16xf32> to vector<16xf32>
        %get3A_582 = arith.index_cast %scan3A_252 : i32 to index
        %get3A_583 = arith.constant 80 : index
        %get3A_584 = tpu.vector_load %arg19[%get3A_582, %get3A_583] {strides = array<i32>} : memref<8x384xf32, #tpu.memory_space<vmem>>, vector<1x16xf32>,
        %get3A_585 = vector.shape_cast %get3A_584 : vector<1x16xf32> to vector<16xf32>
        %sub3A_586 = arith.subf %get3A_581, %get3A_585 : vector<16xf32>
        %abs3A_587 = math.absf %sub3A_586 : vector<16xf32>
        %get3A_588 = arith.index_cast %scan3A_252 : i32 to index
        %get3A_589 = arith.constant 80 : index
        %get3A_590 = tpu.vector_load %arg18[%get3A_588, %get3A_589] {strides = array<i32>} : memref<8x384xf32, #tpu.memory_space<vmem>>, vector<1x16xf32>,
        %get3A_591 = vector.shape_cast %get3A_590 : vector<1x16xf32> to vector<16xf32>
        %get3A_592 = arith.index_cast %scan3A_252 : i32 to index
        %get3A_593 = arith.constant 80 : index
        %get3A_594 = tpu.vector_load %arg20[%get3A_592, %get3A_593] {strides = array<i32>} : memref<8x384xf32, #tpu.memory_space<vmem>>, vector<1x16xf32>,
        %get3A_595 = vector.shape_cast %get3A_594 : vector<1x16xf32> to vector<16xf32>
        %sub3A_596 = arith.subf %get3A_591, %get3A_595 : vector<16xf32>
        %abs3A_597 = math.absf %sub3A_596 : vector<16xf32>
        %add3A_598 = arith.addf %abs3A_587, %abs3A_597 : vector<16xf32>
        %mul3A_599 = arith.mulf %add3A_598, %select_n3A_577 : vector<16xf32>
        %get3A_600 = arith.index_cast %scan3A_252 : i32 to index
        %get3A_601 = arith.constant 80 : index
        %get3A_602 = tpu.vector_load %arg22[%get3A_600, %get3A_601] {strides = array<i32>} : memref<8x384xf32, #tpu.memory_space<vmem>>, vector<1x16xf32>,
        %get3A_603 = vector.shape_cast %get3A_602 : vector<1x16xf32> to vector<16xf32>
        %get3A_604 = arith.index_cast %scan3A_252 : i32 to index
        %get3A_605 = arith.constant 80 : index
        %get3A_606 = tpu.vector_load %arg23[%get3A_604, %get3A_605] {strides = array<i32>} : memref<8x384xf32, #tpu.memory_space<vmem>>, vector<1x16xf32>,
        %get3A_607 = vector.shape_cast %get3A_606 : vector<1x16xf32> to vector<16xf32>
        %mul3A_608 = arith.mulf %mul3A_599, %get3A_607 : vector<16xf32>
        %ge3A_609 = arith.cmpf oge, %mul3A_608, %max3A_548 : vector<16xf32>
        %gt3A_610 = arith.cmpf ogt, %mul3A_608, %max3A_548 : vector<16xf32>
        %max3A_611 = arith.maximumf %max3A_548, %mul3A_608 : vector<16xf32>
        %mul3A_612 = arith.mulf %mul3A_599, %get3A_603 : vector<16xf32>
        %add3A_613 = arith.addf %add3A_550, %mul3A_612 : vector<16xf32>
        %mul3A_614 = arith.mulf %select_n3A_577, %get3A_603 : vector<16xf32>
        %add3A_615 = arith.addf %add3A_552, %mul3A_614 : vector<16xf32>
        %jit3A_616 = arith.constant 0.000000e+00 : f32
        %broadcast_in_dim3A_617 = vector.broadcast %jit3A_616 : f32 to vector<16xf32>
        %select_n3A_618 = arith.select %gt3A_610, %broadcast_in_dim3A_617, %add3A_559 : vector<16xi1>, vector<16xf32>
        %jit3A_619 = arith.constant 0.000000e+00 : f32
        %broadcast_in_dim3A_620 = vector.broadcast %jit3A_619 : f32 to vector<16xf32>
        %select_n3A_621 = arith.select %ge3A_609, %mul3A_608, %broadcast_in_dim3A_620 : vector<16xi1>, vector<16xf32>
        %add3A_622 = arith.addf %select_n3A_618, %select_n3A_621 : vector<16xf32>
        %jit3A_623 = arith.constant 0.000000e+00 : f32
        %broadcast_in_dim3A_624 = vector.broadcast %jit3A_623 : f32 to vector<16xf32>
        %select_n3A_625 = arith.select %gt3A_610, %broadcast_in_dim3A_624, %add3A_567 : vector<16xi1>, vector<16xf32>
        %mul3A_626 = arith.mulf %select_n3A_577, %get3A_607 : vector<16xf32>
        %jit3A_627 = arith.constant 0.000000e+00 : f32
        %broadcast_in_dim3A_628 = vector.broadcast %jit3A_627 : f32 to vector<16xf32>
        %select_n3A_629 = arith.select %ge3A_609, %mul3A_626, %broadcast_in_dim3A_628 : vector<16xi1>, vector<16xf32>
        %add3A_630 = arith.addf %select_n3A_625, %select_n3A_629 : vector<16xf32>
        %get3A_631 = arith.index_cast %scan3A_252 : i32 to index
        %get3A_632 = arith.constant 96 : index
        %get3A_633 = tpu.vector_load %arg21[%get3A_631, %get3A_632] {strides = array<i32>} : memref<8x384xf32, #tpu.memory_space<vmem>>, vector<1x16xf32>,
        %get3A_634 = vector.shape_cast %get3A_633 : vector<1x16xf32> to vector<16xf32>
        %ge3A_635 = arith.constant 5.000000e-01 : f32
        %ge3A_636 = vector.broadcast %ge3A_635 : f32 to vector<16xf32>
        %ge3A_637 = arith.cmpf oge, %get3A_634, %ge3A_636 : vector<16xf32>
        %jit3A_638 = arith.constant 0.000000e+00 : f32
        %broadcast_in_dim3A_639 = vector.broadcast %jit3A_638 : f32 to vector<16xf32>
        %select_n3A_640 = arith.select %ge3A_637, %get3A_634, %broadcast_in_dim3A_639 : vector<16xi1>, vector<16xf32>
        %get3A_641 = arith.index_cast %scan3A_252 : i32 to index
        %get3A_642 = arith.constant 96 : index
        %get3A_643 = tpu.vector_load %arg17[%get3A_641, %get3A_642] {strides = array<i32>} : memref<8x384xf32, #tpu.memory_space<vmem>>, vector<1x16xf32>,
        %get3A_644 = vector.shape_cast %get3A_643 : vector<1x16xf32> to vector<16xf32>
        %get3A_645 = arith.index_cast %scan3A_252 : i32 to index
        %get3A_646 = arith.constant 96 : index
        %get3A_647 = tpu.vector_load %arg19[%get3A_645, %get3A_646] {strides = array<i32>} : memref<8x384xf32, #tpu.memory_space<vmem>>, vector<1x16xf32>,
        %get3A_648 = vector.shape_cast %get3A_647 : vector<1x16xf32> to vector<16xf32>
        %sub3A_649 = arith.subf %get3A_644, %get3A_648 : vector<16xf32>
        %abs3A_650 = math.absf %sub3A_649 : vector<16xf32>
        %get3A_651 = arith.index_cast %scan3A_252 : i32 to index
        %get3A_652 = arith.constant 96 : index
        %get3A_653 = tpu.vector_load %arg18[%get3A_651, %get3A_652] {strides = array<i32>} : memref<8x384xf32, #tpu.memory_space<vmem>>, vector<1x16xf32>,
        %get3A_654 = vector.shape_cast %get3A_653 : vector<1x16xf32> to vector<16xf32>
        %get3A_655 = arith.index_cast %scan3A_252 : i32 to index
        %get3A_656 = arith.constant 96 : index
        %get3A_657 = tpu.vector_load %arg20[%get3A_655, %get3A_656] {strides = array<i32>} : memref<8x384xf32, #tpu.memory_space<vmem>>, vector<1x16xf32>,
        %get3A_658 = vector.shape_cast %get3A_657 : vector<1x16xf32> to vector<16xf32>
        %sub3A_659 = arith.subf %get3A_654, %get3A_658 : vector<16xf32>
        %abs3A_660 = math.absf %sub3A_659 : vector<16xf32>
        %add3A_661 = arith.addf %abs3A_650, %abs3A_660 : vector<16xf32>
        %mul3A_662 = arith.mulf %add3A_661, %select_n3A_640 : vector<16xf32>
        %get3A_663 = arith.index_cast %scan3A_252 : i32 to index
        %get3A_664 = arith.constant 96 : index
        %get3A_665 = tpu.vector_load %arg22[%get3A_663, %get3A_664] {strides = array<i32>} : memref<8x384xf32, #tpu.memory_space<vmem>>, vector<1x16xf32>,
        %get3A_666 = vector.shape_cast %get3A_665 : vector<1x16xf32> to vector<16xf32>
        %get3A_667 = arith.index_cast %scan3A_252 : i32 to index
        %get3A_668 = arith.constant 96 : index
        %get3A_669 = tpu.vector_load %arg23[%get3A_667, %get3A_668] {strides = array<i32>} : memref<8x384xf32, #tpu.memory_space<vmem>>, vector<1x16xf32>,
        %get3A_670 = vector.shape_cast %get3A_669 : vector<1x16xf32> to vector<16xf32>
        %mul3A_671 = arith.mulf %mul3A_662, %get3A_670 : vector<16xf32>
        %ge3A_672 = arith.cmpf oge, %mul3A_671, %max3A_611 : vector<16xf32>
        %gt3A_673 = arith.cmpf ogt, %mul3A_671, %max3A_611 : vector<16xf32>
        %max3A_674 = arith.maximumf %max3A_611, %mul3A_671 : vector<16xf32>
        %mul3A_675 = arith.mulf %mul3A_662, %get3A_666 : vector<16xf32>
        %add3A_676 = arith.addf %add3A_613, %mul3A_675 : vector<16xf32>
        %mul3A_677 = arith.mulf %select_n3A_640, %get3A_666 : vector<16xf32>
        %add3A_678 = arith.addf %add3A_615, %mul3A_677 : vector<16xf32>
        %jit3A_679 = arith.constant 0.000000e+00 : f32
        %broadcast_in_dim3A_680 = vector.broadcast %jit3A_679 : f32 to vector<16xf32>
        %select_n3A_681 = arith.select %gt3A_673, %broadcast_in_dim3A_680, %add3A_622 : vector<16xi1>, vector<16xf32>
        %jit3A_682 = arith.constant 0.000000e+00 : f32
        %broadcast_in_dim3A_683 = vector.broadcast %jit3A_682 : f32 to vector<16xf32>
        %select_n3A_684 = arith.select %ge3A_672, %mul3A_671, %broadcast_in_dim3A_683 : vector<16xi1>, vector<16xf32>
        %add3A_685 = arith.addf %select_n3A_681, %select_n3A_684 : vector<16xf32>
        %jit3A_686 = arith.constant 0.000000e+00 : f32
        %broadcast_in_dim3A_687 = vector.broadcast %jit3A_686 : f32 to vector<16xf32>
        %select_n3A_688 = arith.select %gt3A_673, %broadcast_in_dim3A_687, %add3A_630 : vector<16xi1>, vector<16xf32>
        %mul3A_689 = arith.mulf %select_n3A_640, %get3A_670 : vector<16xf32>
        %jit3A_690 = arith.constant 0.000000e+00 : f32
        %broadcast_in_dim3A_691 = vector.broadcast %jit3A_690 : f32 to vector<16xf32>
        %select_n3A_692 = arith.select %ge3A_672, %mul3A_689, %broadcast_in_dim3A_691 : vector<16xi1>, vector<16xf32>
        %add3A_693 = arith.addf %select_n3A_688, %select_n3A_692 : vector<16xf32>
        %get3A_694 = arith.index_cast %scan3A_252 : i32 to index
        %get3A_695 = arith.constant 112 : index
        %get3A_696 = tpu.vector_load %arg21[%get3A_694, %get3A_695] {strides = array<i32>} : memref<8x384xf32, #tpu.memory_space<vmem>>, vector<1x16xf32>,
        %get3A_697 = vector.shape_cast %get3A_696 : vector<1x16xf32> to vector<16xf32>
        %ge3A_698 = arith.constant 5.000000e-01 : f32
        %ge3A_699 = vector.broadcast %ge3A_698 : f32 to vector<16xf32>
        %ge3A_700 = arith.cmpf oge, %get3A_697, %ge3A_699 : vector<16xf32>
        %jit3A_701 = arith.constant 0.000000e+00 : f32
        %broadcast_in_dim3A_702 = vector.broadcast %jit3A_701 : f32 to vector<16xf32>
        %select_n3A_703 = arith.select %ge3A_700, %get3A_697, %broadcast_in_dim3A_702 : vector<16xi1>, vector<16xf32>
        %get3A_704 = arith.index_cast %scan3A_252 : i32 to index
        %get3A_705 = arith.constant 112 : index
        %get3A_706 = tpu.vector_load %arg17[%get3A_704, %get3A_705] {strides = array<i32>} : memref<8x384xf32, #tpu.memory_space<vmem>>, vector<1x16xf32>,
        %get3A_707 = vector.shape_cast %get3A_706 : vector<1x16xf32> to vector<16xf32>
        %get3A_708 = arith.index_cast %scan3A_252 : i32 to index
        %get3A_709 = arith.constant 112 : index
        %get3A_710 = tpu.vector_load %arg19[%get3A_708, %get3A_709] {strides = array<i32>} : memref<8x384xf32, #tpu.memory_space<vmem>>, vector<1x16xf32>,
        %get3A_711 = vector.shape_cast %get3A_710 : vector<1x16xf32> to vector<16xf32>
        %sub3A_712 = arith.subf %get3A_707, %get3A_711 : vector<16xf32>
        %abs3A_713 = math.absf %sub3A_712 : vector<16xf32>
        %get3A_714 = arith.index_cast %scan3A_252 : i32 to index
        %get3A_715 = arith.constant 112 : index
        %get3A_716 = tpu.vector_load %arg18[%get3A_714, %get3A_715] {strides = array<i32>} : memref<8x384xf32, #tpu.memory_space<vmem>>, vector<1x16xf32>,
        %get3A_717 = vector.shape_cast %get3A_716 : vector<1x16xf32> to vector<16xf32>
        %get3A_718 = arith.index_cast %scan3A_252 : i32 to index
        %get3A_719 = arith.constant 112 : index
        %get3A_720 = tpu.vector_load %arg20[%get3A_718, %get3A_719] {strides = array<i32>} : memref<8x384xf32, #tpu.memory_space<vmem>>, vector<1x16xf32>,
        %get3A_721 = vector.shape_cast %get3A_720 : vector<1x16xf32> to vector<16xf32>
        %sub3A_722 = arith.subf %get3A_717, %get3A_721 : vector<16xf32>
        %abs3A_723 = math.absf %sub3A_722 : vector<16xf32>
        %add3A_724 = arith.addf %abs3A_713, %abs3A_723 : vector<16xf32>
        %mul3A_725 = arith.mulf %add3A_724, %select_n3A_703 : vector<16xf32>
        %get3A_726 = arith.index_cast %scan3A_252 : i32 to index
        %get3A_727 = arith.constant 112 : index
        %get3A_728 = tpu.vector_load %arg22[%get3A_726, %get3A_727] {strides = array<i32>} : memref<8x384xf32, #tpu.memory_space<vmem>>, vector<1x16xf32>,
        %get3A_729 = vector.shape_cast %get3A_728 : vector<1x16xf32> to vector<16xf32>
        %get3A_730 = arith.index_cast %scan3A_252 : i32 to index
        %get3A_731 = arith.constant 112 : index
        %get3A_732 = tpu.vector_load %arg23[%get3A_730, %get3A_731] {strides = array<i32>} : memref<8x384xf32, #tpu.memory_space<vmem>>, vector<1x16xf32>,
        %get3A_733 = vector.shape_cast %get3A_732 : vector<1x16xf32> to vector<16xf32>
        %mul3A_734 = arith.mulf %mul3A_725, %get3A_733 : vector<16xf32>
        %ge3A_735 = arith.cmpf oge, %mul3A_734, %max3A_674 : vector<16xf32>
        %gt3A_736 = arith.cmpf ogt, %mul3A_734, %max3A_674 : vector<16xf32>
        %max3A_737 = arith.maximumf %max3A_674, %mul3A_734 : vector<16xf32>
        %mul3A_738 = arith.mulf %mul3A_725, %get3A_729 : vector<16xf32>
        %add3A_739 = arith.addf %add3A_676, %mul3A_738 : vector<16xf32>
        %mul3A_740 = arith.mulf %select_n3A_703, %get3A_729 : vector<16xf32>
        %add3A_741 = arith.addf %add3A_678, %mul3A_740 : vector<16xf32>
        %jit3A_742 = arith.constant 0.000000e+00 : f32
        %broadcast_in_dim3A_743 = vector.broadcast %jit3A_742 : f32 to vector<16xf32>
        %select_n3A_744 = arith.select %gt3A_736, %broadcast_in_dim3A_743, %add3A_685 : vector<16xi1>, vector<16xf32>
        %jit3A_745 = arith.constant 0.000000e+00 : f32
        %broadcast_in_dim3A_746 = vector.broadcast %jit3A_745 : f32 to vector<16xf32>
        %select_n3A_747 = arith.select %ge3A_735, %mul3A_734, %broadcast_in_dim3A_746 : vector<16xi1>, vector<16xf32>
        %add3A_748 = arith.addf %select_n3A_744, %select_n3A_747 : vector<16xf32>
        %jit3A_749 = arith.constant 0.000000e+00 : f32
        %broadcast_in_dim3A_750 = vector.broadcast %jit3A_749 : f32 to vector<16xf32>
        %select_n3A_751 = arith.select %gt3A_736, %broadcast_in_dim3A_750, %add3A_693 : vector<16xi1>, vector<16xf32>
        %mul3A_752 = arith.mulf %select_n3A_703, %get3A_733 : vector<16xf32>
        %jit3A_753 = arith.constant 0.000000e+00 : f32
        %broadcast_in_dim3A_754 = vector.broadcast %jit3A_753 : f32 to vector<16xf32>
        %select_n3A_755 = arith.select %ge3A_735, %mul3A_752, %broadcast_in_dim3A_754 : vector<16xi1>, vector<16xf32>
        %add3A_756 = arith.addf %select_n3A_751, %select_n3A_755 : vector<16xf32>
        %get3A_757 = arith.index_cast %scan3A_252 : i32 to index
        %get3A_758 = arith.constant 128 : index
        %get3A_759 = tpu.vector_load %arg21[%get3A_757, %get3A_758] {strides = array<i32>} : memref<8x384xf32, #tpu.memory_space<vmem>>, vector<1x16xf32>,
        %get3A_760 = vector.shape_cast %get3A_759 : vector<1x16xf32> to vector<16xf32>
        %ge3A_761 = arith.constant 5.000000e-01 : f32
        %ge3A_762 = vector.broadcast %ge3A_761 : f32 to vector<16xf32>
        %ge3A_763 = arith.cmpf oge, %get3A_760, %ge3A_762 : vector<16xf32>
        %jit3A_764 = arith.constant 0.000000e+00 : f32
        %broadcast_in_dim3A_765 = vector.broadcast %jit3A_764 : f32 to vector<16xf32>
        %select_n3A_766 = arith.select %ge3A_763, %get3A_760, %broadcast_in_dim3A_765 : vector<16xi1>, vector<16xf32>
        %get3A_767 = arith.index_cast %scan3A_252 : i32 to index
        %get3A_768 = arith.constant 128 : index
        %get3A_769 = tpu.vector_load %arg17[%get3A_767, %get3A_768] {strides = array<i32>} : memref<8x384xf32, #tpu.memory_space<vmem>>, vector<1x16xf32>,
        %get3A_770 = vector.shape_cast %get3A_769 : vector<1x16xf32> to vector<16xf32>
        %get3A_771 = arith.index_cast %scan3A_252 : i32 to index
        %get3A_772 = arith.constant 128 : index
        %get3A_773 = tpu.vector_load %arg19[%get3A_771, %get3A_772] {strides = array<i32>} : memref<8x384xf32, #tpu.memory_space<vmem>>, vector<1x16xf32>,
        %get3A_774 = vector.shape_cast %get3A_773 : vector<1x16xf32> to vector<16xf32>
        %sub3A_775 = arith.subf %get3A_770, %get3A_774 : vector<16xf32>
        %abs3A_776 = math.absf %sub3A_775 : vector<16xf32>
        %get3A_777 = arith.index_cast %scan3A_252 : i32 to index
        %get3A_778 = arith.constant 128 : index
        %get3A_779 = tpu.vector_load %arg18[%get3A_777, %get3A_778] {strides = array<i32>} : memref<8x384xf32, #tpu.memory_space<vmem>>, vector<1x16xf32>,
        %get3A_780 = vector.shape_cast %get3A_779 : vector<1x16xf32> to vector<16xf32>
        %get3A_781 = arith.index_cast %scan3A_252 : i32 to index
        %get3A_782 = arith.constant 128 : index
        %get3A_783 = tpu.vector_load %arg20[%get3A_781, %get3A_782] {strides = array<i32>} : memref<8x384xf32, #tpu.memory_space<vmem>>, vector<1x16xf32>,
        %get3A_784 = vector.shape_cast %get3A_783 : vector<1x16xf32> to vector<16xf32>
        %sub3A_785 = arith.subf %get3A_780, %get3A_784 : vector<16xf32>
        %abs3A_786 = math.absf %sub3A_785 : vector<16xf32>
        %add3A_787 = arith.addf %abs3A_776, %abs3A_786 : vector<16xf32>
        %mul3A_788 = arith.mulf %add3A_787, %select_n3A_766 : vector<16xf32>
        %get3A_789 = arith.index_cast %scan3A_252 : i32 to index
        %get3A_790 = arith.constant 128 : index
        %get3A_791 = tpu.vector_load %arg22[%get3A_789, %get3A_790] {strides = array<i32>} : memref<8x384xf32, #tpu.memory_space<vmem>>, vector<1x16xf32>,
        %get3A_792 = vector.shape_cast %get3A_791 : vector<1x16xf32> to vector<16xf32>
        %get3A_793 = arith.index_cast %scan3A_252 : i32 to index
        %get3A_794 = arith.constant 128 : index
        %get3A_795 = tpu.vector_load %arg23[%get3A_793, %get3A_794] {strides = array<i32>} : memref<8x384xf32, #tpu.memory_space<vmem>>, vector<1x16xf32>,
        %get3A_796 = vector.shape_cast %get3A_795 : vector<1x16xf32> to vector<16xf32>
        %mul3A_797 = arith.mulf %mul3A_788, %get3A_796 : vector<16xf32>
        %ge3A_798 = arith.cmpf oge, %mul3A_797, %max3A_737 : vector<16xf32>
        %gt3A_799 = arith.cmpf ogt, %mul3A_797, %max3A_737 : vector<16xf32>
        %max3A_800 = arith.maximumf %max3A_737, %mul3A_797 : vector<16xf32>
        %mul3A_801 = arith.mulf %mul3A_788, %get3A_792 : vector<16xf32>
        %add3A_802 = arith.addf %add3A_739, %mul3A_801 : vector<16xf32>
        %mul3A_803 = arith.mulf %select_n3A_766, %get3A_792 : vector<16xf32>
        %add3A_804 = arith.addf %add3A_741, %mul3A_803 : vector<16xf32>
        %jit3A_805 = arith.constant 0.000000e+00 : f32
        %broadcast_in_dim3A_806 = vector.broadcast %jit3A_805 : f32 to vector<16xf32>
        %select_n3A_807 = arith.select %gt3A_799, %broadcast_in_dim3A_806, %add3A_748 : vector<16xi1>, vector<16xf32>
        %jit3A_808 = arith.constant 0.000000e+00 : f32
        %broadcast_in_dim3A_809 = vector.broadcast %jit3A_808 : f32 to vector<16xf32>
        %select_n3A_810 = arith.select %ge3A_798, %mul3A_797, %broadcast_in_dim3A_809 : vector<16xi1>, vector<16xf32>
        %add3A_811 = arith.addf %select_n3A_807, %select_n3A_810 : vector<16xf32>
        %jit3A_812 = arith.constant 0.000000e+00 : f32
        %broadcast_in_dim3A_813 = vector.broadcast %jit3A_812 : f32 to vector<16xf32>
        %select_n3A_814 = arith.select %gt3A_799, %broadcast_in_dim3A_813, %add3A_756 : vector<16xi1>, vector<16xf32>
        %mul3A_815 = arith.mulf %select_n3A_766, %get3A_796 : vector<16xf32>
        %jit3A_816 = arith.constant 0.000000e+00 : f32
        %broadcast_in_dim3A_817 = vector.broadcast %jit3A_816 : f32 to vector<16xf32>
        %select_n3A_818 = arith.select %ge3A_798, %mul3A_815, %broadcast_in_dim3A_817 : vector<16xi1>, vector<16xf32>
        %add3A_819 = arith.addf %select_n3A_814, %select_n3A_818 : vector<16xf32>
        %get3A_820 = arith.index_cast %scan3A_252 : i32 to index
        %get3A_821 = arith.constant 144 : index
        %get3A_822 = tpu.vector_load %arg21[%get3A_820, %get3A_821] {strides = array<i32>} : memref<8x384xf32, #tpu.memory_space<vmem>>, vector<1x16xf32>,
        %get3A_823 = vector.shape_cast %get3A_822 : vector<1x16xf32> to vector<16xf32>
        %ge3A_824 = arith.constant 5.000000e-01 : f32
        %ge3A_825 = vector.broadcast %ge3A_824 : f32 to vector<16xf32>
        %ge3A_826 = arith.cmpf oge, %get3A_823, %ge3A_825 : vector<16xf32>
        %jit3A_827 = arith.constant 0.000000e+00 : f32
        %broadcast_in_dim3A_828 = vector.broadcast %jit3A_827 : f32 to vector<16xf32>
        %select_n3A_829 = arith.select %ge3A_826, %get3A_823, %broadcast_in_dim3A_828 : vector<16xi1>, vector<16xf32>
        %get3A_830 = arith.index_cast %scan3A_252 : i32 to index
        %get3A_831 = arith.constant 144 : index
        %get3A_832 = tpu.vector_load %arg17[%get3A_830, %get3A_831] {strides = array<i32>} : memref<8x384xf32, #tpu.memory_space<vmem>>, vector<1x16xf32>,
        %get3A_833 = vector.shape_cast %get3A_832 : vector<1x16xf32> to vector<16xf32>
        %get3A_834 = arith.index_cast %scan3A_252 : i32 to index
        %get3A_835 = arith.constant 144 : index
        %get3A_836 = tpu.vector_load %arg19[%get3A_834, %get3A_835] {strides = array<i32>} : memref<8x384xf32, #tpu.memory_space<vmem>>, vector<1x16xf32>,
        %get3A_837 = vector.shape_cast %get3A_836 : vector<1x16xf32> to vector<16xf32>
        %sub3A_838 = arith.subf %get3A_833, %get3A_837 : vector<16xf32>
        %abs3A_839 = math.absf %sub3A_838 : vector<16xf32>
        %get3A_840 = arith.index_cast %scan3A_252 : i32 to index
        %get3A_841 = arith.constant 144 : index
        %get3A_842 = tpu.vector_load %arg18[%get3A_840, %get3A_841] {strides = array<i32>} : memref<8x384xf32, #tpu.memory_space<vmem>>, vector<1x16xf32>,
        %get3A_843 = vector.shape_cast %get3A_842 : vector<1x16xf32> to vector<16xf32>
        %get3A_844 = arith.index_cast %scan3A_252 : i32 to index
        %get3A_845 = arith.constant 144 : index
        %get3A_846 = tpu.vector_load %arg20[%get3A_844, %get3A_845] {strides = array<i32>} : memref<8x384xf32, #tpu.memory_space<vmem>>, vector<1x16xf32>,
        %get3A_847 = vector.shape_cast %get3A_846 : vector<1x16xf32> to vector<16xf32>
        %sub3A_848 = arith.subf %get3A_843, %get3A_847 : vector<16xf32>
        %abs3A_849 = math.absf %sub3A_848 : vector<16xf32>
        %add3A_850 = arith.addf %abs3A_839, %abs3A_849 : vector<16xf32>
        %mul3A_851 = arith.mulf %add3A_850, %select_n3A_829 : vector<16xf32>
        %get3A_852 = arith.index_cast %scan3A_252 : i32 to index
        %get3A_853 = arith.constant 144 : index
        %get3A_854 = tpu.vector_load %arg22[%get3A_852, %get3A_853] {strides = array<i32>} : memref<8x384xf32, #tpu.memory_space<vmem>>, vector<1x16xf32>,
        %get3A_855 = vector.shape_cast %get3A_854 : vector<1x16xf32> to vector<16xf32>
        %get3A_856 = arith.index_cast %scan3A_252 : i32 to index
        %get3A_857 = arith.constant 144 : index
        %get3A_858 = tpu.vector_load %arg23[%get3A_856, %get3A_857] {strides = array<i32>} : memref<8x384xf32, #tpu.memory_space<vmem>>, vector<1x16xf32>,
        %get3A_859 = vector.shape_cast %get3A_858 : vector<1x16xf32> to vector<16xf32>
        %mul3A_860 = arith.mulf %mul3A_851, %get3A_859 : vector<16xf32>
        %ge3A_861 = arith.cmpf oge, %mul3A_860, %max3A_800 : vector<16xf32>
        %gt3A_862 = arith.cmpf ogt, %mul3A_860, %max3A_800 : vector<16xf32>
        %max3A_863 = arith.maximumf %max3A_800, %mul3A_860 : vector<16xf32>
        %mul3A_864 = arith.mulf %mul3A_851, %get3A_855 : vector<16xf32>
        %add3A_865 = arith.addf %add3A_802, %mul3A_864 : vector<16xf32>
        %mul3A_866 = arith.mulf %select_n3A_829, %get3A_855 : vector<16xf32>
        %add3A_867 = arith.addf %add3A_804, %mul3A_866 : vector<16xf32>
        %jit3A_868 = arith.constant 0.000000e+00 : f32
        %broadcast_in_dim3A_869 = vector.broadcast %jit3A_868 : f32 to vector<16xf32>
        %select_n3A_870 = arith.select %gt3A_862, %broadcast_in_dim3A_869, %add3A_811 : vector<16xi1>, vector<16xf32>
        %jit3A_871 = arith.constant 0.000000e+00 : f32
        %broadcast_in_dim3A_872 = vector.broadcast %jit3A_871 : f32 to vector<16xf32>
        %select_n3A_873 = arith.select %ge3A_861, %mul3A_860, %broadcast_in_dim3A_872 : vector<16xi1>, vector<16xf32>
        %add3A_874 = arith.addf %select_n3A_870, %select_n3A_873 : vector<16xf32>
        %jit3A_875 = arith.constant 0.000000e+00 : f32
        %broadcast_in_dim3A_876 = vector.broadcast %jit3A_875 : f32 to vector<16xf32>
        %select_n3A_877 = arith.select %gt3A_862, %broadcast_in_dim3A_876, %add3A_819 : vector<16xi1>, vector<16xf32>
        %mul3A_878 = arith.mulf %select_n3A_829, %get3A_859 : vector<16xf32>
        %jit3A_879 = arith.constant 0.000000e+00 : f32
        %broadcast_in_dim3A_880 = vector.broadcast %jit3A_879 : f32 to vector<16xf32>
        %select_n3A_881 = arith.select %ge3A_861, %mul3A_878, %broadcast_in_dim3A_880 : vector<16xi1>, vector<16xf32>
        %add3A_882 = arith.addf %select_n3A_877, %select_n3A_881 : vector<16xf32>
        %get3A_883 = arith.index_cast %scan3A_252 : i32 to index
        %get3A_884 = arith.constant 160 : index
        %get3A_885 = tpu.vector_load %arg21[%get3A_883, %get3A_884] {strides = array<i32>} : memref<8x384xf32, #tpu.memory_space<vmem>>, vector<1x16xf32>,
        %get3A_886 = vector.shape_cast %get3A_885 : vector<1x16xf32> to vector<16xf32>
        %ge3A_887 = arith.constant 5.000000e-01 : f32
        %ge3A_888 = vector.broadcast %ge3A_887 : f32 to vector<16xf32>
        %ge3A_889 = arith.cmpf oge, %get3A_886, %ge3A_888 : vector<16xf32>
        %jit3A_890 = arith.constant 0.000000e+00 : f32
        %broadcast_in_dim3A_891 = vector.broadcast %jit3A_890 : f32 to vector<16xf32>
        %select_n3A_892 = arith.select %ge3A_889, %get3A_886, %broadcast_in_dim3A_891 : vector<16xi1>, vector<16xf32>
        %get3A_893 = arith.index_cast %scan3A_252 : i32 to index
        %get3A_894 = arith.constant 160 : index
        %get3A_895 = tpu.vector_load %arg17[%get3A_893, %get3A_894] {strides = array<i32>} : memref<8x384xf32, #tpu.memory_space<vmem>>, vector<1x16xf32>,
        %get3A_896 = vector.shape_cast %get3A_895 : vector<1x16xf32> to vector<16xf32>
        %get3A_897 = arith.index_cast %scan3A_252 : i32 to index
        %get3A_898 = arith.constant 160 : index
        %get3A_899 = tpu.vector_load %arg19[%get3A_897, %get3A_898] {strides = array<i32>} : memref<8x384xf32, #tpu.memory_space<vmem>>, vector<1x16xf32>,
        %get3A_900 = vector.shape_cast %get3A_899 : vector<1x16xf32> to vector<16xf32>
        %sub3A_901 = arith.subf %get3A_896, %get3A_900 : vector<16xf32>
        %abs3A_902 = math.absf %sub3A_901 : vector<16xf32>
        %get3A_903 = arith.index_cast %scan3A_252 : i32 to index
        %get3A_904 = arith.constant 160 : index
        %get3A_905 = tpu.vector_load %arg18[%get3A_903, %get3A_904] {strides = array<i32>} : memref<8x384xf32, #tpu.memory_space<vmem>>, vector<1x16xf32>,
        %get3A_906 = vector.shape_cast %get3A_905 : vector<1x16xf32> to vector<16xf32>
        %get3A_907 = arith.index_cast %scan3A_252 : i32 to index
        %get3A_908 = arith.constant 160 : index
        %get3A_909 = tpu.vector_load %arg20[%get3A_907, %get3A_908] {strides = array<i32>} : memref<8x384xf32, #tpu.memory_space<vmem>>, vector<1x16xf32>,
        %get3A_910 = vector.shape_cast %get3A_909 : vector<1x16xf32> to vector<16xf32>
        %sub3A_911 = arith.subf %get3A_906, %get3A_910 : vector<16xf32>
        %abs3A_912 = math.absf %sub3A_911 : vector<16xf32>
        %add3A_913 = arith.addf %abs3A_902, %abs3A_912 : vector<16xf32>
        %mul3A_914 = arith.mulf %add3A_913, %select_n3A_892 : vector<16xf32>
        %get3A_915 = arith.index_cast %scan3A_252 : i32 to index
        %get3A_916 = arith.constant 160 : index
        %get3A_917 = tpu.vector_load %arg22[%get3A_915, %get3A_916] {strides = array<i32>} : memref<8x384xf32, #tpu.memory_space<vmem>>, vector<1x16xf32>,
        %get3A_918 = vector.shape_cast %get3A_917 : vector<1x16xf32> to vector<16xf32>
        %get3A_919 = arith.index_cast %scan3A_252 : i32 to index
        %get3A_920 = arith.constant 160 : index
        %get3A_921 = tpu.vector_load %arg23[%get3A_919, %get3A_920] {strides = array<i32>} : memref<8x384xf32, #tpu.memory_space<vmem>>, vector<1x16xf32>,
        %get3A_922 = vector.shape_cast %get3A_921 : vector<1x16xf32> to vector<16xf32>
        %mul3A_923 = arith.mulf %mul3A_914, %get3A_922 : vector<16xf32>
        %ge3A_924 = arith.cmpf oge, %mul3A_923, %max3A_863 : vector<16xf32>
        %gt3A_925 = arith.cmpf ogt, %mul3A_923, %max3A_863 : vector<16xf32>
        %max3A_926 = arith.maximumf %max3A_863, %mul3A_923 : vector<16xf32>
        %mul3A_927 = arith.mulf %mul3A_914, %get3A_918 : vector<16xf32>
        %add3A_928 = arith.addf %add3A_865, %mul3A_927 : vector<16xf32>
        %mul3A_929 = arith.mulf %select_n3A_892, %get3A_918 : vector<16xf32>
        %add3A_930 = arith.addf %add3A_867, %mul3A_929 : vector<16xf32>
        %jit3A_931 = arith.constant 0.000000e+00 : f32
        %broadcast_in_dim3A_932 = vector.broadcast %jit3A_931 : f32 to vector<16xf32>
        %select_n3A_933 = arith.select %gt3A_925, %broadcast_in_dim3A_932, %add3A_874 : vector<16xi1>, vector<16xf32>
        %jit3A_934 = arith.constant 0.000000e+00 : f32
        %broadcast_in_dim3A_935 = vector.broadcast %jit3A_934 : f32 to vector<16xf32>
        %select_n3A_936 = arith.select %ge3A_924, %mul3A_923, %broadcast_in_dim3A_935 : vector<16xi1>, vector<16xf32>
        %add3A_937 = arith.addf %select_n3A_933, %select_n3A_936 : vector<16xf32>
        %jit3A_938 = arith.constant 0.000000e+00 : f32
        %broadcast_in_dim3A_939 = vector.broadcast %jit3A_938 : f32 to vector<16xf32>
        %select_n3A_940 = arith.select %gt3A_925, %broadcast_in_dim3A_939, %add3A_882 : vector<16xi1>, vector<16xf32>
        %mul3A_941 = arith.mulf %select_n3A_892, %get3A_922 : vector<16xf32>
        %jit3A_942 = arith.constant 0.000000e+00 : f32
        %broadcast_in_dim3A_943 = vector.broadcast %jit3A_942 : f32 to vector<16xf32>
        %select_n3A_944 = arith.select %ge3A_924, %mul3A_941, %broadcast_in_dim3A_943 : vector<16xi1>, vector<16xf32>
        %add3A_945 = arith.addf %select_n3A_940, %select_n3A_944 : vector<16xf32>
        %get3A_946 = arith.index_cast %scan3A_252 : i32 to index
        %get3A_947 = arith.constant 176 : index
        %get3A_948 = tpu.vector_load %arg21[%get3A_946, %get3A_947] {strides = array<i32>} : memref<8x384xf32, #tpu.memory_space<vmem>>, vector<1x16xf32>,
        %get3A_949 = vector.shape_cast %get3A_948 : vector<1x16xf32> to vector<16xf32>
        %ge3A_950 = arith.constant 5.000000e-01 : f32
        %ge3A_951 = vector.broadcast %ge3A_950 : f32 to vector<16xf32>
        %ge3A_952 = arith.cmpf oge, %get3A_949, %ge3A_951 : vector<16xf32>
        %jit3A_953 = arith.constant 0.000000e+00 : f32
        %broadcast_in_dim3A_954 = vector.broadcast %jit3A_953 : f32 to vector<16xf32>
        %select_n3A_955 = arith.select %ge3A_952, %get3A_949, %broadcast_in_dim3A_954 : vector<16xi1>, vector<16xf32>
        %get3A_956 = arith.index_cast %scan3A_252 : i32 to index
        %get3A_957 = arith.constant 176 : index
        %get3A_958 = tpu.vector_load %arg17[%get3A_956, %get3A_957] {strides = array<i32>} : memref<8x384xf32, #tpu.memory_space<vmem>>, vector<1x16xf32>,
        %get3A_959 = vector.shape_cast %get3A_958 : vector<1x16xf32> to vector<16xf32>
        %get3A_960 = arith.index_cast %scan3A_252 : i32 to index
        %get3A_961 = arith.constant 176 : index
        %get3A_962 = tpu.vector_load %arg19[%get3A_960, %get3A_961] {strides = array<i32>} : memref<8x384xf32, #tpu.memory_space<vmem>>, vector<1x16xf32>,
        %get3A_963 = vector.shape_cast %get3A_962 : vector<1x16xf32> to vector<16xf32>
        %sub3A_964 = arith.subf %get3A_959, %get3A_963 : vector<16xf32>
        %abs3A_965 = math.absf %sub3A_964 : vector<16xf32>
        %get3A_966 = arith.index_cast %scan3A_252 : i32 to index
        %get3A_967 = arith.constant 176 : index
        %get3A_968 = tpu.vector_load %arg18[%get3A_966, %get3A_967] {strides = array<i32>} : memref<8x384xf32, #tpu.memory_space<vmem>>, vector<1x16xf32>,
        %get3A_969 = vector.shape_cast %get3A_968 : vector<1x16xf32> to vector<16xf32>
        %get3A_970 = arith.index_cast %scan3A_252 : i32 to index
        %get3A_971 = arith.constant 176 : index
        %get3A_972 = tpu.vector_load %arg20[%get3A_970, %get3A_971] {strides = array<i32>} : memref<8x384xf32, #tpu.memory_space<vmem>>, vector<1x16xf32>,
        %get3A_973 = vector.shape_cast %get3A_972 : vector<1x16xf32> to vector<16xf32>
        %sub3A_974 = arith.subf %get3A_969, %get3A_973 : vector<16xf32>
        %abs3A_975 = math.absf %sub3A_974 : vector<16xf32>
        %add3A_976 = arith.addf %abs3A_965, %abs3A_975 : vector<16xf32>
        %mul3A_977 = arith.mulf %add3A_976, %select_n3A_955 : vector<16xf32>
        %get3A_978 = arith.index_cast %scan3A_252 : i32 to index
        %get3A_979 = arith.constant 176 : index
        %get3A_980 = tpu.vector_load %arg22[%get3A_978, %get3A_979] {strides = array<i32>} : memref<8x384xf32, #tpu.memory_space<vmem>>, vector<1x16xf32>,
        %get3A_981 = vector.shape_cast %get3A_980 : vector<1x16xf32> to vector<16xf32>
        %get3A_982 = arith.index_cast %scan3A_252 : i32 to index
        %get3A_983 = arith.constant 176 : index
        %get3A_984 = tpu.vector_load %arg23[%get3A_982, %get3A_983] {strides = array<i32>} : memref<8x384xf32, #tpu.memory_space<vmem>>, vector<1x16xf32>,
        %get3A_985 = vector.shape_cast %get3A_984 : vector<1x16xf32> to vector<16xf32>
        %mul3A_986 = arith.mulf %mul3A_977, %get3A_985 : vector<16xf32>
        %ge3A_987 = arith.cmpf oge, %mul3A_986, %max3A_926 : vector<16xf32>
        %gt3A_988 = arith.cmpf ogt, %mul3A_986, %max3A_926 : vector<16xf32>
        %max3A_989 = arith.maximumf %max3A_926, %mul3A_986 : vector<16xf32>
        %mul3A_990 = arith.mulf %mul3A_977, %get3A_981 : vector<16xf32>
        %add3A_991 = arith.addf %add3A_928, %mul3A_990 : vector<16xf32>
        %mul3A_992 = arith.mulf %select_n3A_955, %get3A_981 : vector<16xf32>
        %add3A_993 = arith.addf %add3A_930, %mul3A_992 : vector<16xf32>
        %jit3A_994 = arith.constant 0.000000e+00 : f32
        %broadcast_in_dim3A_995 = vector.broadcast %jit3A_994 : f32 to vector<16xf32>
        %select_n3A_996 = arith.select %gt3A_988, %broadcast_in_dim3A_995, %add3A_937 : vector<16xi1>, vector<16xf32>
        %jit3A_997 = arith.constant 0.000000e+00 : f32
        %broadcast_in_dim3A_998 = vector.broadcast %jit3A_997 : f32 to vector<16xf32>
        %select_n3A_999 = arith.select %ge3A_987, %mul3A_986, %broadcast_in_dim3A_998 : vector<16xi1>, vector<16xf32>
        %add3A_1000 = arith.addf %select_n3A_996, %select_n3A_999 : vector<16xf32>
        %jit3A_1001 = arith.constant 0.000000e+00 : f32
        %broadcast_in_dim3A_1002 = vector.broadcast %jit3A_1001 : f32 to vector<16xf32>
        %select_n3A_1003 = arith.select %gt3A_988, %broadcast_in_dim3A_1002, %add3A_945 : vector<16xi1>, vector<16xf32>
        %mul3A_1004 = arith.mulf %select_n3A_955, %get3A_985 : vector<16xf32>
        %jit3A_1005 = arith.constant 0.000000e+00 : f32
        %broadcast_in_dim3A_1006 = vector.broadcast %jit3A_1005 : f32 to vector<16xf32>
        %select_n3A_1007 = arith.select %ge3A_987, %mul3A_1004, %broadcast_in_dim3A_1006 : vector<16xi1>, vector<16xf32>
        %add3A_1008 = arith.addf %select_n3A_1003, %select_n3A_1007 : vector<16xf32>
        %get3A_1009 = arith.index_cast %scan3A_252 : i32 to index
        %get3A_1010 = arith.constant 192 : index
        %get3A_1011 = tpu.vector_load %arg21[%get3A_1009, %get3A_1010] {strides = array<i32>} : memref<8x384xf32, #tpu.memory_space<vmem>>, vector<1x16xf32>,
        %get3A_1012 = vector.shape_cast %get3A_1011 : vector<1x16xf32> to vector<16xf32>
        %ge3A_1013 = arith.constant 5.000000e-01 : f32
        %ge3A_1014 = vector.broadcast %ge3A_1013 : f32 to vector<16xf32>
        %ge3A_1015 = arith.cmpf oge, %get3A_1012, %ge3A_1014 : vector<16xf32>
        %jit3A_1016 = arith.constant 0.000000e+00 : f32
        %broadcast_in_dim3A_1017 = vector.broadcast %jit3A_1016 : f32 to vector<16xf32>
        %select_n3A_1018 = arith.select %ge3A_1015, %get3A_1012, %broadcast_in_dim3A_1017 : vector<16xi1>, vector<16xf32>
        %get3A_1019 = arith.index_cast %scan3A_252 : i32 to index
        %get3A_1020 = arith.constant 192 : index
        %get3A_1021 = tpu.vector_load %arg17[%get3A_1019, %get3A_1020] {strides = array<i32>} : memref<8x384xf32, #tpu.memory_space<vmem>>, vector<1x16xf32>,
        %get3A_1022 = vector.shape_cast %get3A_1021 : vector<1x16xf32> to vector<16xf32>
        %get3A_1023 = arith.index_cast %scan3A_252 : i32 to index
        %get3A_1024 = arith.constant 192 : index
        %get3A_1025 = tpu.vector_load %arg19[%get3A_1023, %get3A_1024] {strides = array<i32>} : memref<8x384xf32, #tpu.memory_space<vmem>>, vector<1x16xf32>,
        %get3A_1026 = vector.shape_cast %get3A_1025 : vector<1x16xf32> to vector<16xf32>
        %sub3A_1027 = arith.subf %get3A_1022, %get3A_1026 : vector<16xf32>
        %abs3A_1028 = math.absf %sub3A_1027 : vector<16xf32>
        %get3A_1029 = arith.index_cast %scan3A_252 : i32 to index
        %get3A_1030 = arith.constant 192 : index
        %get3A_1031 = tpu.vector_load %arg18[%get3A_1029, %get3A_1030] {strides = array<i32>} : memref<8x384xf32, #tpu.memory_space<vmem>>, vector<1x16xf32>,
        %get3A_1032 = vector.shape_cast %get3A_1031 : vector<1x16xf32> to vector<16xf32>
        %get3A_1033 = arith.index_cast %scan3A_252 : i32 to index
        %get3A_1034 = arith.constant 192 : index
        %get3A_1035 = tpu.vector_load %arg20[%get3A_1033, %get3A_1034] {strides = array<i32>} : memref<8x384xf32, #tpu.memory_space<vmem>>, vector<1x16xf32>,
        %get3A_1036 = vector.shape_cast %get3A_1035 : vector<1x16xf32> to vector<16xf32>
        %sub3A_1037 = arith.subf %get3A_1032, %get3A_1036 : vector<16xf32>
        %abs3A_1038 = math.absf %sub3A_1037 : vector<16xf32>
        %add3A_1039 = arith.addf %abs3A_1028, %abs3A_1038 : vector<16xf32>
        %mul3A_1040 = arith.mulf %add3A_1039, %select_n3A_1018 : vector<16xf32>
        %get3A_1041 = arith.index_cast %scan3A_252 : i32 to index
        %get3A_1042 = arith.constant 192 : index
        %get3A_1043 = tpu.vector_load %arg22[%get3A_1041, %get3A_1042] {strides = array<i32>} : memref<8x384xf32, #tpu.memory_space<vmem>>, vector<1x16xf32>,
        %get3A_1044 = vector.shape_cast %get3A_1043 : vector<1x16xf32> to vector<16xf32>
        %get3A_1045 = arith.index_cast %scan3A_252 : i32 to index
        %get3A_1046 = arith.constant 192 : index
        %get3A_1047 = tpu.vector_load %arg23[%get3A_1045, %get3A_1046] {strides = array<i32>} : memref<8x384xf32, #tpu.memory_space<vmem>>, vector<1x16xf32>,
        %get3A_1048 = vector.shape_cast %get3A_1047 : vector<1x16xf32> to vector<16xf32>
        %mul3A_1049 = arith.mulf %mul3A_1040, %get3A_1048 : vector<16xf32>
        %ge3A_1050 = arith.cmpf oge, %mul3A_1049, %max3A_989 : vector<16xf32>
        %gt3A_1051 = arith.cmpf ogt, %mul3A_1049, %max3A_989 : vector<16xf32>
        %max3A_1052 = arith.maximumf %max3A_989, %mul3A_1049 : vector<16xf32>
        %mul3A_1053 = arith.mulf %mul3A_1040, %get3A_1044 : vector<16xf32>
        %add3A_1054 = arith.addf %add3A_991, %mul3A_1053 : vector<16xf32>
        %mul3A_1055 = arith.mulf %select_n3A_1018, %get3A_1044 : vector<16xf32>
        %add3A_1056 = arith.addf %add3A_993, %mul3A_1055 : vector<16xf32>
        %jit3A_1057 = arith.constant 0.000000e+00 : f32
        %broadcast_in_dim3A_1058 = vector.broadcast %jit3A_1057 : f32 to vector<16xf32>
        %select_n3A_1059 = arith.select %gt3A_1051, %broadcast_in_dim3A_1058, %add3A_1000 : vector<16xi1>, vector<16xf32>
        %jit3A_1060 = arith.constant 0.000000e+00 : f32
        %broadcast_in_dim3A_1061 = vector.broadcast %jit3A_1060 : f32 to vector<16xf32>
        %select_n3A_1062 = arith.select %ge3A_1050, %mul3A_1049, %broadcast_in_dim3A_1061 : vector<16xi1>, vector<16xf32>
        %add3A_1063 = arith.addf %select_n3A_1059, %select_n3A_1062 : vector<16xf32>
        %jit3A_1064 = arith.constant 0.000000e+00 : f32
        %broadcast_in_dim3A_1065 = vector.broadcast %jit3A_1064 : f32 to vector<16xf32>
        %select_n3A_1066 = arith.select %gt3A_1051, %broadcast_in_dim3A_1065, %add3A_1008 : vector<16xi1>, vector<16xf32>
        %mul3A_1067 = arith.mulf %select_n3A_1018, %get3A_1048 : vector<16xf32>
        %jit3A_1068 = arith.constant 0.000000e+00 : f32
        %broadcast_in_dim3A_1069 = vector.broadcast %jit3A_1068 : f32 to vector<16xf32>
        %select_n3A_1070 = arith.select %ge3A_1050, %mul3A_1067, %broadcast_in_dim3A_1069 : vector<16xi1>, vector<16xf32>
        %add3A_1071 = arith.addf %select_n3A_1066, %select_n3A_1070 : vector<16xf32>
        %get3A_1072 = arith.index_cast %scan3A_252 : i32 to index
        %get3A_1073 = arith.constant 208 : index
        %get3A_1074 = tpu.vector_load %arg21[%get3A_1072, %get3A_1073] {strides = array<i32>} : memref<8x384xf32, #tpu.memory_space<vmem>>, vector<1x16xf32>,
        %get3A_1075 = vector.shape_cast %get3A_1074 : vector<1x16xf32> to vector<16xf32>
        %ge3A_1076 = arith.constant 5.000000e-01 : f32
        %ge3A_1077 = vector.broadcast %ge3A_1076 : f32 to vector<16xf32>
        %ge3A_1078 = arith.cmpf oge, %get3A_1075, %ge3A_1077 : vector<16xf32>
        %jit3A_1079 = arith.constant 0.000000e+00 : f32
        %broadcast_in_dim3A_1080 = vector.broadcast %jit3A_1079 : f32 to vector<16xf32>
        %select_n3A_1081 = arith.select %ge3A_1078, %get3A_1075, %broadcast_in_dim3A_1080 : vector<16xi1>, vector<16xf32>
        %get3A_1082 = arith.index_cast %scan3A_252 : i32 to index
        %get3A_1083 = arith.constant 208 : index
        %get3A_1084 = tpu.vector_load %arg17[%get3A_1082, %get3A_1083] {strides = array<i32>} : memref<8x384xf32, #tpu.memory_space<vmem>>, vector<1x16xf32>,
        %get3A_1085 = vector.shape_cast %get3A_1084 : vector<1x16xf32> to vector<16xf32>
        %get3A_1086 = arith.index_cast %scan3A_252 : i32 to index
        %get3A_1087 = arith.constant 208 : index
        %get3A_1088 = tpu.vector_load %arg19[%get3A_1086, %get3A_1087] {strides = array<i32>} : memref<8x384xf32, #tpu.memory_space<vmem>>, vector<1x16xf32>,
        %get3A_1089 = vector.shape_cast %get3A_1088 : vector<1x16xf32> to vector<16xf32>
        %sub3A_1090 = arith.subf %get3A_1085, %get3A_1089 : vector<16xf32>
        %abs3A_1091 = math.absf %sub3A_1090 : vector<16xf32>
        %get3A_1092 = arith.index_cast %scan3A_252 : i32 to index
        %get3A_1093 = arith.constant 208 : index
        %get3A_1094 = tpu.vector_load %arg18[%get3A_1092, %get3A_1093] {strides = array<i32>} : memref<8x384xf32, #tpu.memory_space<vmem>>, vector<1x16xf32>,
        %get3A_1095 = vector.shape_cast %get3A_1094 : vector<1x16xf32> to vector<16xf32>
        %get3A_1096 = arith.index_cast %scan3A_252 : i32 to index
        %get3A_1097 = arith.constant 208 : index
        %get3A_1098 = tpu.vector_load %arg20[%get3A_1096, %get3A_1097] {strides = array<i32>} : memref<8x384xf32, #tpu.memory_space<vmem>>, vector<1x16xf32>,
        %get3A_1099 = vector.shape_cast %get3A_1098 : vector<1x16xf32> to vector<16xf32>
        %sub3A_1100 = arith.subf %get3A_1095, %get3A_1099 : vector<16xf32>
        %abs3A_1101 = math.absf %sub3A_1100 : vector<16xf32>
        %add3A_1102 = arith.addf %abs3A_1091, %abs3A_1101 : vector<16xf32>
        %mul3A_1103 = arith.mulf %add3A_1102, %select_n3A_1081 : vector<16xf32>
        %get3A_1104 = arith.index_cast %scan3A_252 : i32 to index
        %get3A_1105 = arith.constant 208 : index
        %get3A_1106 = tpu.vector_load %arg22[%get3A_1104, %get3A_1105] {strides = array<i32>} : memref<8x384xf32, #tpu.memory_space<vmem>>, vector<1x16xf32>,
        %get3A_1107 = vector.shape_cast %get3A_1106 : vector<1x16xf32> to vector<16xf32>
        %get3A_1108 = arith.index_cast %scan3A_252 : i32 to index
        %get3A_1109 = arith.constant 208 : index
        %get3A_1110 = tpu.vector_load %arg23[%get3A_1108, %get3A_1109] {strides = array<i32>} : memref<8x384xf32, #tpu.memory_space<vmem>>, vector<1x16xf32>,
        %get3A_1111 = vector.shape_cast %get3A_1110 : vector<1x16xf32> to vector<16xf32>
        %mul3A_1112 = arith.mulf %mul3A_1103, %get3A_1111 : vector<16xf32>
        %ge3A_1113 = arith.cmpf oge, %mul3A_1112, %max3A_1052 : vector<16xf32>
        %gt3A_1114 = arith.cmpf ogt, %mul3A_1112, %max3A_1052 : vector<16xf32>
        %max3A_1115 = arith.maximumf %max3A_1052, %mul3A_1112 : vector<16xf32>
        %mul3A_1116 = arith.mulf %mul3A_1103, %get3A_1107 : vector<16xf32>
        %add3A_1117 = arith.addf %add3A_1054, %mul3A_1116 : vector<16xf32>
        %mul3A_1118 = arith.mulf %select_n3A_1081, %get3A_1107 : vector<16xf32>
        %add3A_1119 = arith.addf %add3A_1056, %mul3A_1118 : vector<16xf32>
        %jit3A_1120 = arith.constant 0.000000e+00 : f32
        %broadcast_in_dim3A_1121 = vector.broadcast %jit3A_1120 : f32 to vector<16xf32>
        %select_n3A_1122 = arith.select %gt3A_1114, %broadcast_in_dim3A_1121, %add3A_1063 : vector<16xi1>, vector<16xf32>
        %jit3A_1123 = arith.constant 0.000000e+00 : f32
        %broadcast_in_dim3A_1124 = vector.broadcast %jit3A_1123 : f32 to vector<16xf32>
        %select_n3A_1125 = arith.select %ge3A_1113, %mul3A_1112, %broadcast_in_dim3A_1124 : vector<16xi1>, vector<16xf32>
        %add3A_1126 = arith.addf %select_n3A_1122, %select_n3A_1125 : vector<16xf32>
        %jit3A_1127 = arith.constant 0.000000e+00 : f32
        %broadcast_in_dim3A_1128 = vector.broadcast %jit3A_1127 : f32 to vector<16xf32>
        %select_n3A_1129 = arith.select %gt3A_1114, %broadcast_in_dim3A_1128, %add3A_1071 : vector<16xi1>, vector<16xf32>
        %mul3A_1130 = arith.mulf %select_n3A_1081, %get3A_1111 : vector<16xf32>
        %jit3A_1131 = arith.constant 0.000000e+00 : f32
        %broadcast_in_dim3A_1132 = vector.broadcast %jit3A_1131 : f32 to vector<16xf32>
        %select_n3A_1133 = arith.select %ge3A_1113, %mul3A_1130, %broadcast_in_dim3A_1132 : vector<16xi1>, vector<16xf32>
        %add3A_1134 = arith.addf %select_n3A_1129, %select_n3A_1133 : vector<16xf32>
        %get3A_1135 = arith.index_cast %scan3A_252 : i32 to index
        %get3A_1136 = arith.constant 224 : index
        %get3A_1137 = tpu.vector_load %arg21[%get3A_1135, %get3A_1136] {strides = array<i32>} : memref<8x384xf32, #tpu.memory_space<vmem>>, vector<1x16xf32>,
        %get3A_1138 = vector.shape_cast %get3A_1137 : vector<1x16xf32> to vector<16xf32>
        %ge3A_1139 = arith.constant 5.000000e-01 : f32
        %ge3A_1140 = vector.broadcast %ge3A_1139 : f32 to vector<16xf32>
        %ge3A_1141 = arith.cmpf oge, %get3A_1138, %ge3A_1140 : vector<16xf32>
        %jit3A_1142 = arith.constant 0.000000e+00 : f32
        %broadcast_in_dim3A_1143 = vector.broadcast %jit3A_1142 : f32 to vector<16xf32>
        %select_n3A_1144 = arith.select %ge3A_1141, %get3A_1138, %broadcast_in_dim3A_1143 : vector<16xi1>, vector<16xf32>
        %get3A_1145 = arith.index_cast %scan3A_252 : i32 to index
        %get3A_1146 = arith.constant 224 : index
        %get3A_1147 = tpu.vector_load %arg17[%get3A_1145, %get3A_1146] {strides = array<i32>} : memref<8x384xf32, #tpu.memory_space<vmem>>, vector<1x16xf32>,
        %get3A_1148 = vector.shape_cast %get3A_1147 : vector<1x16xf32> to vector<16xf32>
        %get3A_1149 = arith.index_cast %scan3A_252 : i32 to index
        %get3A_1150 = arith.constant 224 : index
        %get3A_1151 = tpu.vector_load %arg19[%get3A_1149, %get3A_1150] {strides = array<i32>} : memref<8x384xf32, #tpu.memory_space<vmem>>, vector<1x16xf32>,
        %get3A_1152 = vector.shape_cast %get3A_1151 : vector<1x16xf32> to vector<16xf32>
        %sub3A_1153 = arith.subf %get3A_1148, %get3A_1152 : vector<16xf32>
        %abs3A_1154 = math.absf %sub3A_1153 : vector<16xf32>
        %get3A_1155 = arith.index_cast %scan3A_252 : i32 to index
        %get3A_1156 = arith.constant 224 : index
        %get3A_1157 = tpu.vector_load %arg18[%get3A_1155, %get3A_1156] {strides = array<i32>} : memref<8x384xf32, #tpu.memory_space<vmem>>, vector<1x16xf32>,
        %get3A_1158 = vector.shape_cast %get3A_1157 : vector<1x16xf32> to vector<16xf32>
        %get3A_1159 = arith.index_cast %scan3A_252 : i32 to index
        %get3A_1160 = arith.constant 224 : index
        %get3A_1161 = tpu.vector_load %arg20[%get3A_1159, %get3A_1160] {strides = array<i32>} : memref<8x384xf32, #tpu.memory_space<vmem>>, vector<1x16xf32>,
        %get3A_1162 = vector.shape_cast %get3A_1161 : vector<1x16xf32> to vector<16xf32>
        %sub3A_1163 = arith.subf %get3A_1158, %get3A_1162 : vector<16xf32>
        %abs3A_1164 = math.absf %sub3A_1163 : vector<16xf32>
        %add3A_1165 = arith.addf %abs3A_1154, %abs3A_1164 : vector<16xf32>
        %mul3A_1166 = arith.mulf %add3A_1165, %select_n3A_1144 : vector<16xf32>
        %get3A_1167 = arith.index_cast %scan3A_252 : i32 to index
        %get3A_1168 = arith.constant 224 : index
        %get3A_1169 = tpu.vector_load %arg22[%get3A_1167, %get3A_1168] {strides = array<i32>} : memref<8x384xf32, #tpu.memory_space<vmem>>, vector<1x16xf32>,
        %get3A_1170 = vector.shape_cast %get3A_1169 : vector<1x16xf32> to vector<16xf32>
        %get3A_1171 = arith.index_cast %scan3A_252 : i32 to index
        %get3A_1172 = arith.constant 224 : index
        %get3A_1173 = tpu.vector_load %arg23[%get3A_1171, %get3A_1172] {strides = array<i32>} : memref<8x384xf32, #tpu.memory_space<vmem>>, vector<1x16xf32>,
        %get3A_1174 = vector.shape_cast %get3A_1173 : vector<1x16xf32> to vector<16xf32>
        %mul3A_1175 = arith.mulf %mul3A_1166, %get3A_1174 : vector<16xf32>
        %ge3A_1176 = arith.cmpf oge, %mul3A_1175, %max3A_1115 : vector<16xf32>
        %gt3A_1177 = arith.cmpf ogt, %mul3A_1175, %max3A_1115 : vector<16xf32>
        %max3A_1178 = arith.maximumf %max3A_1115, %mul3A_1175 : vector<16xf32>
        %mul3A_1179 = arith.mulf %mul3A_1166, %get3A_1170 : vector<16xf32>
        %add3A_1180 = arith.addf %add3A_1117, %mul3A_1179 : vector<16xf32>
        %mul3A_1181 = arith.mulf %select_n3A_1144, %get3A_1170 : vector<16xf32>
        %add3A_1182 = arith.addf %add3A_1119, %mul3A_1181 : vector<16xf32>
        %jit3A_1183 = arith.constant 0.000000e+00 : f32
        %broadcast_in_dim3A_1184 = vector.broadcast %jit3A_1183 : f32 to vector<16xf32>
        %select_n3A_1185 = arith.select %gt3A_1177, %broadcast_in_dim3A_1184, %add3A_1126 : vector<16xi1>, vector<16xf32>
        %jit3A_1186 = arith.constant 0.000000e+00 : f32
        %broadcast_in_dim3A_1187 = vector.broadcast %jit3A_1186 : f32 to vector<16xf32>
        %select_n3A_1188 = arith.select %ge3A_1176, %mul3A_1175, %broadcast_in_dim3A_1187 : vector<16xi1>, vector<16xf32>
        %add3A_1189 = arith.addf %select_n3A_1185, %select_n3A_1188 : vector<16xf32>
        %jit3A_1190 = arith.constant 0.000000e+00 : f32
        %broadcast_in_dim3A_1191 = vector.broadcast %jit3A_1190 : f32 to vector<16xf32>
        %select_n3A_1192 = arith.select %gt3A_1177, %broadcast_in_dim3A_1191, %add3A_1134 : vector<16xi1>, vector<16xf32>
        %mul3A_1193 = arith.mulf %select_n3A_1144, %get3A_1174 : vector<16xf32>
        %jit3A_1194 = arith.constant 0.000000e+00 : f32
        %broadcast_in_dim3A_1195 = vector.broadcast %jit3A_1194 : f32 to vector<16xf32>
        %select_n3A_1196 = arith.select %ge3A_1176, %mul3A_1193, %broadcast_in_dim3A_1195 : vector<16xi1>, vector<16xf32>
        %add3A_1197 = arith.addf %select_n3A_1192, %select_n3A_1196 : vector<16xf32>
        %get3A_1198 = arith.index_cast %scan3A_252 : i32 to index
        %get3A_1199 = arith.constant 240 : index
        %get3A_1200 = tpu.vector_load %arg21[%get3A_1198, %get3A_1199] {strides = array<i32>} : memref<8x384xf32, #tpu.memory_space<vmem>>, vector<1x16xf32>,
        %get3A_1201 = vector.shape_cast %get3A_1200 : vector<1x16xf32> to vector<16xf32>
        %ge3A_1202 = arith.constant 5.000000e-01 : f32
        %ge3A_1203 = vector.broadcast %ge3A_1202 : f32 to vector<16xf32>
        %ge3A_1204 = arith.cmpf oge, %get3A_1201, %ge3A_1203 : vector<16xf32>
        %jit3A_1205 = arith.constant 0.000000e+00 : f32
        %broadcast_in_dim3A_1206 = vector.broadcast %jit3A_1205 : f32 to vector<16xf32>
        %select_n3A_1207 = arith.select %ge3A_1204, %get3A_1201, %broadcast_in_dim3A_1206 : vector<16xi1>, vector<16xf32>
        %get3A_1208 = arith.index_cast %scan3A_252 : i32 to index
        %get3A_1209 = arith.constant 240 : index
        %get3A_1210 = tpu.vector_load %arg17[%get3A_1208, %get3A_1209] {strides = array<i32>} : memref<8x384xf32, #tpu.memory_space<vmem>>, vector<1x16xf32>,
        %get3A_1211 = vector.shape_cast %get3A_1210 : vector<1x16xf32> to vector<16xf32>
        %get3A_1212 = arith.index_cast %scan3A_252 : i32 to index
        %get3A_1213 = arith.constant 240 : index
        %get3A_1214 = tpu.vector_load %arg19[%get3A_1212, %get3A_1213] {strides = array<i32>} : memref<8x384xf32, #tpu.memory_space<vmem>>, vector<1x16xf32>,
        %get3A_1215 = vector.shape_cast %get3A_1214 : vector<1x16xf32> to vector<16xf32>
        %sub3A_1216 = arith.subf %get3A_1211, %get3A_1215 : vector<16xf32>
        %abs3A_1217 = math.absf %sub3A_1216 : vector<16xf32>
        %get3A_1218 = arith.index_cast %scan3A_252 : i32 to index
        %get3A_1219 = arith.constant 240 : index
        %get3A_1220 = tpu.vector_load %arg18[%get3A_1218, %get3A_1219] {strides = array<i32>} : memref<8x384xf32, #tpu.memory_space<vmem>>, vector<1x16xf32>,
        %get3A_1221 = vector.shape_cast %get3A_1220 : vector<1x16xf32> to vector<16xf32>
        %get3A_1222 = arith.index_cast %scan3A_252 : i32 to index
        %get3A_1223 = arith.constant 240 : index
        %get3A_1224 = tpu.vector_load %arg20[%get3A_1222, %get3A_1223] {strides = array<i32>} : memref<8x384xf32, #tpu.memory_space<vmem>>, vector<1x16xf32>,
        %get3A_1225 = vector.shape_cast %get3A_1224 : vector<1x16xf32> to vector<16xf32>
        %sub3A_1226 = arith.subf %get3A_1221, %get3A_1225 : vector<16xf32>
        %abs3A_1227 = math.absf %sub3A_1226 : vector<16xf32>
        %add3A_1228 = arith.addf %abs3A_1217, %abs3A_1227 : vector<16xf32>
        %mul3A_1229 = arith.mulf %add3A_1228, %select_n3A_1207 : vector<16xf32>
        %get3A_1230 = arith.index_cast %scan3A_252 : i32 to index
        %get3A_1231 = arith.constant 240 : index
        %get3A_1232 = tpu.vector_load %arg22[%get3A_1230, %get3A_1231] {strides = array<i32>} : memref<8x384xf32, #tpu.memory_space<vmem>>, vector<1x16xf32>,
        %get3A_1233 = vector.shape_cast %get3A_1232 : vector<1x16xf32> to vector<16xf32>
        %get3A_1234 = arith.index_cast %scan3A_252 : i32 to index
        %get3A_1235 = arith.constant 240 : index
        %get3A_1236 = tpu.vector_load %arg23[%get3A_1234, %get3A_1235] {strides = array<i32>} : memref<8x384xf32, #tpu.memory_space<vmem>>, vector<1x16xf32>,
        %get3A_1237 = vector.shape_cast %get3A_1236 : vector<1x16xf32> to vector<16xf32>
        %mul3A_1238 = arith.mulf %mul3A_1229, %get3A_1237 : vector<16xf32>
        %ge3A_1239 = arith.cmpf oge, %mul3A_1238, %max3A_1178 : vector<16xf32>
        %gt3A_1240 = arith.cmpf ogt, %mul3A_1238, %max3A_1178 : vector<16xf32>
        %max3A_1241 = arith.maximumf %max3A_1178, %mul3A_1238 : vector<16xf32>
        %mul3A_1242 = arith.mulf %mul3A_1229, %get3A_1233 : vector<16xf32>
        %add3A_1243 = arith.addf %add3A_1180, %mul3A_1242 : vector<16xf32>
        %mul3A_1244 = arith.mulf %select_n3A_1207, %get3A_1233 : vector<16xf32>
        %add3A_1245 = arith.addf %add3A_1182, %mul3A_1244 : vector<16xf32>
        %jit3A_1246 = arith.constant 0.000000e+00 : f32
        %broadcast_in_dim3A_1247 = vector.broadcast %jit3A_1246 : f32 to vector<16xf32>
        %select_n3A_1248 = arith.select %gt3A_1240, %broadcast_in_dim3A_1247, %add3A_1189 : vector<16xi1>, vector<16xf32>
        %jit3A_1249 = arith.constant 0.000000e+00 : f32
        %broadcast_in_dim3A_1250 = vector.broadcast %jit3A_1249 : f32 to vector<16xf32>
        %select_n3A_1251 = arith.select %ge3A_1239, %mul3A_1238, %broadcast_in_dim3A_1250 : vector<16xi1>, vector<16xf32>
        %add3A_1252 = arith.addf %select_n3A_1248, %select_n3A_1251 : vector<16xf32>
        %jit3A_1253 = arith.constant 0.000000e+00 : f32
        %broadcast_in_dim3A_1254 = vector.broadcast %jit3A_1253 : f32 to vector<16xf32>
        %select_n3A_1255 = arith.select %gt3A_1240, %broadcast_in_dim3A_1254, %add3A_1197 : vector<16xi1>, vector<16xf32>
        %mul3A_1256 = arith.mulf %select_n3A_1207, %get3A_1237 : vector<16xf32>
        %jit3A_1257 = arith.constant 0.000000e+00 : f32
        %broadcast_in_dim3A_1258 = vector.broadcast %jit3A_1257 : f32 to vector<16xf32>
        %select_n3A_1259 = arith.select %ge3A_1239, %mul3A_1256, %broadcast_in_dim3A_1258 : vector<16xi1>, vector<16xf32>
        %add3A_1260 = arith.addf %select_n3A_1255, %select_n3A_1259 : vector<16xf32>
        %get3A_1261 = arith.index_cast %scan3A_252 : i32 to index
        %get3A_1262 = arith.constant 256 : index
        %get3A_1263 = tpu.vector_load %arg21[%get3A_1261, %get3A_1262] {strides = array<i32>} : memref<8x384xf32, #tpu.memory_space<vmem>>, vector<1x16xf32>,
        %get3A_1264 = vector.shape_cast %get3A_1263 : vector<1x16xf32> to vector<16xf32>
        %ge3A_1265 = arith.constant 5.000000e-01 : f32
        %ge3A_1266 = vector.broadcast %ge3A_1265 : f32 to vector<16xf32>
        %ge3A_1267 = arith.cmpf oge, %get3A_1264, %ge3A_1266 : vector<16xf32>
        %jit3A_1268 = arith.constant 0.000000e+00 : f32
        %broadcast_in_dim3A_1269 = vector.broadcast %jit3A_1268 : f32 to vector<16xf32>
        %select_n3A_1270 = arith.select %ge3A_1267, %get3A_1264, %broadcast_in_dim3A_1269 : vector<16xi1>, vector<16xf32>
        %get3A_1271 = arith.index_cast %scan3A_252 : i32 to index
        %get3A_1272 = arith.constant 256 : index
        %get3A_1273 = tpu.vector_load %arg17[%get3A_1271, %get3A_1272] {strides = array<i32>} : memref<8x384xf32, #tpu.memory_space<vmem>>, vector<1x16xf32>,
        %get3A_1274 = vector.shape_cast %get3A_1273 : vector<1x16xf32> to vector<16xf32>
        %get3A_1275 = arith.index_cast %scan3A_252 : i32 to index
        %get3A_1276 = arith.constant 256 : index
        %get3A_1277 = tpu.vector_load %arg19[%get3A_1275, %get3A_1276] {strides = array<i32>} : memref<8x384xf32, #tpu.memory_space<vmem>>, vector<1x16xf32>,
        %get3A_1278 = vector.shape_cast %get3A_1277 : vector<1x16xf32> to vector<16xf32>
        %sub3A_1279 = arith.subf %get3A_1274, %get3A_1278 : vector<16xf32>
        %abs3A_1280 = math.absf %sub3A_1279 : vector<16xf32>
        %get3A_1281 = arith.index_cast %scan3A_252 : i32 to index
        %get3A_1282 = arith.constant 256 : index
        %get3A_1283 = tpu.vector_load %arg18[%get3A_1281, %get3A_1282] {strides = array<i32>} : memref<8x384xf32, #tpu.memory_space<vmem>>, vector<1x16xf32>,
        %get3A_1284 = vector.shape_cast %get3A_1283 : vector<1x16xf32> to vector<16xf32>
        %get3A_1285 = arith.index_cast %scan3A_252 : i32 to index
        %get3A_1286 = arith.constant 256 : index
        %get3A_1287 = tpu.vector_load %arg20[%get3A_1285, %get3A_1286] {strides = array<i32>} : memref<8x384xf32, #tpu.memory_space<vmem>>, vector<1x16xf32>,
        %get3A_1288 = vector.shape_cast %get3A_1287 : vector<1x16xf32> to vector<16xf32>
        %sub3A_1289 = arith.subf %get3A_1284, %get3A_1288 : vector<16xf32>
        %abs3A_1290 = math.absf %sub3A_1289 : vector<16xf32>
        %add3A_1291 = arith.addf %abs3A_1280, %abs3A_1290 : vector<16xf32>
        %mul3A_1292 = arith.mulf %add3A_1291, %select_n3A_1270 : vector<16xf32>
        %get3A_1293 = arith.index_cast %scan3A_252 : i32 to index
        %get3A_1294 = arith.constant 256 : index
        %get3A_1295 = tpu.vector_load %arg22[%get3A_1293, %get3A_1294] {strides = array<i32>} : memref<8x384xf32, #tpu.memory_space<vmem>>, vector<1x16xf32>,
        %get3A_1296 = vector.shape_cast %get3A_1295 : vector<1x16xf32> to vector<16xf32>
        %get3A_1297 = arith.index_cast %scan3A_252 : i32 to index
        %get3A_1298 = arith.constant 256 : index
        %get3A_1299 = tpu.vector_load %arg23[%get3A_1297, %get3A_1298] {strides = array<i32>} : memref<8x384xf32, #tpu.memory_space<vmem>>, vector<1x16xf32>,
        %get3A_1300 = vector.shape_cast %get3A_1299 : vector<1x16xf32> to vector<16xf32>
        %mul3A_1301 = arith.mulf %mul3A_1292, %get3A_1300 : vector<16xf32>
        %ge3A_1302 = arith.cmpf oge, %mul3A_1301, %max3A_1241 : vector<16xf32>
        %gt3A_1303 = arith.cmpf ogt, %mul3A_1301, %max3A_1241 : vector<16xf32>
        %max3A_1304 = arith.maximumf %max3A_1241, %mul3A_1301 : vector<16xf32>
        %mul3A_1305 = arith.mulf %mul3A_1292, %get3A_1296 : vector<16xf32>
        %add3A_1306 = arith.addf %add3A_1243, %mul3A_1305 : vector<16xf32>
        %mul3A_1307 = arith.mulf %select_n3A_1270, %get3A_1296 : vector<16xf32>
        %add3A_1308 = arith.addf %add3A_1245, %mul3A_1307 : vector<16xf32>
        %jit3A_1309 = arith.constant 0.000000e+00 : f32
        %broadcast_in_dim3A_1310 = vector.broadcast %jit3A_1309 : f32 to vector<16xf32>
        %select_n3A_1311 = arith.select %gt3A_1303, %broadcast_in_dim3A_1310, %add3A_1252 : vector<16xi1>, vector<16xf32>
        %jit3A_1312 = arith.constant 0.000000e+00 : f32
        %broadcast_in_dim3A_1313 = vector.broadcast %jit3A_1312 : f32 to vector<16xf32>
        %select_n3A_1314 = arith.select %ge3A_1302, %mul3A_1301, %broadcast_in_dim3A_1313 : vector<16xi1>, vector<16xf32>
        %add3A_1315 = arith.addf %select_n3A_1311, %select_n3A_1314 : vector<16xf32>
        %jit3A_1316 = arith.constant 0.000000e+00 : f32
        %broadcast_in_dim3A_1317 = vector.broadcast %jit3A_1316 : f32 to vector<16xf32>
        %select_n3A_1318 = arith.select %gt3A_1303, %broadcast_in_dim3A_1317, %add3A_1260 : vector<16xi1>, vector<16xf32>
        %mul3A_1319 = arith.mulf %select_n3A_1270, %get3A_1300 : vector<16xf32>
        %jit3A_1320 = arith.constant 0.000000e+00 : f32
        %broadcast_in_dim3A_1321 = vector.broadcast %jit3A_1320 : f32 to vector<16xf32>
        %select_n3A_1322 = arith.select %ge3A_1302, %mul3A_1319, %broadcast_in_dim3A_1321 : vector<16xi1>, vector<16xf32>
        %add3A_1323 = arith.addf %select_n3A_1318, %select_n3A_1322 : vector<16xf32>
        %get3A_1324 = arith.index_cast %scan3A_252 : i32 to index
        %get3A_1325 = arith.constant 272 : index
        %get3A_1326 = tpu.vector_load %arg21[%get3A_1324, %get3A_1325] {strides = array<i32>} : memref<8x384xf32, #tpu.memory_space<vmem>>, vector<1x16xf32>,
        %get3A_1327 = vector.shape_cast %get3A_1326 : vector<1x16xf32> to vector<16xf32>
        %ge3A_1328 = arith.constant 5.000000e-01 : f32
        %ge3A_1329 = vector.broadcast %ge3A_1328 : f32 to vector<16xf32>
        %ge3A_1330 = arith.cmpf oge, %get3A_1327, %ge3A_1329 : vector<16xf32>
        %jit3A_1331 = arith.constant 0.000000e+00 : f32
        %broadcast_in_dim3A_1332 = vector.broadcast %jit3A_1331 : f32 to vector<16xf32>
        %select_n3A_1333 = arith.select %ge3A_1330, %get3A_1327, %broadcast_in_dim3A_1332 : vector<16xi1>, vector<16xf32>
        %get3A_1334 = arith.index_cast %scan3A_252 : i32 to index
        %get3A_1335 = arith.constant 272 : index
        %get3A_1336 = tpu.vector_load %arg17[%get3A_1334, %get3A_1335] {strides = array<i32>} : memref<8x384xf32, #tpu.memory_space<vmem>>, vector<1x16xf32>,
        %get3A_1337 = vector.shape_cast %get3A_1336 : vector<1x16xf32> to vector<16xf32>
        %get3A_1338 = arith.index_cast %scan3A_252 : i32 to index
        %get3A_1339 = arith.constant 272 : index
        %get3A_1340 = tpu.vector_load %arg19[%get3A_1338, %get3A_1339] {strides = array<i32>} : memref<8x384xf32, #tpu.memory_space<vmem>>, vector<1x16xf32>,
        %get3A_1341 = vector.shape_cast %get3A_1340 : vector<1x16xf32> to vector<16xf32>
        %sub3A_1342 = arith.subf %get3A_1337, %get3A_1341 : vector<16xf32>
        %abs3A_1343 = math.absf %sub3A_1342 : vector<16xf32>
        %get3A_1344 = arith.index_cast %scan3A_252 : i32 to index
        %get3A_1345 = arith.constant 272 : index
        %get3A_1346 = tpu.vector_load %arg18[%get3A_1344, %get3A_1345] {strides = array<i32>} : memref<8x384xf32, #tpu.memory_space<vmem>>, vector<1x16xf32>,
        %get3A_1347 = vector.shape_cast %get3A_1346 : vector<1x16xf32> to vector<16xf32>
        %get3A_1348 = arith.index_cast %scan3A_252 : i32 to index
        %get3A_1349 = arith.constant 272 : index
        %get3A_1350 = tpu.vector_load %arg20[%get3A_1348, %get3A_1349] {strides = array<i32>} : memref<8x384xf32, #tpu.memory_space<vmem>>, vector<1x16xf32>,
        %get3A_1351 = vector.shape_cast %get3A_1350 : vector<1x16xf32> to vector<16xf32>
        %sub3A_1352 = arith.subf %get3A_1347, %get3A_1351 : vector<16xf32>
        %abs3A_1353 = math.absf %sub3A_1352 : vector<16xf32>
        %add3A_1354 = arith.addf %abs3A_1343, %abs3A_1353 : vector<16xf32>
        %mul3A_1355 = arith.mulf %add3A_1354, %select_n3A_1333 : vector<16xf32>
        %get3A_1356 = arith.index_cast %scan3A_252 : i32 to index
        %get3A_1357 = arith.constant 272 : index
        %get3A_1358 = tpu.vector_load %arg22[%get3A_1356, %get3A_1357] {strides = array<i32>} : memref<8x384xf32, #tpu.memory_space<vmem>>, vector<1x16xf32>,
        %get3A_1359 = vector.shape_cast %get3A_1358 : vector<1x16xf32> to vector<16xf32>
        %get3A_1360 = arith.index_cast %scan3A_252 : i32 to index
        %get3A_1361 = arith.constant 272 : index
        %get3A_1362 = tpu.vector_load %arg23[%get3A_1360, %get3A_1361] {strides = array<i32>} : memref<8x384xf32, #tpu.memory_space<vmem>>, vector<1x16xf32>,
        %get3A_1363 = vector.shape_cast %get3A_1362 : vector<1x16xf32> to vector<16xf32>
        %mul3A_1364 = arith.mulf %mul3A_1355, %get3A_1363 : vector<16xf32>
        %ge3A_1365 = arith.cmpf oge, %mul3A_1364, %max3A_1304 : vector<16xf32>
        %gt3A_1366 = arith.cmpf ogt, %mul3A_1364, %max3A_1304 : vector<16xf32>
        %max3A_1367 = arith.maximumf %max3A_1304, %mul3A_1364 : vector<16xf32>
        %mul3A_1368 = arith.mulf %mul3A_1355, %get3A_1359 : vector<16xf32>
        %add3A_1369 = arith.addf %add3A_1306, %mul3A_1368 : vector<16xf32>
        %mul3A_1370 = arith.mulf %select_n3A_1333, %get3A_1359 : vector<16xf32>
        %add3A_1371 = arith.addf %add3A_1308, %mul3A_1370 : vector<16xf32>
        %jit3A_1372 = arith.constant 0.000000e+00 : f32
        %broadcast_in_dim3A_1373 = vector.broadcast %jit3A_1372 : f32 to vector<16xf32>
        %select_n3A_1374 = arith.select %gt3A_1366, %broadcast_in_dim3A_1373, %add3A_1315 : vector<16xi1>, vector<16xf32>
        %jit3A_1375 = arith.constant 0.000000e+00 : f32
        %broadcast_in_dim3A_1376 = vector.broadcast %jit3A_1375 : f32 to vector<16xf32>
        %select_n3A_1377 = arith.select %ge3A_1365, %mul3A_1364, %broadcast_in_dim3A_1376 : vector<16xi1>, vector<16xf32>
        %add3A_1378 = arith.addf %select_n3A_1374, %select_n3A_1377 : vector<16xf32>
        %jit3A_1379 = arith.constant 0.000000e+00 : f32
        %broadcast_in_dim3A_1380 = vector.broadcast %jit3A_1379 : f32 to vector<16xf32>
        %select_n3A_1381 = arith.select %gt3A_1366, %broadcast_in_dim3A_1380, %add3A_1323 : vector<16xi1>, vector<16xf32>
        %mul3A_1382 = arith.mulf %select_n3A_1333, %get3A_1363 : vector<16xf32>
        %jit3A_1383 = arith.constant 0.000000e+00 : f32
        %broadcast_in_dim3A_1384 = vector.broadcast %jit3A_1383 : f32 to vector<16xf32>
        %select_n3A_1385 = arith.select %ge3A_1365, %mul3A_1382, %broadcast_in_dim3A_1384 : vector<16xi1>, vector<16xf32>
        %add3A_1386 = arith.addf %select_n3A_1381, %select_n3A_1385 : vector<16xf32>
        %get3A_1387 = arith.index_cast %scan3A_252 : i32 to index
        %get3A_1388 = arith.constant 288 : index
        %get3A_1389 = tpu.vector_load %arg21[%get3A_1387, %get3A_1388] {strides = array<i32>} : memref<8x384xf32, #tpu.memory_space<vmem>>, vector<1x16xf32>,
        %get3A_1390 = vector.shape_cast %get3A_1389 : vector<1x16xf32> to vector<16xf32>
        %ge3A_1391 = arith.constant 5.000000e-01 : f32
        %ge3A_1392 = vector.broadcast %ge3A_1391 : f32 to vector<16xf32>
        %ge3A_1393 = arith.cmpf oge, %get3A_1390, %ge3A_1392 : vector<16xf32>
        %jit3A_1394 = arith.constant 0.000000e+00 : f32
        %broadcast_in_dim3A_1395 = vector.broadcast %jit3A_1394 : f32 to vector<16xf32>
        %select_n3A_1396 = arith.select %ge3A_1393, %get3A_1390, %broadcast_in_dim3A_1395 : vector<16xi1>, vector<16xf32>
        %get3A_1397 = arith.index_cast %scan3A_252 : i32 to index
        %get3A_1398 = arith.constant 288 : index
        %get3A_1399 = tpu.vector_load %arg17[%get3A_1397, %get3A_1398] {strides = array<i32>} : memref<8x384xf32, #tpu.memory_space<vmem>>, vector<1x16xf32>,
        %get3A_1400 = vector.shape_cast %get3A_1399 : vector<1x16xf32> to vector<16xf32>
        %get3A_1401 = arith.index_cast %scan3A_252 : i32 to index
        %get3A_1402 = arith.constant 288 : index
        %get3A_1403 = tpu.vector_load %arg19[%get3A_1401, %get3A_1402] {strides = array<i32>} : memref<8x384xf32, #tpu.memory_space<vmem>>, vector<1x16xf32>,
        %get3A_1404 = vector.shape_cast %get3A_1403 : vector<1x16xf32> to vector<16xf32>
        %sub3A_1405 = arith.subf %get3A_1400, %get3A_1404 : vector<16xf32>
        %abs3A_1406 = math.absf %sub3A_1405 : vector<16xf32>
        %get3A_1407 = arith.index_cast %scan3A_252 : i32 to index
        %get3A_1408 = arith.constant 288 : index
        %get3A_1409 = tpu.vector_load %arg18[%get3A_1407, %get3A_1408] {strides = array<i32>} : memref<8x384xf32, #tpu.memory_space<vmem>>, vector<1x16xf32>,
        %get3A_1410 = vector.shape_cast %get3A_1409 : vector<1x16xf32> to vector<16xf32>
        %get3A_1411 = arith.index_cast %scan3A_252 : i32 to index
        %get3A_1412 = arith.constant 288 : index
        %get3A_1413 = tpu.vector_load %arg20[%get3A_1411, %get3A_1412] {strides = array<i32>} : memref<8x384xf32, #tpu.memory_space<vmem>>, vector<1x16xf32>,
        %get3A_1414 = vector.shape_cast %get3A_1413 : vector<1x16xf32> to vector<16xf32>
        %sub3A_1415 = arith.subf %get3A_1410, %get3A_1414 : vector<16xf32>
        %abs3A_1416 = math.absf %sub3A_1415 : vector<16xf32>
        %add3A_1417 = arith.addf %abs3A_1406, %abs3A_1416 : vector<16xf32>
        %mul3A_1418 = arith.mulf %add3A_1417, %select_n3A_1396 : vector<16xf32>
        %get3A_1419 = arith.index_cast %scan3A_252 : i32 to index
        %get3A_1420 = arith.constant 288 : index
        %get3A_1421 = tpu.vector_load %arg22[%get3A_1419, %get3A_1420] {strides = array<i32>} : memref<8x384xf32, #tpu.memory_space<vmem>>, vector<1x16xf32>,
        %get3A_1422 = vector.shape_cast %get3A_1421 : vector<1x16xf32> to vector<16xf32>
        %get3A_1423 = arith.index_cast %scan3A_252 : i32 to index
        %get3A_1424 = arith.constant 288 : index
        %get3A_1425 = tpu.vector_load %arg23[%get3A_1423, %get3A_1424] {strides = array<i32>} : memref<8x384xf32, #tpu.memory_space<vmem>>, vector<1x16xf32>,
        %get3A_1426 = vector.shape_cast %get3A_1425 : vector<1x16xf32> to vector<16xf32>
        %mul3A_1427 = arith.mulf %mul3A_1418, %get3A_1426 : vector<16xf32>
        %ge3A_1428 = arith.cmpf oge, %mul3A_1427, %max3A_1367 : vector<16xf32>
        %gt3A_1429 = arith.cmpf ogt, %mul3A_1427, %max3A_1367 : vector<16xf32>
        %max3A_1430 = arith.maximumf %max3A_1367, %mul3A_1427 : vector<16xf32>
        %mul3A_1431 = arith.mulf %mul3A_1418, %get3A_1422 : vector<16xf32>
        %add3A_1432 = arith.addf %add3A_1369, %mul3A_1431 : vector<16xf32>
        %mul3A_1433 = arith.mulf %select_n3A_1396, %get3A_1422 : vector<16xf32>
        %add3A_1434 = arith.addf %add3A_1371, %mul3A_1433 : vector<16xf32>
        %jit3A_1435 = arith.constant 0.000000e+00 : f32
        %broadcast_in_dim3A_1436 = vector.broadcast %jit3A_1435 : f32 to vector<16xf32>
        %select_n3A_1437 = arith.select %gt3A_1429, %broadcast_in_dim3A_1436, %add3A_1378 : vector<16xi1>, vector<16xf32>
        %jit3A_1438 = arith.constant 0.000000e+00 : f32
        %broadcast_in_dim3A_1439 = vector.broadcast %jit3A_1438 : f32 to vector<16xf32>
        %select_n3A_1440 = arith.select %ge3A_1428, %mul3A_1427, %broadcast_in_dim3A_1439 : vector<16xi1>, vector<16xf32>
        %add3A_1441 = arith.addf %select_n3A_1437, %select_n3A_1440 : vector<16xf32>
        %jit3A_1442 = arith.constant 0.000000e+00 : f32
        %broadcast_in_dim3A_1443 = vector.broadcast %jit3A_1442 : f32 to vector<16xf32>
        %select_n3A_1444 = arith.select %gt3A_1429, %broadcast_in_dim3A_1443, %add3A_1386 : vector<16xi1>, vector<16xf32>
        %mul3A_1445 = arith.mulf %select_n3A_1396, %get3A_1426 : vector<16xf32>
        %jit3A_1446 = arith.constant 0.000000e+00 : f32
        %broadcast_in_dim3A_1447 = vector.broadcast %jit3A_1446 : f32 to vector<16xf32>
        %select_n3A_1448 = arith.select %ge3A_1428, %mul3A_1445, %broadcast_in_dim3A_1447 : vector<16xi1>, vector<16xf32>
        %add3A_1449 = arith.addf %select_n3A_1444, %select_n3A_1448 : vector<16xf32>
        %get3A_1450 = arith.index_cast %scan3A_252 : i32 to index
        %get3A_1451 = arith.constant 304 : index
        %get3A_1452 = tpu.vector_load %arg21[%get3A_1450, %get3A_1451] {strides = array<i32>} : memref<8x384xf32, #tpu.memory_space<vmem>>, vector<1x16xf32>,
        %get3A_1453 = vector.shape_cast %get3A_1452 : vector<1x16xf32> to vector<16xf32>
        %ge3A_1454 = arith.constant 5.000000e-01 : f32
        %ge3A_1455 = vector.broadcast %ge3A_1454 : f32 to vector<16xf32>
        %ge3A_1456 = arith.cmpf oge, %get3A_1453, %ge3A_1455 : vector<16xf32>
        %jit3A_1457 = arith.constant 0.000000e+00 : f32
        %broadcast_in_dim3A_1458 = vector.broadcast %jit3A_1457 : f32 to vector<16xf32>
        %select_n3A_1459 = arith.select %ge3A_1456, %get3A_1453, %broadcast_in_dim3A_1458 : vector<16xi1>, vector<16xf32>
        %get3A_1460 = arith.index_cast %scan3A_252 : i32 to index
        %get3A_1461 = arith.constant 304 : index
        %get3A_1462 = tpu.vector_load %arg17[%get3A_1460, %get3A_1461] {strides = array<i32>} : memref<8x384xf32, #tpu.memory_space<vmem>>, vector<1x16xf32>,
        %get3A_1463 = vector.shape_cast %get3A_1462 : vector<1x16xf32> to vector<16xf32>
        %get3A_1464 = arith.index_cast %scan3A_252 : i32 to index
        %get3A_1465 = arith.constant 304 : index
        %get3A_1466 = tpu.vector_load %arg19[%get3A_1464, %get3A_1465] {strides = array<i32>} : memref<8x384xf32, #tpu.memory_space<vmem>>, vector<1x16xf32>,
        %get3A_1467 = vector.shape_cast %get3A_1466 : vector<1x16xf32> to vector<16xf32>
        %sub3A_1468 = arith.subf %get3A_1463, %get3A_1467 : vector<16xf32>
        %abs3A_1469 = math.absf %sub3A_1468 : vector<16xf32>
        %get3A_1470 = arith.index_cast %scan3A_252 : i32 to index
        %get3A_1471 = arith.constant 304 : index
        %get3A_1472 = tpu.vector_load %arg18[%get3A_1470, %get3A_1471] {strides = array<i32>} : memref<8x384xf32, #tpu.memory_space<vmem>>, vector<1x16xf32>,
        %get3A_1473 = vector.shape_cast %get3A_1472 : vector<1x16xf32> to vector<16xf32>
        %get3A_1474 = arith.index_cast %scan3A_252 : i32 to index
        %get3A_1475 = arith.constant 304 : index
        %get3A_1476 = tpu.vector_load %arg20[%get3A_1474, %get3A_1475] {strides = array<i32>} : memref<8x384xf32, #tpu.memory_space<vmem>>, vector<1x16xf32>,
        %get3A_1477 = vector.shape_cast %get3A_1476 : vector<1x16xf32> to vector<16xf32>
        %sub3A_1478 = arith.subf %get3A_1473, %get3A_1477 : vector<16xf32>
        %abs3A_1479 = math.absf %sub3A_1478 : vector<16xf32>
        %add3A_1480 = arith.addf %abs3A_1469, %abs3A_1479 : vector<16xf32>
        %mul3A_1481 = arith.mulf %add3A_1480, %select_n3A_1459 : vector<16xf32>
        %get3A_1482 = arith.index_cast %scan3A_252 : i32 to index
        %get3A_1483 = arith.constant 304 : index
        %get3A_1484 = tpu.vector_load %arg22[%get3A_1482, %get3A_1483] {strides = array<i32>} : memref<8x384xf32, #tpu.memory_space<vmem>>, vector<1x16xf32>,
        %get3A_1485 = vector.shape_cast %get3A_1484 : vector<1x16xf32> to vector<16xf32>
        %get3A_1486 = arith.index_cast %scan3A_252 : i32 to index
        %get3A_1487 = arith.constant 304 : index
        %get3A_1488 = tpu.vector_load %arg23[%get3A_1486, %get3A_1487] {strides = array<i32>} : memref<8x384xf32, #tpu.memory_space<vmem>>, vector<1x16xf32>,
        %get3A_1489 = vector.shape_cast %get3A_1488 : vector<1x16xf32> to vector<16xf32>
        %mul3A_1490 = arith.mulf %mul3A_1481, %get3A_1489 : vector<16xf32>
        %ge3A_1491 = arith.cmpf oge, %mul3A_1490, %max3A_1430 : vector<16xf32>
        %gt3A_1492 = arith.cmpf ogt, %mul3A_1490, %max3A_1430 : vector<16xf32>
        %max3A_1493 = arith.maximumf %max3A_1430, %mul3A_1490 : vector<16xf32>
        %mul3A_1494 = arith.mulf %mul3A_1481, %get3A_1485 : vector<16xf32>
        %add3A_1495 = arith.addf %add3A_1432, %mul3A_1494 : vector<16xf32>
        %mul3A_1496 = arith.mulf %select_n3A_1459, %get3A_1485 : vector<16xf32>
        %add3A_1497 = arith.addf %add3A_1434, %mul3A_1496 : vector<16xf32>
        %jit3A_1498 = arith.constant 0.000000e+00 : f32
        %broadcast_in_dim3A_1499 = vector.broadcast %jit3A_1498 : f32 to vector<16xf32>
        %select_n3A_1500 = arith.select %gt3A_1492, %broadcast_in_dim3A_1499, %add3A_1441 : vector<16xi1>, vector<16xf32>
        %jit3A_1501 = arith.constant 0.000000e+00 : f32
        %broadcast_in_dim3A_1502 = vector.broadcast %jit3A_1501 : f32 to vector<16xf32>
        %select_n3A_1503 = arith.select %ge3A_1491, %mul3A_1490, %broadcast_in_dim3A_1502 : vector<16xi1>, vector<16xf32>
        %add3A_1504 = arith.addf %select_n3A_1500, %select_n3A_1503 : vector<16xf32>
        %jit3A_1505 = arith.constant 0.000000e+00 : f32
        %broadcast_in_dim3A_1506 = vector.broadcast %jit3A_1505 : f32 to vector<16xf32>
        %select_n3A_1507 = arith.select %gt3A_1492, %broadcast_in_dim3A_1506, %add3A_1449 : vector<16xi1>, vector<16xf32>
        %mul3A_1508 = arith.mulf %select_n3A_1459, %get3A_1489 : vector<16xf32>
        %jit3A_1509 = arith.constant 0.000000e+00 : f32
        %broadcast_in_dim3A_1510 = vector.broadcast %jit3A_1509 : f32 to vector<16xf32>
        %select_n3A_1511 = arith.select %ge3A_1491, %mul3A_1508, %broadcast_in_dim3A_1510 : vector<16xi1>, vector<16xf32>
        %add3A_1512 = arith.addf %select_n3A_1507, %select_n3A_1511 : vector<16xf32>
        %get3A_1513 = arith.index_cast %scan3A_252 : i32 to index
        %get3A_1514 = arith.constant 320 : index
        %get3A_1515 = tpu.vector_load %arg21[%get3A_1513, %get3A_1514] {strides = array<i32>} : memref<8x384xf32, #tpu.memory_space<vmem>>, vector<1x16xf32>,
        %get3A_1516 = vector.shape_cast %get3A_1515 : vector<1x16xf32> to vector<16xf32>
        %ge3A_1517 = arith.constant 5.000000e-01 : f32
        %ge3A_1518 = vector.broadcast %ge3A_1517 : f32 to vector<16xf32>
        %ge3A_1519 = arith.cmpf oge, %get3A_1516, %ge3A_1518 : vector<16xf32>
        %jit3A_1520 = arith.constant 0.000000e+00 : f32
        %broadcast_in_dim3A_1521 = vector.broadcast %jit3A_1520 : f32 to vector<16xf32>
        %select_n3A_1522 = arith.select %ge3A_1519, %get3A_1516, %broadcast_in_dim3A_1521 : vector<16xi1>, vector<16xf32>
        %get3A_1523 = arith.index_cast %scan3A_252 : i32 to index
        %get3A_1524 = arith.constant 320 : index
        %get3A_1525 = tpu.vector_load %arg17[%get3A_1523, %get3A_1524] {strides = array<i32>} : memref<8x384xf32, #tpu.memory_space<vmem>>, vector<1x16xf32>,
        %get3A_1526 = vector.shape_cast %get3A_1525 : vector<1x16xf32> to vector<16xf32>
        %get3A_1527 = arith.index_cast %scan3A_252 : i32 to index
        %get3A_1528 = arith.constant 320 : index
        %get3A_1529 = tpu.vector_load %arg19[%get3A_1527, %get3A_1528] {strides = array<i32>} : memref<8x384xf32, #tpu.memory_space<vmem>>, vector<1x16xf32>,
        %get3A_1530 = vector.shape_cast %get3A_1529 : vector<1x16xf32> to vector<16xf32>
        %sub3A_1531 = arith.subf %get3A_1526, %get3A_1530 : vector<16xf32>
        %abs3A_1532 = math.absf %sub3A_1531 : vector<16xf32>
        %get3A_1533 = arith.index_cast %scan3A_252 : i32 to index
        %get3A_1534 = arith.constant 320 : index
        %get3A_1535 = tpu.vector_load %arg18[%get3A_1533, %get3A_1534] {strides = array<i32>} : memref<8x384xf32, #tpu.memory_space<vmem>>, vector<1x16xf32>,
        %get3A_1536 = vector.shape_cast %get3A_1535 : vector<1x16xf32> to vector<16xf32>
        %get3A_1537 = arith.index_cast %scan3A_252 : i32 to index
        %get3A_1538 = arith.constant 320 : index
        %get3A_1539 = tpu.vector_load %arg20[%get3A_1537, %get3A_1538] {strides = array<i32>} : memref<8x384xf32, #tpu.memory_space<vmem>>, vector<1x16xf32>,
        %get3A_1540 = vector.shape_cast %get3A_1539 : vector<1x16xf32> to vector<16xf32>
        %sub3A_1541 = arith.subf %get3A_1536, %get3A_1540 : vector<16xf32>
        %abs3A_1542 = math.absf %sub3A_1541 : vector<16xf32>
        %add3A_1543 = arith.addf %abs3A_1532, %abs3A_1542 : vector<16xf32>
        %mul3A_1544 = arith.mulf %add3A_1543, %select_n3A_1522 : vector<16xf32>
        %get3A_1545 = arith.index_cast %scan3A_252 : i32 to index
        %get3A_1546 = arith.constant 320 : index
        %get3A_1547 = tpu.vector_load %arg22[%get3A_1545, %get3A_1546] {strides = array<i32>} : memref<8x384xf32, #tpu.memory_space<vmem>>, vector<1x16xf32>,
        %get3A_1548 = vector.shape_cast %get3A_1547 : vector<1x16xf32> to vector<16xf32>
        %get3A_1549 = arith.index_cast %scan3A_252 : i32 to index
        %get3A_1550 = arith.constant 320 : index
        %get3A_1551 = tpu.vector_load %arg23[%get3A_1549, %get3A_1550] {strides = array<i32>} : memref<8x384xf32, #tpu.memory_space<vmem>>, vector<1x16xf32>,
        %get3A_1552 = vector.shape_cast %get3A_1551 : vector<1x16xf32> to vector<16xf32>
        %mul3A_1553 = arith.mulf %mul3A_1544, %get3A_1552 : vector<16xf32>
        %ge3A_1554 = arith.cmpf oge, %mul3A_1553, %max3A_1493 : vector<16xf32>
        %gt3A_1555 = arith.cmpf ogt, %mul3A_1553, %max3A_1493 : vector<16xf32>
        %max3A_1556 = arith.maximumf %max3A_1493, %mul3A_1553 : vector<16xf32>
        %mul3A_1557 = arith.mulf %mul3A_1544, %get3A_1548 : vector<16xf32>
        %add3A_1558 = arith.addf %add3A_1495, %mul3A_1557 : vector<16xf32>
        %mul3A_1559 = arith.mulf %select_n3A_1522, %get3A_1548 : vector<16xf32>
        %add3A_1560 = arith.addf %add3A_1497, %mul3A_1559 : vector<16xf32>
        %jit3A_1561 = arith.constant 0.000000e+00 : f32
        %broadcast_in_dim3A_1562 = vector.broadcast %jit3A_1561 : f32 to vector<16xf32>
        %select_n3A_1563 = arith.select %gt3A_1555, %broadcast_in_dim3A_1562, %add3A_1504 : vector<16xi1>, vector<16xf32>
        %jit3A_1564 = arith.constant 0.000000e+00 : f32
        %broadcast_in_dim3A_1565 = vector.broadcast %jit3A_1564 : f32 to vector<16xf32>
        %select_n3A_1566 = arith.select %ge3A_1554, %mul3A_1553, %broadcast_in_dim3A_1565 : vector<16xi1>, vector<16xf32>
        %add3A_1567 = arith.addf %select_n3A_1563, %select_n3A_1566 : vector<16xf32>
        %jit3A_1568 = arith.constant 0.000000e+00 : f32
        %broadcast_in_dim3A_1569 = vector.broadcast %jit3A_1568 : f32 to vector<16xf32>
        %select_n3A_1570 = arith.select %gt3A_1555, %broadcast_in_dim3A_1569, %add3A_1512 : vector<16xi1>, vector<16xf32>
        %mul3A_1571 = arith.mulf %select_n3A_1522, %get3A_1552 : vector<16xf32>
        %jit3A_1572 = arith.constant 0.000000e+00 : f32
        %broadcast_in_dim3A_1573 = vector.broadcast %jit3A_1572 : f32 to vector<16xf32>
        %select_n3A_1574 = arith.select %ge3A_1554, %mul3A_1571, %broadcast_in_dim3A_1573 : vector<16xi1>, vector<16xf32>
        %add3A_1575 = arith.addf %select_n3A_1570, %select_n3A_1574 : vector<16xf32>
        %get3A_1576 = arith.index_cast %scan3A_252 : i32 to index
        %get3A_1577 = arith.constant 336 : index
        %get3A_1578 = tpu.vector_load %arg21[%get3A_1576, %get3A_1577] {strides = array<i32>} : memref<8x384xf32, #tpu.memory_space<vmem>>, vector<1x16xf32>,
        %get3A_1579 = vector.shape_cast %get3A_1578 : vector<1x16xf32> to vector<16xf32>
        %ge3A_1580 = arith.constant 5.000000e-01 : f32
        %ge3A_1581 = vector.broadcast %ge3A_1580 : f32 to vector<16xf32>
        %ge3A_1582 = arith.cmpf oge, %get3A_1579, %ge3A_1581 : vector<16xf32>
        %jit3A_1583 = arith.constant 0.000000e+00 : f32
        %broadcast_in_dim3A_1584 = vector.broadcast %jit3A_1583 : f32 to vector<16xf32>
        %select_n3A_1585 = arith.select %ge3A_1582, %get3A_1579, %broadcast_in_dim3A_1584 : vector<16xi1>, vector<16xf32>
        %get3A_1586 = arith.index_cast %scan3A_252 : i32 to index
        %get3A_1587 = arith.constant 336 : index
        %get3A_1588 = tpu.vector_load %arg17[%get3A_1586, %get3A_1587] {strides = array<i32>} : memref<8x384xf32, #tpu.memory_space<vmem>>, vector<1x16xf32>,
        %get3A_1589 = vector.shape_cast %get3A_1588 : vector<1x16xf32> to vector<16xf32>
        %get3A_1590 = arith.index_cast %scan3A_252 : i32 to index
        %get3A_1591 = arith.constant 336 : index
        %get3A_1592 = tpu.vector_load %arg19[%get3A_1590, %get3A_1591] {strides = array<i32>} : memref<8x384xf32, #tpu.memory_space<vmem>>, vector<1x16xf32>,
        %get3A_1593 = vector.shape_cast %get3A_1592 : vector<1x16xf32> to vector<16xf32>
        %sub3A_1594 = arith.subf %get3A_1589, %get3A_1593 : vector<16xf32>
        %abs3A_1595 = math.absf %sub3A_1594 : vector<16xf32>
        %get3A_1596 = arith.index_cast %scan3A_252 : i32 to index
        %get3A_1597 = arith.constant 336 : index
        %get3A_1598 = tpu.vector_load %arg18[%get3A_1596, %get3A_1597] {strides = array<i32>} : memref<8x384xf32, #tpu.memory_space<vmem>>, vector<1x16xf32>,
        %get3A_1599 = vector.shape_cast %get3A_1598 : vector<1x16xf32> to vector<16xf32>
        %get3A_1600 = arith.index_cast %scan3A_252 : i32 to index
        %get3A_1601 = arith.constant 336 : index
        %get3A_1602 = tpu.vector_load %arg20[%get3A_1600, %get3A_1601] {strides = array<i32>} : memref<8x384xf32, #tpu.memory_space<vmem>>, vector<1x16xf32>,
        %get3A_1603 = vector.shape_cast %get3A_1602 : vector<1x16xf32> to vector<16xf32>
        %sub3A_1604 = arith.subf %get3A_1599, %get3A_1603 : vector<16xf32>
        %abs3A_1605 = math.absf %sub3A_1604 : vector<16xf32>
        %add3A_1606 = arith.addf %abs3A_1595, %abs3A_1605 : vector<16xf32>
        %mul3A_1607 = arith.mulf %add3A_1606, %select_n3A_1585 : vector<16xf32>
        %get3A_1608 = arith.index_cast %scan3A_252 : i32 to index
        %get3A_1609 = arith.constant 336 : index
        %get3A_1610 = tpu.vector_load %arg22[%get3A_1608, %get3A_1609] {strides = array<i32>} : memref<8x384xf32, #tpu.memory_space<vmem>>, vector<1x16xf32>,
        %get3A_1611 = vector.shape_cast %get3A_1610 : vector<1x16xf32> to vector<16xf32>
        %get3A_1612 = arith.index_cast %scan3A_252 : i32 to index
        %get3A_1613 = arith.constant 336 : index
        %get3A_1614 = tpu.vector_load %arg23[%get3A_1612, %get3A_1613] {strides = array<i32>} : memref<8x384xf32, #tpu.memory_space<vmem>>, vector<1x16xf32>,
        %get3A_1615 = vector.shape_cast %get3A_1614 : vector<1x16xf32> to vector<16xf32>
        %mul3A_1616 = arith.mulf %mul3A_1607, %get3A_1615 : vector<16xf32>
        %ge3A_1617 = arith.cmpf oge, %mul3A_1616, %max3A_1556 : vector<16xf32>
        %gt3A_1618 = arith.cmpf ogt, %mul3A_1616, %max3A_1556 : vector<16xf32>
        %max3A_1619 = arith.maximumf %max3A_1556, %mul3A_1616 : vector<16xf32>
        %mul3A_1620 = arith.mulf %mul3A_1607, %get3A_1611 : vector<16xf32>
        %add3A_1621 = arith.addf %add3A_1558, %mul3A_1620 : vector<16xf32>
        %mul3A_1622 = arith.mulf %select_n3A_1585, %get3A_1611 : vector<16xf32>
        %add3A_1623 = arith.addf %add3A_1560, %mul3A_1622 : vector<16xf32>
        %jit3A_1624 = arith.constant 0.000000e+00 : f32
        %broadcast_in_dim3A_1625 = vector.broadcast %jit3A_1624 : f32 to vector<16xf32>
        %select_n3A_1626 = arith.select %gt3A_1618, %broadcast_in_dim3A_1625, %add3A_1567 : vector<16xi1>, vector<16xf32>
        %jit3A_1627 = arith.constant 0.000000e+00 : f32
        %broadcast_in_dim3A_1628 = vector.broadcast %jit3A_1627 : f32 to vector<16xf32>
        %select_n3A_1629 = arith.select %ge3A_1617, %mul3A_1616, %broadcast_in_dim3A_1628 : vector<16xi1>, vector<16xf32>
        %add3A_1630 = arith.addf %select_n3A_1626, %select_n3A_1629 : vector<16xf32>
        %jit3A_1631 = arith.constant 0.000000e+00 : f32
        %broadcast_in_dim3A_1632 = vector.broadcast %jit3A_1631 : f32 to vector<16xf32>
        %select_n3A_1633 = arith.select %gt3A_1618, %broadcast_in_dim3A_1632, %add3A_1575 : vector<16xi1>, vector<16xf32>
        %mul3A_1634 = arith.mulf %select_n3A_1585, %get3A_1615 : vector<16xf32>
        %jit3A_1635 = arith.constant 0.000000e+00 : f32
        %broadcast_in_dim3A_1636 = vector.broadcast %jit3A_1635 : f32 to vector<16xf32>
        %select_n3A_1637 = arith.select %ge3A_1617, %mul3A_1634, %broadcast_in_dim3A_1636 : vector<16xi1>, vector<16xf32>
        %add3A_1638 = arith.addf %select_n3A_1633, %select_n3A_1637 : vector<16xf32>
        %get3A_1639 = arith.index_cast %scan3A_252 : i32 to index
        %get3A_1640 = arith.constant 352 : index
        %get3A_1641 = tpu.vector_load %arg21[%get3A_1639, %get3A_1640] {strides = array<i32>} : memref<8x384xf32, #tpu.memory_space<vmem>>, vector<1x16xf32>,
        %get3A_1642 = vector.shape_cast %get3A_1641 : vector<1x16xf32> to vector<16xf32>
        %ge3A_1643 = arith.constant 5.000000e-01 : f32
        %ge3A_1644 = vector.broadcast %ge3A_1643 : f32 to vector<16xf32>
        %ge3A_1645 = arith.cmpf oge, %get3A_1642, %ge3A_1644 : vector<16xf32>
        %jit3A_1646 = arith.constant 0.000000e+00 : f32
        %broadcast_in_dim3A_1647 = vector.broadcast %jit3A_1646 : f32 to vector<16xf32>
        %select_n3A_1648 = arith.select %ge3A_1645, %get3A_1642, %broadcast_in_dim3A_1647 : vector<16xi1>, vector<16xf32>
        %get3A_1649 = arith.index_cast %scan3A_252 : i32 to index
        %get3A_1650 = arith.constant 352 : index
        %get3A_1651 = tpu.vector_load %arg17[%get3A_1649, %get3A_1650] {strides = array<i32>} : memref<8x384xf32, #tpu.memory_space<vmem>>, vector<1x16xf32>,
        %get3A_1652 = vector.shape_cast %get3A_1651 : vector<1x16xf32> to vector<16xf32>
        %get3A_1653 = arith.index_cast %scan3A_252 : i32 to index
        %get3A_1654 = arith.constant 352 : index
        %get3A_1655 = tpu.vector_load %arg19[%get3A_1653, %get3A_1654] {strides = array<i32>} : memref<8x384xf32, #tpu.memory_space<vmem>>, vector<1x16xf32>,
        %get3A_1656 = vector.shape_cast %get3A_1655 : vector<1x16xf32> to vector<16xf32>
        %sub3A_1657 = arith.subf %get3A_1652, %get3A_1656 : vector<16xf32>
        %abs3A_1658 = math.absf %sub3A_1657 : vector<16xf32>
        %get3A_1659 = arith.index_cast %scan3A_252 : i32 to index
        %get3A_1660 = arith.constant 352 : index
        %get3A_1661 = tpu.vector_load %arg18[%get3A_1659, %get3A_1660] {strides = array<i32>} : memref<8x384xf32, #tpu.memory_space<vmem>>, vector<1x16xf32>,
        %get3A_1662 = vector.shape_cast %get3A_1661 : vector<1x16xf32> to vector<16xf32>
        %get3A_1663 = arith.index_cast %scan3A_252 : i32 to index
        %get3A_1664 = arith.constant 352 : index
        %get3A_1665 = tpu.vector_load %arg20[%get3A_1663, %get3A_1664] {strides = array<i32>} : memref<8x384xf32, #tpu.memory_space<vmem>>, vector<1x16xf32>,
        %get3A_1666 = vector.shape_cast %get3A_1665 : vector<1x16xf32> to vector<16xf32>
        %sub3A_1667 = arith.subf %get3A_1662, %get3A_1666 : vector<16xf32>
        %abs3A_1668 = math.absf %sub3A_1667 : vector<16xf32>
        %add3A_1669 = arith.addf %abs3A_1658, %abs3A_1668 : vector<16xf32>
        %mul3A_1670 = arith.mulf %add3A_1669, %select_n3A_1648 : vector<16xf32>
        %get3A_1671 = arith.index_cast %scan3A_252 : i32 to index
        %get3A_1672 = arith.constant 352 : index
        %get3A_1673 = tpu.vector_load %arg22[%get3A_1671, %get3A_1672] {strides = array<i32>} : memref<8x384xf32, #tpu.memory_space<vmem>>, vector<1x16xf32>,
        %get3A_1674 = vector.shape_cast %get3A_1673 : vector<1x16xf32> to vector<16xf32>
        %get3A_1675 = arith.index_cast %scan3A_252 : i32 to index
        %get3A_1676 = arith.constant 352 : index
        %get3A_1677 = tpu.vector_load %arg23[%get3A_1675, %get3A_1676] {strides = array<i32>} : memref<8x384xf32, #tpu.memory_space<vmem>>, vector<1x16xf32>,
        %get3A_1678 = vector.shape_cast %get3A_1677 : vector<1x16xf32> to vector<16xf32>
        %mul3A_1679 = arith.mulf %mul3A_1670, %get3A_1678 : vector<16xf32>
        %ge3A_1680 = arith.cmpf oge, %mul3A_1679, %max3A_1619 : vector<16xf32>
        %gt3A_1681 = arith.cmpf ogt, %mul3A_1679, %max3A_1619 : vector<16xf32>
        %max3A_1682 = arith.maximumf %max3A_1619, %mul3A_1679 : vector<16xf32>
        %mul3A_1683 = arith.mulf %mul3A_1670, %get3A_1674 : vector<16xf32>
        %add3A_1684 = arith.addf %add3A_1621, %mul3A_1683 : vector<16xf32>
        %mul3A_1685 = arith.mulf %select_n3A_1648, %get3A_1674 : vector<16xf32>
        %add3A_1686 = arith.addf %add3A_1623, %mul3A_1685 : vector<16xf32>
        %jit3A_1687 = arith.constant 0.000000e+00 : f32
        %broadcast_in_dim3A_1688 = vector.broadcast %jit3A_1687 : f32 to vector<16xf32>
        %select_n3A_1689 = arith.select %gt3A_1681, %broadcast_in_dim3A_1688, %add3A_1630 : vector<16xi1>, vector<16xf32>
        %jit3A_1690 = arith.constant 0.000000e+00 : f32
        %broadcast_in_dim3A_1691 = vector.broadcast %jit3A_1690 : f32 to vector<16xf32>
        %select_n3A_1692 = arith.select %ge3A_1680, %mul3A_1679, %broadcast_in_dim3A_1691 : vector<16xi1>, vector<16xf32>
        %add3A_1693 = arith.addf %select_n3A_1689, %select_n3A_1692 : vector<16xf32>
        %jit3A_1694 = arith.constant 0.000000e+00 : f32
        %broadcast_in_dim3A_1695 = vector.broadcast %jit3A_1694 : f32 to vector<16xf32>
        %select_n3A_1696 = arith.select %gt3A_1681, %broadcast_in_dim3A_1695, %add3A_1638 : vector<16xi1>, vector<16xf32>
        %mul3A_1697 = arith.mulf %select_n3A_1648, %get3A_1678 : vector<16xf32>
        %jit3A_1698 = arith.constant 0.000000e+00 : f32
        %broadcast_in_dim3A_1699 = vector.broadcast %jit3A_1698 : f32 to vector<16xf32>
        %select_n3A_1700 = arith.select %ge3A_1680, %mul3A_1697, %broadcast_in_dim3A_1699 : vector<16xi1>, vector<16xf32>
        %add3A_1701 = arith.addf %select_n3A_1696, %select_n3A_1700 : vector<16xf32>
        %get3A_1702 = arith.index_cast %scan3A_252 : i32 to index
        %get3A_1703 = arith.constant 368 : index
        %get3A_1704 = tpu.vector_load %arg21[%get3A_1702, %get3A_1703] {strides = array<i32>} : memref<8x384xf32, #tpu.memory_space<vmem>>, vector<1x16xf32>,
        %get3A_1705 = vector.shape_cast %get3A_1704 : vector<1x16xf32> to vector<16xf32>
        %ge3A_1706 = arith.constant 5.000000e-01 : f32
        %ge3A_1707 = vector.broadcast %ge3A_1706 : f32 to vector<16xf32>
        %ge3A_1708 = arith.cmpf oge, %get3A_1705, %ge3A_1707 : vector<16xf32>
        %jit3A_1709 = arith.constant 0.000000e+00 : f32
        %broadcast_in_dim3A_1710 = vector.broadcast %jit3A_1709 : f32 to vector<16xf32>
        %select_n3A_1711 = arith.select %ge3A_1708, %get3A_1705, %broadcast_in_dim3A_1710 : vector<16xi1>, vector<16xf32>
        %get3A_1712 = arith.index_cast %scan3A_252 : i32 to index
        %get3A_1713 = arith.constant 368 : index
        %get3A_1714 = tpu.vector_load %arg17[%get3A_1712, %get3A_1713] {strides = array<i32>} : memref<8x384xf32, #tpu.memory_space<vmem>>, vector<1x16xf32>,
        %get3A_1715 = vector.shape_cast %get3A_1714 : vector<1x16xf32> to vector<16xf32>
        %get3A_1716 = arith.index_cast %scan3A_252 : i32 to index
        %get3A_1717 = arith.constant 368 : index
        %get3A_1718 = tpu.vector_load %arg19[%get3A_1716, %get3A_1717] {strides = array<i32>} : memref<8x384xf32, #tpu.memory_space<vmem>>, vector<1x16xf32>,
        %get3A_1719 = vector.shape_cast %get3A_1718 : vector<1x16xf32> to vector<16xf32>
        %sub3A_1720 = arith.subf %get3A_1715, %get3A_1719 : vector<16xf32>
        %abs3A_1721 = math.absf %sub3A_1720 : vector<16xf32>
        %get3A_1722 = arith.index_cast %scan3A_252 : i32 to index
        %get3A_1723 = arith.constant 368 : index
        %get3A_1724 = tpu.vector_load %arg18[%get3A_1722, %get3A_1723] {strides = array<i32>} : memref<8x384xf32, #tpu.memory_space<vmem>>, vector<1x16xf32>,
        %get3A_1725 = vector.shape_cast %get3A_1724 : vector<1x16xf32> to vector<16xf32>
        %get3A_1726 = arith.index_cast %scan3A_252 : i32 to index
        %get3A_1727 = arith.constant 368 : index
        %get3A_1728 = tpu.vector_load %arg20[%get3A_1726, %get3A_1727] {strides = array<i32>} : memref<8x384xf32, #tpu.memory_space<vmem>>, vector<1x16xf32>,
        %get3A_1729 = vector.shape_cast %get3A_1728 : vector<1x16xf32> to vector<16xf32>
        %sub3A_1730 = arith.subf %get3A_1725, %get3A_1729 : vector<16xf32>
        %abs3A_1731 = math.absf %sub3A_1730 : vector<16xf32>
        %add3A_1732 = arith.addf %abs3A_1721, %abs3A_1731 : vector<16xf32>
        %mul3A_1733 = arith.mulf %add3A_1732, %select_n3A_1711 : vector<16xf32>
        %get3A_1734 = arith.index_cast %scan3A_252 : i32 to index
        %get3A_1735 = arith.constant 368 : index
        %get3A_1736 = tpu.vector_load %arg22[%get3A_1734, %get3A_1735] {strides = array<i32>} : memref<8x384xf32, #tpu.memory_space<vmem>>, vector<1x16xf32>,
        %get3A_1737 = vector.shape_cast %get3A_1736 : vector<1x16xf32> to vector<16xf32>
        %get3A_1738 = arith.index_cast %scan3A_252 : i32 to index
        %get3A_1739 = arith.constant 368 : index
        %get3A_1740 = tpu.vector_load %arg23[%get3A_1738, %get3A_1739] {strides = array<i32>} : memref<8x384xf32, #tpu.memory_space<vmem>>, vector<1x16xf32>,
        %get3A_1741 = vector.shape_cast %get3A_1740 : vector<1x16xf32> to vector<16xf32>
        %mul3A_1742 = arith.mulf %mul3A_1733, %get3A_1741 : vector<16xf32>
        %ge3A_1743 = arith.cmpf oge, %mul3A_1742, %max3A_1682 : vector<16xf32>
        %gt3A_1744 = arith.cmpf ogt, %mul3A_1742, %max3A_1682 : vector<16xf32>
        %max3A_1745 = arith.maximumf %max3A_1682, %mul3A_1742 : vector<16xf32>
        %mul3A_1746 = arith.mulf %mul3A_1733, %get3A_1737 : vector<16xf32>
        %add3A_1747 = arith.addf %add3A_1684, %mul3A_1746 : vector<16xf32>
        %mul3A_1748 = arith.mulf %select_n3A_1711, %get3A_1737 : vector<16xf32>
        %add3A_1749 = arith.addf %add3A_1686, %mul3A_1748 : vector<16xf32>
        %jit3A_1750 = arith.constant 0.000000e+00 : f32
        %broadcast_in_dim3A_1751 = vector.broadcast %jit3A_1750 : f32 to vector<16xf32>
        %select_n3A_1752 = arith.select %gt3A_1744, %broadcast_in_dim3A_1751, %add3A_1693 : vector<16xi1>, vector<16xf32>
        %jit3A_1753 = arith.constant 0.000000e+00 : f32
        %broadcast_in_dim3A_1754 = vector.broadcast %jit3A_1753 : f32 to vector<16xf32>
        %select_n3A_1755 = arith.select %ge3A_1743, %mul3A_1742, %broadcast_in_dim3A_1754 : vector<16xi1>, vector<16xf32>
        %add3A_1756 = arith.addf %select_n3A_1752, %select_n3A_1755 : vector<16xf32>
        %jit3A_1757 = arith.constant 0.000000e+00 : f32
        %broadcast_in_dim3A_1758 = vector.broadcast %jit3A_1757 : f32 to vector<16xf32>
        %select_n3A_1759 = arith.select %gt3A_1744, %broadcast_in_dim3A_1758, %add3A_1701 : vector<16xi1>, vector<16xf32>
        %mul3A_1760 = arith.mulf %select_n3A_1711, %get3A_1741 : vector<16xf32>
        %jit3A_1761 = arith.constant 0.000000e+00 : f32
        %broadcast_in_dim3A_1762 = vector.broadcast %jit3A_1761 : f32 to vector<16xf32>
        %select_n3A_1763 = arith.select %ge3A_1743, %mul3A_1760, %broadcast_in_dim3A_1762 : vector<16xi1>, vector<16xf32>
        %add3A_1764 = arith.addf %select_n3A_1759, %select_n3A_1763 : vector<16xf32>
        scf.yield %max3A_1745, %add3A_1756, %add3A_1764, %add3A_1747, %add3A_1749 : vector<16xf32>, vector<16xf32>, vector<16xf32>, vector<16xf32>, vector<16xf32>
      }
      %scan3A_246 = arith.constant 8 : i32
      %lt3A_247 = arith.constant 2 : i32
      %lt3A_248 = arith.cmpi slt, %scan3A_144, %lt3A_247 : i32
      %convert_element_type3A_249 = arith.extui %lt3A_248 : i1 to i32
      %cond3A_250 = arith.constant 0 : i32
      %cond3A_251 = arith.cmpi ne, %convert_element_type3A_249, %cond3A_250 : i32
      scf.if %cond3A_251 {
        %mul3A_252 = arith.constant 2 : i32
        %mul3A_253 = arith.muli %mul3A_252, %scan3A_144 : i32
        %add3A_254 = arith.constant 2 : i32
        %add3A_255 = arith.addi %mul3A_253, %add3A_254 : i32
        %add3A_256 = arith.constant 1 : i32
        %add3A_257 = arith.addi %add3A_255, %add3A_256 : i32
        %mul3A_258 = arith.constant 8 : i32
        %mul3A_259 = arith.muli %add3A_257, %mul3A_258 : i32
        %add3A_260 = arith.addi %mul3A_21, %mul3A_259 : i32
        %dma_start3A_261 = arith.constant 0 : i32
        %dma_start3A_262 = tpu.memref_slice %arg2[%select_n3A, %add3A_260, %dma_start3A_261] : memref<16x384x384xf32, #tpu.memory_space<hbm>> -> memref<1x8x384xf32, #tpu.memory_space<hbm>>
        %dma_start3A_263 = tpu.memref_squeeze %dma_start3A_262 : memref<1x8x384xf32, #tpu.memory_space<hbm>> -> memref<8x384xf32, #tpu.memory_space<hbm>>
        %dma_start3A_264 = arith.constant 0 : i32
        %dma_start3A_265 = tpu.memref_slice %arg2[%select_n3A, %add3A_260, %dma_start3A_264] : memref<16x384x384xf32, #tpu.memory_space<hbm>> -> memref<1x8x384xf32, #tpu.memory_space<hbm>>
        %dma_start3A_266 = tpu.memref_squeeze %dma_start3A_265 : memref<1x8x384xf32, #tpu.memory_space<hbm>> -> memref<8x384xf32, #tpu.memory_space<hbm>>
        tpu.enqueue_dma source(%dma_start3A_266 : memref<8x384xf32, #tpu.memory_space<hbm>>) target(%arg17 : memref<8x384xf32, #tpu.memory_space<vmem>>) target_semaphore(%arg26 : memref<!tpu.dma_semaphore, #tpu.memory_space<semaphore_mem>>)
        %dma_start3A_267 = arith.constant 0 : i32
        %dma_start3A_268 = tpu.memref_slice %arg3[%select_n3A, %add3A_260, %dma_start3A_267] : memref<16x384x384xf32, #tpu.memory_space<hbm>> -> memref<1x8x384xf32, #tpu.memory_space<hbm>>
        %dma_start3A_269 = tpu.memref_squeeze %dma_start3A_268 : memref<1x8x384xf32, #tpu.memory_space<hbm>> -> memref<8x384xf32, #tpu.memory_space<hbm>>
        %dma_start3A_270 = arith.constant 0 : i32
        %dma_start3A_271 = tpu.memref_slice %arg3[%select_n3A, %add3A_260, %dma_start3A_270] : memref<16x384x384xf32, #tpu.memory_space<hbm>> -> memref<1x8x384xf32, #tpu.memory_space<hbm>>
        %dma_start3A_272 = tpu.memref_squeeze %dma_start3A_271 : memref<1x8x384xf32, #tpu.memory_space<hbm>> -> memref<8x384xf32, #tpu.memory_space<hbm>>
        tpu.enqueue_dma source(%dma_start3A_272 : memref<8x384xf32, #tpu.memory_space<hbm>>) target(%arg18 : memref<8x384xf32, #tpu.memory_space<vmem>>) target_semaphore(%arg26 : memref<!tpu.dma_semaphore, #tpu.memory_space<semaphore_mem>>)
        %dma_start3A_273 = arith.constant 0 : i32
        %dma_start3A_274 = tpu.memref_slice %arg4[%select_n3A, %add3A_260, %dma_start3A_273] : memref<16x384x384xf32, #tpu.memory_space<hbm>> -> memref<1x8x384xf32, #tpu.memory_space<hbm>>
        %dma_start3A_275 = tpu.memref_squeeze %dma_start3A_274 : memref<1x8x384xf32, #tpu.memory_space<hbm>> -> memref<8x384xf32, #tpu.memory_space<hbm>>
        %dma_start3A_276 = arith.constant 0 : i32
        %dma_start3A_277 = tpu.memref_slice %arg4[%select_n3A, %add3A_260, %dma_start3A_276] : memref<16x384x384xf32, #tpu.memory_space<hbm>> -> memref<1x8x384xf32, #tpu.memory_space<hbm>>
        %dma_start3A_278 = tpu.memref_squeeze %dma_start3A_277 : memref<1x8x384xf32, #tpu.memory_space<hbm>> -> memref<8x384xf32, #tpu.memory_space<hbm>>
        tpu.enqueue_dma source(%dma_start3A_278 : memref<8x384xf32, #tpu.memory_space<hbm>>) target(%arg19 : memref<8x384xf32, #tpu.memory_space<vmem>>) target_semaphore(%arg26 : memref<!tpu.dma_semaphore, #tpu.memory_space<semaphore_mem>>)
        %dma_start3A_279 = arith.constant 0 : i32
        %dma_start3A_280 = tpu.memref_slice %arg5[%select_n3A, %add3A_260, %dma_start3A_279] : memref<16x384x384xf32, #tpu.memory_space<hbm>> -> memref<1x8x384xf32, #tpu.memory_space<hbm>>
        %dma_start3A_281 = tpu.memref_squeeze %dma_start3A_280 : memref<1x8x384xf32, #tpu.memory_space<hbm>> -> memref<8x384xf32, #tpu.memory_space<hbm>>
        %dma_start3A_282 = arith.constant 0 : i32
        %dma_start3A_283 = tpu.memref_slice %arg5[%select_n3A, %add3A_260, %dma_start3A_282] : memref<16x384x384xf32, #tpu.memory_space<hbm>> -> memref<1x8x384xf32, #tpu.memory_space<hbm>>
        %dma_start3A_284 = tpu.memref_squeeze %dma_start3A_283 : memref<1x8x384xf32, #tpu.memory_space<hbm>> -> memref<8x384xf32, #tpu.memory_space<hbm>>
        tpu.enqueue_dma source(%dma_start3A_284 : memref<8x384xf32, #tpu.memory_space<hbm>>) target(%arg20 : memref<8x384xf32, #tpu.memory_space<vmem>>) target_semaphore(%arg26 : memref<!tpu.dma_semaphore, #tpu.memory_space<semaphore_mem>>)
        %dma_start3A_285 = arith.constant 0 : i32
        %dma_start3A_286 = tpu.memref_slice %arg6[%select_n3A, %add3A_260, %dma_start3A_285] : memref<16x384x384xf32, #tpu.memory_space<hbm>> -> memref<1x8x384xf32, #tpu.memory_space<hbm>>
        %dma_start3A_287 = tpu.memref_squeeze %dma_start3A_286 : memref<1x8x384xf32, #tpu.memory_space<hbm>> -> memref<8x384xf32, #tpu.memory_space<hbm>>
        %dma_start3A_288 = arith.constant 0 : i32
        %dma_start3A_289 = tpu.memref_slice %arg6[%select_n3A, %add3A_260, %dma_start3A_288] : memref<16x384x384xf32, #tpu.memory_space<hbm>> -> memref<1x8x384xf32, #tpu.memory_space<hbm>>
        %dma_start3A_290 = tpu.memref_squeeze %dma_start3A_289 : memref<1x8x384xf32, #tpu.memory_space<hbm>> -> memref<8x384xf32, #tpu.memory_space<hbm>>
        tpu.enqueue_dma source(%dma_start3A_290 : memref<8x384xf32, #tpu.memory_space<hbm>>) target(%arg21 : memref<8x384xf32, #tpu.memory_space<vmem>>) target_semaphore(%arg26 : memref<!tpu.dma_semaphore, #tpu.memory_space<semaphore_mem>>)
        %dma_start3A_291 = arith.constant 0 : i32
        %dma_start3A_292 = tpu.memref_slice %arg7[%select_n3A, %add3A_260, %dma_start3A_291] : memref<16x384x384xf32, #tpu.memory_space<hbm>> -> memref<1x8x384xf32, #tpu.memory_space<hbm>>
        %dma_start3A_293 = tpu.memref_squeeze %dma_start3A_292 : memref<1x8x384xf32, #tpu.memory_space<hbm>> -> memref<8x384xf32, #tpu.memory_space<hbm>>
        %dma_start3A_294 = arith.constant 0 : i32
        %dma_start3A_295 = tpu.memref_slice %arg7[%select_n3A, %add3A_260, %dma_start3A_294] : memref<16x384x384xf32, #tpu.memory_space<hbm>> -> memref<1x8x384xf32, #tpu.memory_space<hbm>>
        %dma_start3A_296 = tpu.memref_squeeze %dma_start3A_295 : memref<1x8x384xf32, #tpu.memory_space<hbm>> -> memref<8x384xf32, #tpu.memory_space<hbm>>
        tpu.enqueue_dma source(%dma_start3A_296 : memref<8x384xf32, #tpu.memory_space<hbm>>) target(%arg22 : memref<8x384xf32, #tpu.memory_space<vmem>>) target_semaphore(%arg26 : memref<!tpu.dma_semaphore, #tpu.memory_space<semaphore_mem>>)
        %dma_start3A_297 = arith.constant 0 : i32
        %dma_start3A_298 = tpu.memref_slice %arg8[%select_n3A, %add3A_260, %dma_start3A_297] : memref<16x384x384xf32, #tpu.memory_space<hbm>> -> memref<1x8x384xf32, #tpu.memory_space<hbm>>
        %dma_start3A_299 = tpu.memref_squeeze %dma_start3A_298 : memref<1x8x384xf32, #tpu.memory_space<hbm>> -> memref<8x384xf32, #tpu.memory_space<hbm>>
        %dma_start3A_300 = arith.constant 0 : i32
        %dma_start3A_301 = tpu.memref_slice %arg8[%select_n3A, %add3A_260, %dma_start3A_300] : memref<16x384x384xf32, #tpu.memory_space<hbm>> -> memref<1x8x384xf32, #tpu.memory_space<hbm>>
        %dma_start3A_302 = tpu.memref_squeeze %dma_start3A_301 : memref<1x8x384xf32, #tpu.memory_space<hbm>> -> memref<8x384xf32, #tpu.memory_space<hbm>>
        tpu.enqueue_dma source(%dma_start3A_302 : memref<8x384xf32, #tpu.memory_space<hbm>>) target(%arg23 : memref<8x384xf32, #tpu.memory_space<vmem>>) target_semaphore(%arg26 : memref<!tpu.dma_semaphore, #tpu.memory_space<semaphore_mem>>)
      } else {
      }
      scf.yield %scan3A_245#0, %scan3A_245#1, %scan3A_245#2, %scan3A_245#3, %scan3A_245#4 : vector<16xf32>, vector<16xf32>, vector<16xf32>, vector<16xf32>, vector<16xf32>
    }
    %scan3A_114 = arith.constant 3 : i32
    %swap3A = arith.constant 0 : i32
    %swap3A_115 = arith.index_cast %swap3A : i32 to index
    %swap3A_116 = arith.constant 0 : index
    %swap3A_117 = tpu.vector_load %arg24[%swap3A_115, %swap3A_116] {strides = array<i32>} : memref<5x16xf32, #tpu.memory_space<vmem>>, vector<1x16xf32>,
    %swap3A_118 = vector.shape_cast %swap3A_117 : vector<1x16xf32> to vector<16xf32>
    %swap3A_119 = vector.shape_cast %scan3A_113#0 : vector<16xf32> to vector<1x16xf32>
    tpu.vector_store %arg24[%swap3A_115, %swap3A_116], %swap3A_119 {strides = array<i32>} : memref<5x16xf32, #tpu.memory_space<vmem>>, vector<1x16xf32>,
    %swap3A_120 = arith.constant 1 : i32
    %swap3A_121 = arith.index_cast %swap3A_120 : i32 to index
    %swap3A_122 = arith.constant 0 : index
    %swap3A_123 = tpu.vector_load %arg24[%swap3A_121, %swap3A_122] {strides = array<i32>} : memref<5x16xf32, #tpu.memory_space<vmem>>, vector<1x16xf32>,
    %swap3A_124 = vector.shape_cast %swap3A_123 : vector<1x16xf32> to vector<16xf32>
    %swap3A_125 = vector.shape_cast %scan3A_113#1 : vector<16xf32> to vector<1x16xf32>
    tpu.vector_store %arg24[%swap3A_121, %swap3A_122], %swap3A_125 {strides = array<i32>} : memref<5x16xf32, #tpu.memory_space<vmem>>, vector<1x16xf32>,
    %swap3A_126 = arith.constant 2 : i32
    %swap3A_127 = arith.index_cast %swap3A_126 : i32 to index
    %swap3A_128 = arith.constant 0 : index
    %swap3A_129 = tpu.vector_load %arg24[%swap3A_127, %swap3A_128] {strides = array<i32>} : memref<5x16xf32, #tpu.memory_space<vmem>>, vector<1x16xf32>,
    %swap3A_130 = vector.shape_cast %swap3A_129 : vector<1x16xf32> to vector<16xf32>
    %swap3A_131 = vector.shape_cast %scan3A_113#2 : vector<16xf32> to vector<1x16xf32>
    tpu.vector_store %arg24[%swap3A_127, %swap3A_128], %swap3A_131 {strides = array<i32>} : memref<5x16xf32, #tpu.memory_space<vmem>>, vector<1x16xf32>,
    %swap3A_132 = arith.constant 3 : i32
    %swap3A_133 = arith.index_cast %swap3A_132 : i32 to index
    %swap3A_134 = arith.constant 0 : index
    %swap3A_135 = tpu.vector_load %arg24[%swap3A_133, %swap3A_134] {strides = array<i32>} : memref<5x16xf32, #tpu.memory_space<vmem>>, vector<1x16xf32>,
    %swap3A_136 = vector.shape_cast %swap3A_135 : vector<1x16xf32> to vector<16xf32>
    %swap3A_137 = vector.shape_cast %scan3A_113#3 : vector<16xf32> to vector<1x16xf32>
    tpu.vector_store %arg24[%swap3A_133, %swap3A_134], %swap3A_137 {strides = array<i32>} : memref<5x16xf32, #tpu.memory_space<vmem>>, vector<1x16xf32>,
    %swap3A_138 = arith.constant 4 : i32
    %swap3A_139 = arith.index_cast %swap3A_138 : i32 to index
    %swap3A_140 = arith.constant 0 : index
    %swap3A_141 = tpu.vector_load %arg24[%swap3A_139, %swap3A_140] {strides = array<i32>} : memref<5x16xf32, #tpu.memory_space<vmem>>, vector<1x16xf32>,
    %swap3A_142 = vector.shape_cast %swap3A_141 : vector<1x16xf32> to vector<16xf32>
    %swap3A_143 = vector.shape_cast %scan3A_113#4 : vector<16xf32> to vector<1x16xf32>
    tpu.vector_store %arg24[%swap3A_139, %swap3A_140], %swap3A_143 {strides = array<i32>} : memref<5x16xf32, #tpu.memory_space<vmem>>, vector<1x16xf32>,
    "tpu.region"() ({
      %run_scoped3A = tpu.sem_alloc : memref<!tpu.dma_semaphore, #tpu.memory_space<semaphore_mem>>
      %dma_start3A_144 = arith.constant 0 : i32
      %dma_start3A_145 = arith.constant 0 : i32
      %dma_start3A_146 = tpu.memref_slice %arg9[%add3A, %dma_start3A_144, %dma_start3A_145] : memref<32x5x16xf32, #tpu.memory_space<hbm>> -> memref<1x5x16xf32, #tpu.memory_space<hbm>>
      %dma_start3A_147 = tpu.memref_squeeze %dma_start3A_146 : memref<1x5x16xf32, #tpu.memory_space<hbm>> -> memref<5x16xf32, #tpu.memory_space<hbm>>
      %dma_start3A_148 = arith.constant 0 : i32
      %dma_start3A_149 = arith.constant 0 : i32
      %dma_start3A_150 = tpu.memref_slice %arg9[%add3A, %dma_start3A_148, %dma_start3A_149] : memref<32x5x16xf32, #tpu.memory_space<hbm>> -> memref<1x5x16xf32, #tpu.memory_space<hbm>>
      %dma_start3A_151 = tpu.memref_squeeze %dma_start3A_150 : memref<1x5x16xf32, #tpu.memory_space<hbm>> -> memref<5x16xf32, #tpu.memory_space<hbm>>
      tpu.enqueue_dma source(%arg24 : memref<5x16xf32, #tpu.memory_space<vmem>>) target(%dma_start3A_151 : memref<5x16xf32, #tpu.memory_space<hbm>>) target_semaphore(%run_scoped3A : memref<!tpu.dma_semaphore, #tpu.memory_space<semaphore_mem>>)
      %dma_wait3A = arith.constant 0 : i32
      %dma_wait3A_152 = arith.constant 0 : i32
      %dma_wait3A_153 = tpu.memref_slice %arg9[%add3A, %dma_wait3A, %dma_wait3A_152] : memref<32x5x16xf32, #tpu.memory_space<hbm>> -> memref<1x5x16xf32, #tpu.memory_space<hbm>>
      %dma_wait3A_154 = tpu.memref_squeeze %dma_wait3A_153 : memref<1x5x16xf32, #tpu.memory_space<hbm>> -> memref<5x16xf32, #tpu.memory_space<hbm>>
      %dma_wait3A_155 = arith.constant 0 : i32
      %dma_wait3A_156 = arith.constant 0 : i32
      %dma_wait3A_157 = tpu.memref_slice %arg9[%add3A, %dma_wait3A_155, %dma_wait3A_156] : memref<32x5x16xf32, #tpu.memory_space<hbm>> -> memref<1x5x16xf32, #tpu.memory_space<hbm>>
      %dma_wait3A_158 = tpu.memref_squeeze %dma_wait3A_157 : memref<1x5x16xf32, #tpu.memory_space<hbm>> -> memref<5x16xf32, #tpu.memory_space<hbm>>
      tpu.wait_dma2 semaphore(%run_scoped3A : memref<!tpu.dma_semaphore, #tpu.memory_space<semaphore_mem>>) src(%arg24 : memref<5x16xf32, #tpu.memory_space<vmem>>) dst(%dma_wait3A_158 : memref<5x16xf32, #tpu.memory_space<hbm>>)
      tpu.yield
    }) : () -> ()
    return
  }
}

module attributes {stable_mosaic.version = 14 : i64} {
  func.func @_combine_body(%arg0: memref<32x5x16xf32, #tpu.memory_space<vmem>>, %arg1: memref<3x1x128xf32, #tpu.memory_space<vmem>>, %arg2: memref<f32, #tpu.memory_space<smem>>) attributes {dimension_semantics = [], scalar_prefetch = 0 : i64, scratch_operands = 0 : i64, tpu.core_type = #tpu.core_type<tc>} {
    %get3A = arith.constant 0 : index
    %get3A_0 = arith.constant 0 : index
    %get3A_1 = arith.constant 0 : index
    %get3A_2 = vector.load %arg0[%get3A, %get3A_0, %get3A_1] : memref<32x5x16xf32, #tpu.memory_space<vmem>>, vector<32x5x16xf32>
    %reshape3A = vector.shape_cast %get3A_2 : vector<32x5x16xf32> to vector<4x8x5x16xf32>
    %slice3A = vector.extract_strided_slice %reshape3A {offsets = [0, 0, 0, 0], sizes = [4, 8, 1, 16], strides = [1, 1, 1, 1]} : vector<4x8x5x16xf32> to vector<4x8x1x16xf32>
    %squeeze3A = vector.shape_cast %slice3A : vector<4x8x1x16xf32> to vector<4x8x16xf32>
    %reshape3A_3 = vector.shape_cast %squeeze3A : vector<4x8x16xf32> to vector<4x128xf32>
    %reduce_max3A = arith.constant dense<0xFF800000> : vector<4xf32>
    %reduce_max3A_4 = vector.multi_reduction <maximumf>, %reshape3A_3, %reduce_max3A [1] : vector<4x128xf32> to vector<4xf32>
    %broadcast_in_dim3A = vector.shape_cast %reduce_max3A_4 : vector<4xf32> to vector<4x1x1xf32>
    %ge3A = vector.broadcast %broadcast_in_dim3A : vector<4x1x1xf32> to vector<4x8x16xf32>
    %ge3A_5 = arith.cmpf oge, %squeeze3A, %ge3A : vector<4x8x16xf32>
    %slice3A_6 = vector.extract_strided_slice %reshape3A {offsets = [0, 0, 1, 0], sizes = [4, 8, 1, 16], strides = [1, 1, 1, 1]} : vector<4x8x5x16xf32> to vector<4x8x1x16xf32>
    %squeeze3A_7 = vector.shape_cast %slice3A_6 : vector<4x8x1x16xf32> to vector<4x8x16xf32>
    %jit3A = arith.constant 0.000000e+00 : f32
    %broadcast_in_dim3A_8 = vector.broadcast %jit3A : f32 to vector<4x8x16xf32>
    %select_n3A = arith.select %ge3A_5, %squeeze3A_7, %broadcast_in_dim3A_8 : vector<4x8x16xi1>, vector<4x8x16xf32>
    %reduce_sum3A = vector.shape_cast %select_n3A : vector<4x8x16xf32> to vector<1x4x8x16xf32>
    %reduce_sum3A_9 = arith.constant dense<0.000000e+00> : vector<1xf32>
    %reduce_sum3A_10 = vector.multi_reduction <add>, %reduce_sum3A, %reduce_sum3A_9 [1, 2, 3] : vector<1x4x8x16xf32> to vector<1xf32>
    %reduce_sum3A_11 = vector.shape_cast %reduce_sum3A_10 : vector<1xf32> to vector<1x1x1x1xf32>
    %reduce_sum3A_12 = vector.extract %reduce_sum3A_11[0, 0, 0, 0] : f32 from vector<1x1x1x1xf32>
    %slice3A_13 = vector.extract_strided_slice %reshape3A {offsets = [0, 0, 2, 0], sizes = [4, 8, 1, 16], strides = [1, 1, 1, 1]} : vector<4x8x5x16xf32> to vector<4x8x1x16xf32>
    %squeeze3A_14 = vector.shape_cast %slice3A_13 : vector<4x8x1x16xf32> to vector<4x8x16xf32>
    %jit3A_15 = arith.constant 0.000000e+00 : f32
    %broadcast_in_dim3A_16 = vector.broadcast %jit3A_15 : f32 to vector<4x8x16xf32>
    %select_n3A_17 = arith.select %ge3A_5, %squeeze3A_14, %broadcast_in_dim3A_16 : vector<4x8x16xi1>, vector<4x8x16xf32>
    %reduce_sum3A_18 = vector.shape_cast %select_n3A_17 : vector<4x8x16xf32> to vector<1x4x8x16xf32>
    %reduce_sum3A_19 = arith.constant dense<0.000000e+00> : vector<1xf32>
    %reduce_sum3A_20 = vector.multi_reduction <add>, %reduce_sum3A_18, %reduce_sum3A_19 [1, 2, 3] : vector<1x4x8x16xf32> to vector<1xf32>
    %reduce_sum3A_21 = vector.shape_cast %reduce_sum3A_20 : vector<1xf32> to vector<1x1x1x1xf32>
    %reduce_sum3A_22 = vector.extract %reduce_sum3A_21[0, 0, 0, 0] : f32 from vector<1x1x1x1xf32>
    %slice3A_23 = vector.extract_strided_slice %reshape3A {offsets = [0, 0, 3, 0], sizes = [4, 8, 1, 16], strides = [1, 1, 1, 1]} : vector<4x8x5x16xf32> to vector<4x8x1x16xf32>
    %squeeze3A_24 = vector.shape_cast %slice3A_23 : vector<4x8x1x16xf32> to vector<4x8x16xf32>
    %reduce_sum3A_25 = vector.shape_cast %squeeze3A_24 : vector<4x8x16xf32> to vector<1x4x8x16xf32>
    %reduce_sum3A_26 = arith.constant dense<0.000000e+00> : vector<1xf32>
    %reduce_sum3A_27 = vector.multi_reduction <add>, %reduce_sum3A_25, %reduce_sum3A_26 [1, 2, 3] : vector<1x4x8x16xf32> to vector<1xf32>
    %reduce_sum3A_28 = vector.shape_cast %reduce_sum3A_27 : vector<1xf32> to vector<1x1x1x1xf32>
    %reduce_sum3A_29 = vector.extract %reduce_sum3A_28[0, 0, 0, 0] : f32 from vector<1x1x1x1xf32>
    %add3A = arith.addf %reduce_sum3A_12, %reduce_sum3A_29 : f32
    %get3A_30 = arith.constant 0 : index
    %get3A_31 = arith.constant 0 : index
    %get3A_32 = arith.constant 0 : index
    %get3A_33 = vector.load %arg1[%get3A_30, %get3A_31, %get3A_32] : memref<3x1x128xf32, #tpu.memory_space<vmem>>, vector<3x1x1xf32>
    %get3A_34 = vector.shape_cast %get3A_33 : vector<3x1x1xf32> to vector<3xf32>
    %reduce_sum3A_35 = vector.shape_cast %get3A_34 : vector<3xf32> to vector<1x3xf32>
    %reduce_sum3A_36 = arith.constant dense<0.000000e+00> : vector<1xf32>
    %reduce_sum3A_37 = vector.multi_reduction <add>, %reduce_sum3A_35, %reduce_sum3A_36 [1] : vector<1x3xf32> to vector<1xf32>
    %reduce_sum3A_38 = vector.shape_cast %reduce_sum3A_37 : vector<1xf32> to vector<1x1xf32>
    %reduce_sum3A_39 = vector.extract %reduce_sum3A_38[0, 0] : f32 from vector<1x1xf32>
    %add3A_40 = arith.addf %add3A, %reduce_sum3A_39 : f32
    %slice3A_41 = vector.extract_strided_slice %reshape3A {offsets = [0, 0, 4, 0], sizes = [4, 8, 1, 16], strides = [1, 1, 1, 1]} : vector<4x8x5x16xf32> to vector<4x8x1x16xf32>
    %squeeze3A_42 = vector.shape_cast %slice3A_41 : vector<4x8x1x16xf32> to vector<4x8x16xf32>
    %reduce_sum3A_43 = vector.shape_cast %squeeze3A_42 : vector<4x8x16xf32> to vector<1x4x8x16xf32>
    %reduce_sum3A_44 = arith.constant dense<0.000000e+00> : vector<1xf32>
    %reduce_sum3A_45 = vector.multi_reduction <add>, %reduce_sum3A_43, %reduce_sum3A_44 [1, 2, 3] : vector<1x4x8x16xf32> to vector<1xf32>
    %reduce_sum3A_46 = vector.shape_cast %reduce_sum3A_45 : vector<1xf32> to vector<1x1x1x1xf32>
    %reduce_sum3A_47 = vector.extract %reduce_sum3A_46[0, 0, 0, 0] : f32 from vector<1x1x1x1xf32>
    %add3A_48 = arith.addf %reduce_sum3A_22, %reduce_sum3A_47 : f32
    %get3A_49 = arith.constant 0 : index
    %get3A_50 = arith.constant 0 : index
    %get3A_51 = arith.constant 1 : index
    %get3A_52 = vector.load %arg1[%get3A_49, %get3A_50, %get3A_51] : memref<3x1x128xf32, #tpu.memory_space<vmem>>, vector<3x1x1xf32>
    %get3A_53 = vector.shape_cast %get3A_52 : vector<3x1x1xf32> to vector<3xf32>
    %reduce_sum3A_54 = vector.shape_cast %get3A_53 : vector<3xf32> to vector<1x3xf32>
    %reduce_sum3A_55 = arith.constant dense<0.000000e+00> : vector<1xf32>
    %reduce_sum3A_56 = vector.multi_reduction <add>, %reduce_sum3A_54, %reduce_sum3A_55 [1] : vector<1x3xf32> to vector<1xf32>
    %reduce_sum3A_57 = vector.shape_cast %reduce_sum3A_56 : vector<1xf32> to vector<1x1xf32>
    %reduce_sum3A_58 = vector.extract %reduce_sum3A_57[0, 0] : f32 from vector<1x1xf32>
    %add3A_59 = arith.addf %add3A_48, %reduce_sum3A_58 : f32
    %add3A_60 = arith.constant 1.000000e-07 : f32
    %add3A_61 = arith.addf %add3A_59, %add3A_60 : f32
    %div3A = arith.divf %add3A_40, %add3A_61 : f32
    %swap3A = memref.load %arg2[] : memref<f32, #tpu.memory_space<smem>>
    memref.store %div3A, %arg2[] : memref<f32, #tpu.memory_space<smem>>
    return
  }
}

module attributes {stable_mosaic.version = 14 : i64} {
  func.func @_tc_part_body(%arg0: i32, %arg1: memref<4x384x384xf32, #tpu.memory_space<vmem>>, %arg2: memref<4x384x384xf32, #tpu.memory_space<vmem>>, %arg3: memref<4x384x384xf32, #tpu.memory_space<vmem>>, %arg4: memref<4x384x384xf32, #tpu.memory_space<vmem>>, %arg5: memref<4x384x384xf32, #tpu.memory_space<vmem>>, %arg6: memref<4x384x384xf32, #tpu.memory_space<vmem>>, %arg7: memref<4x384x384xf32, #tpu.memory_space<vmem>>, %arg8: memref<1x1x128xf32, #tpu.memory_space<vmem>>) attributes {dimension_semantics = [#tpu.dimension_semantics<arbitrary>], iteration_bounds = array<i64: 3>, scalar_prefetch = 0 : i64, scratch_operands = 0 : i64, tpu.core_type = #tpu.core_type<tc>, window_params = [{transform_indices = @transform_0, window_bounds = array<i64: 4, 384, 384>}, {transform_indices = @transform_1, window_bounds = array<i64: 4, 384, 384>}, {transform_indices = @transform_2, window_bounds = array<i64: 4, 384, 384>}, {transform_indices = @transform_3, window_bounds = array<i64: 4, 384, 384>}, {transform_indices = @transform_4, window_bounds = array<i64: 4, 384, 384>}, {transform_indices = @transform_5, window_bounds = array<i64: 4, 384, 384>}, {transform_indices = @transform_6, window_bounds = array<i64: 4, 384, 384>}, {transform_indices = @transform_7, window_bounds = array<i64: 1, 1, 128>}]} {
    %get3A = arith.constant 0 : index
    %get3A_0 = arith.constant 0 : index
    %get3A_1 = arith.constant 0 : index
    %get3A_2 = vector.load %arg5[%get3A, %get3A_0, %get3A_1] : memref<4x384x384xf32, #tpu.memory_space<vmem>>, vector<4x384x384xf32>
    %ge3A = arith.constant 5.000000e-01 : f32
    %ge3A_3 = vector.broadcast %ge3A : f32 to vector<4x384x384xf32>
    %ge3A_4 = arith.cmpf oge, %get3A_2, %ge3A_3 : vector<4x384x384xf32>
    %jit3A = arith.constant 0.000000e+00 : f32
    %broadcast_in_dim3A = vector.broadcast %jit3A : f32 to vector<4x384x384xf32>
    %select_n3A = arith.select %ge3A_4, %get3A_2, %broadcast_in_dim3A : vector<4x384x384xi1>, vector<4x384x384xf32>
    %get3A_5 = arith.constant 0 : index
    %get3A_6 = arith.constant 0 : index
    %get3A_7 = arith.constant 0 : index
    %get3A_8 = vector.load %arg1[%get3A_5, %get3A_6, %get3A_7] : memref<4x384x384xf32, #tpu.memory_space<vmem>>, vector<4x384x384xf32>
    %get3A_9 = arith.constant 0 : index
    %get3A_10 = arith.constant 0 : index
    %get3A_11 = arith.constant 0 : index
    %get3A_12 = vector.load %arg3[%get3A_9, %get3A_10, %get3A_11] : memref<4x384x384xf32, #tpu.memory_space<vmem>>, vector<4x384x384xf32>
    %sub3A = arith.subf %get3A_8, %get3A_12 : vector<4x384x384xf32>
    %abs3A = math.absf %sub3A : vector<4x384x384xf32>
    %get3A_13 = arith.constant 0 : index
    %get3A_14 = arith.constant 0 : index
    %get3A_15 = arith.constant 0 : index
    %get3A_16 = vector.load %arg2[%get3A_13, %get3A_14, %get3A_15] : memref<4x384x384xf32, #tpu.memory_space<vmem>>, vector<4x384x384xf32>
    %get3A_17 = arith.constant 0 : index
    %get3A_18 = arith.constant 0 : index
    %get3A_19 = arith.constant 0 : index
    %get3A_20 = vector.load %arg4[%get3A_17, %get3A_18, %get3A_19] : memref<4x384x384xf32, #tpu.memory_space<vmem>>, vector<4x384x384xf32>
    %sub3A_21 = arith.subf %get3A_16, %get3A_20 : vector<4x384x384xf32>
    %abs3A_22 = math.absf %sub3A_21 : vector<4x384x384xf32>
    %add3A = arith.addf %abs3A, %abs3A_22 : vector<4x384x384xf32>
    %mul3A = arith.mulf %add3A, %select_n3A : vector<4x384x384xf32>
    %get3A_23 = arith.constant 0 : index
    %get3A_24 = arith.constant 0 : index
    %get3A_25 = arith.constant 0 : index
    %get3A_26 = vector.load %arg6[%get3A_23, %get3A_24, %get3A_25] : memref<4x384x384xf32, #tpu.memory_space<vmem>>, vector<4x384x384xf32>
    %get3A_27 = arith.constant 0 : index
    %get3A_28 = arith.constant 0 : index
    %get3A_29 = arith.constant 0 : index
    %get3A_30 = vector.load %arg7[%get3A_27, %get3A_28, %get3A_29] : memref<4x384x384xf32, #tpu.memory_space<vmem>>, vector<4x384x384xf32>
    %mul3A_31 = arith.mulf %mul3A, %get3A_30 : vector<4x384x384xf32>
    %reduce_max3A = arith.constant dense<0xFF800000> : vector<4xf32>
    %reduce_max3A_32 = vector.multi_reduction <maximumf>, %mul3A_31, %reduce_max3A [1, 2] : vector<4x384x384xf32> to vector<4xf32>
    %broadcast_in_dim3A_33 = vector.shape_cast %reduce_max3A_32 : vector<4xf32> to vector<4x1x1xf32>
    %gt3A = arith.constant 0.000000e+00 : f32
    %gt3A_34 = vector.broadcast %gt3A : f32 to vector<4x384x384xf32>
    %gt3A_35 = arith.cmpf ogt, %get3A_30, %gt3A_34 : vector<4x384x384xf32>
    %ge3A_36 = vector.broadcast %broadcast_in_dim3A_33 : vector<4x1x1xf32> to vector<4x384x384xf32>
    %ge3A_37 = arith.cmpf oge, %mul3A_31, %ge3A_36 : vector<4x384x384xf32>
    %and3A = arith.andi %gt3A_35, %ge3A_37 : vector<4x384x384xi1>
    %jit3A_38 = arith.constant 1.000000e+00 : f32
    %jit3A_39 = arith.constant 0.000000e+00 : f32
    %broadcast_in_dim3A_40 = vector.broadcast %jit3A_38 : f32 to vector<4x384x384xf32>
    %broadcast_in_dim3A_41 = vector.broadcast %jit3A_39 : f32 to vector<4x384x384xf32>
    %select_n3A_42 = arith.select %and3A, %broadcast_in_dim3A_40, %broadcast_in_dim3A_41 : vector<4x384x384xi1>, vector<4x384x384xf32>
    %add3A_43 = arith.addf %get3A_26, %select_n3A_42 : vector<4x384x384xf32>
    %mul3A_44 = arith.mulf %mul3A, %add3A_43 : vector<4x384x384xf32>
    %reduce_sum3A = vector.shape_cast %mul3A_44 : vector<4x384x384xf32> to vector<1x4x384x384xf32>
    %reduce_sum3A_45 = arith.constant dense<0.000000e+00> : vector<1xf32>
    %reduce_sum3A_46 = vector.multi_reduction <add>, %reduce_sum3A, %reduce_sum3A_45 [1, 2, 3] : vector<1x4x384x384xf32> to vector<1xf32>
    %reduce_sum3A_47 = vector.shape_cast %reduce_sum3A_46 : vector<1xf32> to vector<1x1x1x1xf32>
    %reduce_sum3A_48 = vector.extract %reduce_sum3A_47[0, 0, 0, 0] : f32 from vector<1x1x1x1xf32>
    %mul3A_49 = arith.mulf %select_n3A, %add3A_43 : vector<4x384x384xf32>
    %reduce_sum3A_50 = vector.shape_cast %mul3A_49 : vector<4x384x384xf32> to vector<1x4x384x384xf32>
    %reduce_sum3A_51 = arith.constant dense<0.000000e+00> : vector<1xf32>
    %reduce_sum3A_52 = vector.multi_reduction <add>, %reduce_sum3A_50, %reduce_sum3A_51 [1, 2, 3] : vector<1x4x384x384xf32> to vector<1xf32>
    %reduce_sum3A_53 = vector.shape_cast %reduce_sum3A_52 : vector<1xf32> to vector<1x1x1x1xf32>
    %reduce_sum3A_54 = vector.extract %reduce_sum3A_53[0, 0, 0, 0] : f32 from vector<1x1x1x1xf32>
    %iota3A = tpu.iota {dimensions = array<i32: 2>} : vector<1x1x128xi32>
    %eq3A = arith.constant 0 : i32
    %eq3A_55 = vector.broadcast %eq3A : i32 to vector<1x1x128xi32>
    %eq3A_56 = arith.cmpi eq, %iota3A, %eq3A_55 : vector<1x1x128xi32>
    %eq3A_57 = arith.constant 1 : i32
    %eq3A_58 = vector.broadcast %eq3A_57 : i32 to vector<1x1x128xi32>
    %eq3A_59 = arith.cmpi eq, %iota3A, %eq3A_58 : vector<1x1x128xi32>
    %jit3A_60 = arith.constant 0.000000e+00 : f32
    %broadcast_in_dim3A_61 = vector.broadcast %reduce_sum3A_54 : f32 to vector<1x1x128xf32>
    %broadcast_in_dim3A_62 = vector.broadcast %jit3A_60 : f32 to vector<1x1x128xf32>
    %select_n3A_63 = arith.select %eq3A_59, %broadcast_in_dim3A_61, %broadcast_in_dim3A_62 : vector<1x1x128xi1>, vector<1x1x128xf32>
    %broadcast_in_dim3A_64 = vector.broadcast %reduce_sum3A_48 : f32 to vector<1x1x128xf32>
    %select_n3A_65 = arith.select %eq3A_56, %broadcast_in_dim3A_64, %select_n3A_63 : vector<1x1x128xi1>, vector<1x1x128xf32>
    %swap3A = arith.constant 0 : index
    %swap3A_66 = arith.constant 0 : index
    %swap3A_67 = arith.constant 0 : index
    %swap3A_68 = vector.load %arg8[%swap3A, %swap3A_66, %swap3A_67] : memref<1x1x128xf32, #tpu.memory_space<vmem>>, vector<1x1x128xf32>
    tpu.vector_store %arg8[%swap3A, %swap3A_66, %swap3A_67], %select_n3A_65 {strides = array<i32>} : memref<1x1x128xf32, #tpu.memory_space<vmem>>, vector<1x1x128xf32>,
    return
  }
  func.func @transform_0(%arg0: i32) -> (i32, i32, i32) {
    %add3A = arith.constant 1 : i32
    %add3A_0 = arith.addi %arg0, %add3A : i32
    %c0_i32 = arith.constant 0 : i32
    %c0_i32_1 = arith.constant 0 : i32
    %c0_i32_2 = arith.constant 0 : i32
    return %add3A_0, %c0_i32, %c0_i32_1 : i32, i32, i32
  }
  func.func @transform_1(%arg0: i32) -> (i32, i32, i32) {
    %add3A = arith.constant 1 : i32
    %add3A_0 = arith.addi %arg0, %add3A : i32
    %c0_i32 = arith.constant 0 : i32
    %c0_i32_1 = arith.constant 0 : i32
    %c0_i32_2 = arith.constant 0 : i32
    return %add3A_0, %c0_i32, %c0_i32_1 : i32, i32, i32
  }
  func.func @transform_2(%arg0: i32) -> (i32, i32, i32) {
    %add3A = arith.constant 1 : i32
    %add3A_0 = arith.addi %arg0, %add3A : i32
    %c0_i32 = arith.constant 0 : i32
    %c0_i32_1 = arith.constant 0 : i32
    %c0_i32_2 = arith.constant 0 : i32
    return %add3A_0, %c0_i32, %c0_i32_1 : i32, i32, i32
  }
  func.func @transform_3(%arg0: i32) -> (i32, i32, i32) {
    %add3A = arith.constant 1 : i32
    %add3A_0 = arith.addi %arg0, %add3A : i32
    %c0_i32 = arith.constant 0 : i32
    %c0_i32_1 = arith.constant 0 : i32
    %c0_i32_2 = arith.constant 0 : i32
    return %add3A_0, %c0_i32, %c0_i32_1 : i32, i32, i32
  }
  func.func @transform_4(%arg0: i32) -> (i32, i32, i32) {
    %add3A = arith.constant 1 : i32
    %add3A_0 = arith.addi %arg0, %add3A : i32
    %c0_i32 = arith.constant 0 : i32
    %c0_i32_1 = arith.constant 0 : i32
    %c0_i32_2 = arith.constant 0 : i32
    return %add3A_0, %c0_i32, %c0_i32_1 : i32, i32, i32
  }
  func.func @transform_5(%arg0: i32) -> (i32, i32, i32) {
    %add3A = arith.constant 1 : i32
    %add3A_0 = arith.addi %arg0, %add3A : i32
    %c0_i32 = arith.constant 0 : i32
    %c0_i32_1 = arith.constant 0 : i32
    %c0_i32_2 = arith.constant 0 : i32
    return %add3A_0, %c0_i32, %c0_i32_1 : i32, i32, i32
  }
  func.func @transform_6(%arg0: i32) -> (i32, i32, i32) {
    %add3A = arith.constant 1 : i32
    %add3A_0 = arith.addi %arg0, %add3A : i32
    %c0_i32 = arith.constant 0 : i32
    %c0_i32_1 = arith.constant 0 : i32
    %c0_i32_2 = arith.constant 0 : i32
    return %add3A_0, %c0_i32, %c0_i32_1 : i32, i32, i32
  }
  func.func @transform_7(%arg0: i32) -> (i32, i32, i32) {
    %c0_i32 = arith.constant 0 : i32
    %c0_i32_0 = arith.constant 0 : i32
    %c0_i32_1 = arith.constant 0 : i32
    return %arg0, %c0_i32, %c0_i32_0 : i32, i32, i32
  }
}

</mosaic_0001>

<sc_bundles>
// kernel: kernel.5.cloned.1.call-start
scs
__scs_entry_jumppad:
0x0: {  	(pc) =	sbr.rel $0x88, $3  }
0x1: {  	(tag) =	ssettag $0x0;
	lr =	simm.s32 $0x1  }
0x2: {  	[smem:$0x3F9A] =	sst lr;
	_ =	strace $0xD0000000  }
0x3: {  	_ = 	snop  }
0x4: {  	_ = 	snop  }
0x5: {  	_ = 	snop  }
0x6: {  	_ = 	snop  }
0x7: {  	_ = 	snop  }
__scs_overlays_trampoline_lowered:
0x8: {  	[smem:$0x3FA9] =	sst s0  }
0x9: {  	[smem:$0x3FAA] =	sst s1  }
0xa: {  	[smem:$0x3FAB] =	sst s2  }
0xb: {  	[smem:$0x3FAC] =	sst s3  }
0xc: {  	[smem:$0x3FAD] =	sst s4  }
0xd: {  	[smem:$0x3FAE] =	sst s5  }
0xe: {  	[smem:$0x3FAF] =	sst s6  }
0xf: {  	[smem:$0x3FB0] =	sst s7  }
0x10: {  	[smem:$0x3FB1] =	sst s8  }
0x11: {  	[smem:$0x3FB2] =	sst s9;
	s0 =	simm.s32 @!p0 $0x0  }
0x12: {  	s1 =	sld [smem:$0x3F98];
	s0 =	simm.s32 @p0 $0x1  }
0x13: {  	[smem:$0x3FB3] =	sst s0;
	s0 =	simm.s32 @!p1 $0x0  }
0x14: {  	s2 =	sld [smem:$0x3F97];
	s0 =	simm.s32 @p1 $0x1  }
0x15: {  	[smem:$0x3FB4] =	sst s0;
	s0 =	simm.s32 @!p2 $0x0  }
0x16: {  	s3 =	sld [smem:$0x3FDB];
	s0 =	simm.s32 @p2 $0x1  }
0x17: {  	s4 =	simm.s32 $0x1BF5;
	[smem:$0x3FB6] =	sst s0  }
0x18: {  	s0 =	sld [smem:$0x3F99];
	_ =	swait.ge [sflag:s4], $0x0  }
0x19: {  	s7 =	sld [smem:$0x3F9A]  }
0x1a: {  	s8 =	sadd.s32 $0xFFFFE003, lr  }
0x1b: {  	s9 =	sadd.s32 $0xFFFFFEF7, lr;
	s5 =	simm.s32 $0xFFFFFFFF;
	p2 =	slt.u32 s8, $0xFFFFF086  }
0x1c: {  	p1 =	slt.u32 s9, $0xF7A;
	s5 =	simm.s32 @!p2 $0x0  }
0x1d: {  	s5 =	simm.s32 @p1 $0x1;
	p0 =	seq.s32 s7, s2  }
0x1e: {  	s7 =	smul.u32 @!p0 $0xF7A, s2;
	p2 =	seq.s32 @!p0 s5, $0x0  }
0x1f: {  	s9 =	smul.u32 $0xF7A, s1;
	s8 =	simm.s32 @!p0 $0x1BF5;
	p2 =	por !p2, p0  }
0x20: {  	[sflag:s8] =	ssyncset.s32 @!p0 $0xFFFFF086;
	s6 =	sadd.s32 @!p0 s3, s7;
	s7 =	simm.s32 @!p0 $0x108  }
0x21: {  	s3 =	sadd.s32 s3, s9;
	s6 =	sadd.s32 @!p0 $0x88, s6;
	s7 =	simm.s32 @p2 $0x1082  }
0x22: {  	[simem:s7], [sflag:s8] =	dma.local @!p0 [hbm:s6], $0xF7A  }
0x23: {  	s9 =	sor.u32 $0xD0000000, s2;
	s6 =	simm.s32 $0x108;
	_ =	swait.ge @!p0 [sflag:s8], $0x0  }
0x24: {  	s3 =	sadd.s32 $0x88, s3;
	s6 =	simm.s32 @!p1 $0x1082;
	[sflag:s4] =	ssyncset.s32 $0xFFFFF086  }
0x25: {  	[simem:s6], [sflag:s4] =	dma.local [hbm:s3], $0xF7A  }
0x26: {  	[smem:$0x3F9A] =	sst s1;
	(tag) =	ssettag s2;
	_ =	strace s9  }
0x27: {  	s1 =	sld [smem:$0x3FAA]  }
0x28: {  	s2 =	sld [smem:$0x3FAB]  }
0x29: {  	s4 =	sld [smem:$0x3FAD]  }
0x2a: {  	p0 =	seq.s32 s5, $0x0;
	s5 =	sld [smem:$0x3FAE]  }
0x2b: {  	s6 =	sld [smem:$0x3FAF]  }
0x2c: {  	s7 =	sld [smem:$0x3FB0]  }
0x2d: {  	s3 =	simm.s32 $0x108;
	s8 =	sld [smem:$0x3FB1]  }
0x2e: {  	s3 =	simm.s32 @!p0 $0x1082;
	s9 =	sld [smem:$0x3FB2]  }
0x2f: {  	lr =	sadd.s32 s0, s3;
	s0 =	sld [smem:$0x3FA9]  }
0x30: {  	s3 =	sld [smem:$0x3FAC]  }
0x31: {  	[smem:$0x3FB5] =	sst s10  }
0x32: {  	s10 =	sld [smem:$0x3FB3];
	_ =	sdelay $0x3  }
0x33: {  	p0 =	seq.s32 s10, $0x1;
	s10 =	sld [smem:$0x3FB5];
	_ =	sdelay $0x3  }
0x34: {  	[smem:$0x3FB5] =	sst s10  }
0x35: {  	s10 =	sld [smem:$0x3FB4];
	_ =	sdelay $0x3  }
0x36: {  	p1 =	seq.s32 s10, $0x1;
	s10 =	sld [smem:$0x3FB5];
	_ =	sdelay $0x3  }
0x37: {  	[smem:$0x3FB5] =	sst s10  }
0x38: {  	s10 =	sld [smem:$0x3FB6]  }
0x39: {  	_ = 	snop;
	(pc) =	sbr.ind lr, $3  }
0x3a: {  	_ = 	snop  }
0x3b: {  	_ = 	snop  }
0x3c: {  	p2 =	seq.s32 s10, $0x1;
	s10 =	sld [smem:$0x3FB5]  }
0x3d: {  	_ =	shalt  }
0x3e: {  	_ =	shalt  }
0x3f: {  	_ =	shalt  }
0x40: {  	_ =	shalt  }
0x41: {  	_ =	shalt  }
0x42: {  	_ =	shalt  }
0x43: {  	_ =	shalt  }
0x44: {  	_ =	shalt  }
0x45: {  	_ =	shalt  }
0x46: {  	_ =	shalt  }
0x47: {  	_ =	shalt  }
0x48: {  	_ =	shalt  }
0x49: {  	_ =	shalt  }
0x4a: {  	_ =	shalt  }
0x4b: {  	_ =	shalt  }
0x4c: {  	_ =	shalt  }
0x4d: {  	_ =	shalt  }
0x4e: {  	_ =	shalt  }
0x4f: {  	_ =	shalt  }
0x50: {  	_ =	shalt  }
0x51: {  	_ =	shalt  }
0x52: {  	_ =	shalt  }
0x53: {  	_ =	shalt  }
0x54: {  	_ =	shalt  }
0x55: {  	_ =	shalt  }
0x56: {  	_ =	shalt  }
0x57: {  	_ =	shalt  }
0x58: {  	_ =	shalt  }
0x59: {  	_ =	shalt  }
0x5a: {  	_ =	shalt  }
0x5b: {  	_ =	shalt  }
0x5c: {  	_ =	shalt  }
0x5d: {  	_ =	shalt  }
0x5e: {  	_ =	shalt  }
0x5f: {  	_ =	shalt  }
0x60: {  	_ =	shalt  }
0x61: {  	_ =	shalt  }
0x62: {  	_ =	shalt  }
0x63: {  	_ =	shalt  }
0x64: {  	_ =	shalt  }
0x65: {  	_ =	shalt  }
0x66: {  	_ =	shalt  }
0x67: {  	_ =	shalt  }
0x68: {  	_ =	shalt  }
0x69: {  	_ =	shalt  }
0x6a: {  	_ =	shalt  }
0x6b: {  	_ =	shalt  }
0x6c: {  	_ =	shalt  }
0x6d: {  	_ =	shalt  }
0x6e: {  	_ =	shalt  }
0x6f: {  	_ =	shalt  }
0x70: {  	_ =	shalt  }
0x71: {  	_ =	shalt  }
0x72: {  	_ =	shalt  }
0x73: {  	_ =	shalt  }
0x74: {  	_ =	shalt  }
0x75: {  	_ =	shalt  }
0x76: {  	_ =	shalt  }
0x77: {  	_ =	shalt  }
0x78: {  	_ =	shalt  }
0x79: {  	_ =	shalt  }
0x7a: {  	_ =	shalt  }
0x7b: {  	_ =	shalt  }
0x7c: {  	_ =	shalt  }
0x7d: {  	_ =	shalt  }
0x7e: {  	_ =	shalt  }
0x7f: {  	_ =	shalt  }
0x80: {  	_ =	shalt  }
0x81: {  	_ =	shalt  }
0x82: {  	_ =	shalt  }
0x83: {  	_ =	shalt  }
0x84: {  	_ =	shalt  }
0x85: {  	_ =	shalt  }
0x86: {  	_ =	shalt  }
0x87: {  	_ =	shalt  }
.Lfunc_end0:
.L_simem_size_0:
called_computation_lowered:
.L_overlay_start_0:
0x88: {  	s2 =	sld [smem:$0x3FD9]  }
0x89: {  	s3 =	sld [smem:$0x3FFE];
	_ =	sdelay $0x1  }
0x8a: {  	s1 =	srdreg.scid  }
0x8b: {  	s0 =	sand.u32 $0x1, s1  }
0x8c: {  	s17 =	sshll.u32 s0, $0xA;
	s2 =	sadd.s32 s3, s2  }
0x8d: {  	s2 =	sadd.s32 s2, s17  }
0x8e: {  	[smem:$0x3FC1] =	sst s2  }
0x8f: {  	_ = 	snop  }
0x90: {  	s2 =	sld [smem:$0x3FC9]  }
0x91: {  	s18 =	sld [smem:$0x3FC8]  }
0x92: {  	s4 =	sld [smem:$0x3FC7]  }
0x93: {  	s5 =	sld [smem:$0x3FC6]  }
0x94: {  	s6 =	sld [smem:$0x3FC5]  }
0x95: {  	s7 =	sld [smem:$0x3FC4]  }
0x96: {  	s8 =	sld [smem:$0x3FC3];
	(tm) =	ssettm $0x1  }
0x97: {  	s9 =	sld [smem:$0x3FFB];
	_ =	sdelay $0x3  }
0x98: {  	_ =	strace s9  }
0x99: {  	s9 =	sld [smem:$0x3FFC];
	_ =	sdelay $0x3  }
0x9a: {  	_ =	strace s9  }
0x9b: {  	s9 =	sld [smem:$0x3FFD];
	_ =	sdelay $0x3  }
0x9c: {  	_ =	strace s9  }
0x9d: {  	_ =	strace $0x8FFFFFFF  }
0x9e: {  	s19 =	sld [smem:$0x3FDB];
	_ =	sdelay $0x1  }
0x9f: {  	s10 =	simm.s32 $_scs_section_size  }
0xa0: {  	s11 =	simm.s32 $_size__tile_overlayer_lowered;
	s12 =	simm.s32 $_tile_overlayer_lowered  }
0xa1: {  	s22 =	simm.s32 $0x1BFF;
	s21 =	sshll.u32 s12, $0x1;
	s9 =	sadd.s32 s10, s19  }
0xa2: {  	s13 =	simm.s32 $0x0;
	s20 =	sshll.u32 s11, $0x1;
	s11 =	sadd.s32 s21, s9  }
0xa3: {  	[timem:s13], [sflag:s22] =	dma.local [hbm:s11], s20  }
0xa4: {  	_ =	swait.ge [sflag:s22], s20  }
0xa5: {  	s10 =	ssub.s32 $0x0, s20;
	[sflag:s22] =	ssyncset.done $0x0  }
0xa6: {  	[sflag:s22] =	ssyncadd.s32 s10;
	_ =	sdelay $0x1  }
0xa7: {  	s23 =	simm.s32 $0x1B8B  }
0xa8: {  	_ =	swait.ge [sflag:s23], $0x1  }
0xa9: {  	[sflag:s23] =	ssyncset.done $0x0  }
0xaa: {  	s25 =	simm.s32 $0x1B8E;
	s24 =	sld [smem:$0x3FFE];
	[sflag:s23] =	ssyncadd.s32 $0xFFFFFFFF  }
0xab: {  	s26 =	simm.s32 $execute0_lowered;
	[smem:$0x3FD2] =	sst s25  }
0xac: {  	s11 =	sshll.u32 s26, $0x1;
	_ =	strace $0x80000046;
	[dreg:$0x1] =	wrdreg $0xFFFFFFFF  }
0xad: {  	s28 =	simm.s32 $_size_execute0_lowered;
	s9 =	sadd.s32 s9, s11;
	[dreg:$0x0] =	wrdreg $0x0  }
0xae: {  	s11 =	sshll.u32 s28, $0x1;
	[dreg:$0x2] =	wrdreg s9  }
0xaf: {  	[dreg:$0x3] =	wrdreg s11  }
0xb0: {  	[dreg:$0x4] =	wrdreg $0xC0  }
0xb1: {  	_ =	task [dreg:s13], $0x5FFFF  }
0xb2: {  	[dreg:$0x1] =	wrdreg $0xFFFFFFFF  }
0xb3: {  	[dreg:$0x0] =	wrdreg $0x60  }
0xb4: {  	[dreg:$0x2] =	wrdreg s2  }
0xb5: {  	[dreg:$0x3] =	wrdreg s18  }
0xb6: {  	[dreg:$0x4] =	wrdreg s4  }
0xb7: {  	[dreg:$0x5] =	wrdreg s5  }
0xb8: {  	[dreg:$0x6] =	wrdreg s6  }
0xb9: {  	[dreg:$0x7] =	wrdreg s7  }
0xba: {  	[dreg:$0x8] =	wrdreg s8  }
0xbb: {  	[dreg:$0x9] =	wrdreg s24  }
0xbc: {  	[dreg:$0xa] =	wrdreg $0x9  }
0xbd: {  	_ =	task.clear_ibuf [dreg:s13], $0xBFFFF;
	_ =	strace $0x90000046  }
0xbe: {  	s29 =	simm.s32 $0x9;
	_ =	strace $0x80000048  }
0xbf: {  	_ =	swait.ge [sflag:s29], $0x1  }
0xc0: {  	[sflag:s29] =	ssyncadd.s32 $0xFFFFFFFF  }
0xc1: {  	_ =	strace $0x90000048  }
0xc2: {  	_ =	sfence  }
0xc3: {  	s30 =	sld [smem:$0x0];
	_ =	sdelay $0x2  }
0xc4: {  	s31 =	sshll.u32 s1, $0xD;
	s1 =	sshrl.u32 s1, $0x2  }
0xc5: {  	s3 =	sand.u32 $0x4000, s31;
	s1 =	sadd.s32 s1, s30  }
0xc6: {  	s0 =	sor.u32 s3, s0;
	s1 =	sshll.u32 s1, $0x11  }
0xc7: {  	s0 =	sor.u32 s1, s0  }
0xc8: {  	s0 =	sadd.s32 $0x8F2B, s0  }
0xc9: {  	[sflag:s0] =	ssyncadd.remote.s32 $0x1  }
0xca: {  	_ =	sfence.sel $0xFFFF  }
0xcb: {  	[dreg:$0x0] =	wrdreg $0xFFFFFFFF;
	(pc) =	sbr.abs _section_cstart, $3  }
0xcc: {  	[dreg:$0x1] =	wrdreg $0xFFFFFFFF  }
0xcd: {  	_ =	task.clear_ibuf [dreg:s13], $0x2FFFF;
	_ =	strace $0x9FFFFFFF  }
0xce: {  	(tm) =	ssettm $0x7FFFFFFF  }
0xcf: {  	_ =	shalt  }
tec
execute0_lowered:
.L_overlay_start_1:
0x0: {  	(tag) =	ssettag $0x1  }
0x1: {  	s0 =	rddreg [dreg:$0x0]  }
0x2: {  	s2 =	srdreg.scid;
	s6 =	stileid.u32  }
0x3: {  	s2 =	sand.u32 $0x1, s2;
	s7 =	sshll.u32 s6, $0x1;
	s10 =	sshrl.u32 s6, $0x2  }
0x4: {  	s1 =	rddreg [dreg:$0x1];
	s7 =	sor.u32 s2, s7;
	s9 =	sshll.u32 s10, $0x3  }
0x5: {  	s3 =	rddreg [dreg:$0x2];
	s9 =	ssub.s32 s7, s9  }
0x6: {  	s4 =	rddreg [dreg:$0x3];
	s12 =	smul.u32 $0x30, s9  }
0x7: {  	s5 =	rddreg [dreg:$0x4]  }
0x8: {  	s8 =	rddreg [dreg:$0x6];
	s10 =	smul.u32 $0x24000, s10;
	s13 =	sshrl.u32 s12, $0x3  }
0x9: {  	s11 =	rddreg [dreg:$0x7];
	s30 =	simm.s32 $0x6C00;
	s13 =	smul.u32 $0xC00, s13  }
0xa: {  	s31 =	simm.s32 $0x7800;
	s6 =	rddreg [dreg:$0x5];
	s2 =	ssub.s32 $0x2, s2  }
0xb: {  	s7 =	sshll.u32 s7, $0x7;
	s25 =	sshrl.u32 s2, $0x1;
	s13 =	sadd.s32 s10, s13  }
0xc: {  	s9 =	simm.s32 $0x0;
	s7 =	sadd.s32 s7, s11;
	s14 =	sshrl.u32 s13, $0x3  }
0xd: {  	s2 =	ssub.s32 s2, s25;
	[smem:$0x7FF] =	sst s9;
	s26 =	sadd.s32 s0, s14  }
0xe: {  	_ =	strace $0x80000047;
	s15 =	sadd.s32 s1, s14;
	[dreg:$0x9] =	wrdreg s26  }
0xf: {  	s28 =	sadd.s32 $0xA00, s7;
	s16 =	sadd.s32 s3, s14;
	[dreg:$0xa] =	wrdreg s15  }
0x10: {  	s29 =	smax.u32 s2, $0x1;
	s17 =	sadd.s32 s4, s14;
	[dreg:$0xb] =	wrdreg s16  }
0x11: {  	s7 =	simm.s32 $0x5400;
	s19 =	sadd.s32 s5, s14;
	[dreg:$0xc] =	wrdreg s17  }
0x12: {  	s18 =	sadd.s32 $0xC00, s13;
	s20 =	sadd.s32 s6, s14;
	[dreg:$0xd] =	wrdreg s19  }
0x13: {  	s11 =	sshrl.u32 s18, $0x3;
	s21 =	sadd.s32 s8, s14;
	[dreg:$0xe] =	wrdreg s20  }
0x14: {  	s2 =	simm.s32 $0x6000;
	[dreg:$0xf] =	wrdreg s21;
	s22 =	sadd.s32 s0, s11  }
0x15: {  	s13 =	simm.s32 $0x9C00;
	s23 =	sadd.s32 s1, s11;
	[dreg:$0x10] =	wrdreg s22  }
0x16: {  	s14 =	simm.s32 $0x1;
	s24 =	sadd.s32 s3, s11;
	[dreg:$0x11] =	wrdreg s23  }
.Ltmp0:
0x17: {  	s25 =	sadd.s32 s4, s11;
	[dreg:$0x12] =	wrdreg s24;
	(pc) =	sbr.rel .LBB2_1-.Ltmp0, $4  }
0x18: {  	s26 =	sadd.s32 s5, s11;
	s15 =	simm.s32 $0x2;
	[dreg:$0x13] =	wrdreg s25  }
0x19: {  	s16 =	simm.s32 $0x3;
	s17 =	simm.s32 $0x0;
	[dreg:$0x14] =	wrdreg s26  }
0x1a: {  	s23 =	sadd.s32 s6, s11;
	s24 =	sadd.s32 s8, s11;
	s25 =	sadd.s32 $0x10, s12  }
0x1b: {  	s26 =	sadd.s32 $0x18, s12;
	s11 =	simm.s32 $0x8400;
	s12 =	simm.s32 $0x9000  }
.LBB2_8:
0x1c: {  	[tilespmem:$0xA800] =	vst v4  }
0x1d: {  	[tilespmem:$0xA980] =	vst v1  }
0x1e: {  	[tilespmem:$0xAA00] =	vst v0;
	s17 =	sadd.s32 $0x1, s17  }
0x1f: {  	[tilespmem:$0xA880] =	vst v3;
	p0 =	sne.s32 s17, s29  }
.Ltmp1:
0x20: {  	s18 =	simm.s32 $0xA800;
	[tilespmem:$0xA900] =	vst v2;
	(pc) =	sbr.rel @!p0 .LBB2_9-.Ltmp1, $4  }
0x21: {  	[hbm4b:s28+s9] =	stream.linear.scatter [tilespmem:s18], [sflag:$0x3], $0x280, $0x38;
	[tilespmem:$0xAC00] =	vst v63  }
0x22: {  	_ =	swait.ge [sflag:s16], $0x280  }
0x23: {  	[sflag:s16] =	ssyncset.done $0x0  }
0x24: {  	[sflag:s16] =	ssyncadd.s32 $0xFFFFFD80  }
.LBB2_1:
0x25: {  	s18 =	rddreg [dreg:$0x9]  }
0x26: {  	[tilespmem:s9], [sflag:$0x1] =	stream.linear.gather [hbm4b:s18+s9], $0xC00, $0x38;
	[tilespmem:$0xAC00] =	vst v63  }
0x27: {  	s22 =	rddreg [dreg:$0xa];
	s19 =	simm.s32 $0xC00  }
0x28: {  	[tilespmem:s19], [sflag:$0x1] =	stream.linear.gather [hbm4b:s22+s9], $0xC00, $0x38;
	[tilespmem:$0xAC00] =	vst v63  }
0x29: {  	s20 =	simm.s32 $0x1800;
	s19 =	rddreg [dreg:$0xb]  }
0x2a: {  	[tilespmem:s20], [sflag:$0x1] =	stream.linear.gather [hbm4b:s19+s9], $0xC00, $0x38;
	[tilespmem:$0xAC00] =	vst v63  }
0x2b: {  	s21 =	rddreg [dreg:$0xc];
	s22 =	simm.s32 $0x2400  }
0x2c: {  	[tilespmem:s22], [sflag:$0x1] =	stream.linear.gather [hbm4b:s21+s9], $0xC00, $0x38;
	[tilespmem:$0xAC00] =	vst v63  }
0x2d: {  	s19 =	rddreg [dreg:$0xd];
	s20 =	simm.s32 $0x3000  }
0x2e: {  	[tilespmem:s20], [sflag:$0x1] =	stream.linear.gather [hbm4b:s19+s9], $0xC00, $0x38;
	[tilespmem:$0xAC00] =	vst v63  }
0x2f: {  	s21 =	rddreg [dreg:$0xe];
	s22 =	simm.s32 $0x3C00  }
0x30: {  	[tilespmem:s22], [sflag:$0x1] =	stream.linear.gather [hbm4b:s21+s9], $0xC00, $0x38;
	[tilespmem:$0xAC00] =	vst v63  }
0x31: {  	s20 =	rddreg [dreg:$0xf];
	s21 =	simm.s32 $0x4800  }
0x32: {  	[tilespmem:s21], [sflag:$0x1] =	stream.linear.gather [hbm4b:s20+s9], $0xC00, $0x38;
	[tilespmem:$0xAC00] =	vst v63  }
0x33: {  	s22 =	rddreg [dreg:$0x10]  }
0x34: {  	[tilespmem:s7], [sflag:$0x2] =	stream.linear.gather [hbm4b:s22+s9], $0xC00, $0x38;
	[tilespmem:$0xAC00] =	vst v63  }
0x35: {  	s19 =	rddreg [dreg:$0x11]  }
0x36: {  	[tilespmem:s2], [sflag:$0x2] =	stream.linear.gather [hbm4b:s19+s9], $0xC00, $0x38;
	[tilespmem:$0xAC00] =	vst v63  }
0x37: {  	s20 =	rddreg [dreg:$0x12]  }
0x38: {  	[tilespmem:s30], [sflag:$0x2] =	stream.linear.gather [hbm4b:s20+s9], $0xC00, $0x38;
	[tilespmem:$0xAC00] =	vst v63  }
0x39: {  	s21 =	rddreg [dreg:$0x13]  }
0x3a: {  	[tilespmem:s31], [sflag:$0x2] =	stream.linear.gather [hbm4b:s21+s9], $0xC00, $0x38;
	[tilespmem:$0xAC00] =	vst v63  }
0x3b: {  	s22 =	rddreg [dreg:$0x14]  }
0x3c: {  	[tilespmem:s11], [sflag:$0x2] =	stream.linear.gather [hbm4b:s22+s9], $0xC00, $0x38;
	[tilespmem:$0xAC00] =	vst v63  }
0x3d: {  	_ = 	snop  }
0x3e: {  	[tilespmem:s12], [sflag:$0x2] =	stream.linear.gather [hbm4b:s23+s9], $0xC00, $0x38;
	[tilespmem:$0xAC00] =	vst v63  }
0x3f: {  	v0 =	vimm.f32 $0.0e+00;
	v1 =	vimm.f32 $0.0e+00;
	s18 =	simm.s32 $0x0  }
0x40: {  	v2 =	vimm.f32 $0.0e+00;
	v3 =	vimm.f32 $0.0e+00;
	v4 =	vimm.f32 $0.0e+00;
	[tilespmem:s13], [sflag:$0x2] =	stream.linear.gather [hbm4b:s24+s9], $0xC00, $0x38;
	[tilespmem:$0xAC00] =	vst v63  }
.LBB2_2:
0x41: {  	_ =	swait.ge [sflag:s14], $0xC00  }
0x42: {  	[sflag:s14] =	ssyncset.done $0x0  }
0x43: {  	[sflag:s14] =	ssyncadd.s32 $0xFFFFF400  }
0x44: {  	_ =	swait.ge [sflag:s14], $0xC00  }
0x45: {  	[sflag:s14] =	ssyncset.done $0x0  }
0x46: {  	[sflag:s14] =	ssyncadd.s32 $0xFFFFF400  }
0x47: {  	_ =	swait.ge [sflag:s14], $0xC00  }
0x48: {  	[sflag:s14] =	ssyncset.done $0x0  }
0x49: {  	[sflag:s14] =	ssyncadd.s32 $0xFFFFF400  }
0x4a: {  	_ =	swait.ge [sflag:s14], $0xC00  }
0x4b: {  	[sflag:s14] =	ssyncset.done $0x0  }
0x4c: {  	[sflag:s14] =	ssyncadd.s32 $0xFFFFF400  }
0x4d: {  	_ =	swait.ge [sflag:s14], $0xC00  }
0x4e: {  	[sflag:s14] =	ssyncset.done $0x0  }
0x4f: {  	[sflag:s14] =	ssyncadd.s32 $0xFFFFF400  }
0x50: {  	_ =	swait.ge [sflag:s14], $0xC00  }
0x51: {  	[sflag:s14] =	ssyncset.done $0x0  }
0x52: {  	[sflag:s14] =	ssyncadd.s32 $0xFFFFF400  }
0x53: {  	_ =	swait.ge [sflag:s14], $0xC00  }
0x54: {  	[sflag:s14] =	ssyncset.done $0x0  }
0x55: {  	s19 =	simm.s32 $0x0;
	[sflag:s14] =	ssyncadd.s32 $0xFFFFF400  }
.LBB2_3:
0x56: {  	s20 =	sshra.s32 s19, $0x2  }
0x57: {  	v5 =	vld [tilespmem:s20+$0x0]  }
0x58: {  	v6 =	vld [tilespmem:s20+$0x1800]  }
0x59: {  	v7 =	vld [tilespmem:s20+$0xC00]  }
0x5a: {  	v8 =	vld [tilespmem:s20+$0x2400]  }
0x5b: {  	v9 =	vld [tilespmem:s20+$0x3000]  }
0x5c: {  	v10 =	vld [tilespmem:s20+$0x4800]  }
0x5d: {  	v54 =	vld [tilespmem:s20+$0x1810]  }
0x5e: {  	v11 =	vld [tilespmem:s20+$0xC10]  }
0x5f: {  	v12 =	vld [tilespmem:s20+$0x3C00]  }
0x60: {  	v13 =	vld [tilespmem:s20+$0x3010]  }
0x61: {  	v15 =	vld [tilespmem:s20+$0x4810]  }
0x62: {  	v55 =	vld [tilespmem:s20+$0x20]  }
0x63: {  	v56 =	vld [tilespmem:s20+$0x1820]  }
0x64: {  	v16 =	vld [tilespmem:s20+$0xC20]  }
0x65: {  	v17 =	vld [tilespmem:s20+$0x3C10]  }
0x66: {  	v60 =	vld [tilespmem:s20+$0x30]  }
0x67: {  	v61 =	vld [tilespmem:s20+$0x1830]  }
0x68: {  	v21 =	vld [tilespmem:s20+$0x3030]  }
0x69: {  	v5 =	vsub.f32 v5, v6;
	v6 =	vsub.f32 v7, v8;
	v7 =	vld [tilespmem:s20+$0x10]  }
0x6a: {  	v29 =	vld [tilespmem:s20+$0x3040]  }
0x6b: {  	v35 =	vld [tilespmem:s20+$0xC50];
	v5 =	vand.u32 $0x7FFFFFFF, v5;
	v6 =	vand.u32 $0x7FFFFFFF, v6  }
0x6c: {  	v36 =	vld [tilespmem:s20+$0x2450];
	vm0 =	vge.f32 v9, $5.000000000e-01;
	v5 =	vadd.f32 v6, v5  }
0x6d: {  	vm1 =	vge.f32 v13, $5.000000000e-01;
	v8 =	vsub.f32 v55, v56;
	v9 =	vnsel vm0, $0x0, v9;
	v6 =	vld [tilespmem:s20+$0x2410]  }
0x6e: {  	v43 =	vld [tilespmem:s20+$0xC60];
	vm12 =	vge.f32 v21, $5.000000000e-01;
	v5 =	vmul.f32 v5, v9;
	v7 =	vsub.f32 v7, v54  }
0x6f: {  	v44 =	vld [tilespmem:s20+$0x2460];
	vm15 =	vge.f32 v29, $5.000000000e-01;
	v13 =	vnsel vm1, $0x0, v13;
	v8 =	vand.u32 $0x7FFFFFFF, v8  }
0x70: {  	v62 =	vld [tilespmem:s20+$0xC30];
	v14 =	vmul.f32 v5, v10;
	v5 =	vmul.f32 v5, v12;
	v7 =	vand.u32 $0x7FFFFFFF, v7  }
0x71: {  	v63 =	vld [tilespmem:s20+$0x2430];
	v12 =	vmul.f32 v12, v9;
	v9 =	vmul.f32 v10, v9;
	v10 =	vsub.f32 v35, v36  }
0x72: {  	v26 =	vld [tilespmem:s20+$0xC40];
	v6 =	vsub.f32 v11, v6;
	v11 =	vsub.f32 v60, v61;
	vm6 =	vge.f32 v14, v4  }
0x73: {  	v27 =	vld [tilespmem:s20+$0x2440];
	vm7 =	vgt.f32 v14, v4;
	v4 =	vmax.f32 v4, v14;
	v1 =	vadd.f32 v5, v1  }
0x74: {  	v41 =	vld [tilespmem:s20+$0x60];
	v0 =	vadd.f32 v12, v0;
	v12 =	vsub.f32 v43, v44;
	v6 =	vand.u32 $0x7FFFFFFF, v6  }
0x75: {  	v42 =	vld [tilespmem:s20+$0x1860];
	v2 =	vsel vm7, $0x0, v2;
	v9 =	vnsel vm6, $0x0, v9;
	v6 =	vadd.f32 v6, v7  }
0x76: {  	v10 =	vand.u32 $0x7FFFFFFF, v10;
	v7 =	vld [tilespmem:s20+$0x2420];
	v2 =	vadd.f32 v9, v2;
	v9 =	vsub.f32 v62, v63  }
0x77: {  	v3 =	vsel vm7, $0x0, v3;
	v57 =	vnsel vm6, $0x0, v14;
	v5 =	vmul.f32 v6, v13  }
0x78: {  	v56 =	vld [tilespmem:s20+$0x3070];
	v11 =	vand.u32 $0x7FFFFFFF, v11;
	v3 =	vadd.f32 v57, v3;
	v9 =	vand.u32 $0x7FFFFFFF, v9  }
0x79: {  	v6 =	vld [tilespmem:s20+$0x3020];
	v9 =	vadd.f32 v9, v11;
	v11 =	vsub.f32 v26, v27;
	v59 =	vmul.f32 v5, v15  }
0x7a: {  	v58 =	vld [tilespmem:s20+$0x4820];
	v52 =	vand.u32 $0x7FFFFFFF, v12;
	v5 =	vmul.f32 v5, v17;
	v17 =	vmul.f32 v17, v13  }
0x7b: {  	v53 =	vld [tilespmem:s20+$0xC70];
	v7 =	vsub.f32 v16, v7;
	v34 =	vand.u32 $0x7FFFFFFF, v11;
	v11 =	vsub.f32 v41, v42  }
0x7c: {  	v54 =	vld [tilespmem:s20+$0x2470];
	vm8 =	vge.f32 v59, v4;
	vm10 =	vgt.f32 v59, v4;
	v1 =	vadd.f32 v5, v1  }
0x7d: {  	v20 =	vld [tilespmem:s20+$0x3C20];
	v5 =	vmul.f32 v15, v13;
	v0 =	vadd.f32 v17, v0;
	v4 =	vmax.f32 v4, v59  }
0x7e: {  	v46 =	vld [tilespmem:s20+$0x3060];
	v13 =	vnsel vm12, $0x0, v21;
	vm12 =	vge.f32 v56, $5.000000000e-01;
	vm9 =	vge.f32 v6, $5.000000000e-01  }
0x7f: {  	v23 =	vld [tilespmem:s20+$0x4830];
	v7 =	vand.u32 $0x7FFFFFFF, v7;
	v3 =	vsel vm10, $0x0, v3;
	v22 =	vnsel vm8, $0x0, v59  }
0x80: {  	v37 =	vld [tilespmem:s20+$0x3C40];
	v2 =	vsel vm10, $0x0, v2;
	v51 =	vand.u32 $0x7FFFFFFF, v11;
	v7 =	vadd.f32 v7, v8  }
0x81: {  	v25 =	vld [tilespmem:s20+$0x40];
	v11 =	vsub.f32 v53, v54;
	v6 =	vnsel vm9, $0x0, v6;
	v5 =	vnsel vm8, $0x0, v5  }
0x82: {  	v2 =	vadd.f32 v5, v2;
	v5 =	vld [tilespmem:s20+$0x1840];
	v8 =	vmul.f32 v20, v6;
	v7 =	vmul.f32 v7, v6  }
0x83: {  	v28 =	vld [tilespmem:s20+$0x3C30];
	v3 =	vadd.f32 v22, v3;
	vm9 =	vge.f32 v46, $5.000000000e-01;
	v6 =	vmul.f32 v58, v6  }
0x84: {  	v0 =	vadd.f32 v8, v0;
	v8 =	vnsel vm15, $0x0, v29;
	v24 =	vmul.f32 v7, v58  }
0x85: {  	v11 =	vand.u32 $0x7FFFFFFF, v11;
	v7 =	vmul.f32 v7, v20;
	v16 =	vmul.f32 v37, v8  }
0x86: {  	vm11 =	vge.f32 v24, v4;
	vm13 =	vgt.f32 v24, v4;
	v4 =	vmax.f32 v4, v24  }
0x87: {  	v1 =	vadd.f32 v7, v1;
	v7 =	vmul.f32 v9, v13;
	v5 =	vsub.f32 v25, v5  }
0x88: {  	v32 =	vld [tilespmem:s20+$0x4840];
	v9 =	vmul.f32 v28, v13;
	v13 =	vmul.f32 v23, v13;
	v3 =	vsel vm13, $0x0, v3  }
0x89: {  	v33 =	vld [tilespmem:s20+$0x50];
	v30 =	vnsel vm11, $0x0, v24;
	v2 =	vsel vm13, $0x0, v2;
	v6 =	vnsel vm11, $0x0, v6  }
0x8a: {  	v24 =	vld [tilespmem:s20+$0x1C10];
	v31 =	vmul.f32 v7, v23;
	v3 =	vadd.f32 v30, v3;
	v2 =	vadd.f32 v6, v2  }
0x8b: {  	v6 =	vld [tilespmem:s20+$0x1850];
	v7 =	vmul.f32 v7, v28;
	v5 =	vand.u32 $0x7FFFFFFF, v5;
	v0 =	vadd.f32 v9, v0  }
0x8c: {  	v9 =	vadd.f32 v52, v51;
	v23 =	vld [tilespmem:s20+$0x410];
	v5 =	vadd.f32 v34, v5;
	vm14 =	vge.f32 v31, v4  }
0x8d: {  	vm4 =	vgt.f32 v31, v4;
	v4 =	vmax.f32 v4, v31;
	v1 =	vadd.f32 v7, v1;
	v7 =	vld [tilespmem:s20+$0x3050]  }
0x8e: {  	v0 =	vadd.f32 v16, v0;
	v5 =	vmul.f32 v5, v8;
	v3 =	vsel vm4, $0x0, v3  }
0x8f: {  	v38 =	vnsel vm14, $0x0, v31;
	v2 =	vsel vm4, $0x0, v2;
	v13 =	vnsel vm14, $0x0, v13  }
0x90: {  	v39 =	vld [tilespmem:s20+$0x4850];
	v3 =	vadd.f32 v38, v3;
	v40 =	vmul.f32 v5, v32;
	v6 =	vsub.f32 v33, v6  }
0x91: {  	v28 =	vld [tilespmem:s20+$0x3410];
	v2 =	vadd.f32 v13, v2;
	v5 =	vmul.f32 v5, v37;
	v12 =	vsub.f32 v23, v24  }
0x92: {  	v45 =	vld [tilespmem:s20+$0x3C50];
	vm5 =	vge.f32 v40, v4;
	vm6 =	vge.f32 v7, $5.000000000e-01;
	v6 =	vand.u32 $0x7FFFFFFF, v6  }
0x93: {  	v48 =	vld [tilespmem:s20+$0x4860];
	vm7 =	vgt.f32 v40, v4;
	v1 =	vadd.f32 v5, v1;
	v5 =	vmul.f32 v32, v8  }
0x94: {  	v63 =	vld [tilespmem:s20+$0x3C70];
	v4 =	vmax.f32 v4, v40;
	v33 =	vand.u32 $0x7FFFFFFF, v12;
	v7 =	vnsel vm6, $0x0, v7  }
0x95: {  	v37 =	vld [tilespmem:s20+$0x3420];
	v6 =	vadd.f32 v10, v6;
	v3 =	vsel vm7, $0x0, v3;
	v47 =	vnsel vm5, $0x0, v40  }
0x96: {  	v50 =	vld [tilespmem:s20+$0x70];
	v2 =	vsel vm7, $0x0, v2;
	v10 =	vnsel vm9, $0x0, v46;
	vm6 =	vge.f32 v28, $5.000000000e-01  }
0x97: {  	v55 =	vld [tilespmem:s20+$0x3C60];
	v5 =	vnsel vm5, $0x0, v5;
	v8 =	vmul.f32 v45, v7;
	v6 =	vmul.f32 v6, v7  }
0x98: {  	v35 =	vld [tilespmem:s20+$0x2820];
	v3 =	vadd.f32 v47, v3;
	v2 =	vadd.f32 v5, v2;
	v7 =	vmul.f32 v39, v7  }
0x99: {  	v5 =	vld [tilespmem:s20+$0x1870];
	v0 =	vadd.f32 v8, v0;
	v8 =	vnsel vm12, $0x0, v56;
	v49 =	vmul.f32 v6, v39  }
0x9a: {  	v60 =	vld [tilespmem:s20+$0x400];
	vm9 =	vge.f32 v37, $5.000000000e-01;
	v6 =	vmul.f32 v6, v45;
	v14 =	vmul.f32 v63, v8  }
0x9b: {  	v61 =	vld [tilespmem:s20+$0x1000];
	vm8 =	vge.f32 v49, v4;
	vm10 =	vgt.f32 v49, v4;
	v4 =	vmax.f32 v4, v49  }
0x9c: {  	v62 =	vld [tilespmem:s20+$0x2800];
	v1 =	vadd.f32 v6, v1;
	v6 =	vmul.f32 v9, v10;
	v9 =	vmul.f32 v55, v10  }
0x9d: {  	v26 =	vld [tilespmem:s20+$0x2810];
	v10 =	vmul.f32 v48, v10;
	v3 =	vsel vm10, $0x0, v3;
	v57 =	vnsel vm8, $0x0, v49  }
0x9e: {  	v25 =	vld [tilespmem:s20+$0x1010];
	v2 =	vsel vm10, $0x0, v2;
	v7 =	vnsel vm8, $0x0, v7;
	v5 =	vsub.f32 v50, v5  }
0x9f: {  	v49 =	vld [tilespmem:s20+$0x1C40];
	v58 =	vmul.f32 v6, v48;
	v3 =	vadd.f32 v57, v3;
	v2 =	vadd.f32 v7, v2  }
0xa0: {  	v7 =	vld [tilespmem:s20+$0x1C00];
	v6 =	vmul.f32 v6, v55;
	v0 =	vadd.f32 v9, v0;
	v5 =	vand.u32 $0x7FFFFFFF, v5  }
0xa1: {  	v48 =	vld [tilespmem:s20+$0x440];
	vm11 =	vge.f32 v58, v4;
	v5 =	vadd.f32 v11, v5;
	vm13 =	vgt.f32 v58, v4  }
0xa2: {  	v59 =	vld [tilespmem:s20+$0x4870];
	v4 =	vmax.f32 v4, v58;
	v1 =	vadd.f32 v6, v1;
	v11 =	vsub.f32 v61, v62  }
0xa3: {  	v6 =	vld [tilespmem:s20+$0x3400];
	v0 =	vadd.f32 v14, v0;
	v3 =	vsel vm13, $0x0, v3;
	v20 =	vnsel vm11, $0x0, v58  }
0xa4: {  	v34 =	vld [tilespmem:s20+$0x1020];
	v2 =	vsel vm13, $0x0, v2;
	v10 =	vnsel vm11, $0x0, v10;
	v3 =	vadd.f32 v20, v3  }
0xa5: {  	v5 =	vmul.f32 v5, v8;
	v2 =	vadd.f32 v10, v2;
	v10 =	vsub.f32 v25, v26  }
0xa6: {  	v53 =	vld [tilespmem:s20+$0x3440];
	v11 =	vand.u32 $0x7FFFFFFF, v11;
	v7 =	vsub.f32 v60, v7;
	v12 =	vsub.f32 v48, v49  }
0xa7: {  	v62 =	vld [tilespmem:s20+$0x3450];
	v22 =	vmul.f32 v5, v59;
	v5 =	vmul.f32 v5, v63;
	v10 =	vand.u32 $0x7FFFFFFF, v10  }
0xa8: {  	vm15 =	vge.f32 v6, $5.000000000e-01;
	v7 =	vand.u32 $0x7FFFFFFF, v7;
	v9 =	vadd.f32 v10, v33  }
0xa9: {  	v27 =	vld [tilespmem:s20+$0x4000];
	v10 =	vsub.f32 v34, v35;
	v58 =	vand.u32 $0x7FFFFFFF, v12;
	vm14 =	vge.f32 v22, v4  }
0xaa: {  	v21 =	vld [tilespmem:s20+$0x4C00];
	v6 =	vnsel vm15, $0x0, v6;
	v7 =	vadd.f32 v11, v7;
	vm4 =	vgt.f32 v22, v4  }
0xab: {  	v36 =	vld [tilespmem:s20+$0x4010];
	v1 =	vadd.f32 v5, v1;
	v5 =	vmul.f32 v59, v8;
	v4 =	vmax.f32 v4, v22  }
0xac: {  	v44 =	vld [tilespmem:s20+$0x4020];
	v11 =	vnsel vm6, $0x0, v28;
	vm15 =	vge.f32 v53, $5.000000000e-01;
	vm6 =	vge.f32 v62, $5.000000000e-01  }
0xad: {  	v43 =	vld [tilespmem:s20+$0x2830];
	v3 =	vsel vm4, $0x0, v3;
	v29 =	vnsel vm14, $0x0, v22;
	v2 =	vsel vm4, $0x0, v2  }
0xae: {  	v41 =	vld [tilespmem:s20+$0x430];
	v8 =	vmul.f32 v27, v6;
	v10 =	vand.u32 $0x7FFFFFFF, v10;
	v7 =	vmul.f32 v7, v6  }
0xaf: {  	v30 =	vld [tilespmem:s20+$0x4C10];
	v5 =	vnsel vm14, $0x0, v5;
	v3 =	vadd.f32 v29, v3;
	v6 =	vmul.f32 v21, v6  }
0xb0: {  	v32 =	vld [tilespmem:s20+$0x420];
	v0 =	vadd.f32 v8, v0;
	v8 =	vnsel vm9, $0x0, v37;
	v31 =	vmul.f32 v7, v21  }
0xb1: {  	v2 =	vadd.f32 v5, v2;
	v5 =	vld [tilespmem:s20+$0x1C20];
	v7 =	vmul.f32 v7, v27;
	v14 =	vmul.f32 v44, v8  }
0xb2: {  	v42 =	vld [tilespmem:s20+$0x1030];
	vm5 =	vge.f32 v31, v4;
	vm7 =	vgt.f32 v31, v4;
	v4 =	vmax.f32 v4, v31  }
0xb3: {  	v51 =	vld [tilespmem:s20+$0x2840];
	v1 =	vadd.f32 v7, v1;
	v7 =	vmul.f32 v9, v11;
	v9 =	vmul.f32 v36, v11  }
0xb4: {  	v40 =	vld [tilespmem:s20+$0x4C20];
	v11 =	vmul.f32 v30, v11;
	v3 =	vsel vm7, $0x0, v3;
	v38 =	vnsel vm5, $0x0, v31  }
0xb5: {  	v50 =	vld [tilespmem:s20+$0x1040];
	v2 =	vsel vm7, $0x0, v2;
	v6 =	vnsel vm5, $0x0, v6;
	v39 =	vmul.f32 v7, v30  }
0xb6: {  	v29 =	vld [tilespmem:s20+$0x470];
	v5 =	vsub.f32 v32, v5;
	v3 =	vadd.f32 v38, v3;
	v7 =	vmul.f32 v7, v36  }
0xb7: {  	v2 =	vadd.f32 v6, v2;
	v6 =	vld [tilespmem:s20+$0x1C30];
	v0 =	vadd.f32 v9, v0;
	vm8 =	vge.f32 v39, v4  }
0xb8: {  	v30 =	vld [tilespmem:s20+$0x1C70];
	v5 =	vand.u32 $0x7FFFFFFF, v5;
	vm10 =	vgt.f32 v39, v4;
	v1 =	vadd.f32 v7, v1  }
0xb9: {  	v60 =	vld [tilespmem:s20+$0x2850];
	v4 =	vmax.f32 v4, v39;
	v0 =	vadd.f32 v14, v0;
	v5 =	vadd.f32 v10, v5  }
0xba: {  	v7 =	vld [tilespmem:s20+$0x3430];
	v3 =	vsel vm10, $0x0, v3;
	v45 =	vnsel vm8, $0x0, v39;
	v2 =	vsel vm10, $0x0, v2  }
0xbb: {  	v59 =	vld [tilespmem:s20+$0x1050];
	v11 =	vnsel vm8, $0x0, v11;
	v10 =	vsub.f32 v42, v43;
	v3 =	vadd.f32 v45, v3  }
0xbc: {  	v34 =	vld [tilespmem:s20+$0x3470];
	v2 =	vadd.f32 v11, v2;
	v11 =	vsub.f32 v50, v51;
	v5 =	vmul.f32 v5, v8  }
0xbd: {  	v6 =	vsub.f32 v41, v6;
	v10 =	vand.u32 $0x7FFFFFFF, v10;
	v12 =	vsub.f32 v29, v30  }
0xbe: {  	v52 =	vld [tilespmem:s20+$0x4030];
	v11 =	vand.u32 $0x7FFFFFFF, v11;
	v47 =	vmul.f32 v5, v40;
	v5 =	vmul.f32 v5, v44  }
0xbf: {  	vm12 =	vge.f32 v7, $5.000000000e-01;
	v6 =	vand.u32 $0x7FFFFFFF, v6;
	v9 =	vadd.f32 v11, v58  }
0xc0: {  	v46 =	vld [tilespmem:s20+$0x4C30];
	v11 =	vsub.f32 v59, v60;
	v39 =	vand.u32 $0x7FFFFFFF, v12;
	v7 =	vnsel vm12, $0x0, v7  }
0xc1: {  	v23 =	vld [tilespmem:s20+$0x1060];
	v6 =	vadd.f32 v10, v6;
	v10 =	vnsel vm15, $0x0, v53;
	vm12 =	vge.f32 v34, $5.000000000e-01  }
0xc2: {  	v24 =	vld [tilespmem:s20+$0x2860];
	vm11 =	vge.f32 v47, v4;
	vm13 =	vgt.f32 v47, v4;
	v1 =	vadd.f32 v5, v1  }
0xc3: {  	v25 =	vld [tilespmem:s20+$0x4050];
	v5 =	vmul.f32 v40, v8;
	v4 =	vmax.f32 v4, v47;
	v8 =	vmul.f32 v52, v7  }
0xc4: {  	v55 =	vld [tilespmem:s20+$0x4C40];
	v11 =	vand.u32 $0x7FFFFFFF, v11;
	v3 =	vsel vm13, $0x0, v3;
	v6 =	vmul.f32 v6, v7  }
0xc5: {  	v61 =	vld [tilespmem:s20+$0x4040];
	v54 =	vnsel vm11, $0x0, v47;
	v2 =	vsel vm13, $0x0, v2;
	v7 =	vmul.f32 v46, v7  }
0xc6: {  	v57 =	vld [tilespmem:s20+$0x450];
	v5 =	vnsel vm11, $0x0, v5;
	v3 =	vadd.f32 v54, v3;
	v56 =	vmul.f32 v6, v46  }
0xc7: {  	v22 =	vld [tilespmem:s20+$0x460];
	v0 =	vadd.f32 v8, v0;
	v8 =	vnsel vm6, $0x0, v62;
	v6 =	vmul.f32 v6, v52  }
0xc8: {  	v2 =	vadd.f32 v5, v2;
	v5 =	vld [tilespmem:s20+$0x1C50];
	v14 =	vmul.f32 v25, v8;
	vm14 =	vge.f32 v56, v4  }
0xc9: {  	v31 =	vld [tilespmem:s20+$0x1070];
	vm4 =	vgt.f32 v56, v4;
	v1 =	vadd.f32 v6, v1;
	v6 =	vmul.f32 v9, v10  }
0xca: {  	v32 =	vld [tilespmem:s20+$0x2870];
	v4 =	vmax.f32 v4, v56;
	v9 =	vmul.f32 v61, v10;
	v10 =	vmul.f32 v55, v10  }
0xcb: {  	v43 =	vld [tilespmem:s20+$0x3800];
	v3 =	vsel vm4, $0x0, v3;
	v63 =	vnsel vm14, $0x0, v56;
	v2 =	vsel vm4, $0x0, v2  }
0xcc: {  	v41 =	vld [tilespmem:s20+$0x2C00];
	v7 =	vnsel vm14, $0x0, v7;
	v20 =	vmul.f32 v6, v55;
	v3 =	vadd.f32 v63, v3  }
0xcd: {  	v54 =	vld [tilespmem:s20+$0x820];
	v6 =	vmul.f32 v6, v61;
	v0 =	vadd.f32 v9, v0;
	v5 =	vsub.f32 v57, v5  }
0xce: {  	v2 =	vadd.f32 v7, v2;
	v7 =	vld [tilespmem:s20+$0x1C60];
	vm5 =	vge.f32 v20, v4;
	vm7 =	vgt.f32 v20, v4  }
0xcf: {  	v55 =	vld [tilespmem:s20+$0x2020];
	v1 =	vadd.f32 v6, v1;
	v0 =	vadd.f32 v14, v0;
	v5 =	vand.u32 $0x7FFFFFFF, v5  }
0xd0: {  	v6 =	vld [tilespmem:s20+$0x3460];
	v3 =	vsel vm7, $0x0, v3;
	v26 =	vnsel vm5, $0x0, v20;
	v2 =	vsel vm7, $0x0, v2  }
0xd1: {  	v40 =	vld [tilespmem:s20+$0x1400];
	v10 =	vnsel vm5, $0x0, v10;
	v5 =	vadd.f32 v11, v5;
	v3 =	vadd.f32 v26, v3  }
0xd2: {  	v21 =	vld [tilespmem:s20+$0x4C50];
	vm15 =	vge.f32 v43, $5.000000000e-01;
	v11 =	vsub.f32 v23, v24;
	v2 =	vadd.f32 v10, v2  }
0xd3: {  	v59 =	vld [tilespmem:s20+$0x3820];
	v4 =	vmax.f32 v4, v20;
	v10 =	vsub.f32 v31, v32;
	v7 =	vsub.f32 v22, v7  }
0xd4: {  	v12 =	vsub.f32 v54, v55;
	v5 =	vmul.f32 v5, v8;
	v11 =	vand.u32 $0x7FFFFFFF, v11  }
0xd5: {  	v33 =	vld [tilespmem:s20+$0x4060];
	v10 =	vand.u32 $0x7FFFFFFF, v10;
	vm9 =	vge.f32 v6, $5.000000000e-01;
	v7 =	vand.u32 $0x7FFFFFFF, v7  }
0xd6: {  	v27 =	vld [tilespmem:s20+$0x4C60];
	v9 =	vadd.f32 v10, v39;
	v10 =	vsub.f32 v40, v41;
	v19 =	vand.u32 $0x7FFFFFFF, v12  }
0xd7: {  	v28 =	vmul.f32 v5, v21;
	v5 =	vmul.f32 v5, v25;
	v6 =	vnsel vm9, $0x0, v6  }
0xd8: {  	v48 =	vld [tilespmem:s20+$0x1410];
	v7 =	vadd.f32 v11, v7;
	v11 =	vnsel vm12, $0x0, v34;
	vm9 =	vge.f32 v59, $5.000000000e-01  }
0xd9: {  	v49 =	vld [tilespmem:s20+$0x2C10];
	v10 =	vand.u32 $0x7FFFFFFF, v10;
	vm8 =	vge.f32 v28, v4;
	vm10 =	vgt.f32 v28, v4  }
0xda: {  	v50 =	vld [tilespmem:s20+$0x4400];
	v1 =	vadd.f32 v5, v1;
	v5 =	vmul.f32 v21, v8;
	v7 =	vmul.f32 v7, v6  }
0xdb: {  	v36 =	vld [tilespmem:s20+$0x4C70];
	v4 =	vmax.f32 v4, v28;
	v8 =	vmul.f32 v33, v6;
	v6 =	vmul.f32 v27, v6  }
0xdc: {  	v42 =	vld [tilespmem:s20+$0x4070];
	v3 =	vsel vm10, $0x0, v3;
	v35 =	vnsel vm8, $0x0, v28;
	v2 =	vsel vm10, $0x0, v2  }
0xdd: {  	v38 =	vld [tilespmem:s20+$0x800];
	v5 =	vnsel vm8, $0x0, v5;
	v37 =	vmul.f32 v7, v27;
	v3 =	vadd.f32 v35, v3  }
0xde: {  	v47 =	vld [tilespmem:s20+$0x810];
	v7 =	vmul.f32 v7, v33;
	v0 =	vadd.f32 v8, v0;
	v8 =	vnsel vm15, $0x0, v43  }
0xdf: {  	v56 =	vld [tilespmem:s20+$0x1420];
	v2 =	vadd.f32 v5, v2;
	v14 =	vmul.f32 v50, v8;
	vm11 =	vge.f32 v37, v4  }
0xe0: {  	v5 =	vld [tilespmem:s20+$0x2000];
	vm13 =	vgt.f32 v37, v4;
	v1 =	vadd.f32 v7, v1;
	v7 =	vmul.f32 v9, v11  }
0xe1: {  	v57 =	vld [tilespmem:s20+$0x2C20];
	v4 =	vmax.f32 v4, v37;
	v9 =	vmul.f32 v42, v11;
	v11 =	vmul.f32 v36, v11  }
0xe2: {  	v20 =	vld [tilespmem:s20+$0x1430];
	v3 =	vsel vm13, $0x0, v3;
	v44 =	vnsel vm11, $0x0, v37;
	v2 =	vsel vm13, $0x0, v2  }
0xe3: {  	v23 =	vld [tilespmem:s20+$0x3830];
	v6 =	vnsel vm11, $0x0, v6;
	v45 =	vmul.f32 v7, v36;
	v3 =	vadd.f32 v44, v3  }
0xe4: {  	v2 =	vadd.f32 v6, v2;
	v6 =	vld [tilespmem:s20+$0x2010];
	v7 =	vmul.f32 v7, v42;
	v0 =	vadd.f32 v9, v0  }
0xe5: {  	v42 =	vld [tilespmem:s20+$0x860];
	v5 =	vsub.f32 v38, v5;
	vm14 =	vge.f32 v45, v4;
	vm4 =	vgt.f32 v45, v4  }
0xe6: {  	v44 =	vld [tilespmem:s20+$0x2060];
	v1 =	vadd.f32 v7, v1;
	v0 =	vadd.f32 v14, v0;
	v3 =	vsel vm4, $0x0, v3  }
0xe7: {  	v7 =	vld [tilespmem:s20+$0x3810];
	v51 =	vnsel vm14, $0x0, v45;
	v2 =	vsel vm4, $0x0, v2;
	v11 =	vnsel vm14, $0x0, v11  }
0xe8: {  	v21 =	vld [tilespmem:s20+$0x2C30];
	v5 =	vand.u32 $0x7FFFFFFF, v5;
	v3 =	vadd.f32 v51, v3;
	v2 =	vadd.f32 v11, v2  }
0xe9: {  	v46 =	vld [tilespmem:s20+$0x5000];
	vm12 =	vge.f32 v23, $5.000000000e-01;
	v11 =	vsub.f32 v56, v57;
	v5 =	vadd.f32 v10, v5  }
0xea: {  	v40 =	vld [tilespmem:s20+$0x3850];
	v4 =	vmax.f32 v4, v45;
	v6 =	vsub.f32 v47, v6;
	v10 =	vsub.f32 v48, v49  }
0xeb: {  	v51 =	vsub.f32 v42, v44;
	v11 =	vand.u32 $0x7FFFFFFF, v11;
	v5 =	vmul.f32 v5, v8  }
0xec: {  	v58 =	vld [tilespmem:s20+$0x4410];
	vm6 =	vge.f32 v7, $5.000000000e-01;
	v6 =	vand.u32 $0x7FFFFFFF, v6;
	v10 =	vand.u32 $0x7FFFFFFF, v10  }
0xed: {  	v52 =	vld [tilespmem:s20+$0x5010];
	v9 =	vadd.f32 v11, v19;
	v11 =	vsub.f32 v20, v21;
	v12 =	vand.u32 $0x7FFFFFFF, v51  }
0xee: {  	v7 =	vnsel vm6, $0x0, v7;
	v6 =	vadd.f32 v10, v6;
	v53 =	vmul.f32 v5, v46  }
0xef: {  	v29 =	vld [tilespmem:s20+$0x2C40];
	v10 =	vnsel vm9, $0x0, v59;
	vm6 =	vge.f32 v40, $5.000000000e-01;
	v5 =	vmul.f32 v5, v50  }
0xf0: {  	v61 =	vld [tilespmem:s20+$0x5020];
	v11 =	vand.u32 $0x7FFFFFFF, v11;
	v6 =	vmul.f32 v6, v7;
	vm5 =	vge.f32 v53, v4  }
0xf1: {  	v63 =	vld [tilespmem:s20+$0x830];
	vm7 =	vgt.f32 v53, v4;
	v1 =	vadd.f32 v5, v1;
	v5 =	vmul.f32 v46, v8  }
0xf2: {  	v26 =	vld [tilespmem:s20+$0x5030];
	v4 =	vmax.f32 v4, v53;
	v8 =	vmul.f32 v58, v7;
	v7 =	vmul.f32 v52, v7  }
0xf3: {  	v22 =	vld [tilespmem:s20+$0x4420];
	v46 =	vnsel vm6, $0x0, v40;
	v3 =	vsel vm7, $0x0, v3;
	v60 =	vnsel vm5, $0x0, v53  }
0xf4: {  	v28 =	vld [tilespmem:s20+$0x1440];
	v2 =	vsel vm7, $0x0, v2;
	v62 =	vmul.f32 v6, v52;
	v6 =	vmul.f32 v6, v58  }
0xf5: {  	v27 =	vld [tilespmem:s20+$0x840];
	v5 =	vnsel vm5, $0x0, v5;
	v3 =	vadd.f32 v60, v3;
	v0 =	vadd.f32 v8, v0  }
0xf6: {  	v48 =	vld [tilespmem:s20+$0x3860];
	v8 =	vnsel vm12, $0x0, v23;
	v2 =	vadd.f32 v5, v2;
	vm8 =	vge.f32 v62, v4  }
0xf7: {  	v5 =	vld [tilespmem:s20+$0x2030];
	vm10 =	vgt.f32 v62, v4;
	v4 =	vmax.f32 v4, v62;
	v1 =	vadd.f32 v6, v1  }
0xf8: {  	v33 =	vld [tilespmem:s20+$0x4440];
	v6 =	vmul.f32 v9, v10;
	v9 =	vmul.f32 v22, v10;
	v3 =	vsel vm10, $0x0, v3  }
0xf9: {  	v35 =	vld [tilespmem:s20+$0x850];
	v24 =	vnsel vm8, $0x0, v62;
	v7 =	vnsel vm8, $0x0, v7;
	v2 =	vsel vm10, $0x0, v2  }
0xfa: {  	v57 =	vld [tilespmem:s20+$0x3870];
	v25 =	vmul.f32 v6, v61;
	v3 =	vadd.f32 v24, v3;
	v6 =	vmul.f32 v6, v22  }
0xfb: {  	v10 =	vmul.f32 v61, v10;
	v0 =	vadd.f32 v9, v0;
	v2 =	vadd.f32 v7, v2;
	v7 =	vld [tilespmem:s20+$0x2040]  }
0xfc: {  	vm8 =	vge.f32 v48, $5.000000000e-01;
	v1 =	vadd.f32 v6, v1;
	v6 =	vld [tilespmem:s20+$0x3840];
	v5 =	vsub.f32 v63, v5  }
0xfd: {  	v37 =	vld [tilespmem:s20+$0x1450];
	vm11 =	vge.f32 v25, v4;
	vm13 =	vgt.f32 v25, v4;
	v4 =	vmax.f32 v4, v25  }
0xfe: {  	v36 =	vld [tilespmem:s20+$0x2050];
	v3 =	vsel vm13, $0x0, v3;
	v31 =	vnsel vm11, $0x0, v25;
	v5 =	vand.u32 $0x7FFFFFFF, v5  }
0xff: {  	v38 =	vld [tilespmem:s20+$0x2C50];
	v2 =	vsel vm13, $0x0, v2;
	v10 =	vnsel vm11, $0x0, v10;
	v5 =	vadd.f32 v11, v5  }
0x100: {  	v30 =	vld [tilespmem:s20+$0x4430];
	vm11 =	vge.f32 v57, $5.000000000e-01;
	v7 =	vsub.f32 v27, v7;
	v11 =	vsub.f32 v28, v29  }
0x101: {  	v34 =	vld [tilespmem:s20+$0x5040];
	v3 =	vadd.f32 v31, v3;
	v2 =	vadd.f32 v10, v2;
	vm15 =	vge.f32 v6, $5.000000000e-01  }
0x102: {  	v5 =	vmul.f32 v5, v8;
	v7 =	vand.u32 $0x7FFFFFFF, v7;
	v11 =	vand.u32 $0x7FFFFFFF, v11  }
0x103: {  	v10 =	vsub.f32 v35, v36;
	v6 =	vnsel vm15, $0x0, v6;
	v7 =	vadd.f32 v11, v7  }
0x104: {  	v43 =	vmul.f32 v33, v6;
	v11 =	vsub.f32 v37, v38;
	v32 =	vmul.f32 v5, v26  }
0x105: {  	v10 =	vand.u32 $0x7FFFFFFF, v10;
	v5 =	vmul.f32 v5, v30;
	v7 =	vmul.f32 v7, v6  }
0x106: {  	v11 =	vand.u32 $0x7FFFFFFF, v11;
	v6 =	vmul.f32 v34, v6;
	vm14 =	vge.f32 v32, v4  }
0x107: {  	vm4 =	vgt.f32 v32, v4;
	v1 =	vadd.f32 v5, v1;
	v5 =	vmul.f32 v30, v8  }
0x108: {  	v47 =	vld [tilespmem:s20+$0x5050];
	v8 =	vmul.f32 v26, v8;
	v4 =	vmax.f32 v4, v32;
	v10 =	vadd.f32 v11, v10  }
0x109: {  	v3 =	vsel vm4, $0x0, v3;
	v39 =	vnsel vm14, $0x0, v32;
	v2 =	vsel vm4, $0x0, v2  }
0x10a: {  	v45 =	vld [tilespmem:s20+$0x1460];
	v41 =	vmul.f32 v7, v34;
	v7 =	vmul.f32 v7, v33;
	v0 =	vadd.f32 v5, v0  }
0x10b: {  	v3 =	vadd.f32 v39, v3;
	v5 =	vld [tilespmem:s20+$0x4450];
	v8 =	vnsel vm14, $0x0, v8;
	v49 =	vmul.f32 v10, v46  }
0x10c: {  	v2 =	vadd.f32 v8, v2;
	vm5 =	vge.f32 v41, v4;
	v1 =	vadd.f32 v7, v1;
	v7 =	vld [tilespmem:s20+$0x2C60]  }
0x10d: {  	v54 =	vld [tilespmem:s20+$0x1470];
	vm7 =	vgt.f32 v41, v4;
	v4 =	vmax.f32 v4, v41;
	v8 =	vmul.f32 v47, v46  }
0x10e: {  	v55 =	vld [tilespmem:s20+$0x2C70];
	v3 =	vsel vm7, $0x0, v3;
	v6 =	vnsel vm5, $0x0, v6;
	v2 =	vsel vm7, $0x0, v2  }
0x10f: {  	v52 =	vld [tilespmem:s20+$0x870];
	v9 =	vnsel vm5, $0x0, v41;
	v2 =	vadd.f32 v6, v2;
	v6 =	vmul.f32 v49, v47  }
0x110: {  	v53 =	vld [tilespmem:s20+$0x2070];
	v0 =	vadd.f32 v43, v0;
	v3 =	vadd.f32 v9, v3;
	v9 =	vmul.f32 v49, v5  }
0x111: {  	v5 =	vmul.f32 v5, v46;
	v7 =	vsub.f32 v45, v7;
	vm9 =	vge.f32 v6, v4  }
0x112: {  	v50 =	vld [tilespmem:s20+$0x4460];
	vm10 =	vgt.f32 v6, v4;
	v4 =	vmax.f32 v4, v6;
	v1 =	vadd.f32 v9, v1  }
0x113: {  	v0 =	vadd.f32 v5, v0;
	v3 =	vsel vm10, $0x0, v3;
	v7 =	vand.u32 $0x7FFFFFFF, v7  }
0x114: {  	v56 =	vld [tilespmem:s20+$0x5060];
	v6 =	vnsel vm9, $0x0, v6;
	v9 =	vsub.f32 v54, v55;
	v7 =	vadd.f32 v7, v12  }
0x115: {  	v5 =	vnsel vm8, $0x0, v48;
	v3 =	vadd.f32 v6, v3;
	v6 =	vsub.f32 v52, v53  }
0x116: {  	v2 =	vsel vm10, $0x0, v2;
	v8 =	vnsel vm9, $0x0, v8;
	v7 =	vmul.f32 v7, v5  }
0x117: {  	v10 =	vmul.f32 v50, v5;
	v59 =	vand.u32 $0x7FFFFFFF, v9;
	v6 =	vand.u32 $0x7FFFFFFF, v6  }
0x118: {  	v60 =	vld [tilespmem:s20+$0x5070];
	v2 =	vadd.f32 v8, v2;
	v6 =	vadd.f32 v59, v6;
	v58 =	vmul.f32 v7, v50  }
0x119: {  	v61 =	vld [tilespmem:s20+$0x4470];
	v12 =	vnsel vm11, $0x0, v57;
	v0 =	vadd.f32 v10, v0;
	v7 =	vmul.f32 v7, v56  }
0x11a: {  	v5 =	vmul.f32 v56, v5;
	v6 =	vmul.f32 v6, v12;
	v1 =	vadd.f32 v58, v1  }
0x11b: {  	vm12 =	vgt.f32 v7, v4;
	vm13 =	vge.f32 v7, v4;
	v4 =	vmax.f32 v4, v7  }
0x11c: {  	v3 =	vsel vm12, $0x0, v3;
	v62 =	vnsel vm13, $0x0, v7;
	v2 =	vsel vm12, $0x0, v2  }
0x11d: {  	p0 =	sne.s32 s19, $0xE00;
	v5 =	vnsel vm13, $0x0, v5;
	v7 =	vmul.f32 v6, v60;
	v3 =	vadd.f32 v62, v3  }
.Ltmp2:
0x11e: {  	v2 =	vadd.f32 v5, v2;
	v5 =	vmul.f32 v6, v61;
	v6 =	vmul.f32 v61, v12;
	(pc) =	sbr.rel @p0 .LBB2_3-.Ltmp2, $4  }
0x11f: {  	v63 =	vmul.f32 v60, v12;
	vm14 =	vge.f32 v7, v4;
	vm15 =	vgt.f32 v7, v4  }
0x120: {  	v1 =	vadd.f32 v5, v1;
	v0 =	vadd.f32 v6, v0;
	v3 =	vsel vm15, $0x0, v3  }
0x121: {  	v5 =	vnsel vm14, $0x0, v7;
	v2 =	vsel vm15, $0x0, v2;
	v6 =	vnsel vm14, $0x0, v63  }
0x122: {  	s19 =	sadd.s32 $0x200, s19;
	v4 =	vmax.f32 v4, v7;
	v3 =	vadd.f32 v5, v3;
	v2 =	vadd.f32 v6, v2  }
0x123: {  	p0 =	seq.s32 s18, $0x2  }
0x124: {  	s19 =	sshll.u32 @!p0 s18, $0x4  }
0x125: {  	s19 =	sadd.s32 @!p0 s19, s25  }
0x126: {  	s19 =	sshrl.u32 @!p0 s19, $0x3  }
0x127: {  	s19 =	smul.u32 @!p0 $0xC00, s19;
	_ =	sdelay $0x1  }
0x128: {  	s19 =	sadd.s32 @!p0 s10, s19  }
0x129: {  	s19 =	sshrl.u32 @!p0 s19, $0x3  }
0x12a: {  	s21 =	simm.s32 @!p0 $0x0;
	s20 =	sadd.s32 @!p0 s0, s19  }
0x12b: {  	[tilespmem:s21], [sflag:$0x1] =	stream.linear.gather @!p0 [hbm4b:s20+s21], $0xC00, $0x38;
	[tilespmem:$0xAC00] =	vst v63  }
0x12c: {  	s22 =	simm.s32 @!p0 $0xC00;
	s20 =	sadd.s32 @!p0 s1, s19  }
0x12d: {  	[tilespmem:s22], [sflag:$0x1] =	stream.linear.gather @!p0 [hbm4b:s20+s21], $0xC00, $0x38;
	[tilespmem:$0xAC00] =	vst v63  }
0x12e: {  	s20 =	sadd.s32 @!p0 s3, s19;
	s22 =	simm.s32 @!p0 $0x1800  }
0x12f: {  	[tilespmem:s22], [sflag:$0x1] =	stream.linear.gather @!p0 [hbm4b:s20+s21], $0xC00, $0x38;
	[tilespmem:$0xAC00] =	vst v63  }
0x130: {  	s20 =	sadd.s32 @!p0 s4, s19;
	s22 =	simm.s32 @!p0 $0x2400  }
0x131: {  	[tilespmem:s22], [sflag:$0x1] =	stream.linear.gather @!p0 [hbm4b:s20+s21], $0xC00, $0x38;
	[tilespmem:$0xAC00] =	vst v63  }
0x132: {  	s20 =	sadd.s32 @!p0 s5, s19;
	s22 =	simm.s32 @!p0 $0x3000  }
0x133: {  	[tilespmem:s22], [sflag:$0x1] =	stream.linear.gather @!p0 [hbm4b:s20+s21], $0xC00, $0x38;
	[tilespmem:$0xAC00] =	vst v63  }
0x134: {  	s20 =	sadd.s32 @!p0 s6, s19;
	s22 =	simm.s32 @!p0 $0x3C00  }
0x135: {  	[tilespmem:s22], [sflag:$0x1] =	stream.linear.gather @!p0 [hbm4b:s20+s21], $0xC00, $0x38;
	[tilespmem:$0xAC00] =	vst v63  }
0x136: {  	s19 =	sadd.s32 @!p0 s8, s19;
	s20 =	simm.s32 @!p0 $0x4800  }
0x137: {  	[tilespmem:s20], [sflag:$0x1] =	stream.linear.gather @!p0 [hbm4b:s19+s21], $0xC00, $0x38;
	[tilespmem:$0xAC00] =	vst v63  }
0x138: {  	_ =	swait.ge [sflag:s15], $0xC00  }
0x139: {  	[sflag:s15] =	ssyncset.done $0x0  }
0x13a: {  	[sflag:s15] =	ssyncadd.s32 $0xFFFFF400  }
0x13b: {  	_ =	swait.ge [sflag:s15], $0xC00  }
0x13c: {  	[sflag:s15] =	ssyncset.done $0x0  }
0x13d: {  	[sflag:s15] =	ssyncadd.s32 $0xFFFFF400  }
0x13e: {  	_ =	swait.ge [sflag:s15], $0xC00  }
0x13f: {  	[sflag:s15] =	ssyncset.done $0x0  }
0x140: {  	[sflag:s15] =	ssyncadd.s32 $0xFFFFF400  }
0x141: {  	_ =	swait.ge [sflag:s15], $0xC00  }
0x142: {  	[sflag:s15] =	ssyncset.done $0x0  }
0x143: {  	[sflag:s15] =	ssyncadd.s32 $0xFFFFF400  }
0x144: {  	_ =	swait.ge [sflag:s15], $0xC00  }
0x145: {  	[sflag:s15] =	ssyncset.done $0x0  }
0x146: {  	[sflag:s15] =	ssyncadd.s32 $0xFFFFF400  }
0x147: {  	_ =	swait.ge [sflag:s15], $0xC00  }
0x148: {  	[sflag:s15] =	ssyncset.done $0x0  }
0x149: {  	[sflag:s15] =	ssyncadd.s32 $0xFFFFF400  }
0x14a: {  	_ =	swait.ge [sflag:s15], $0xC00  }
0x14b: {  	[sflag:s15] =	ssyncset.done $0x0  }
0x14c: {  	s19 =	simm.s32 $0x0;
	[sflag:s15] =	ssyncadd.s32 $0xFFFFF400  }
.LBB2_5:
0x14d: {  	s20 =	sshra.s32 s19, $0x2  }
0x14e: {  	v5 =	vld [tilespmem:s20+$0x5400]  }
0x14f: {  	v6 =	vld [tilespmem:s20+$0x6C00]  }
0x150: {  	v7 =	vld [tilespmem:s20+$0x6000]  }
0x151: {  	v8 =	vld [tilespmem:s20+$0x7800]  }
0x152: {  	v9 =	vld [tilespmem:s20+$0x8400]  }
0x153: {  	v10 =	vld [tilespmem:s20+$0x9C00]  }
0x154: {  	v54 =	vld [tilespmem:s20+$0x6C10]  }
0x155: {  	v11 =	vld [tilespmem:s20+$0x6010]  }
0x156: {  	v12 =	vld [tilespmem:s20+$0x9000]  }
0x157: {  	v13 =	vld [tilespmem:s20+$0x8410]  }
0x158: {  	v15 =	vld [tilespmem:s20+$0x9C10]  }
0x159: {  	v55 =	vld [tilespmem:s20+$0x5420]  }
0x15a: {  	v56 =	vld [tilespmem:s20+$0x6C20]  }
0x15b: {  	v16 =	vld [tilespmem:s20+$0x6020]  }
0x15c: {  	v17 =	vld [tilespmem:s20+$0x9010]  }
0x15d: {  	v60 =	vld [tilespmem:s20+$0x5430]  }
0x15e: {  	v61 =	vld [tilespmem:s20+$0x6C30]  }
0x15f: {  	v21 =	vld [tilespmem:s20+$0x8430]  }
0x160: {  	v5 =	vsub.f32 v5, v6;
	v6 =	vsub.f32 v7, v8;
	v7 =	vld [tilespmem:s20+$0x5410]  }
0x161: {  	v29 =	vld [tilespmem:s20+$0x8440]  }
0x162: {  	v35 =	vld [tilespmem:s20+$0x6050];
	v5 =	vand.u32 $0x7FFFFFFF, v5;
	v6 =	vand.u32 $0x7FFFFFFF, v6  }
0x163: {  	v36 =	vld [tilespmem:s20+$0x7850];
	vm0 =	vge.f32 v9, $5.000000000e-01;
	v5 =	vadd.f32 v6, v5  }
0x164: {  	vm1 =	vge.f32 v13, $5.000000000e-01;
	v8 =	vsub.f32 v55, v56;
	v9 =	vnsel vm0, $0x0, v9;
	v6 =	vld [tilespmem:s20+$0x7810]  }
0x165: {  	v43 =	vld [tilespmem:s20+$0x6060];
	vm12 =	vge.f32 v21, $5.000000000e-01;
	v5 =	vmul.f32 v5, v9;
	v7 =	vsub.f32 v7, v54  }
0x166: {  	v44 =	vld [tilespmem:s20+$0x7860];
	vm15 =	vge.f32 v29, $5.000000000e-01;
	v13 =	vnsel vm1, $0x0, v13;
	v8 =	vand.u32 $0x7FFFFFFF, v8  }
0x167: {  	v62 =	vld [tilespmem:s20+$0x6030];
	v14 =	vmul.f32 v5, v10;
	v5 =	vmul.f32 v5, v12;
	v7 =	vand.u32 $0x7FFFFFFF, v7  }
0x168: {  	v63 =	vld [tilespmem:s20+$0x7830];
	v12 =	vmul.f32 v12, v9;
	v9 =	vmul.f32 v10, v9;
	v10 =	vsub.f32 v35, v36  }
0x169: {  	v26 =	vld [tilespmem:s20+$0x6040];
	v6 =	vsub.f32 v11, v6;
	v11 =	vsub.f32 v60, v61;
	vm6 =	vge.f32 v14, v4  }
0x16a: {  	v27 =	vld [tilespmem:s20+$0x7840];
	vm7 =	vgt.f32 v14, v4;
	v4 =	vmax.f32 v4, v14;
	v1 =	vadd.f32 v5, v1  }
0x16b: {  	v41 =	vld [tilespmem:s20+$0x5460];
	v0 =	vadd.f32 v12, v0;
	v12 =	vsub.f32 v43, v44;
	v6 =	vand.u32 $0x7FFFFFFF, v6  }
0x16c: {  	v42 =	vld [tilespmem:s20+$0x6C60];
	v2 =	vsel vm7, $0x0, v2;
	v9 =	vnsel vm6, $0x0, v9;
	v6 =	vadd.f32 v6, v7  }
0x16d: {  	v10 =	vand.u32 $0x7FFFFFFF, v10;
	v7 =	vld [tilespmem:s20+$0x7820];
	v2 =	vadd.f32 v9, v2;
	v9 =	vsub.f32 v62, v63  }
0x16e: {  	v3 =	vsel vm7, $0x0, v3;
	v57 =	vnsel vm6, $0x0, v14;
	v5 =	vmul.f32 v6, v13  }
0x16f: {  	v56 =	vld [tilespmem:s20+$0x8470];
	v11 =	vand.u32 $0x7FFFFFFF, v11;
	v3 =	vadd.f32 v57, v3;
	v9 =	vand.u32 $0x7FFFFFFF, v9  }
0x170: {  	v6 =	vld [tilespmem:s20+$0x8420];
	v9 =	vadd.f32 v9, v11;
	v11 =	vsub.f32 v26, v27;
	v59 =	vmul.f32 v5, v15  }
0x171: {  	v58 =	vld [tilespmem:s20+$0x9C20];
	v52 =	vand.u32 $0x7FFFFFFF, v12;
	v5 =	vmul.f32 v5, v17;
	v17 =	vmul.f32 v17, v13  }
0x172: {  	v53 =	vld [tilespmem:s20+$0x6070];
	v7 =	vsub.f32 v16, v7;
	v34 =	vand.u32 $0x7FFFFFFF, v11;
	v11 =	vsub.f32 v41, v42  }
0x173: {  	v54 =	vld [tilespmem:s20+$0x7870];
	vm8 =	vge.f32 v59, v4;
	vm10 =	vgt.f32 v59, v4;
	v1 =	vadd.f32 v5, v1  }
0x174: {  	v20 =	vld [tilespmem:s20+$0x9020];
	v5 =	vmul.f32 v15, v13;
	v0 =	vadd.f32 v17, v0;
	v4 =	vmax.f32 v4, v59  }
0x175: {  	v46 =	vld [tilespmem:s20+$0x8460];
	v13 =	vnsel vm12, $0x0, v21;
	vm12 =	vge.f32 v56, $5.000000000e-01;
	vm9 =	vge.f32 v6, $5.000000000e-01  }
0x176: {  	v23 =	vld [tilespmem:s20+$0x9C30];
	v7 =	vand.u32 $0x7FFFFFFF, v7;
	v3 =	vsel vm10, $0x0, v3;
	v22 =	vnsel vm8, $0x0, v59  }
0x177: {  	v37 =	vld [tilespmem:s20+$0x9040];
	v2 =	vsel vm10, $0x0, v2;
	v51 =	vand.u32 $0x7FFFFFFF, v11;
	v7 =	vadd.f32 v7, v8  }
0x178: {  	v25 =	vld [tilespmem:s20+$0x5440];
	v11 =	vsub.f32 v53, v54;
	v6 =	vnsel vm9, $0x0, v6;
	v5 =	vnsel vm8, $0x0, v5  }
0x179: {  	v2 =	vadd.f32 v5, v2;
	v5 =	vld [tilespmem:s20+$0x6C40];
	v8 =	vmul.f32 v20, v6;
	v7 =	vmul.f32 v7, v6  }
0x17a: {  	v28 =	vld [tilespmem:s20+$0x9030];
	v3 =	vadd.f32 v22, v3;
	vm9 =	vge.f32 v46, $5.000000000e-01;
	v6 =	vmul.f32 v58, v6  }
0x17b: {  	v0 =	vadd.f32 v8, v0;
	v8 =	vnsel vm15, $0x0, v29;
	v24 =	vmul.f32 v7, v58  }
0x17c: {  	v11 =	vand.u32 $0x7FFFFFFF, v11;
	v7 =	vmul.f32 v7, v20;
	v16 =	vmul.f32 v37, v8  }
0x17d: {  	vm11 =	vge.f32 v24, v4;
	vm13 =	vgt.f32 v24, v4;
	v4 =	vmax.f32 v4, v24  }
0x17e: {  	v1 =	vadd.f32 v7, v1;
	v7 =	vmul.f32 v9, v13;
	v5 =	vsub.f32 v25, v5  }
0x17f: {  	v32 =	vld [tilespmem:s20+$0x9C40];
	v9 =	vmul.f32 v28, v13;
	v13 =	vmul.f32 v23, v13;
	v3 =	vsel vm13, $0x0, v3  }
0x180: {  	v33 =	vld [tilespmem:s20+$0x5450];
	v30 =	vnsel vm11, $0x0, v24;
	v2 =	vsel vm13, $0x0, v2;
	v6 =	vnsel vm11, $0x0, v6  }
0x181: {  	v24 =	vld [tilespmem:s20+$0x7010];
	v31 =	vmul.f32 v7, v23;
	v3 =	vadd.f32 v30, v3;
	v2 =	vadd.f32 v6, v2  }
0x182: {  	v6 =	vld [tilespmem:s20+$0x6C50];
	v7 =	vmul.f32 v7, v28;
	v5 =	vand.u32 $0x7FFFFFFF, v5;
	v0 =	vadd.f32 v9, v0  }
0x183: {  	v9 =	vadd.f32 v52, v51;
	v23 =	vld [tilespmem:s20+$0x5810];
	v5 =	vadd.f32 v34, v5;
	vm14 =	vge.f32 v31, v4  }
0x184: {  	vm4 =	vgt.f32 v31, v4;
	v4 =	vmax.f32 v4, v31;
	v1 =	vadd.f32 v7, v1;
	v7 =	vld [tilespmem:s20+$0x8450]  }
0x185: {  	v0 =	vadd.f32 v16, v0;
	v5 =	vmul.f32 v5, v8;
	v3 =	vsel vm4, $0x0, v3  }
0x186: {  	v38 =	vnsel vm14, $0x0, v31;
	v2 =	vsel vm4, $0x0, v2;
	v13 =	vnsel vm14, $0x0, v13  }
0x187: {  	v39 =	vld [tilespmem:s20+$0x9C50];
	v3 =	vadd.f32 v38, v3;
	v40 =	vmul.f32 v5, v32;
	v6 =	vsub.f32 v33, v6  }
0x188: {  	v28 =	vld [tilespmem:s20+$0x8810];
	v2 =	vadd.f32 v13, v2;
	v5 =	vmul.f32 v5, v37;
	v12 =	vsub.f32 v23, v24  }
0x189: {  	v45 =	vld [tilespmem:s20+$0x9050];
	vm5 =	vge.f32 v40, v4;
	vm6 =	vge.f32 v7, $5.000000000e-01;
	v6 =	vand.u32 $0x7FFFFFFF, v6  }
0x18a: {  	v48 =	vld [tilespmem:s20+$0x9C60];
	vm7 =	vgt.f32 v40, v4;
	v1 =	vadd.f32 v5, v1;
	v5 =	vmul.f32 v32, v8  }
0x18b: {  	v63 =	vld [tilespmem:s20+$0x9070];
	v4 =	vmax.f32 v4, v40;
	v33 =	vand.u32 $0x7FFFFFFF, v12;
	v7 =	vnsel vm6, $0x0, v7  }
0x18c: {  	v37 =	vld [tilespmem:s20+$0x8820];
	v6 =	vadd.f32 v10, v6;
	v3 =	vsel vm7, $0x0, v3;
	v47 =	vnsel vm5, $0x0, v40  }
0x18d: {  	v50 =	vld [tilespmem:s20+$0x5470];
	v2 =	vsel vm7, $0x0, v2;
	v10 =	vnsel vm9, $0x0, v46;
	vm6 =	vge.f32 v28, $5.000000000e-01  }
0x18e: {  	v55 =	vld [tilespmem:s20+$0x9060];
	v5 =	vnsel vm5, $0x0, v5;
	v8 =	vmul.f32 v45, v7;
	v6 =	vmul.f32 v6, v7  }
0x18f: {  	v35 =	vld [tilespmem:s20+$0x7C20];
	v3 =	vadd.f32 v47, v3;
	v2 =	vadd.f32 v5, v2;
	v7 =	vmul.f32 v39, v7  }
0x190: {  	v5 =	vld [tilespmem:s20+$0x6C70];
	v0 =	vadd.f32 v8, v0;
	v8 =	vnsel vm12, $0x0, v56;
	v49 =	vmul.f32 v6, v39  }
0x191: {  	v60 =	vld [tilespmem:s20+$0x5800];
	vm9 =	vge.f32 v37, $5.000000000e-01;
	v6 =	vmul.f32 v6, v45;
	v14 =	vmul.f32 v63, v8  }
0x192: {  	v61 =	vld [tilespmem:s20+$0x6400];
	vm8 =	vge.f32 v49, v4;
	vm10 =	vgt.f32 v49, v4;
	v4 =	vmax.f32 v4, v49  }
0x193: {  	v62 =	vld [tilespmem:s20+$0x7C00];
	v1 =	vadd.f32 v6, v1;
	v6 =	vmul.f32 v9, v10;
	v9 =	vmul.f32 v55, v10  }
0x194: {  	v26 =	vld [tilespmem:s20+$0x7C10];
	v10 =	vmul.f32 v48, v10;
	v3 =	vsel vm10, $0x0, v3;
	v57 =	vnsel vm8, $0x0, v49  }
0x195: {  	v25 =	vld [tilespmem:s20+$0x6410];
	v2 =	vsel vm10, $0x0, v2;
	v7 =	vnsel vm8, $0x0, v7;
	v5 =	vsub.f32 v50, v5  }
0x196: {  	v49 =	vld [tilespmem:s20+$0x7040];
	v58 =	vmul.f32 v6, v48;
	v3 =	vadd.f32 v57, v3;
	v2 =	vadd.f32 v7, v2  }
0x197: {  	v7 =	vld [tilespmem:s20+$0x7000];
	v6 =	vmul.f32 v6, v55;
	v0 =	vadd.f32 v9, v0;
	v5 =	vand.u32 $0x7FFFFFFF, v5  }
0x198: {  	v48 =	vld [tilespmem:s20+$0x5840];
	vm11 =	vge.f32 v58, v4;
	v5 =	vadd.f32 v11, v5;
	vm13 =	vgt.f32 v58, v4  }
0x199: {  	v59 =	vld [tilespmem:s20+$0x9C70];
	v4 =	vmax.f32 v4, v58;
	v1 =	vadd.f32 v6, v1;
	v11 =	vsub.f32 v61, v62  }
0x19a: {  	v6 =	vld [tilespmem:s20+$0x8800];
	v0 =	vadd.f32 v14, v0;
	v3 =	vsel vm13, $0x0, v3;
	v20 =	vnsel vm11, $0x0, v58  }
0x19b: {  	v34 =	vld [tilespmem:s20+$0x6420];
	v2 =	vsel vm13, $0x0, v2;
	v10 =	vnsel vm11, $0x0, v10;
	v3 =	vadd.f32 v20, v3  }
0x19c: {  	v5 =	vmul.f32 v5, v8;
	v2 =	vadd.f32 v10, v2;
	v10 =	vsub.f32 v25, v26  }
0x19d: {  	v53 =	vld [tilespmem:s20+$0x8840];
	v11 =	vand.u32 $0x7FFFFFFF, v11;
	v7 =	vsub.f32 v60, v7;
	v12 =	vsub.f32 v48, v49  }
0x19e: {  	v62 =	vld [tilespmem:s20+$0x8850];
	v22 =	vmul.f32 v5, v59;
	v5 =	vmul.f32 v5, v63;
	v10 =	vand.u32 $0x7FFFFFFF, v10  }
0x19f: {  	vm15 =	vge.f32 v6, $5.000000000e-01;
	v7 =	vand.u32 $0x7FFFFFFF, v7;
	v9 =	vadd.f32 v10, v33  }
0x1a0: {  	v27 =	vld [tilespmem:s20+$0x9400];
	v10 =	vsub.f32 v34, v35;
	v58 =	vand.u32 $0x7FFFFFFF, v12;
	vm14 =	vge.f32 v22, v4  }
0x1a1: {  	v21 =	vld [tilespmem:s20+$0xA000];
	v6 =	vnsel vm15, $0x0, v6;
	v7 =	vadd.f32 v11, v7;
	vm4 =	vgt.f32 v22, v4  }
0x1a2: {  	v36 =	vld [tilespmem:s20+$0x9410];
	v1 =	vadd.f32 v5, v1;
	v5 =	vmul.f32 v59, v8;
	v4 =	vmax.f32 v4, v22  }
0x1a3: {  	v44 =	vld [tilespmem:s20+$0x9420];
	v11 =	vnsel vm6, $0x0, v28;
	vm15 =	vge.f32 v53, $5.000000000e-01;
	vm6 =	vge.f32 v62, $5.000000000e-01  }
0x1a4: {  	v43 =	vld [tilespmem:s20+$0x7C30];
	v3 =	vsel vm4, $0x0, v3;
	v29 =	vnsel vm14, $0x0, v22;
	v2 =	vsel vm4, $0x0, v2  }
0x1a5: {  	v41 =	vld [tilespmem:s20+$0x5830];
	v8 =	vmul.f32 v27, v6;
	v10 =	vand.u32 $0x7FFFFFFF, v10;
	v7 =	vmul.f32 v7, v6  }
0x1a6: {  	v30 =	vld [tilespmem:s20+$0xA010];
	v5 =	vnsel vm14, $0x0, v5;
	v3 =	vadd.f32 v29, v3;
	v6 =	vmul.f32 v21, v6  }
0x1a7: {  	v32 =	vld [tilespmem:s20+$0x5820];
	v0 =	vadd.f32 v8, v0;
	v8 =	vnsel vm9, $0x0, v37;
	v31 =	vmul.f32 v7, v21  }
0x1a8: {  	v2 =	vadd.f32 v5, v2;
	v5 =	vld [tilespmem:s20+$0x7020];
	v7 =	vmul.f32 v7, v27;
	v14 =	vmul.f32 v44, v8  }
0x1a9: {  	v42 =	vld [tilespmem:s20+$0x6430];
	vm5 =	vge.f32 v31, v4;
	vm7 =	vgt.f32 v31, v4;
	v4 =	vmax.f32 v4, v31  }
0x1aa: {  	v51 =	vld [tilespmem:s20+$0x7C40];
	v1 =	vadd.f32 v7, v1;
	v7 =	vmul.f32 v9, v11;
	v9 =	vmul.f32 v36, v11  }
0x1ab: {  	v40 =	vld [tilespmem:s20+$0xA020];
	v11 =	vmul.f32 v30, v11;
	v3 =	vsel vm7, $0x0, v3;
	v38 =	vnsel vm5, $0x0, v31  }
0x1ac: {  	v50 =	vld [tilespmem:s20+$0x6440];
	v2 =	vsel vm7, $0x0, v2;
	v6 =	vnsel vm5, $0x0, v6;
	v39 =	vmul.f32 v7, v30  }
0x1ad: {  	v29 =	vld [tilespmem:s20+$0x5870];
	v5 =	vsub.f32 v32, v5;
	v3 =	vadd.f32 v38, v3;
	v7 =	vmul.f32 v7, v36  }
0x1ae: {  	v2 =	vadd.f32 v6, v2;
	v6 =	vld [tilespmem:s20+$0x7030];
	v0 =	vadd.f32 v9, v0;
	vm8 =	vge.f32 v39, v4  }
0x1af: {  	v30 =	vld [tilespmem:s20+$0x7070];
	v5 =	vand.u32 $0x7FFFFFFF, v5;
	vm10 =	vgt.f32 v39, v4;
	v1 =	vadd.f32 v7, v1  }
0x1b0: {  	v60 =	vld [tilespmem:s20+$0x7C50];
	v4 =	vmax.f32 v4, v39;
	v0 =	vadd.f32 v14, v0;
	v5 =	vadd.f32 v10, v5  }
0x1b1: {  	v7 =	vld [tilespmem:s20+$0x8830];
	v3 =	vsel vm10, $0x0, v3;
	v45 =	vnsel vm8, $0x0, v39;
	v2 =	vsel vm10, $0x0, v2  }
0x1b2: {  	v59 =	vld [tilespmem:s20+$0x6450];
	v11 =	vnsel vm8, $0x0, v11;
	v10 =	vsub.f32 v42, v43;
	v3 =	vadd.f32 v45, v3  }
0x1b3: {  	v34 =	vld [tilespmem:s20+$0x8870];
	v2 =	vadd.f32 v11, v2;
	v11 =	vsub.f32 v50, v51;
	v5 =	vmul.f32 v5, v8  }
0x1b4: {  	v6 =	vsub.f32 v41, v6;
	v10 =	vand.u32 $0x7FFFFFFF, v10;
	v12 =	vsub.f32 v29, v30  }
0x1b5: {  	v52 =	vld [tilespmem:s20+$0x9430];
	v11 =	vand.u32 $0x7FFFFFFF, v11;
	v47 =	vmul.f32 v5, v40;
	v5 =	vmul.f32 v5, v44  }
0x1b6: {  	vm12 =	vge.f32 v7, $5.000000000e-01;
	v6 =	vand.u32 $0x7FFFFFFF, v6;
	v9 =	vadd.f32 v11, v58  }
0x1b7: {  	v46 =	vld [tilespmem:s20+$0xA030];
	v11 =	vsub.f32 v59, v60;
	v39 =	vand.u32 $0x7FFFFFFF, v12;
	v7 =	vnsel vm12, $0x0, v7  }
0x1b8: {  	v23 =	vld [tilespmem:s20+$0x6460];
	v6 =	vadd.f32 v10, v6;
	v10 =	vnsel vm15, $0x0, v53;
	vm12 =	vge.f32 v34, $5.000000000e-01  }
0x1b9: {  	v24 =	vld [tilespmem:s20+$0x7C60];
	vm11 =	vge.f32 v47, v4;
	vm13 =	vgt.f32 v47, v4;
	v1 =	vadd.f32 v5, v1  }
0x1ba: {  	v25 =	vld [tilespmem:s20+$0x9450];
	v5 =	vmul.f32 v40, v8;
	v4 =	vmax.f32 v4, v47;
	v8 =	vmul.f32 v52, v7  }
0x1bb: {  	v55 =	vld [tilespmem:s20+$0xA040];
	v11 =	vand.u32 $0x7FFFFFFF, v11;
	v3 =	vsel vm13, $0x0, v3;
	v6 =	vmul.f32 v6, v7  }
0x1bc: {  	v61 =	vld [tilespmem:s20+$0x9440];
	v54 =	vnsel vm11, $0x0, v47;
	v2 =	vsel vm13, $0x0, v2;
	v7 =	vmul.f32 v46, v7  }
0x1bd: {  	v57 =	vld [tilespmem:s20+$0x5850];
	v5 =	vnsel vm11, $0x0, v5;
	v3 =	vadd.f32 v54, v3;
	v56 =	vmul.f32 v6, v46  }
0x1be: {  	v22 =	vld [tilespmem:s20+$0x5860];
	v0 =	vadd.f32 v8, v0;
	v8 =	vnsel vm6, $0x0, v62;
	v6 =	vmul.f32 v6, v52  }
0x1bf: {  	v2 =	vadd.f32 v5, v2;
	v5 =	vld [tilespmem:s20+$0x7050];
	v14 =	vmul.f32 v25, v8;
	vm14 =	vge.f32 v56, v4  }
0x1c0: {  	v31 =	vld [tilespmem:s20+$0x6470];
	vm4 =	vgt.f32 v56, v4;
	v1 =	vadd.f32 v6, v1;
	v6 =	vmul.f32 v9, v10  }
0x1c1: {  	v32 =	vld [tilespmem:s20+$0x7C70];
	v4 =	vmax.f32 v4, v56;
	v9 =	vmul.f32 v61, v10;
	v10 =	vmul.f32 v55, v10  }
0x1c2: {  	v43 =	vld [tilespmem:s20+$0x8C00];
	v3 =	vsel vm4, $0x0, v3;
	v63 =	vnsel vm14, $0x0, v56;
	v2 =	vsel vm4, $0x0, v2  }
0x1c3: {  	v41 =	vld [tilespmem:s20+$0x8000];
	v7 =	vnsel vm14, $0x0, v7;
	v20 =	vmul.f32 v6, v55;
	v3 =	vadd.f32 v63, v3  }
0x1c4: {  	v54 =	vld [tilespmem:s20+$0x5C20];
	v6 =	vmul.f32 v6, v61;
	v0 =	vadd.f32 v9, v0;
	v5 =	vsub.f32 v57, v5  }
0x1c5: {  	v2 =	vadd.f32 v7, v2;
	v7 =	vld [tilespmem:s20+$0x7060];
	vm5 =	vge.f32 v20, v4;
	vm7 =	vgt.f32 v20, v4  }
0x1c6: {  	v55 =	vld [tilespmem:s20+$0x7420];
	v1 =	vadd.f32 v6, v1;
	v0 =	vadd.f32 v14, v0;
	v5 =	vand.u32 $0x7FFFFFFF, v5  }
0x1c7: {  	v6 =	vld [tilespmem:s20+$0x8860];
	v3 =	vsel vm7, $0x0, v3;
	v26 =	vnsel vm5, $0x0, v20;
	v2 =	vsel vm7, $0x0, v2  }
0x1c8: {  	v40 =	vld [tilespmem:s20+$0x6800];
	v10 =	vnsel vm5, $0x0, v10;
	v5 =	vadd.f32 v11, v5;
	v3 =	vadd.f32 v26, v3  }
0x1c9: {  	v21 =	vld [tilespmem:s20+$0xA050];
	vm15 =	vge.f32 v43, $5.000000000e-01;
	v11 =	vsub.f32 v23, v24;
	v2 =	vadd.f32 v10, v2  }
0x1ca: {  	v59 =	vld [tilespmem:s20+$0x8C20];
	v4 =	vmax.f32 v4, v20;
	v10 =	vsub.f32 v31, v32;
	v7 =	vsub.f32 v22, v7  }
0x1cb: {  	v12 =	vsub.f32 v54, v55;
	v5 =	vmul.f32 v5, v8;
	v11 =	vand.u32 $0x7FFFFFFF, v11  }
0x1cc: {  	v33 =	vld [tilespmem:s20+$0x9460];
	v10 =	vand.u32 $0x7FFFFFFF, v10;
	vm9 =	vge.f32 v6, $5.000000000e-01;
	v7 =	vand.u32 $0x7FFFFFFF, v7  }
0x1cd: {  	v27 =	vld [tilespmem:s20+$0xA060];
	v9 =	vadd.f32 v10, v39;
	v10 =	vsub.f32 v40, v41;
	v19 =	vand.u32 $0x7FFFFFFF, v12  }
0x1ce: {  	v28 =	vmul.f32 v5, v21;
	v5 =	vmul.f32 v5, v25;
	v6 =	vnsel vm9, $0x0, v6  }
0x1cf: {  	v48 =	vld [tilespmem:s20+$0x6810];
	v7 =	vadd.f32 v11, v7;
	v11 =	vnsel vm12, $0x0, v34;
	vm9 =	vge.f32 v59, $5.000000000e-01  }
0x1d0: {  	v49 =	vld [tilespmem:s20+$0x8010];
	v10 =	vand.u32 $0x7FFFFFFF, v10;
	vm8 =	vge.f32 v28, v4;
	vm10 =	vgt.f32 v28, v4  }
0x1d1: {  	v50 =	vld [tilespmem:s20+$0x9800];
	v1 =	vadd.f32 v5, v1;
	v5 =	vmul.f32 v21, v8;
	v7 =	vmul.f32 v7, v6  }
0x1d2: {  	v36 =	vld [tilespmem:s20+$0xA070];
	v4 =	vmax.f32 v4, v28;
	v8 =	vmul.f32 v33, v6;
	v6 =	vmul.f32 v27, v6  }
0x1d3: {  	v42 =	vld [tilespmem:s20+$0x9470];
	v3 =	vsel vm10, $0x0, v3;
	v35 =	vnsel vm8, $0x0, v28;
	v2 =	vsel vm10, $0x0, v2  }
0x1d4: {  	v38 =	vld [tilespmem:s20+$0x5C00];
	v5 =	vnsel vm8, $0x0, v5;
	v37 =	vmul.f32 v7, v27;
	v3 =	vadd.f32 v35, v3  }
0x1d5: {  	v47 =	vld [tilespmem:s20+$0x5C10];
	v7 =	vmul.f32 v7, v33;
	v0 =	vadd.f32 v8, v0;
	v8 =	vnsel vm15, $0x0, v43  }
0x1d6: {  	v56 =	vld [tilespmem:s20+$0x6820];
	v2 =	vadd.f32 v5, v2;
	v14 =	vmul.f32 v50, v8;
	vm11 =	vge.f32 v37, v4  }
0x1d7: {  	v5 =	vld [tilespmem:s20+$0x7400];
	vm13 =	vgt.f32 v37, v4;
	v1 =	vadd.f32 v7, v1;
	v7 =	vmul.f32 v9, v11  }
0x1d8: {  	v57 =	vld [tilespmem:s20+$0x8020];
	v4 =	vmax.f32 v4, v37;
	v9 =	vmul.f32 v42, v11;
	v11 =	vmul.f32 v36, v11  }
0x1d9: {  	v20 =	vld [tilespmem:s20+$0x6830];
	v3 =	vsel vm13, $0x0, v3;
	v44 =	vnsel vm11, $0x0, v37;
	v2 =	vsel vm13, $0x0, v2  }
0x1da: {  	v23 =	vld [tilespmem:s20+$0x8C30];
	v6 =	vnsel vm11, $0x0, v6;
	v45 =	vmul.f32 v7, v36;
	v3 =	vadd.f32 v44, v3  }
0x1db: {  	v2 =	vadd.f32 v6, v2;
	v6 =	vld [tilespmem:s20+$0x7410];
	v7 =	vmul.f32 v7, v42;
	v0 =	vadd.f32 v9, v0  }
0x1dc: {  	v42 =	vld [tilespmem:s20+$0x5C60];
	v5 =	vsub.f32 v38, v5;
	vm14 =	vge.f32 v45, v4;
	vm4 =	vgt.f32 v45, v4  }
0x1dd: {  	v44 =	vld [tilespmem:s20+$0x7460];
	v1 =	vadd.f32 v7, v1;
	v0 =	vadd.f32 v14, v0;
	v3 =	vsel vm4, $0x0, v3  }
0x1de: {  	v7 =	vld [tilespmem:s20+$0x8C10];
	v51 =	vnsel vm14, $0x0, v45;
	v2 =	vsel vm4, $0x0, v2;
	v11 =	vnsel vm14, $0x0, v11  }
0x1df: {  	v21 =	vld [tilespmem:s20+$0x8030];
	v5 =	vand.u32 $0x7FFFFFFF, v5;
	v3 =	vadd.f32 v51, v3;
	v2 =	vadd.f32 v11, v2  }
0x1e0: {  	v46 =	vld [tilespmem:s20+$0xA400];
	vm12 =	vge.f32 v23, $5.000000000e-01;
	v11 =	vsub.f32 v56, v57;
	v5 =	vadd.f32 v10, v5  }
0x1e1: {  	v40 =	vld [tilespmem:s20+$0x8C50];
	v4 =	vmax.f32 v4, v45;
	v6 =	vsub.f32 v47, v6;
	v10 =	vsub.f32 v48, v49  }
0x1e2: {  	v51 =	vsub.f32 v42, v44;
	v11 =	vand.u32 $0x7FFFFFFF, v11;
	v5 =	vmul.f32 v5, v8  }
0x1e3: {  	v58 =	vld [tilespmem:s20+$0x9810];
	vm6 =	vge.f32 v7, $5.000000000e-01;
	v6 =	vand.u32 $0x7FFFFFFF, v6;
	v10 =	vand.u32 $0x7FFFFFFF, v10  }
0x1e4: {  	v52 =	vld [tilespmem:s20+$0xA410];
	v9 =	vadd.f32 v11, v19;
	v11 =	vsub.f32 v20, v21;
	v12 =	vand.u32 $0x7FFFFFFF, v51  }
0x1e5: {  	v7 =	vnsel vm6, $0x0, v7;
	v6 =	vadd.f32 v10, v6;
	v53 =	vmul.f32 v5, v46  }
0x1e6: {  	v29 =	vld [tilespmem:s20+$0x8040];
	v10 =	vnsel vm9, $0x0, v59;
	vm6 =	vge.f32 v40, $5.000000000e-01;
	v5 =	vmul.f32 v5, v50  }
0x1e7: {  	v61 =	vld [tilespmem:s20+$0xA420];
	v11 =	vand.u32 $0x7FFFFFFF, v11;
	v6 =	vmul.f32 v6, v7;
	vm5 =	vge.f32 v53, v4  }
0x1e8: {  	v63 =	vld [tilespmem:s20+$0x5C30];
	vm7 =	vgt.f32 v53, v4;
	v1 =	vadd.f32 v5, v1;
	v5 =	vmul.f32 v46, v8  }
0x1e9: {  	v26 =	vld [tilespmem:s20+$0xA430];
	v4 =	vmax.f32 v4, v53;
	v8 =	vmul.f32 v58, v7;
	v7 =	vmul.f32 v52, v7  }
0x1ea: {  	v22 =	vld [tilespmem:s20+$0x9820];
	v46 =	vnsel vm6, $0x0, v40;
	v3 =	vsel vm7, $0x0, v3;
	v60 =	vnsel vm5, $0x0, v53  }
0x1eb: {  	v28 =	vld [tilespmem:s20+$0x6840];
	v2 =	vsel vm7, $0x0, v2;
	v62 =	vmul.f32 v6, v52;
	v6 =	vmul.f32 v6, v58  }
0x1ec: {  	v27 =	vld [tilespmem:s20+$0x5C40];
	v5 =	vnsel vm5, $0x0, v5;
	v3 =	vadd.f32 v60, v3;
	v0 =	vadd.f32 v8, v0  }
0x1ed: {  	v48 =	vld [tilespmem:s20+$0x8C60];
	v8 =	vnsel vm12, $0x0, v23;
	v2 =	vadd.f32 v5, v2;
	vm8 =	vge.f32 v62, v4  }
0x1ee: {  	v5 =	vld [tilespmem:s20+$0x7430];
	vm10 =	vgt.f32 v62, v4;
	v4 =	vmax.f32 v4, v62;
	v1 =	vadd.f32 v6, v1  }
0x1ef: {  	v33 =	vld [tilespmem:s20+$0x9840];
	v6 =	vmul.f32 v9, v10;
	v9 =	vmul.f32 v22, v10;
	v3 =	vsel vm10, $0x0, v3  }
0x1f0: {  	v35 =	vld [tilespmem:s20+$0x5C50];
	v24 =	vnsel vm8, $0x0, v62;
	v7 =	vnsel vm8, $0x0, v7;
	v2 =	vsel vm10, $0x0, v2  }
0x1f1: {  	v57 =	vld [tilespmem:s20+$0x8C70];
	v25 =	vmul.f32 v6, v61;
	v3 =	vadd.f32 v24, v3;
	v6 =	vmul.f32 v6, v22  }
0x1f2: {  	v10 =	vmul.f32 v61, v10;
	v0 =	vadd.f32 v9, v0;
	v2 =	vadd.f32 v7, v2;
	v7 =	vld [tilespmem:s20+$0x7440]  }
0x1f3: {  	vm8 =	vge.f32 v48, $5.000000000e-01;
	v1 =	vadd.f32 v6, v1;
	v6 =	vld [tilespmem:s20+$0x8C40];
	v5 =	vsub.f32 v63, v5  }
0x1f4: {  	v37 =	vld [tilespmem:s20+$0x6850];
	vm11 =	vge.f32 v25, v4;
	vm13 =	vgt.f32 v25, v4;
	v4 =	vmax.f32 v4, v25  }
0x1f5: {  	v36 =	vld [tilespmem:s20+$0x7450];
	v3 =	vsel vm13, $0x0, v3;
	v31 =	vnsel vm11, $0x0, v25;
	v5 =	vand.u32 $0x7FFFFFFF, v5  }
0x1f6: {  	v38 =	vld [tilespmem:s20+$0x8050];
	v2 =	vsel vm13, $0x0, v2;
	v10 =	vnsel vm11, $0x0, v10;
	v5 =	vadd.f32 v11, v5  }
0x1f7: {  	v30 =	vld [tilespmem:s20+$0x9830];
	vm11 =	vge.f32 v57, $5.000000000e-01;
	v7 =	vsub.f32 v27, v7;
	v11 =	vsub.f32 v28, v29  }
0x1f8: {  	v34 =	vld [tilespmem:s20+$0xA440];
	v3 =	vadd.f32 v31, v3;
	v2 =	vadd.f32 v10, v2;
	vm15 =	vge.f32 v6, $5.000000000e-01  }
0x1f9: {  	v5 =	vmul.f32 v5, v8;
	v7 =	vand.u32 $0x7FFFFFFF, v7;
	v11 =	vand.u32 $0x7FFFFFFF, v11  }
0x1fa: {  	v10 =	vsub.f32 v35, v36;
	v6 =	vnsel vm15, $0x0, v6;
	v7 =	vadd.f32 v11, v7  }
0x1fb: {  	v43 =	vmul.f32 v33, v6;
	v11 =	vsub.f32 v37, v38;
	v32 =	vmul.f32 v5, v26  }
0x1fc: {  	v10 =	vand.u32 $0x7FFFFFFF, v10;
	v5 =	vmul.f32 v5, v30;
	v7 =	vmul.f32 v7, v6  }
0x1fd: {  	v11 =	vand.u32 $0x7FFFFFFF, v11;
	v6 =	vmul.f32 v34, v6;
	vm14 =	vge.f32 v32, v4  }
0x1fe: {  	vm4 =	vgt.f32 v32, v4;
	v1 =	vadd.f32 v5, v1;
	v5 =	vmul.f32 v30, v8  }
0x1ff: {  	v47 =	vld [tilespmem:s20+$0xA450];
	v8 =	vmul.f32 v26, v8;
	v4 =	vmax.f32 v4, v32;
	v10 =	vadd.f32 v11, v10  }
0x200: {  	v3 =	vsel vm4, $0x0, v3;
	v39 =	vnsel vm14, $0x0, v32;
	v2 =	vsel vm4, $0x0, v2  }
0x201: {  	v45 =	vld [tilespmem:s20+$0x6860];
	v41 =	vmul.f32 v7, v34;
	v7 =	vmul.f32 v7, v33;
	v0 =	vadd.f32 v5, v0  }
0x202: {  	v3 =	vadd.f32 v39, v3;
	v5 =	vld [tilespmem:s20+$0x9850];
	v8 =	vnsel vm14, $0x0, v8;
	v49 =	vmul.f32 v10, v46  }
0x203: {  	v2 =	vadd.f32 v8, v2;
	vm5 =	vge.f32 v41, v4;
	v1 =	vadd.f32 v7, v1;
	v7 =	vld [tilespmem:s20+$0x8060]  }
0x204: {  	v54 =	vld [tilespmem:s20+$0x6870];
	vm7 =	vgt.f32 v41, v4;
	v4 =	vmax.f32 v4, v41;
	v8 =	vmul.f32 v47, v46  }
0x205: {  	v55 =	vld [tilespmem:s20+$0x8070];
	v3 =	vsel vm7, $0x0, v3;
	v6 =	vnsel vm5, $0x0, v6;
	v2 =	vsel vm7, $0x0, v2  }
0x206: {  	v52 =	vld [tilespmem:s20+$0x5C70];
	v9 =	vnsel vm5, $0x0, v41;
	v2 =	vadd.f32 v6, v2;
	v6 =	vmul.f32 v49, v47  }
0x207: {  	v53 =	vld [tilespmem:s20+$0x7470];
	v0 =	vadd.f32 v43, v0;
	v3 =	vadd.f32 v9, v3;
	v9 =	vmul.f32 v49, v5  }
0x208: {  	v5 =	vmul.f32 v5, v46;
	v7 =	vsub.f32 v45, v7;
	vm9 =	vge.f32 v6, v4  }
0x209: {  	v50 =	vld [tilespmem:s20+$0x9860];
	vm10 =	vgt.f32 v6, v4;
	v4 =	vmax.f32 v4, v6;
	v1 =	vadd.f32 v9, v1  }
0x20a: {  	v0 =	vadd.f32 v5, v0;
	v3 =	vsel vm10, $0x0, v3;
	v7 =	vand.u32 $0x7FFFFFFF, v7  }
0x20b: {  	v56 =	vld [tilespmem:s20+$0xA460];
	v6 =	vnsel vm9, $0x0, v6;
	v9 =	vsub.f32 v54, v55;
	v7 =	vadd.f32 v7, v12  }
0x20c: {  	v5 =	vnsel vm8, $0x0, v48;
	v3 =	vadd.f32 v6, v3;
	v6 =	vsub.f32 v52, v53  }
0x20d: {  	v2 =	vsel vm10, $0x0, v2;
	v8 =	vnsel vm9, $0x0, v8;
	v7 =	vmul.f32 v7, v5  }
0x20e: {  	v10 =	vmul.f32 v50, v5;
	v59 =	vand.u32 $0x7FFFFFFF, v9;
	v6 =	vand.u32 $0x7FFFFFFF, v6  }
0x20f: {  	v60 =	vld [tilespmem:s20+$0xA470];
	v2 =	vadd.f32 v8, v2;
	v6 =	vadd.f32 v59, v6;
	v58 =	vmul.f32 v7, v50  }
0x210: {  	v61 =	vld [tilespmem:s20+$0x9870];
	v12 =	vnsel vm11, $0x0, v57;
	v0 =	vadd.f32 v10, v0;
	v7 =	vmul.f32 v7, v56  }
0x211: {  	v5 =	vmul.f32 v56, v5;
	v6 =	vmul.f32 v6, v12;
	v1 =	vadd.f32 v58, v1  }
0x212: {  	vm12 =	vgt.f32 v7, v4;
	vm13 =	vge.f32 v7, v4;
	v4 =	vmax.f32 v4, v7  }
0x213: {  	v3 =	vsel vm12, $0x0, v3;
	v62 =	vnsel vm13, $0x0, v7;
	v2 =	vsel vm12, $0x0, v2  }
0x214: {  	p1 =	sne.s32 s19, $0xE00;
	v5 =	vnsel vm13, $0x0, v5;
	v7 =	vmul.f32 v6, v60;
	v3 =	vadd.f32 v62, v3  }
.Ltmp3:
0x215: {  	v2 =	vadd.f32 v5, v2;
	v5 =	vmul.f32 v6, v61;
	v6 =	vmul.f32 v61, v12;
	(pc) =	sbr.rel @p1 .LBB2_5-.Ltmp3, $4  }
0x216: {  	v63 =	vmul.f32 v60, v12;
	vm14 =	vge.f32 v7, v4;
	vm15 =	vgt.f32 v7, v4  }
0x217: {  	v1 =	vadd.f32 v5, v1;
	v0 =	vadd.f32 v6, v0;
	v3 =	vsel vm15, $0x0, v3  }
0x218: {  	v5 =	vnsel vm14, $0x0, v7;
	v2 =	vsel vm15, $0x0, v2;
	v6 =	vnsel vm14, $0x0, v63  }
0x219: {  	s19 =	sadd.s32 $0x200, s19;
	v4 =	vmax.f32 v4, v7;
	v3 =	vadd.f32 v5, v3;
	v2 =	vadd.f32 v6, v2  }
.Ltmp4:
0x21a: {  	(pc) =	sbr.rel @p0 .LBB2_8-.Ltmp4, $1  }
0x21b: {  	_ =	sdelay $0x3  }
0x21c: {  	s19 =	sshll.u32 s18, $0x4  }
0x21d: {  	s19 =	sadd.s32 s19, s26  }
0x21e: {  	s19 =	sshrl.u32 s19, $0x3  }
0x21f: {  	s19 =	smul.u32 $0xC00, s19;
	_ =	sdelay $0x1  }
0x220: {  	s19 =	sadd.s32 s10, s19  }
0x221: {  	s19 =	sshrl.u32 s19, $0x3  }
0x222: {  	s20 =	sadd.s32 s0, s19  }
0x223: {  	[tilespmem:s7], [sflag:$0x2] =	stream.linear.gather [hbm4b:s20+s9], $0xC00, $0x38;
	[tilespmem:$0xAC00] =	vst v63  }
0x224: {  	s22 =	sadd.s32 s1, s19  }
0x225: {  	[tilespmem:s2], [sflag:$0x2] =	stream.linear.gather [hbm4b:s22+s9], $0xC00, $0x38;
	[tilespmem:$0xAC00] =	vst v63  }
0x226: {  	s21 =	sadd.s32 s3, s19  }
0x227: {  	[tilespmem:s30], [sflag:$0x2] =	stream.linear.gather [hbm4b:s21+s9], $0xC00, $0x38;
	[tilespmem:$0xAC00] =	vst v63  }
0x228: {  	s22 =	sadd.s32 s4, s19  }
0x229: {  	[tilespmem:s31], [sflag:$0x2] =	stream.linear.gather [hbm4b:s22+s9], $0xC00, $0x38;
	[tilespmem:$0xAC00] =	vst v63  }
0x22a: {  	s21 =	sadd.s32 s5, s19  }
0x22b: {  	[tilespmem:s11], [sflag:$0x2] =	stream.linear.gather [hbm4b:s21+s9], $0xC00, $0x38;
	[tilespmem:$0xAC00] =	vst v63  }
.Ltmp5:
0x22c: {  	_ = 	snop;
	(pc) =	sbr.rel .LBB2_2-.Ltmp5, $4  }
0x22d: {  	s22 =	sadd.s32 s6, s19  }
0x22e: {  	[tilespmem:s12], [sflag:$0x2] =	stream.linear.gather [hbm4b:s22+s9], $0xC00, $0x38;
	[tilespmem:$0xAC00] =	vst v63  }
0x22f: {  	s18 =	sadd.s32 $0x1, s18;
	s19 =	sadd.s32 s8, s19  }
0x230: {  	[tilespmem:s13], [sflag:$0x2] =	stream.linear.gather [hbm4b:s19+s9], $0xC00, $0x38;
	[tilespmem:$0xAC00] =	vst v63  }
.LBB2_9:
0x231: {  	_ =	sfence.sel $0x180000  }
0x232: {  	[bflag:$0x0] =	sbarrier.arrive $0xFFFF  }
0x233: {  	_ =	strace $0x90000047  }
0x234: {  	s0 =	stileid.u32;
	[bflag:$0x2] =	sbarrier.arrive $0xFFFF  }
0x235: {  	p0 =	sne.s32 s0, $0x0;
	s0 =	rddreg [dreg:$0x8]  }
0x236: {  	s0 =	sadd.s32 @!p0 $0x100000, s0  }
0x237: {  	[sflag:s0] =	ssyncadd.tile.s32 @!p0 $0x1;
	_ =	shalt  }
.Lfunc_end2:
_tile_overlayer_lowered:
.L_overlay_start_2:
0x238: {  	(tag) =	ssettag $0x2  }
0x239: {  	s0 =	rddreg [dreg:$0x0];
	s2 =	stileid.u32  }
0x23a: {  	s1 =	rddreg [dreg:$0x1];
	p0 =	sne.s32 s2, $0x0  }
0x23b: {  	s3 =	rddreg [dreg:$0x2];
	[bflag:$0x3] =	sbarrier.arrive $0xFFFF;
	s2 =	simm.s32 @!p0 $0x1C03  }
0x23c: {  	[timem:s3], [sflag:s2] =	dma.local @!p0 [hbm:s0], s1  }
0x23d: {  	s0 =	simm.s32 @!p0 $0x3  }
0x23e: {  	_ =	swait.ge @!p0 [sflag:s0], s1  }
0x23f: {  	s1 =	ssub.s32 @!p0 $0x0, s1;
	[sflag:s0] =	ssyncset.done @!p0 $0x0  }
0x240: {  	[sflag:s0] =	ssyncadd.s32 @!p0 s1  }
0x241: {  	[bflag:$0x3] =	sbarrier.arrive $0xFFFF  }
0x242: {  	_ =	shalt  }

</sc_bundles>
